<compile_context>
chip_gen: v7x
topology: tpu7x:2x2x1
jax: 0.10.2.dev20260603
libtpu: 0.0.44.dev20260713+nightly
codegen_flags: <defaults>
</compile_context>

<pallas_src>
import functools

import jax
import jax.numpy as jnp
from jax import lax
from jax.experimental import pallas as pl
from jax.experimental.pallas import tpu as pltpu
from jax.experimental.pallas import tpu_sc as plsc

N_CIR, N_DIS = 663, 100
E_CC, E_DD = 10608, 1600
NS = 16
QE = 768
NCH = QE // 128
QE_D = 128
CC_SZ = N_CIR * N_CIR
CC_Q = 27480
CC_QL = 27368
DD_OFF = NS * CC_Q
DD_SZ = N_DIS * N_DIS
DD_Q = 632
BUF = DD_OFF + NS * DD_Q
Z_Q = BUF // NS
GB_D = CC_SZ + 7
M_LEN = GB_D + NS * DD_Q


SBASE = 0
DBASE = NS * QE + NS * QE_D
CC_QS = 27368
MT_OFF = NS * CC_QS
MT_LEN = GB_D - MT_OFF
AUX_Z = NS * DD_Q


def _sc_body(m_cc, m_tail, aux, e_all, out_cc, out_dd,
             src_v, dst_v, idxg_v, idxs_v, w_v, stage_v, zbuf_v,
             shared, m_sh, semE, semZ, semM, semG, semS):
    c = lax.axis_index("c")
    s = lax.axis_index("s")

    def part_a(qe, nch, n, gbase, sbase, ebase, zq, zoff, m_hbm, moff, mq,
               m_sh_off):
        es = src_v.at[pl.ds(0, qe)]
        ed = dst_v.at[pl.ds(0, qe)]
        he1 = pltpu.async_copy(e_all.at[pl.ds(SBASE + ebase, qe)], es, semE)
        he2 = pltpu.async_copy(e_all.at[pl.ds(DBASE + ebase, qe)], ed, semE)
        mb = stage_v.at[pl.ds(0, mq)]
        hm = pltpu.async_copy(m_hbm.at[pl.ds(moff, mq)], mb, semM)
        zero16 = jnp.zeros((16,), jnp.float32)

        def zbody(i, carry):
            for k in range(16):
                zbuf_v[pl.ds(i * 256 + k * 16, 16)] = zero16
            return carry

        lax.fori_loop(0, (zq + 255) // 256, zbody, 0)
        zb = zbuf_v.at[pl.ds(0, zq)]
        hz = pltpu.async_copy(zb, shared.at[pl.ds(zoff, zq)], semZ)
        he1.wait()
        he2.wait()
        for k in range(qe // 16):
            sv = src_v[pl.ds(k * 16, 16)]
            dv = dst_v[pl.ds(k * 16, 16)]
            j, o = k // 8, (k % 8) * 16
            idxg_v[j, pl.ds(o, 16)] = gbase + sv * n + dv
            idxs_v[j, pl.ds(o, 16)] = sbase + dv * n + sv
        hm.wait()
        hms = pltpu.async_copy(mb, m_sh.at[pl.ds(m_sh_off, mq)], semM)
        hz.wait()
        hms.wait()

    with jax.named_scope("sc_pre"):
        @pl.when(c == 0)
        def _():
            part_a(QE, NCH, N_CIR, 0, 0, s * QE,
                   CC_Q, s * CC_Q, m_cc, s * CC_QS, CC_QS, s * CC_QS)

            @pl.when(s == NS - 1)
            def _():
                tl = zbuf_v.at[pl.ds(0, MT_LEN)]
                pltpu.sync_copy(m_tail, tl)
                pltpu.sync_copy(tl, m_sh.at[pl.ds(MT_OFF, MT_LEN)])

        @pl.when(c == 1)
        def _():
            part_a(QE_D, 1, N_DIS, GB_D, DD_OFF, NS * QE + s * QE_D,
                   DD_Q, DD_OFF + s * DD_Q, aux, s * DD_Q, DD_Q,
                   GB_D + s * DD_Q)

    with jax.named_scope("sc_bar1"):
        plsc.subcore_barrier()

    def part_b(nch):
        gs = [pltpu.async_copy(m_sh.at[idxg_v.at[j]], w_v.at[j], semG)
              for j in range(nch)]
        for h in gs:
            h.wait()
        ss = [pltpu.async_copy(w_v.at[j], shared.at[idxs_v.at[j]], semS,
                               add=True)
              for j in range(nch)]
        for h in ss:
            h.wait()

    with jax.named_scope("sc_gsc"):
        @pl.when(c == 0)
        def _():
            part_b(NCH)

        @pl.when(c == 1)
        def _():
            part_b(1)

    with jax.named_scope("sc_bar2"):
        plsc.subcore_barrier()

    with jax.named_scope("sc_out"):
        @pl.when(c == 0)
        def _():
            ha, hb = 13744, CC_Q - 13744
            bufa = stage_v.at[pl.ds(0, ha)]
            bufb = stage_v.at[pl.ds(ha, hb)]
            pltpu.sync_copy(shared.at[pl.ds(s * CC_Q, ha)], bufa)
            h = pltpu.async_copy(bufa, out_cc.at[pl.ds(s * CC_Q, ha)], semM)
            pltpu.sync_copy(shared.at[pl.ds(s * CC_Q + ha, hb)], bufb)
            h.wait()
            pltpu.sync_copy(bufb, out_cc.at[pl.ds(s * CC_Q + ha, hb)])

        @pl.when(c == 1)
        def _():
            buf = stage_v.at[pl.ds(0, DD_Q)]
            pltpu.sync_copy(shared.at[pl.ds(DD_OFF + s * DD_Q, DD_Q)], buf)
            pltpu.sync_copy(buf, out_dd.at[pl.ds(s * DD_Q, DD_Q)])


@functools.cache
def _sc_build_adj():
    return pl.kernel(
        _sc_body,
        out_type=[
            jax.ShapeDtypeStruct((NS * CC_Q,), jnp.float32),
            jax.ShapeDtypeStruct((NS * DD_Q,), jnp.float32),
        ],
        mesh=plsc.VectorSubcoreMesh(core_axis_name="c", subcore_axis_name="s"),
        scratch_types=[
            pltpu.VMEM((QE,), jnp.int32),
            pltpu.VMEM((QE,), jnp.int32),
            pltpu.VMEM((NCH, 128), jnp.int32),
            pltpu.VMEM((NCH, 128), jnp.int32),
            pltpu.VMEM((NCH, 128), jnp.float32),
            pltpu.VMEM((CC_Q,), jnp.float32),
            pltpu.VMEM((27648,), jnp.float32),
            pltpu.VMEM_SHARED((BUF,), jnp.float32),
            pltpu.VMEM_SHARED((M_LEN,), jnp.float32),
            pltpu.SemaphoreType.DMA,
            pltpu.SemaphoreType.DMA,
            pltpu.SemaphoreType.DMA,
            pltpu.SemaphoreType.DMA,
            pltpu.SemaphoreType.DMA,
        ],
    )


def _mm(a, b, prec=None):
    return lax.dot_general(a, b, (((1,), (0,)), ((), ())),
                           precision=prec,
                           preferred_element_type=jnp.float32)


def _tc_mlp_body(cc_m, dd_m,
                 ec_w1, ec_b1, ec_w2, ec_b2, ec_w3, ec_b3,
                 dc_w1, dc_b1, dc_w2, dc_b2, dc_w3, dc_b3,
                 ed_w1, ed_b1, ed_w2, ed_b2, ed_w3, ed_b3,
                 sd_w1, sd_b1, sd_w2, sd_b2, sd_w3, sd_b3,
                 xc_ref, xd_ref):
    relu = lambda x: jnp.maximum(x, 0.0)
    sig = jax.nn.sigmoid

    x_cir = relu(_mm(cc_m[...], ec_w1[...]) + ec_b1[...])
    x_cir = relu(_mm(x_cir, ec_w2[...]) + ec_b2[...])
    x_cir = relu(_mm(x_cir, ec_w3[...]) + ec_b3[...])
    x_cir = relu(_mm(x_cir, dc_w1[...]) + dc_b1[...])
    x_cir = relu(_mm(x_cir, dc_w2[...]) + dc_b2[...])
    xc_ref[...] = sig(_mm(x_cir, dc_w3[...]) + dc_b3[...])

    x_dis = relu(_mm(dd_m[...], ed_w1[...]) + ed_b1[...])
    x_dis = relu(_mm(x_dis, ed_w2[...]) + ed_b2[...])
    x_dis = relu(_mm(x_dis, ed_w3[...]) + ed_b3[...])
    x_dis = relu(_mm(x_dis, sd_w1[...]) + sd_b1[...])
    x_dis = relu(_mm(x_dis, sd_w2[...]) + sd_b2[...])
    xd_ref[...] = relu(_mm(x_dis, sd_w3[...]) + sd_b3[...])


def _tc_gcn_body(x_cir, x_dis, adj_cc, adj_dd,
                 gc1_w, gc1_b, gc2_w, gc2_b,
                 gd1_w, gd1_b, gd2_w, gd2_b,
                 wc, bc, wd, bd,
                 out_ref, cir_ref, dis_ref):
    relu = lambda x: jnp.maximum(x, 0.0)

    def norm_adj(adj, nn):
        rows = lax.broadcasted_iota(jnp.int32, (nn, nn), 0)
        cols = lax.broadcasted_iota(jnp.int32, (nn, nn), 1)
        a = adj[...] + jnp.where(rows == cols, 1.0, 0.0)
        deg = jnp.sum(a, axis=1, keepdims=True)
        dinv = jnp.where(deg > 0, lax.rsqrt(jnp.where(deg > 0, deg, 1.0)), 0.0)
        return a, dinv

    a_cc, dinv_cc = norm_adj(adj_cc, N_CIR)
    a_dd, dinv_dd = norm_adj(adj_dd, N_DIS)

    def gcn(a, dinv, x, w, b):
        h = _mm(x, w[...]) * dinv
        return relu(_mm(a, h, lax.Precision.HIGHEST) * dinv + b[...])

    f1c = gcn(a_cc, dinv_cc, x_cir[...], gc1_w, gc1_b)
    f2c = gcn(a_cc, dinv_cc, f1c, gc2_w, gc2_b)
    f1d = gcn(a_dd, dinv_dd, x_dis[...], gd1_w, gd1_b)
    f2d = gcn(a_dd, dinv_dd, f1d, gd2_w, gd2_b)

    def _mmT(a, b):
        return lax.dot_general(a, b, (((1,), (1,)), ((), ())),
                               preferred_element_type=jnp.float32)

    cir = _mmT(f1c, wc[:, 0:128]) + _mmT(f2c, wc[:, 128:256]) + bc[...]
    dis = _mmT(f1d, wd[:, 0:128]) + _mmT(f2d, wd[:, 128:256]) + bd[...]

    cir_ref[...] = cir
    dis_ref[...] = dis
    out_ref[...] = lax.dot_general(cir, dis, (((1,), (1,)), ((), ())),
                                   preferred_element_type=jnp.float32)


def kernel(cc_data_matrix, dd_data_matrix, cc_edges, dd_edges,
           ec_w1, ec_b1, ec_w2, ec_b2, ec_w3, ec_b3,
           dc_w1, dc_b1, dc_w2, dc_b2, dc_w3, dc_b3,
           ed_w1, ed_b1, ed_w2, ed_b2, ed_w3, ed_b3,
           sd_w1, sd_b1, sd_w2, sd_b2, sd_w3, sd_b3,
           gc1_w, gc1_b, gc2_w, gc2_b,
           gd1_w, gd1_b, gd2_w, gd2_b,
           cnnc_w, cnnc_b, cnnd_w, cnnd_b):
    i32 = jnp.int32

    i = jnp.arange(NS * QE - E_CC, dtype=i32)
    j = jnp.arange(NS * QE_D - E_DD, dtype=i32)
    e_all = jnp.concatenate([
        cc_edges[0].astype(i32), i % 111, dd_edges[0].astype(i32), j % 101,
        cc_edges[1].astype(i32), jnp.full(i.shape, N_CIR, i32),
        dd_edges[1].astype(i32), jnp.full(j.shape, N_DIS, i32)])
    m_cc = cc_data_matrix.reshape(-1)
    aux = jnp.concatenate([dd_data_matrix.reshape(-1),
                           jnp.zeros((112,), jnp.float32)])
    m_tail = jnp.concatenate([m_cc[MT_OFF:], jnp.zeros((7,), jnp.float32)])

    occ, odd = _sc_build_adj()(m_cc, m_tail, aux, e_all)
    adj_cc = occ[:CC_SZ].reshape(N_CIR, N_CIR)
    adj_dd = odd[:DD_SZ].reshape(N_DIS, N_DIS)

    biases = [b.reshape(1, -1) for b in
              (ec_b1, ec_b2, ec_b3, dc_b1, dc_b2, dc_b3,
               ed_b1, ed_b2, ed_b3, sd_b1, sd_b2, sd_b3,
               gc1_b, gc2_b, gd1_b, gd2_b)]
    (ec_b1, ec_b2, ec_b3, dc_b1, dc_b2, dc_b3,
     ed_b1, ed_b2, ed_b3, sd_b1, sd_b2, sd_b3,
     gc1_b, gc2_b, gd1_b, gd2_b) = biases
    wc = cnnc_w.reshape(256, 256)
    wd = cnnd_w.reshape(256, 256)
    bc = cnnc_b.reshape(1, -1)
    bd = cnnd_b.reshape(1, -1)

    x_cir, x_dis = pl.pallas_call(
        _tc_mlp_body,
        out_shape=[
            jax.ShapeDtypeStruct((N_CIR, 64), jnp.float32),
            jax.ShapeDtypeStruct((N_DIS, 64), jnp.float32),
        ],
    )(cc_data_matrix, dd_data_matrix,
      ec_w1, ec_b1, ec_w2, ec_b2, ec_w3, ec_b3,
      dc_w1, dc_b1, dc_w2, dc_b2, dc_w3, dc_b3,
      ed_w1, ed_b1, ed_w2, ed_b2, ed_w3, ed_b3,
      sd_w1, sd_b1, sd_w2, sd_b2, sd_w3, sd_b3)

    out, cir_fea, dis_fea = pl.pallas_call(
        _tc_gcn_body,
        out_shape=[
            jax.ShapeDtypeStruct((N_CIR, N_DIS), jnp.float32),
            jax.ShapeDtypeStruct((N_CIR, 256), jnp.float32),
            jax.ShapeDtypeStruct((N_DIS, 256), jnp.float32),
        ],
    )(x_cir, x_dis, adj_cc, adj_dd,
      gc1_w, gc1_b, gc2_w, gc2_b,
      gd1_w, gd1_b, gd2_w, gd2_b,
      wc, bc, wd, bd)
    return out, cir_fea, dis_fea

# --- scband reference (transcript-rebuilt; emitter-appended) ---
"""Pipeline reference for scband-gcn-14474039788227 (READ-ONLY COPY).

The authoritative reference and input builder live on the scoring server;
editing this copy changes nothing except your own understanding.
"""

import jax, jax.numpy as jnp
import numpy as np

N_CIR, N_DIS, E_CC, E_DD = 663, 100, 10608, 1600

PARAM_SHAPES = [
    ("ec_w1", (663, 256)), ("ec_b1", (256,)), ("ec_w2", (256, 64)), ("ec_b2", (64,)), ("ec_w3", (64, 30)), ("ec_b3", (30,)),
    ("dc_w1", (30, 32)), ("dc_b1", (32,)), ("dc_w2", (32, 64)), ("dc_b2", (64,)), ("dc_w3", (64, 64)), ("dc_b3", (64,)),
    ("ed_w1", (100, 64)), ("ed_b1", (64,)), ("ed_w2", (64, 32)), ("ed_b2", (32,)), ("ed_w3", (32, 30)), ("ed_b3", (30,)),
    ("sd_w1", (30, 32)), ("sd_b1", (32,)), ("sd_w2", (32, 64)), ("sd_b2", (64,)), ("sd_w3", (64, 64)), ("sd_b3", (64,)),
    ("gc1_w", (64, 128)), ("gc1_b", (128,)), ("gc2_w", (128, 128)), ("gc2_b", (128,)),
    ("gd1_w", (64, 128)), ("gd1_b", (128,)), ("gd2_w", (128, 128)), ("gd2_b", (128,)),
    ("cnnc_w", (256, 2, 128)), ("cnnc_b", (256,)), ("cnnd_w", (256, 2, 128)), ("cnnd_b", (256,)),
]

def setup_inputs(seed: int = 0) -> dict:
    key = jax.random.key(seed)
    keys = iter(jax.random.split(key, len(PARAM_SHAPES) + 4))
    inp = {}
    inp["cc_data_matrix"] = jax.random.uniform(next(keys), (N_CIR, N_CIR), jnp.float32)
    inp["dd_data_matrix"] = jax.random.uniform(next(keys), (N_DIS, N_DIS), jnp.float32)
    inp["cc_edges"] = jax.random.randint(next(keys), (2, E_CC), 0, N_CIR, jnp.int32)
    inp["dd_edges"] = jax.random.randint(next(keys), (2, E_DD), 0, N_DIS, jnp.int32)
    for n, s in PARAM_SHAPES:
        inp[n] = jax.random.normal(next(keys), s, jnp.float32) * 0.05
    return inp

def _mlp(x, layers, acts):
    for (W, b), a in zip(layers, acts):
        x = a(x @ W + b)
    return x

def _gcn(x, edge_index, ew, W, b, n):
    # Faithful PyG GCNConv with edge weights: add self-loops (weight 1), symmetric normalization.
    src, dst = edge_index[0], edge_index[1]
    loop = jnp.arange(n, dtype=src.dtype)
    s = jnp.concatenate([src, loop])
    d = jnp.concatenate([dst, loop])
    w = jnp.concatenate([ew, jnp.ones((n,), ew.dtype)])
    deg = jax.ops.segment_sum(w, d, num_segments=n)
    safe = jnp.where(deg > 0, deg, 1.0)
    dinv = jnp.where(deg > 0, 1.0 / jnp.sqrt(safe), 0.0)
    norm = dinv[s] * w * dinv[d]
    h = x @ W
    return jax.ops.segment_sum(norm[:, None] * h[s], d, num_segments=n) + b

def _forward(p, cc_edges, dd_edges):
    relu = jax.nn.relu
    sig = jax.nn.sigmoid
    x_cir = _mlp(p["cc_data_matrix"], [(p["ec_w1"], p["ec_b1"]), (p["ec_w2"], p["ec_b2"]), (p["ec_w3"], p["ec_b3"])], [relu, relu, relu])
    x_dis = _mlp(p["dd_data_matrix"], [(p["ed_w1"], p["ed_b1"]), (p["ed_w2"], p["ed_b2"]), (p["ed_w3"], p["ed_b3"])], [relu, relu, relu])
    x_cir = _mlp(x_cir, [(p["dc_w1"], p["dc_b1"]), (p["dc_w2"], p["dc_b2"]), (p["dc_w3"], p["dc_b3"])], [relu, relu, sig])
    x_dis = _mlp(x_dis, [(p["sd_w1"], p["sd_b1"]), (p["sd_w2"], p["sd_b2"]), (p["sd_w3"], p["sd_b3"])], [relu, relu, relu])
    ew_cc = p["cc_data_matrix"][cc_edges[0], cc_edges[1]]
    ew_dd = p["dd_data_matrix"][dd_edges[0], dd_edges[1]]
    x_cir_f1 = jax.nn.relu(_gcn(x_cir, cc_edges, ew_cc, p["gc1_w"], p["gc1_b"], N_CIR))
    x_cir_f2 = jax.nn.relu(_gcn(x_cir_f1, cc_edges, ew_cc, p["gc2_w"], p["gc2_b"], N_CIR))
    x_dis_f1 = jax.nn.relu(_gcn(x_dis, dd_edges, ew_dd, p["gd1_w"], p["gd1_b"], N_DIS))
    x_dis_f2 = jax.nn.relu(_gcn(x_dis_f1, dd_edges, ew_dd, p["gd2_w"], p["gd2_b"], N_DIS))
    X_cir = jnp.concatenate([x_cir_f1, x_cir_f2], axis=1).T.reshape(2, 128, N_CIR)
    X_dis = jnp.concatenate([x_dis_f1, x_dis_f2], axis=1).T.reshape(2, 128, N_DIS)
    # Conv1d with kernel (128,1) over [1,2,128,N] collapses the (c,k) dims fully -> einsum
    cir_fea = (jnp.einsum('ckn,ock->on', X_cir, p["cnnc_w"]) + p["cnnc_b"][:, None]).T
    dis_fea = (jnp.einsum('ckn,ock->on', X_dis, p["cnnd_w"]) + p["cnnd_b"][:, None]).T
    return cir_fea @ dis_fea.T, cir_fea, dis_fea

def reference(cc_data_matrix, dd_data_matrix, cc_edges, dd_edges,
              ec_w1, ec_b1, ec_w2, ec_b2, ec_w3, ec_b3,
              dc_w1, dc_b1, dc_w2, dc_b2, dc_w3, dc_b3,
              ed_w1, ed_b1, ed_w2, ed_b2, ed_w3, ed_b3,
              sd_w1, sd_b1, sd_w2, sd_b2, sd_w3, sd_b3,
              gc1_w, gc1_b, gc2_w, gc2_b,
              gd1_w, gd1_b, gd2_w, gd2_b,
              cnnc_w, cnnc_b, cnnd_w, cnnd_b):
    inp = dict(locals())
    return _forward(inp, inp["cc_edges"], inp["dd_edges"])

if __name__ == "__main__":
    import jax
    _d = setup_inputs()
    print(jax.jit(kernel)(*tuple(_d.values())))

</pallas_src>

<mosaic_0001>
#map = affine_map<(d0, d1) -> (0)>
module attributes {stable_mosaic.version = 14 : i64} {
  func.func @_sc_body(%arg0: i32, %arg1: i32, %arg2: memref<439569xf32, #tpu.memory_space<hbm>>, %arg3: memref<1688xf32, #tpu.memory_space<hbm>>, %arg4: memref<10112xf32, #tpu.memory_space<hbm>>, %arg5: memref<28672xi32, #tpu.memory_space<hbm>>, %arg6: memref<439680xf32, #tpu.memory_space<hbm>>, %arg7: memref<10112xf32, #tpu.memory_space<hbm>>, %arg8: memref<768xi32, #tpu.memory_space<vmem>>, %arg9: memref<768xi32, #tpu.memory_space<vmem>>, %arg10: memref<6x128xi32, #tpu.memory_space<vmem>>, %arg11: memref<6x128xi32, #tpu.memory_space<vmem>>, %arg12: memref<6x128xf32, #tpu.memory_space<vmem>>, %arg13: memref<27480xf32, #tpu.memory_space<vmem>>, %arg14: memref<27648xf32, #tpu.memory_space<vmem>>, %arg15: memref<449792xf32, #tpu.memory_space<vmem_shared>>, %arg16: memref<449688xf32, #tpu.memory_space<vmem_shared>>, %arg17: memref<!tpu.dma_semaphore, #tpu.memory_space<semaphore_mem>>, %arg18: memref<!tpu.dma_semaphore, #tpu.memory_space<semaphore_mem>>, %arg19: memref<!tpu.dma_semaphore, #tpu.memory_space<semaphore_mem>>, %arg20: memref<!tpu.dma_semaphore, #tpu.memory_space<semaphore_mem>>, %arg21: memref<!tpu.dma_semaphore, #tpu.memory_space<semaphore_mem>>) attributes {dimension_semantics = [#tpu.dimension_semantics<core_parallel>, #tpu.dimension_semantics<subcore_parallel>], iteration_bounds = array<i64: 2, 16>, scalar_prefetch = 0 : i64, scratch_operands = 14 : i64, tpu.core_type = #tpu.core_type<sc_vector_subcore>, window_params = [{transform_indices = #map}, {transform_indices = #map}, {transform_indices = #map}, {transform_indices = #map}, {transform_indices = #map}, {transform_indices = #map}]} {
    %eq3A = arith.constant 0 : i32
    "tpu.trace_start"() <{level = 10 : i32, message = "sc_pre"}> : () -> ()
    %eq3A_0 = arith.cmpi eq, %arg0, %eq3A : i32
    %convert_element_type3A = arith.extui %eq3A_0 : i1 to i32
    %cond3A = arith.constant 0 : i32
    %cond3A_1 = arith.cmpi ne, %convert_element_type3A, %cond3A : i32
    scf.if %cond3A_1 {
      %mul3A = arith.constant 768 : i32
      %mul3A_28 = arith.muli %arg1, %mul3A : i32
      %mul3A_29 = arith.constant 27480 : i32
      %mul3A_30 = arith.muli %arg1, %mul3A_29 : i32
      %mul3A_31 = arith.constant 27368 : i32
      %mul3A_32 = arith.muli %arg1, %mul3A_31 : i32
      %mul3A_33 = arith.constant 27368 : i32
      %mul3A_34 = arith.muli %arg1, %mul3A_33 : i32
      %add3A = arith.constant 0 : i32
      %add3A_35 = arith.addi %add3A, %mul3A_28 : i32
      %dma_start3A = arith.constant 0 : i32
      %dma_start3A_36 = tpu.memref_slice %arg8[%dma_start3A] : memref<768xi32, #tpu.memory_space<vmem>> -> memref<768xi32, #tpu.memory_space<vmem>>
      %dma_start3A_37 = tpu.memref_slice %arg5[%add3A_35] : memref<28672xi32, #tpu.memory_space<hbm>> -> memref<768xi32, #tpu.memory_space<hbm>>
      %dma_start3A_38 = arith.constant 0 : i32
      %dma_start3A_39 = tpu.memref_slice %arg8[%dma_start3A_38] : memref<768xi32, #tpu.memory_space<vmem>> -> memref<768xi32, #tpu.memory_space<vmem>>
      %dma_start3A_40 = tpu.memref_slice %arg5[%add3A_35] : memref<28672xi32, #tpu.memory_space<hbm>> -> memref<768xi32, #tpu.memory_space<hbm>>
      tpu.enqueue_dma source(%dma_start3A_40 : memref<768xi32, #tpu.memory_space<hbm>>) target(%dma_start3A_39 : memref<768xi32, #tpu.memory_space<vmem>>) target_semaphore(%arg17 : memref<!tpu.dma_semaphore, #tpu.memory_space<semaphore_mem>>)
      %add3A_41 = arith.constant 14336 : i32
      %add3A_42 = arith.addi %add3A_41, %mul3A_28 : i32
      %dma_start3A_43 = arith.constant 0 : i32
      %dma_start3A_44 = tpu.memref_slice %arg9[%dma_start3A_43] : memref<768xi32, #tpu.memory_space<vmem>> -> memref<768xi32, #tpu.memory_space<vmem>>
      %dma_start3A_45 = tpu.memref_slice %arg5[%add3A_42] : memref<28672xi32, #tpu.memory_space<hbm>> -> memref<768xi32, #tpu.memory_space<hbm>>
      %dma_start3A_46 = arith.constant 0 : i32
      %dma_start3A_47 = tpu.memref_slice %arg9[%dma_start3A_46] : memref<768xi32, #tpu.memory_space<vmem>> -> memref<768xi32, #tpu.memory_space<vmem>>
      %dma_start3A_48 = tpu.memref_slice %arg5[%add3A_42] : memref<28672xi32, #tpu.memory_space<hbm>> -> memref<768xi32, #tpu.memory_space<hbm>>
      tpu.enqueue_dma source(%dma_start3A_48 : memref<768xi32, #tpu.memory_space<hbm>>) target(%dma_start3A_47 : memref<768xi32, #tpu.memory_space<vmem>>) target_semaphore(%arg17 : memref<!tpu.dma_semaphore, #tpu.memory_space<semaphore_mem>>)
      %dma_start3A_49 = arith.constant 0 : i32
      %dma_start3A_50 = tpu.memref_slice %arg13[%dma_start3A_49] : memref<27480xf32, #tpu.memory_space<vmem>> -> memref<27368xf32, #tpu.memory_space<vmem>>
      %dma_start3A_51 = tpu.memref_slice %arg2[%mul3A_32] : memref<439569xf32, #tpu.memory_space<hbm>> -> memref<27368xf32, #tpu.memory_space<hbm>>
      %dma_start3A_52 = arith.constant 0 : i32
      %dma_start3A_53 = tpu.memref_slice %arg13[%dma_start3A_52] : memref<27480xf32, #tpu.memory_space<vmem>> -> memref<27368xf32, #tpu.memory_space<vmem>>
      %dma_start3A_54 = tpu.memref_slice %arg2[%mul3A_32] : memref<439569xf32, #tpu.memory_space<hbm>> -> memref<27368xf32, #tpu.memory_space<hbm>>
      tpu.enqueue_dma source(%dma_start3A_54 : memref<27368xf32, #tpu.memory_space<hbm>>) target(%dma_start3A_53 : memref<27368xf32, #tpu.memory_space<vmem>>) target_semaphore(%arg19 : memref<!tpu.dma_semaphore, #tpu.memory_space<semaphore_mem>>)
      %broadcast_in_dim3A = arith.constant 0.000000e+00 : f32
      %broadcast_in_dim3A_55 = vector.broadcast %broadcast_in_dim3A : f32 to vector<16xf32>
      %scan3A = arith.constant 0 : i32
      %scan3A_56 = arith.constant 0 : i32
      %scan3A_57 = arith.constant 108 : i32
      %scan3A_58 = arith.addi %scan3A_56, %scan3A_57 : i32
      %scan3A_59 = arith.constant 1 : i32
      scf.for %scan3A_1641 = %scan3A_56 to %scan3A_58 step %scan3A_59  : i32 {
        %mul3A_1642 = arith.constant 256 : i32
        %mul3A_1643 = arith.muli %scan3A_1641, %mul3A_1642 : i32
        %add3A_1644 = arith.constant 0 : i32
        %add3A_1645 = arith.addi %mul3A_1643, %add3A_1644 : i32
        %swap3A_1646 = arith.index_cast %add3A_1645 : i32 to index
        %swap3A_1647 = tpu.vector_load %arg14[%swap3A_1646] {strides = array<i32>} : memref<27648xf32, #tpu.memory_space<vmem>>, vector<16xf32>,
        %swap3A_1648 = vector.shape_cast %swap3A_1647 : vector<16xf32> to vector<16xf32>
        %swap3A_1649 = vector.shape_cast %broadcast_in_dim3A_55 : vector<16xf32> to vector<16xf32>
        tpu.vector_store %arg14[%swap3A_1646], %swap3A_1649 {strides = array<i32>} : memref<27648xf32, #tpu.memory_space<vmem>>, vector<16xf32>,
        %mul3A_1650 = arith.constant 256 : i32
        %mul3A_1651 = arith.muli %scan3A_1641, %mul3A_1650 : i32
        %add3A_1652 = arith.constant 16 : i32
        %add3A_1653 = arith.addi %mul3A_1651, %add3A_1652 : i32
        %swap3A_1654 = arith.index_cast %add3A_1653 : i32 to index
        %swap3A_1655 = tpu.vector_load %arg14[%swap3A_1654] {strides = array<i32>} : memref<27648xf32, #tpu.memory_space<vmem>>, vector<16xf32>,
        %swap3A_1656 = vector.shape_cast %swap3A_1655 : vector<16xf32> to vector<16xf32>
        %swap3A_1657 = vector.shape_cast %broadcast_in_dim3A_55 : vector<16xf32> to vector<16xf32>
        tpu.vector_store %arg14[%swap3A_1654], %swap3A_1657 {strides = array<i32>} : memref<27648xf32, #tpu.memory_space<vmem>>, vector<16xf32>,
        %mul3A_1658 = arith.constant 256 : i32
        %mul3A_1659 = arith.muli %scan3A_1641, %mul3A_1658 : i32
        %add3A_1660 = arith.constant 32 : i32
        %add3A_1661 = arith.addi %mul3A_1659, %add3A_1660 : i32
        %swap3A_1662 = arith.index_cast %add3A_1661 : i32 to index
        %swap3A_1663 = tpu.vector_load %arg14[%swap3A_1662] {strides = array<i32>} : memref<27648xf32, #tpu.memory_space<vmem>>, vector<16xf32>,
        %swap3A_1664 = vector.shape_cast %swap3A_1663 : vector<16xf32> to vector<16xf32>
        %swap3A_1665 = vector.shape_cast %broadcast_in_dim3A_55 : vector<16xf32> to vector<16xf32>
        tpu.vector_store %arg14[%swap3A_1662], %swap3A_1665 {strides = array<i32>} : memref<27648xf32, #tpu.memory_space<vmem>>, vector<16xf32>,
        %mul3A_1666 = arith.constant 256 : i32
        %mul3A_1667 = arith.muli %scan3A_1641, %mul3A_1666 : i32
        %add3A_1668 = arith.constant 48 : i32
        %add3A_1669 = arith.addi %mul3A_1667, %add3A_1668 : i32
        %swap3A_1670 = arith.index_cast %add3A_1669 : i32 to index
        %swap3A_1671 = tpu.vector_load %arg14[%swap3A_1670] {strides = array<i32>} : memref<27648xf32, #tpu.memory_space<vmem>>, vector<16xf32>,
        %swap3A_1672 = vector.shape_cast %swap3A_1671 : vector<16xf32> to vector<16xf32>
        %swap3A_1673 = vector.shape_cast %broadcast_in_dim3A_55 : vector<16xf32> to vector<16xf32>
        tpu.vector_store %arg14[%swap3A_1670], %swap3A_1673 {strides = array<i32>} : memref<27648xf32, #tpu.memory_space<vmem>>, vector<16xf32>,
        %mul3A_1674 = arith.constant 256 : i32
        %mul3A_1675 = arith.muli %scan3A_1641, %mul3A_1674 : i32
        %add3A_1676 = arith.constant 64 : i32
        %add3A_1677 = arith.addi %mul3A_1675, %add3A_1676 : i32
        %swap3A_1678 = arith.index_cast %add3A_1677 : i32 to index
        %swap3A_1679 = tpu.vector_load %arg14[%swap3A_1678] {strides = array<i32>} : memref<27648xf32, #tpu.memory_space<vmem>>, vector<16xf32>,
        %swap3A_1680 = vector.shape_cast %swap3A_1679 : vector<16xf32> to vector<16xf32>
        %swap3A_1681 = vector.shape_cast %broadcast_in_dim3A_55 : vector<16xf32> to vector<16xf32>
        tpu.vector_store %arg14[%swap3A_1678], %swap3A_1681 {strides = array<i32>} : memref<27648xf32, #tpu.memory_space<vmem>>, vector<16xf32>,
        %mul3A_1682 = arith.constant 256 : i32
        %mul3A_1683 = arith.muli %scan3A_1641, %mul3A_1682 : i32
        %add3A_1684 = arith.constant 80 : i32
        %add3A_1685 = arith.addi %mul3A_1683, %add3A_1684 : i32
        %swap3A_1686 = arith.index_cast %add3A_1685 : i32 to index
        %swap3A_1687 = tpu.vector_load %arg14[%swap3A_1686] {strides = array<i32>} : memref<27648xf32, #tpu.memory_space<vmem>>, vector<16xf32>,
        %swap3A_1688 = vector.shape_cast %swap3A_1687 : vector<16xf32> to vector<16xf32>
        %swap3A_1689 = vector.shape_cast %broadcast_in_dim3A_55 : vector<16xf32> to vector<16xf32>
        tpu.vector_store %arg14[%swap3A_1686], %swap3A_1689 {strides = array<i32>} : memref<27648xf32, #tpu.memory_space<vmem>>, vector<16xf32>,
        %mul3A_1690 = arith.constant 256 : i32
        %mul3A_1691 = arith.muli %scan3A_1641, %mul3A_1690 : i32
        %add3A_1692 = arith.constant 96 : i32
        %add3A_1693 = arith.addi %mul3A_1691, %add3A_1692 : i32
        %swap3A_1694 = arith.index_cast %add3A_1693 : i32 to index
        %swap3A_1695 = tpu.vector_load %arg14[%swap3A_1694] {strides = array<i32>} : memref<27648xf32, #tpu.memory_space<vmem>>, vector<16xf32>,
        %swap3A_1696 = vector.shape_cast %swap3A_1695 : vector<16xf32> to vector<16xf32>
        %swap3A_1697 = vector.shape_cast %broadcast_in_dim3A_55 : vector<16xf32> to vector<16xf32>
        tpu.vector_store %arg14[%swap3A_1694], %swap3A_1697 {strides = array<i32>} : memref<27648xf32, #tpu.memory_space<vmem>>, vector<16xf32>,
        %mul3A_1698 = arith.constant 256 : i32
        %mul3A_1699 = arith.muli %scan3A_1641, %mul3A_1698 : i32
        %add3A_1700 = arith.constant 112 : i32
        %add3A_1701 = arith.addi %mul3A_1699, %add3A_1700 : i32
        %swap3A_1702 = arith.index_cast %add3A_1701 : i32 to index
        %swap3A_1703 = tpu.vector_load %arg14[%swap3A_1702] {strides = array<i32>} : memref<27648xf32, #tpu.memory_space<vmem>>, vector<16xf32>,
        %swap3A_1704 = vector.shape_cast %swap3A_1703 : vector<16xf32> to vector<16xf32>
        %swap3A_1705 = vector.shape_cast %broadcast_in_dim3A_55 : vector<16xf32> to vector<16xf32>
        tpu.vector_store %arg14[%swap3A_1702], %swap3A_1705 {strides = array<i32>} : memref<27648xf32, #tpu.memory_space<vmem>>, vector<16xf32>,
        %mul3A_1706 = arith.constant 256 : i32
        %mul3A_1707 = arith.muli %scan3A_1641, %mul3A_1706 : i32
        %add3A_1708 = arith.constant 128 : i32
        %add3A_1709 = arith.addi %mul3A_1707, %add3A_1708 : i32
        %swap3A_1710 = arith.index_cast %add3A_1709 : i32 to index
        %swap3A_1711 = tpu.vector_load %arg14[%swap3A_1710] {strides = array<i32>} : memref<27648xf32, #tpu.memory_space<vmem>>, vector<16xf32>,
        %swap3A_1712 = vector.shape_cast %swap3A_1711 : vector<16xf32> to vector<16xf32>
        %swap3A_1713 = vector.shape_cast %broadcast_in_dim3A_55 : vector<16xf32> to vector<16xf32>
        tpu.vector_store %arg14[%swap3A_1710], %swap3A_1713 {strides = array<i32>} : memref<27648xf32, #tpu.memory_space<vmem>>, vector<16xf32>,
        %mul3A_1714 = arith.constant 256 : i32
        %mul3A_1715 = arith.muli %scan3A_1641, %mul3A_1714 : i32
        %add3A_1716 = arith.constant 144 : i32
        %add3A_1717 = arith.addi %mul3A_1715, %add3A_1716 : i32
        %swap3A_1718 = arith.index_cast %add3A_1717 : i32 to index
        %swap3A_1719 = tpu.vector_load %arg14[%swap3A_1718] {strides = array<i32>} : memref<27648xf32, #tpu.memory_space<vmem>>, vector<16xf32>,
        %swap3A_1720 = vector.shape_cast %swap3A_1719 : vector<16xf32> to vector<16xf32>
        %swap3A_1721 = vector.shape_cast %broadcast_in_dim3A_55 : vector<16xf32> to vector<16xf32>
        tpu.vector_store %arg14[%swap3A_1718], %swap3A_1721 {strides = array<i32>} : memref<27648xf32, #tpu.memory_space<vmem>>, vector<16xf32>,
        %mul3A_1722 = arith.constant 256 : i32
        %mul3A_1723 = arith.muli %scan3A_1641, %mul3A_1722 : i32
        %add3A_1724 = arith.constant 160 : i32
        %add3A_1725 = arith.addi %mul3A_1723, %add3A_1724 : i32
        %swap3A_1726 = arith.index_cast %add3A_1725 : i32 to index
        %swap3A_1727 = tpu.vector_load %arg14[%swap3A_1726] {strides = array<i32>} : memref<27648xf32, #tpu.memory_space<vmem>>, vector<16xf32>,
        %swap3A_1728 = vector.shape_cast %swap3A_1727 : vector<16xf32> to vector<16xf32>
        %swap3A_1729 = vector.shape_cast %broadcast_in_dim3A_55 : vector<16xf32> to vector<16xf32>
        tpu.vector_store %arg14[%swap3A_1726], %swap3A_1729 {strides = array<i32>} : memref<27648xf32, #tpu.memory_space<vmem>>, vector<16xf32>,
        %mul3A_1730 = arith.constant 256 : i32
        %mul3A_1731 = arith.muli %scan3A_1641, %mul3A_1730 : i32
        %add3A_1732 = arith.constant 176 : i32
        %add3A_1733 = arith.addi %mul3A_1731, %add3A_1732 : i32
        %swap3A_1734 = arith.index_cast %add3A_1733 : i32 to index
        %swap3A_1735 = tpu.vector_load %arg14[%swap3A_1734] {strides = array<i32>} : memref<27648xf32, #tpu.memory_space<vmem>>, vector<16xf32>,
        %swap3A_1736 = vector.shape_cast %swap3A_1735 : vector<16xf32> to vector<16xf32>
        %swap3A_1737 = vector.shape_cast %broadcast_in_dim3A_55 : vector<16xf32> to vector<16xf32>
        tpu.vector_store %arg14[%swap3A_1734], %swap3A_1737 {strides = array<i32>} : memref<27648xf32, #tpu.memory_space<vmem>>, vector<16xf32>,
        %mul3A_1738 = arith.constant 256 : i32
        %mul3A_1739 = arith.muli %scan3A_1641, %mul3A_1738 : i32
        %add3A_1740 = arith.constant 192 : i32
        %add3A_1741 = arith.addi %mul3A_1739, %add3A_1740 : i32
        %swap3A_1742 = arith.index_cast %add3A_1741 : i32 to index
        %swap3A_1743 = tpu.vector_load %arg14[%swap3A_1742] {strides = array<i32>} : memref<27648xf32, #tpu.memory_space<vmem>>, vector<16xf32>,
        %swap3A_1744 = vector.shape_cast %swap3A_1743 : vector<16xf32> to vector<16xf32>
        %swap3A_1745 = vector.shape_cast %broadcast_in_dim3A_55 : vector<16xf32> to vector<16xf32>
        tpu.vector_store %arg14[%swap3A_1742], %swap3A_1745 {strides = array<i32>} : memref<27648xf32, #tpu.memory_space<vmem>>, vector<16xf32>,
        %mul3A_1746 = arith.constant 256 : i32
        %mul3A_1747 = arith.muli %scan3A_1641, %mul3A_1746 : i32
        %add3A_1748 = arith.constant 208 : i32
        %add3A_1749 = arith.addi %mul3A_1747, %add3A_1748 : i32
        %swap3A_1750 = arith.index_cast %add3A_1749 : i32 to index
        %swap3A_1751 = tpu.vector_load %arg14[%swap3A_1750] {strides = array<i32>} : memref<27648xf32, #tpu.memory_space<vmem>>, vector<16xf32>,
        %swap3A_1752 = vector.shape_cast %swap3A_1751 : vector<16xf32> to vector<16xf32>
        %swap3A_1753 = vector.shape_cast %broadcast_in_dim3A_55 : vector<16xf32> to vector<16xf32>
        tpu.vector_store %arg14[%swap3A_1750], %swap3A_1753 {strides = array<i32>} : memref<27648xf32, #tpu.memory_space<vmem>>, vector<16xf32>,
        %mul3A_1754 = arith.constant 256 : i32
        %mul3A_1755 = arith.muli %scan3A_1641, %mul3A_1754 : i32
        %add3A_1756 = arith.constant 224 : i32
        %add3A_1757 = arith.addi %mul3A_1755, %add3A_1756 : i32
        %swap3A_1758 = arith.index_cast %add3A_1757 : i32 to index
        %swap3A_1759 = tpu.vector_load %arg14[%swap3A_1758] {strides = array<i32>} : memref<27648xf32, #tpu.memory_space<vmem>>, vector<16xf32>,
        %swap3A_1760 = vector.shape_cast %swap3A_1759 : vector<16xf32> to vector<16xf32>
        %swap3A_1761 = vector.shape_cast %broadcast_in_dim3A_55 : vector<16xf32> to vector<16xf32>
        tpu.vector_store %arg14[%swap3A_1758], %swap3A_1761 {strides = array<i32>} : memref<27648xf32, #tpu.memory_space<vmem>>, vector<16xf32>,
        %mul3A_1762 = arith.constant 256 : i32
        %mul3A_1763 = arith.muli %scan3A_1641, %mul3A_1762 : i32
        %add3A_1764 = arith.constant 240 : i32
        %add3A_1765 = arith.addi %mul3A_1763, %add3A_1764 : i32
        %swap3A_1766 = arith.index_cast %add3A_1765 : i32 to index
        %swap3A_1767 = tpu.vector_load %arg14[%swap3A_1766] {strides = array<i32>} : memref<27648xf32, #tpu.memory_space<vmem>>, vector<16xf32>,
        %swap3A_1768 = vector.shape_cast %swap3A_1767 : vector<16xf32> to vector<16xf32>
        %swap3A_1769 = vector.shape_cast %broadcast_in_dim3A_55 : vector<16xf32> to vector<16xf32>
        tpu.vector_store %arg14[%swap3A_1766], %swap3A_1769 {strides = array<i32>} : memref<27648xf32, #tpu.memory_space<vmem>>, vector<16xf32>,
      }
      %scan3A_60 = arith.constant 108 : i32
      %dma_start3A_61 = arith.constant 0 : i32
      %dma_start3A_62 = tpu.memref_slice %arg14[%dma_start3A_61] : memref<27648xf32, #tpu.memory_space<vmem>> -> memref<27480xf32, #tpu.memory_space<vmem>>
      %dma_start3A_63 = tpu.memref_slice %arg15[%mul3A_30] : memref<449792xf32, #tpu.memory_space<vmem_shared>> -> memref<27480xf32, #tpu.memory_space<vmem_shared>>
      %dma_start3A_64 = tpu.memref_slice %arg15[%mul3A_30] : memref<449792xf32, #tpu.memory_space<vmem_shared>> -> memref<27480xf32, #tpu.memory_space<vmem_shared>>
      %dma_start3A_65 = arith.constant 0 : i32
      %dma_start3A_66 = tpu.memref_slice %arg14[%dma_start3A_65] : memref<27648xf32, #tpu.memory_space<vmem>> -> memref<27480xf32, #tpu.memory_space<vmem>>
      tpu.enqueue_dma source(%dma_start3A_66 : memref<27480xf32, #tpu.memory_space<vmem>>) target(%dma_start3A_64 : memref<27480xf32, #tpu.memory_space<vmem_shared>>) target_semaphore(%arg18 : memref<!tpu.dma_semaphore, #tpu.memory_space<semaphore_mem>>)
      %dma_wait3A = arith.constant 0 : i32
      %dma_wait3A_67 = tpu.memref_slice %arg8[%dma_wait3A] : memref<768xi32, #tpu.memory_space<vmem>> -> memref<768xi32, #tpu.memory_space<vmem>>
      %dma_wait3A_68 = tpu.memref_slice %arg5[%add3A_35] : memref<28672xi32, #tpu.memory_space<hbm>> -> memref<768xi32, #tpu.memory_space<hbm>>
      %dma_wait3A_69 = arith.constant 0 : i32
      %dma_wait3A_70 = tpu.memref_slice %arg8[%dma_wait3A_69] : memref<768xi32, #tpu.memory_space<vmem>> -> memref<768xi32, #tpu.memory_space<vmem>>
      %dma_wait3A_71 = tpu.memref_slice %arg5[%add3A_35] : memref<28672xi32, #tpu.memory_space<hbm>> -> memref<768xi32, #tpu.memory_space<hbm>>
      tpu.wait_dma2 semaphore(%arg17 : memref<!tpu.dma_semaphore, #tpu.memory_space<semaphore_mem>>) src(%dma_wait3A_71 : memref<768xi32, #tpu.memory_space<hbm>>) dst(%dma_wait3A_70 : memref<768xi32, #tpu.memory_space<vmem>>)
      %dma_wait3A_72 = arith.constant 0 : i32
      %dma_wait3A_73 = tpu.memref_slice %arg9[%dma_wait3A_72] : memref<768xi32, #tpu.memory_space<vmem>> -> memref<768xi32, #tpu.memory_space<vmem>>
      %dma_wait3A_74 = tpu.memref_slice %arg5[%add3A_42] : memref<28672xi32, #tpu.memory_space<hbm>> -> memref<768xi32, #tpu.memory_space<hbm>>
      %dma_wait3A_75 = arith.constant 0 : i32
      %dma_wait3A_76 = tpu.memref_slice %arg9[%dma_wait3A_75] : memref<768xi32, #tpu.memory_space<vmem>> -> memref<768xi32, #tpu.memory_space<vmem>>
      %dma_wait3A_77 = tpu.memref_slice %arg5[%add3A_42] : memref<28672xi32, #tpu.memory_space<hbm>> -> memref<768xi32, #tpu.memory_space<hbm>>
      tpu.wait_dma2 semaphore(%arg17 : memref<!tpu.dma_semaphore, #tpu.memory_space<semaphore_mem>>) src(%dma_wait3A_77 : memref<768xi32, #tpu.memory_space<hbm>>) dst(%dma_wait3A_76 : memref<768xi32, #tpu.memory_space<vmem>>)
      %get3A = arith.constant 0 : index
      %get3A_78 = tpu.vector_load %arg8[%get3A] {strides = array<i32>} : memref<768xi32, #tpu.memory_space<vmem>>, vector<16xi32>,
      %get3A_79 = vector.shape_cast %get3A_78 : vector<16xi32> to vector<16xi32>
      %get3A_80 = arith.constant 0 : index
      %get3A_81 = tpu.vector_load %arg9[%get3A_80] {strides = array<i32>} : memref<768xi32, #tpu.memory_space<vmem>>, vector<16xi32>,
      %get3A_82 = vector.shape_cast %get3A_81 : vector<16xi32> to vector<16xi32>
      %mul3A_83 = arith.constant 663 : i32
      %mul3A_84 = vector.broadcast %mul3A_83 : i32 to vector<16xi32>
      %mul3A_85 = arith.muli %get3A_79, %mul3A_84 : vector<16xi32>
      %add3A_86 = arith.constant 0 : i32
      %add3A_87 = vector.broadcast %add3A_86 : i32 to vector<16xi32>
      %add3A_88 = arith.addi %add3A_87, %mul3A_85 : vector<16xi32>
      %add3A_89 = arith.addi %add3A_88, %get3A_82 : vector<16xi32>
      %swap3A = arith.constant 0 : i32
      %swap3A_90 = arith.index_cast %swap3A : i32 to index
      %swap3A_91 = arith.constant 0 : index
      %swap3A_92 = tpu.vector_load %arg10[%swap3A_90, %swap3A_91] {strides = array<i32>} : memref<6x128xi32, #tpu.memory_space<vmem>>, vector<1x16xi32>,
      %swap3A_93 = vector.shape_cast %swap3A_92 : vector<1x16xi32> to vector<16xi32>
      %swap3A_94 = vector.shape_cast %add3A_89 : vector<16xi32> to vector<1x16xi32>
      tpu.vector_store %arg10[%swap3A_90, %swap3A_91], %swap3A_94 {strides = array<i32>} : memref<6x128xi32, #tpu.memory_space<vmem>>, vector<1x16xi32>,
      %mul3A_95 = arith.constant 663 : i32
      %mul3A_96 = vector.broadcast %mul3A_95 : i32 to vector<16xi32>
      %mul3A_97 = arith.muli %get3A_82, %mul3A_96 : vector<16xi32>
      %add3A_98 = arith.constant 0 : i32
      %add3A_99 = vector.broadcast %add3A_98 : i32 to vector<16xi32>
      %add3A_100 = arith.addi %add3A_99, %mul3A_97 : vector<16xi32>
      %add3A_101 = arith.addi %add3A_100, %get3A_79 : vector<16xi32>
      %swap3A_102 = arith.constant 0 : i32
      %swap3A_103 = arith.index_cast %swap3A_102 : i32 to index
      %swap3A_104 = arith.constant 0 : index
      %swap3A_105 = tpu.vector_load %arg11[%swap3A_103, %swap3A_104] {strides = array<i32>} : memref<6x128xi32, #tpu.memory_space<vmem>>, vector<1x16xi32>,
      %swap3A_106 = vector.shape_cast %swap3A_105 : vector<1x16xi32> to vector<16xi32>
      %swap3A_107 = vector.shape_cast %add3A_101 : vector<16xi32> to vector<1x16xi32>
      tpu.vector_store %arg11[%swap3A_103, %swap3A_104], %swap3A_107 {strides = array<i32>} : memref<6x128xi32, #tpu.memory_space<vmem>>, vector<1x16xi32>,
      %get3A_108 = arith.constant 16 : index
      %get3A_109 = tpu.vector_load %arg8[%get3A_108] {strides = array<i32>} : memref<768xi32, #tpu.memory_space<vmem>>, vector<16xi32>,
      %get3A_110 = vector.shape_cast %get3A_109 : vector<16xi32> to vector<16xi32>
      %get3A_111 = arith.constant 16 : index
      %get3A_112 = tpu.vector_load %arg9[%get3A_111] {strides = array<i32>} : memref<768xi32, #tpu.memory_space<vmem>>, vector<16xi32>,
      %get3A_113 = vector.shape_cast %get3A_112 : vector<16xi32> to vector<16xi32>
      %mul3A_114 = arith.constant 663 : i32
      %mul3A_115 = vector.broadcast %mul3A_114 : i32 to vector<16xi32>
      %mul3A_116 = arith.muli %get3A_110, %mul3A_115 : vector<16xi32>
      %add3A_117 = arith.constant 0 : i32
      %add3A_118 = vector.broadcast %add3A_117 : i32 to vector<16xi32>
      %add3A_119 = arith.addi %add3A_118, %mul3A_116 : vector<16xi32>
      %add3A_120 = arith.addi %add3A_119, %get3A_113 : vector<16xi32>
      %swap3A_121 = arith.constant 0 : i32
      %swap3A_122 = arith.index_cast %swap3A_121 : i32 to index
      %swap3A_123 = arith.constant 16 : index
      %swap3A_124 = tpu.vector_load %arg10[%swap3A_122, %swap3A_123] {strides = array<i32>} : memref<6x128xi32, #tpu.memory_space<vmem>>, vector<1x16xi32>,
      %swap3A_125 = vector.shape_cast %swap3A_124 : vector<1x16xi32> to vector<16xi32>
      %swap3A_126 = vector.shape_cast %add3A_120 : vector<16xi32> to vector<1x16xi32>
      tpu.vector_store %arg10[%swap3A_122, %swap3A_123], %swap3A_126 {strides = array<i32>} : memref<6x128xi32, #tpu.memory_space<vmem>>, vector<1x16xi32>,
      %mul3A_127 = arith.constant 663 : i32
      %mul3A_128 = vector.broadcast %mul3A_127 : i32 to vector<16xi32>
      %mul3A_129 = arith.muli %get3A_113, %mul3A_128 : vector<16xi32>
      %add3A_130 = arith.constant 0 : i32
      %add3A_131 = vector.broadcast %add3A_130 : i32 to vector<16xi32>
      %add3A_132 = arith.addi %add3A_131, %mul3A_129 : vector<16xi32>
      %add3A_133 = arith.addi %add3A_132, %get3A_110 : vector<16xi32>
      %swap3A_134 = arith.constant 0 : i32
      %swap3A_135 = arith.index_cast %swap3A_134 : i32 to index
      %swap3A_136 = arith.constant 16 : index
      %swap3A_137 = tpu.vector_load %arg11[%swap3A_135, %swap3A_136] {strides = array<i32>} : memref<6x128xi32, #tpu.memory_space<vmem>>, vector<1x16xi32>,
      %swap3A_138 = vector.shape_cast %swap3A_137 : vector<1x16xi32> to vector<16xi32>
      %swap3A_139 = vector.shape_cast %add3A_133 : vector<16xi32> to vector<1x16xi32>
      tpu.vector_store %arg11[%swap3A_135, %swap3A_136], %swap3A_139 {strides = array<i32>} : memref<6x128xi32, #tpu.memory_space<vmem>>, vector<1x16xi32>,
      %get3A_140 = arith.constant 32 : index
      %get3A_141 = tpu.vector_load %arg8[%get3A_140] {strides = array<i32>} : memref<768xi32, #tpu.memory_space<vmem>>, vector<16xi32>,
      %get3A_142 = vector.shape_cast %get3A_141 : vector<16xi32> to vector<16xi32>
      %get3A_143 = arith.constant 32 : index
      %get3A_144 = tpu.vector_load %arg9[%get3A_143] {strides = array<i32>} : memref<768xi32, #tpu.memory_space<vmem>>, vector<16xi32>,
      %get3A_145 = vector.shape_cast %get3A_144 : vector<16xi32> to vector<16xi32>
      %mul3A_146 = arith.constant 663 : i32
      %mul3A_147 = vector.broadcast %mul3A_146 : i32 to vector<16xi32>
      %mul3A_148 = arith.muli %get3A_142, %mul3A_147 : vector<16xi32>
      %add3A_149 = arith.constant 0 : i32
      %add3A_150 = vector.broadcast %add3A_149 : i32 to vector<16xi32>
      %add3A_151 = arith.addi %add3A_150, %mul3A_148 : vector<16xi32>
      %add3A_152 = arith.addi %add3A_151, %get3A_145 : vector<16xi32>
      %swap3A_153 = arith.constant 0 : i32
      %swap3A_154 = arith.index_cast %swap3A_153 : i32 to index
      %swap3A_155 = arith.constant 32 : index
      %swap3A_156 = tpu.vector_load %arg10[%swap3A_154, %swap3A_155] {strides = array<i32>} : memref<6x128xi32, #tpu.memory_space<vmem>>, vector<1x16xi32>,
      %swap3A_157 = vector.shape_cast %swap3A_156 : vector<1x16xi32> to vector<16xi32>
      %swap3A_158 = vector.shape_cast %add3A_152 : vector<16xi32> to vector<1x16xi32>
      tpu.vector_store %arg10[%swap3A_154, %swap3A_155], %swap3A_158 {strides = array<i32>} : memref<6x128xi32, #tpu.memory_space<vmem>>, vector<1x16xi32>,
      %mul3A_159 = arith.constant 663 : i32
      %mul3A_160 = vector.broadcast %mul3A_159 : i32 to vector<16xi32>
      %mul3A_161 = arith.muli %get3A_145, %mul3A_160 : vector<16xi32>
      %add3A_162 = arith.constant 0 : i32
      %add3A_163 = vector.broadcast %add3A_162 : i32 to vector<16xi32>
      %add3A_164 = arith.addi %add3A_163, %mul3A_161 : vector<16xi32>
      %add3A_165 = arith.addi %add3A_164, %get3A_142 : vector<16xi32>
      %swap3A_166 = arith.constant 0 : i32
      %swap3A_167 = arith.index_cast %swap3A_166 : i32 to index
      %swap3A_168 = arith.constant 32 : index
      %swap3A_169 = tpu.vector_load %arg11[%swap3A_167, %swap3A_168] {strides = array<i32>} : memref<6x128xi32, #tpu.memory_space<vmem>>, vector<1x16xi32>,
      %swap3A_170 = vector.shape_cast %swap3A_169 : vector<1x16xi32> to vector<16xi32>
      %swap3A_171 = vector.shape_cast %add3A_165 : vector<16xi32> to vector<1x16xi32>
      tpu.vector_store %arg11[%swap3A_167, %swap3A_168], %swap3A_171 {strides = array<i32>} : memref<6x128xi32, #tpu.memory_space<vmem>>, vector<1x16xi32>,
      %get3A_172 = arith.constant 48 : index
      %get3A_173 = tpu.vector_load %arg8[%get3A_172] {strides = array<i32>} : memref<768xi32, #tpu.memory_space<vmem>>, vector<16xi32>,
      %get3A_174 = vector.shape_cast %get3A_173 : vector<16xi32> to vector<16xi32>
      %get3A_175 = arith.constant 48 : index
      %get3A_176 = tpu.vector_load %arg9[%get3A_175] {strides = array<i32>} : memref<768xi32, #tpu.memory_space<vmem>>, vector<16xi32>,
      %get3A_177 = vector.shape_cast %get3A_176 : vector<16xi32> to vector<16xi32>
      %mul3A_178 = arith.constant 663 : i32
      %mul3A_179 = vector.broadcast %mul3A_178 : i32 to vector<16xi32>
      %mul3A_180 = arith.muli %get3A_174, %mul3A_179 : vector<16xi32>
      %add3A_181 = arith.constant 0 : i32
      %add3A_182 = vector.broadcast %add3A_181 : i32 to vector<16xi32>
      %add3A_183 = arith.addi %add3A_182, %mul3A_180 : vector<16xi32>
      %add3A_184 = arith.addi %add3A_183, %get3A_177 : vector<16xi32>
      %swap3A_185 = arith.constant 0 : i32
      %swap3A_186 = arith.index_cast %swap3A_185 : i32 to index
      %swap3A_187 = arith.constant 48 : index
      %swap3A_188 = tpu.vector_load %arg10[%swap3A_186, %swap3A_187] {strides = array<i32>} : memref<6x128xi32, #tpu.memory_space<vmem>>, vector<1x16xi32>,
      %swap3A_189 = vector.shape_cast %swap3A_188 : vector<1x16xi32> to vector<16xi32>
      %swap3A_190 = vector.shape_cast %add3A_184 : vector<16xi32> to vector<1x16xi32>
      tpu.vector_store %arg10[%swap3A_186, %swap3A_187], %swap3A_190 {strides = array<i32>} : memref<6x128xi32, #tpu.memory_space<vmem>>, vector<1x16xi32>,
      %mul3A_191 = arith.constant 663 : i32
      %mul3A_192 = vector.broadcast %mul3A_191 : i32 to vector<16xi32>
      %mul3A_193 = arith.muli %get3A_177, %mul3A_192 : vector<16xi32>
      %add3A_194 = arith.constant 0 : i32
      %add3A_195 = vector.broadcast %add3A_194 : i32 to vector<16xi32>
      %add3A_196 = arith.addi %add3A_195, %mul3A_193 : vector<16xi32>
      %add3A_197 = arith.addi %add3A_196, %get3A_174 : vector<16xi32>
      %swap3A_198 = arith.constant 0 : i32
      %swap3A_199 = arith.index_cast %swap3A_198 : i32 to index
      %swap3A_200 = arith.constant 48 : index
      %swap3A_201 = tpu.vector_load %arg11[%swap3A_199, %swap3A_200] {strides = array<i32>} : memref<6x128xi32, #tpu.memory_space<vmem>>, vector<1x16xi32>,
      %swap3A_202 = vector.shape_cast %swap3A_201 : vector<1x16xi32> to vector<16xi32>
      %swap3A_203 = vector.shape_cast %add3A_197 : vector<16xi32> to vector<1x16xi32>
      tpu.vector_store %arg11[%swap3A_199, %swap3A_200], %swap3A_203 {strides = array<i32>} : memref<6x128xi32, #tpu.memory_space<vmem>>, vector<1x16xi32>,
      %get3A_204 = arith.constant 64 : index
      %get3A_205 = tpu.vector_load %arg8[%get3A_204] {strides = array<i32>} : memref<768xi32, #tpu.memory_space<vmem>>, vector<16xi32>,
      %get3A_206 = vector.shape_cast %get3A_205 : vector<16xi32> to vector<16xi32>
      %get3A_207 = arith.constant 64 : index
      %get3A_208 = tpu.vector_load %arg9[%get3A_207] {strides = array<i32>} : memref<768xi32, #tpu.memory_space<vmem>>, vector<16xi32>,
      %get3A_209 = vector.shape_cast %get3A_208 : vector<16xi32> to vector<16xi32>
      %mul3A_210 = arith.constant 663 : i32
      %mul3A_211 = vector.broadcast %mul3A_210 : i32 to vector<16xi32>
      %mul3A_212 = arith.muli %get3A_206, %mul3A_211 : vector<16xi32>
      %add3A_213 = arith.constant 0 : i32
      %add3A_214 = vector.broadcast %add3A_213 : i32 to vector<16xi32>
      %add3A_215 = arith.addi %add3A_214, %mul3A_212 : vector<16xi32>
      %add3A_216 = arith.addi %add3A_215, %get3A_209 : vector<16xi32>
      %swap3A_217 = arith.constant 0 : i32
      %swap3A_218 = arith.index_cast %swap3A_217 : i32 to index
      %swap3A_219 = arith.constant 64 : index
      %swap3A_220 = tpu.vector_load %arg10[%swap3A_218, %swap3A_219] {strides = array<i32>} : memref<6x128xi32, #tpu.memory_space<vmem>>, vector<1x16xi32>,
      %swap3A_221 = vector.shape_cast %swap3A_220 : vector<1x16xi32> to vector<16xi32>
      %swap3A_222 = vector.shape_cast %add3A_216 : vector<16xi32> to vector<1x16xi32>
      tpu.vector_store %arg10[%swap3A_218, %swap3A_219], %swap3A_222 {strides = array<i32>} : memref<6x128xi32, #tpu.memory_space<vmem>>, vector<1x16xi32>,
      %mul3A_223 = arith.constant 663 : i32
      %mul3A_224 = vector.broadcast %mul3A_223 : i32 to vector<16xi32>
      %mul3A_225 = arith.muli %get3A_209, %mul3A_224 : vector<16xi32>
      %add3A_226 = arith.constant 0 : i32
      %add3A_227 = vector.broadcast %add3A_226 : i32 to vector<16xi32>
      %add3A_228 = arith.addi %add3A_227, %mul3A_225 : vector<16xi32>
      %add3A_229 = arith.addi %add3A_228, %get3A_206 : vector<16xi32>
      %swap3A_230 = arith.constant 0 : i32
      %swap3A_231 = arith.index_cast %swap3A_230 : i32 to index
      %swap3A_232 = arith.constant 64 : index
      %swap3A_233 = tpu.vector_load %arg11[%swap3A_231, %swap3A_232] {strides = array<i32>} : memref<6x128xi32, #tpu.memory_space<vmem>>, vector<1x16xi32>,
      %swap3A_234 = vector.shape_cast %swap3A_233 : vector<1x16xi32> to vector<16xi32>
      %swap3A_235 = vector.shape_cast %add3A_229 : vector<16xi32> to vector<1x16xi32>
      tpu.vector_store %arg11[%swap3A_231, %swap3A_232], %swap3A_235 {strides = array<i32>} : memref<6x128xi32, #tpu.memory_space<vmem>>, vector<1x16xi32>,
      %get3A_236 = arith.constant 80 : index
      %get3A_237 = tpu.vector_load %arg8[%get3A_236] {strides = array<i32>} : memref<768xi32, #tpu.memory_space<vmem>>, vector<16xi32>,
      %get3A_238 = vector.shape_cast %get3A_237 : vector<16xi32> to vector<16xi32>
      %get3A_239 = arith.constant 80 : index
      %get3A_240 = tpu.vector_load %arg9[%get3A_239] {strides = array<i32>} : memref<768xi32, #tpu.memory_space<vmem>>, vector<16xi32>,
      %get3A_241 = vector.shape_cast %get3A_240 : vector<16xi32> to vector<16xi32>
      %mul3A_242 = arith.constant 663 : i32
      %mul3A_243 = vector.broadcast %mul3A_242 : i32 to vector<16xi32>
      %mul3A_244 = arith.muli %get3A_238, %mul3A_243 : vector<16xi32>
      %add3A_245 = arith.constant 0 : i32
      %add3A_246 = vector.broadcast %add3A_245 : i32 to vector<16xi32>
      %add3A_247 = arith.addi %add3A_246, %mul3A_244 : vector<16xi32>
      %add3A_248 = arith.addi %add3A_247, %get3A_241 : vector<16xi32>
      %swap3A_249 = arith.constant 0 : i32
      %swap3A_250 = arith.index_cast %swap3A_249 : i32 to index
      %swap3A_251 = arith.constant 80 : index
      %swap3A_252 = tpu.vector_load %arg10[%swap3A_250, %swap3A_251] {strides = array<i32>} : memref<6x128xi32, #tpu.memory_space<vmem>>, vector<1x16xi32>,
      %swap3A_253 = vector.shape_cast %swap3A_252 : vector<1x16xi32> to vector<16xi32>
      %swap3A_254 = vector.shape_cast %add3A_248 : vector<16xi32> to vector<1x16xi32>
      tpu.vector_store %arg10[%swap3A_250, %swap3A_251], %swap3A_254 {strides = array<i32>} : memref<6x128xi32, #tpu.memory_space<vmem>>, vector<1x16xi32>,
      %mul3A_255 = arith.constant 663 : i32
      %mul3A_256 = vector.broadcast %mul3A_255 : i32 to vector<16xi32>
      %mul3A_257 = arith.muli %get3A_241, %mul3A_256 : vector<16xi32>
      %add3A_258 = arith.constant 0 : i32
      %add3A_259 = vector.broadcast %add3A_258 : i32 to vector<16xi32>
      %add3A_260 = arith.addi %add3A_259, %mul3A_257 : vector<16xi32>
      %add3A_261 = arith.addi %add3A_260, %get3A_238 : vector<16xi32>
      %swap3A_262 = arith.constant 0 : i32
      %swap3A_263 = arith.index_cast %swap3A_262 : i32 to index
      %swap3A_264 = arith.constant 80 : index
      %swap3A_265 = tpu.vector_load %arg11[%swap3A_263, %swap3A_264] {strides = array<i32>} : memref<6x128xi32, #tpu.memory_space<vmem>>, vector<1x16xi32>,
      %swap3A_266 = vector.shape_cast %swap3A_265 : vector<1x16xi32> to vector<16xi32>
      %swap3A_267 = vector.shape_cast %add3A_261 : vector<16xi32> to vector<1x16xi32>
      tpu.vector_store %arg11[%swap3A_263, %swap3A_264], %swap3A_267 {strides = array<i32>} : memref<6x128xi32, #tpu.memory_space<vmem>>, vector<1x16xi32>,
      %get3A_268 = arith.constant 96 : index
      %get3A_269 = tpu.vector_load %arg8[%get3A_268] {strides = array<i32>} : memref<768xi32, #tpu.memory_space<vmem>>, vector<16xi32>,
      %get3A_270 = vector.shape_cast %get3A_269 : vector<16xi32> to vector<16xi32>
      %get3A_271 = arith.constant 96 : index
      %get3A_272 = tpu.vector_load %arg9[%get3A_271] {strides = array<i32>} : memref<768xi32, #tpu.memory_space<vmem>>, vector<16xi32>,
      %get3A_273 = vector.shape_cast %get3A_272 : vector<16xi32> to vector<16xi32>
      %mul3A_274 = arith.constant 663 : i32
      %mul3A_275 = vector.broadcast %mul3A_274 : i32 to vector<16xi32>
      %mul3A_276 = arith.muli %get3A_270, %mul3A_275 : vector<16xi32>
      %add3A_277 = arith.constant 0 : i32
      %add3A_278 = vector.broadcast %add3A_277 : i32 to vector<16xi32>
      %add3A_279 = arith.addi %add3A_278, %mul3A_276 : vector<16xi32>
      %add3A_280 = arith.addi %add3A_279, %get3A_273 : vector<16xi32>
      %swap3A_281 = arith.constant 0 : i32
      %swap3A_282 = arith.index_cast %swap3A_281 : i32 to index
      %swap3A_283 = arith.constant 96 : index
      %swap3A_284 = tpu.vector_load %arg10[%swap3A_282, %swap3A_283] {strides = array<i32>} : memref<6x128xi32, #tpu.memory_space<vmem>>, vector<1x16xi32>,
      %swap3A_285 = vector.shape_cast %swap3A_284 : vector<1x16xi32> to vector<16xi32>
      %swap3A_286 = vector.shape_cast %add3A_280 : vector<16xi32> to vector<1x16xi32>
      tpu.vector_store %arg10[%swap3A_282, %swap3A_283], %swap3A_286 {strides = array<i32>} : memref<6x128xi32, #tpu.memory_space<vmem>>, vector<1x16xi32>,
      %mul3A_287 = arith.constant 663 : i32
      %mul3A_288 = vector.broadcast %mul3A_287 : i32 to vector<16xi32>
      %mul3A_289 = arith.muli %get3A_273, %mul3A_288 : vector<16xi32>
      %add3A_290 = arith.constant 0 : i32
      %add3A_291 = vector.broadcast %add3A_290 : i32 to vector<16xi32>
      %add3A_292 = arith.addi %add3A_291, %mul3A_289 : vector<16xi32>
      %add3A_293 = arith.addi %add3A_292, %get3A_270 : vector<16xi32>
      %swap3A_294 = arith.constant 0 : i32
      %swap3A_295 = arith.index_cast %swap3A_294 : i32 to index
      %swap3A_296 = arith.constant 96 : index
      %swap3A_297 = tpu.vector_load %arg11[%swap3A_295, %swap3A_296] {strides = array<i32>} : memref<6x128xi32, #tpu.memory_space<vmem>>, vector<1x16xi32>,
      %swap3A_298 = vector.shape_cast %swap3A_297 : vector<1x16xi32> to vector<16xi32>
      %swap3A_299 = vector.shape_cast %add3A_293 : vector<16xi32> to vector<1x16xi32>
      tpu.vector_store %arg11[%swap3A_295, %swap3A_296], %swap3A_299 {strides = array<i32>} : memref<6x128xi32, #tpu.memory_space<vmem>>, vector<1x16xi32>,
      %get3A_300 = arith.constant 112 : index
      %get3A_301 = tpu.vector_load %arg8[%get3A_300] {strides = array<i32>} : memref<768xi32, #tpu.memory_space<vmem>>, vector<16xi32>,
      %get3A_302 = vector.shape_cast %get3A_301 : vector<16xi32> to vector<16xi32>
      %get3A_303 = arith.constant 112 : index
      %get3A_304 = tpu.vector_load %arg9[%get3A_303] {strides = array<i32>} : memref<768xi32, #tpu.memory_space<vmem>>, vector<16xi32>,
      %get3A_305 = vector.shape_cast %get3A_304 : vector<16xi32> to vector<16xi32>
      %mul3A_306 = arith.constant 663 : i32
      %mul3A_307 = vector.broadcast %mul3A_306 : i32 to vector<16xi32>
      %mul3A_308 = arith.muli %get3A_302, %mul3A_307 : vector<16xi32>
      %add3A_309 = arith.constant 0 : i32
      %add3A_310 = vector.broadcast %add3A_309 : i32 to vector<16xi32>
      %add3A_311 = arith.addi %add3A_310, %mul3A_308 : vector<16xi32>
      %add3A_312 = arith.addi %add3A_311, %get3A_305 : vector<16xi32>
      %swap3A_313 = arith.constant 0 : i32
      %swap3A_314 = arith.index_cast %swap3A_313 : i32 to index
      %swap3A_315 = arith.constant 112 : index
      %swap3A_316 = tpu.vector_load %arg10[%swap3A_314, %swap3A_315] {strides = array<i32>} : memref<6x128xi32, #tpu.memory_space<vmem>>, vector<1x16xi32>,
      %swap3A_317 = vector.shape_cast %swap3A_316 : vector<1x16xi32> to vector<16xi32>
      %swap3A_318 = vector.shape_cast %add3A_312 : vector<16xi32> to vector<1x16xi32>
      tpu.vector_store %arg10[%swap3A_314, %swap3A_315], %swap3A_318 {strides = array<i32>} : memref<6x128xi32, #tpu.memory_space<vmem>>, vector<1x16xi32>,
      %mul3A_319 = arith.constant 663 : i32
      %mul3A_320 = vector.broadcast %mul3A_319 : i32 to vector<16xi32>
      %mul3A_321 = arith.muli %get3A_305, %mul3A_320 : vector<16xi32>
      %add3A_322 = arith.constant 0 : i32
      %add3A_323 = vector.broadcast %add3A_322 : i32 to vector<16xi32>
      %add3A_324 = arith.addi %add3A_323, %mul3A_321 : vector<16xi32>
      %add3A_325 = arith.addi %add3A_324, %get3A_302 : vector<16xi32>
      %swap3A_326 = arith.constant 0 : i32
      %swap3A_327 = arith.index_cast %swap3A_326 : i32 to index
      %swap3A_328 = arith.constant 112 : index
      %swap3A_329 = tpu.vector_load %arg11[%swap3A_327, %swap3A_328] {strides = array<i32>} : memref<6x128xi32, #tpu.memory_space<vmem>>, vector<1x16xi32>,
      %swap3A_330 = vector.shape_cast %swap3A_329 : vector<1x16xi32> to vector<16xi32>
      %swap3A_331 = vector.shape_cast %add3A_325 : vector<16xi32> to vector<1x16xi32>
      tpu.vector_store %arg11[%swap3A_327, %swap3A_328], %swap3A_331 {strides = array<i32>} : memref<6x128xi32, #tpu.memory_space<vmem>>, vector<1x16xi32>,
      %get3A_332 = arith.constant 128 : index
      %get3A_333 = tpu.vector_load %arg8[%get3A_332] {strides = array<i32>} : memref<768xi32, #tpu.memory_space<vmem>>, vector<16xi32>,
      %get3A_334 = vector.shape_cast %get3A_333 : vector<16xi32> to vector<16xi32>
      %get3A_335 = arith.constant 128 : index
      %get3A_336 = tpu.vector_load %arg9[%get3A_335] {strides = array<i32>} : memref<768xi32, #tpu.memory_space<vmem>>, vector<16xi32>,
      %get3A_337 = vector.shape_cast %get3A_336 : vector<16xi32> to vector<16xi32>
      %mul3A_338 = arith.constant 663 : i32
      %mul3A_339 = vector.broadcast %mul3A_338 : i32 to vector<16xi32>
      %mul3A_340 = arith.muli %get3A_334, %mul3A_339 : vector<16xi32>
      %add3A_341 = arith.constant 0 : i32
      %add3A_342 = vector.broadcast %add3A_341 : i32 to vector<16xi32>
      %add3A_343 = arith.addi %add3A_342, %mul3A_340 : vector<16xi32>
      %add3A_344 = arith.addi %add3A_343, %get3A_337 : vector<16xi32>
      %swap3A_345 = arith.constant 1 : i32
      %swap3A_346 = arith.index_cast %swap3A_345 : i32 to index
      %swap3A_347 = arith.constant 0 : index
      %swap3A_348 = tpu.vector_load %arg10[%swap3A_346, %swap3A_347] {strides = array<i32>} : memref<6x128xi32, #tpu.memory_space<vmem>>, vector<1x16xi32>,
      %swap3A_349 = vector.shape_cast %swap3A_348 : vector<1x16xi32> to vector<16xi32>
      %swap3A_350 = vector.shape_cast %add3A_344 : vector<16xi32> to vector<1x16xi32>
      tpu.vector_store %arg10[%swap3A_346, %swap3A_347], %swap3A_350 {strides = array<i32>} : memref<6x128xi32, #tpu.memory_space<vmem>>, vector<1x16xi32>,
      %mul3A_351 = arith.constant 663 : i32
      %mul3A_352 = vector.broadcast %mul3A_351 : i32 to vector<16xi32>
      %mul3A_353 = arith.muli %get3A_337, %mul3A_352 : vector<16xi32>
      %add3A_354 = arith.constant 0 : i32
      %add3A_355 = vector.broadcast %add3A_354 : i32 to vector<16xi32>
      %add3A_356 = arith.addi %add3A_355, %mul3A_353 : vector<16xi32>
      %add3A_357 = arith.addi %add3A_356, %get3A_334 : vector<16xi32>
      %swap3A_358 = arith.constant 1 : i32
      %swap3A_359 = arith.index_cast %swap3A_358 : i32 to index
      %swap3A_360 = arith.constant 0 : index
      %swap3A_361 = tpu.vector_load %arg11[%swap3A_359, %swap3A_360] {strides = array<i32>} : memref<6x128xi32, #tpu.memory_space<vmem>>, vector<1x16xi32>,
      %swap3A_362 = vector.shape_cast %swap3A_361 : vector<1x16xi32> to vector<16xi32>
      %swap3A_363 = vector.shape_cast %add3A_357 : vector<16xi32> to vector<1x16xi32>
      tpu.vector_store %arg11[%swap3A_359, %swap3A_360], %swap3A_363 {strides = array<i32>} : memref<6x128xi32, #tpu.memory_space<vmem>>, vector<1x16xi32>,
      %get3A_364 = arith.constant 144 : index
      %get3A_365 = tpu.vector_load %arg8[%get3A_364] {strides = array<i32>} : memref<768xi32, #tpu.memory_space<vmem>>, vector<16xi32>,
      %get3A_366 = vector.shape_cast %get3A_365 : vector<16xi32> to vector<16xi32>
      %get3A_367 = arith.constant 144 : index
      %get3A_368 = tpu.vector_load %arg9[%get3A_367] {strides = array<i32>} : memref<768xi32, #tpu.memory_space<vmem>>, vector<16xi32>,
      %get3A_369 = vector.shape_cast %get3A_368 : vector<16xi32> to vector<16xi32>
      %mul3A_370 = arith.constant 663 : i32
      %mul3A_371 = vector.broadcast %mul3A_370 : i32 to vector<16xi32>
      %mul3A_372 = arith.muli %get3A_366, %mul3A_371 : vector<16xi32>
      %add3A_373 = arith.constant 0 : i32
      %add3A_374 = vector.broadcast %add3A_373 : i32 to vector<16xi32>
      %add3A_375 = arith.addi %add3A_374, %mul3A_372 : vector<16xi32>
      %add3A_376 = arith.addi %add3A_375, %get3A_369 : vector<16xi32>
      %swap3A_377 = arith.constant 1 : i32
      %swap3A_378 = arith.index_cast %swap3A_377 : i32 to index
      %swap3A_379 = arith.constant 16 : index
      %swap3A_380 = tpu.vector_load %arg10[%swap3A_378, %swap3A_379] {strides = array<i32>} : memref<6x128xi32, #tpu.memory_space<vmem>>, vector<1x16xi32>,
      %swap3A_381 = vector.shape_cast %swap3A_380 : vector<1x16xi32> to vector<16xi32>
      %swap3A_382 = vector.shape_cast %add3A_376 : vector<16xi32> to vector<1x16xi32>
      tpu.vector_store %arg10[%swap3A_378, %swap3A_379], %swap3A_382 {strides = array<i32>} : memref<6x128xi32, #tpu.memory_space<vmem>>, vector<1x16xi32>,
      %mul3A_383 = arith.constant 663 : i32
      %mul3A_384 = vector.broadcast %mul3A_383 : i32 to vector<16xi32>
      %mul3A_385 = arith.muli %get3A_369, %mul3A_384 : vector<16xi32>
      %add3A_386 = arith.constant 0 : i32
      %add3A_387 = vector.broadcast %add3A_386 : i32 to vector<16xi32>
      %add3A_388 = arith.addi %add3A_387, %mul3A_385 : vector<16xi32>
      %add3A_389 = arith.addi %add3A_388, %get3A_366 : vector<16xi32>
      %swap3A_390 = arith.constant 1 : i32
      %swap3A_391 = arith.index_cast %swap3A_390 : i32 to index
      %swap3A_392 = arith.constant 16 : index
      %swap3A_393 = tpu.vector_load %arg11[%swap3A_391, %swap3A_392] {strides = array<i32>} : memref<6x128xi32, #tpu.memory_space<vmem>>, vector<1x16xi32>,
      %swap3A_394 = vector.shape_cast %swap3A_393 : vector<1x16xi32> to vector<16xi32>
      %swap3A_395 = vector.shape_cast %add3A_389 : vector<16xi32> to vector<1x16xi32>
      tpu.vector_store %arg11[%swap3A_391, %swap3A_392], %swap3A_395 {strides = array<i32>} : memref<6x128xi32, #tpu.memory_space<vmem>>, vector<1x16xi32>,
      %get3A_396 = arith.constant 160 : index
      %get3A_397 = tpu.vector_load %arg8[%get3A_396] {strides = array<i32>} : memref<768xi32, #tpu.memory_space<vmem>>, vector<16xi32>,
      %get3A_398 = vector.shape_cast %get3A_397 : vector<16xi32> to vector<16xi32>
      %get3A_399 = arith.constant 160 : index
      %get3A_400 = tpu.vector_load %arg9[%get3A_399] {strides = array<i32>} : memref<768xi32, #tpu.memory_space<vmem>>, vector<16xi32>,
      %get3A_401 = vector.shape_cast %get3A_400 : vector<16xi32> to vector<16xi32>
      %mul3A_402 = arith.constant 663 : i32
      %mul3A_403 = vector.broadcast %mul3A_402 : i32 to vector<16xi32>
      %mul3A_404 = arith.muli %get3A_398, %mul3A_403 : vector<16xi32>
      %add3A_405 = arith.constant 0 : i32
      %add3A_406 = vector.broadcast %add3A_405 : i32 to vector<16xi32>
      %add3A_407 = arith.addi %add3A_406, %mul3A_404 : vector<16xi32>
      %add3A_408 = arith.addi %add3A_407, %get3A_401 : vector<16xi32>
      %swap3A_409 = arith.constant 1 : i32
      %swap3A_410 = arith.index_cast %swap3A_409 : i32 to index
      %swap3A_411 = arith.constant 32 : index
      %swap3A_412 = tpu.vector_load %arg10[%swap3A_410, %swap3A_411] {strides = array<i32>} : memref<6x128xi32, #tpu.memory_space<vmem>>, vector<1x16xi32>,
      %swap3A_413 = vector.shape_cast %swap3A_412 : vector<1x16xi32> to vector<16xi32>
      %swap3A_414 = vector.shape_cast %add3A_408 : vector<16xi32> to vector<1x16xi32>
      tpu.vector_store %arg10[%swap3A_410, %swap3A_411], %swap3A_414 {strides = array<i32>} : memref<6x128xi32, #tpu.memory_space<vmem>>, vector<1x16xi32>,
      %mul3A_415 = arith.constant 663 : i32
      %mul3A_416 = vector.broadcast %mul3A_415 : i32 to vector<16xi32>
      %mul3A_417 = arith.muli %get3A_401, %mul3A_416 : vector<16xi32>
      %add3A_418 = arith.constant 0 : i32
      %add3A_419 = vector.broadcast %add3A_418 : i32 to vector<16xi32>
      %add3A_420 = arith.addi %add3A_419, %mul3A_417 : vector<16xi32>
      %add3A_421 = arith.addi %add3A_420, %get3A_398 : vector<16xi32>
      %swap3A_422 = arith.constant 1 : i32
      %swap3A_423 = arith.index_cast %swap3A_422 : i32 to index
      %swap3A_424 = arith.constant 32 : index
      %swap3A_425 = tpu.vector_load %arg11[%swap3A_423, %swap3A_424] {strides = array<i32>} : memref<6x128xi32, #tpu.memory_space<vmem>>, vector<1x16xi32>,
      %swap3A_426 = vector.shape_cast %swap3A_425 : vector<1x16xi32> to vector<16xi32>
      %swap3A_427 = vector.shape_cast %add3A_421 : vector<16xi32> to vector<1x16xi32>
      tpu.vector_store %arg11[%swap3A_423, %swap3A_424], %swap3A_427 {strides = array<i32>} : memref<6x128xi32, #tpu.memory_space<vmem>>, vector<1x16xi32>,
      %get3A_428 = arith.constant 176 : index
      %get3A_429 = tpu.vector_load %arg8[%get3A_428] {strides = array<i32>} : memref<768xi32, #tpu.memory_space<vmem>>, vector<16xi32>,
      %get3A_430 = vector.shape_cast %get3A_429 : vector<16xi32> to vector<16xi32>
      %get3A_431 = arith.constant 176 : index
      %get3A_432 = tpu.vector_load %arg9[%get3A_431] {strides = array<i32>} : memref<768xi32, #tpu.memory_space<vmem>>, vector<16xi32>,
      %get3A_433 = vector.shape_cast %get3A_432 : vector<16xi32> to vector<16xi32>
      %mul3A_434 = arith.constant 663 : i32
      %mul3A_435 = vector.broadcast %mul3A_434 : i32 to vector<16xi32>
      %mul3A_436 = arith.muli %get3A_430, %mul3A_435 : vector<16xi32>
      %add3A_437 = arith.constant 0 : i32
      %add3A_438 = vector.broadcast %add3A_437 : i32 to vector<16xi32>
      %add3A_439 = arith.addi %add3A_438, %mul3A_436 : vector<16xi32>
      %add3A_440 = arith.addi %add3A_439, %get3A_433 : vector<16xi32>
      %swap3A_441 = arith.constant 1 : i32
      %swap3A_442 = arith.index_cast %swap3A_441 : i32 to index
      %swap3A_443 = arith.constant 48 : index
      %swap3A_444 = tpu.vector_load %arg10[%swap3A_442, %swap3A_443] {strides = array<i32>} : memref<6x128xi32, #tpu.memory_space<vmem>>, vector<1x16xi32>,
      %swap3A_445 = vector.shape_cast %swap3A_444 : vector<1x16xi32> to vector<16xi32>
      %swap3A_446 = vector.shape_cast %add3A_440 : vector<16xi32> to vector<1x16xi32>
      tpu.vector_store %arg10[%swap3A_442, %swap3A_443], %swap3A_446 {strides = array<i32>} : memref<6x128xi32, #tpu.memory_space<vmem>>, vector<1x16xi32>,
      %mul3A_447 = arith.constant 663 : i32
      %mul3A_448 = vector.broadcast %mul3A_447 : i32 to vector<16xi32>
      %mul3A_449 = arith.muli %get3A_433, %mul3A_448 : vector<16xi32>
      %add3A_450 = arith.constant 0 : i32
      %add3A_451 = vector.broadcast %add3A_450 : i32 to vector<16xi32>
      %add3A_452 = arith.addi %add3A_451, %mul3A_449 : vector<16xi32>
      %add3A_453 = arith.addi %add3A_452, %get3A_430 : vector<16xi32>
      %swap3A_454 = arith.constant 1 : i32
      %swap3A_455 = arith.index_cast %swap3A_454 : i32 to index
      %swap3A_456 = arith.constant 48 : index
      %swap3A_457 = tpu.vector_load %arg11[%swap3A_455, %swap3A_456] {strides = array<i32>} : memref<6x128xi32, #tpu.memory_space<vmem>>, vector<1x16xi32>,
      %swap3A_458 = vector.shape_cast %swap3A_457 : vector<1x16xi32> to vector<16xi32>
      %swap3A_459 = vector.shape_cast %add3A_453 : vector<16xi32> to vector<1x16xi32>
      tpu.vector_store %arg11[%swap3A_455, %swap3A_456], %swap3A_459 {strides = array<i32>} : memref<6x128xi32, #tpu.memory_space<vmem>>, vector<1x16xi32>,
      %get3A_460 = arith.constant 192 : index
      %get3A_461 = tpu.vector_load %arg8[%get3A_460] {strides = array<i32>} : memref<768xi32, #tpu.memory_space<vmem>>, vector<16xi32>,
      %get3A_462 = vector.shape_cast %get3A_461 : vector<16xi32> to vector<16xi32>
      %get3A_463 = arith.constant 192 : index
      %get3A_464 = tpu.vector_load %arg9[%get3A_463] {strides = array<i32>} : memref<768xi32, #tpu.memory_space<vmem>>, vector<16xi32>,
      %get3A_465 = vector.shape_cast %get3A_464 : vector<16xi32> to vector<16xi32>
      %mul3A_466 = arith.constant 663 : i32
      %mul3A_467 = vector.broadcast %mul3A_466 : i32 to vector<16xi32>
      %mul3A_468 = arith.muli %get3A_462, %mul3A_467 : vector<16xi32>
      %add3A_469 = arith.constant 0 : i32
      %add3A_470 = vector.broadcast %add3A_469 : i32 to vector<16xi32>
      %add3A_471 = arith.addi %add3A_470, %mul3A_468 : vector<16xi32>
      %add3A_472 = arith.addi %add3A_471, %get3A_465 : vector<16xi32>
      %swap3A_473 = arith.constant 1 : i32
      %swap3A_474 = arith.index_cast %swap3A_473 : i32 to index
      %swap3A_475 = arith.constant 64 : index
      %swap3A_476 = tpu.vector_load %arg10[%swap3A_474, %swap3A_475] {strides = array<i32>} : memref<6x128xi32, #tpu.memory_space<vmem>>, vector<1x16xi32>,
      %swap3A_477 = vector.shape_cast %swap3A_476 : vector<1x16xi32> to vector<16xi32>
      %swap3A_478 = vector.shape_cast %add3A_472 : vector<16xi32> to vector<1x16xi32>
      tpu.vector_store %arg10[%swap3A_474, %swap3A_475], %swap3A_478 {strides = array<i32>} : memref<6x128xi32, #tpu.memory_space<vmem>>, vector<1x16xi32>,
      %mul3A_479 = arith.constant 663 : i32
      %mul3A_480 = vector.broadcast %mul3A_479 : i32 to vector<16xi32>
      %mul3A_481 = arith.muli %get3A_465, %mul3A_480 : vector<16xi32>
      %add3A_482 = arith.constant 0 : i32
      %add3A_483 = vector.broadcast %add3A_482 : i32 to vector<16xi32>
      %add3A_484 = arith.addi %add3A_483, %mul3A_481 : vector<16xi32>
      %add3A_485 = arith.addi %add3A_484, %get3A_462 : vector<16xi32>
      %swap3A_486 = arith.constant 1 : i32
      %swap3A_487 = arith.index_cast %swap3A_486 : i32 to index
      %swap3A_488 = arith.constant 64 : index
      %swap3A_489 = tpu.vector_load %arg11[%swap3A_487, %swap3A_488] {strides = array<i32>} : memref<6x128xi32, #tpu.memory_space<vmem>>, vector<1x16xi32>,
      %swap3A_490 = vector.shape_cast %swap3A_489 : vector<1x16xi32> to vector<16xi32>
      %swap3A_491 = vector.shape_cast %add3A_485 : vector<16xi32> to vector<1x16xi32>
      tpu.vector_store %arg11[%swap3A_487, %swap3A_488], %swap3A_491 {strides = array<i32>} : memref<6x128xi32, #tpu.memory_space<vmem>>, vector<1x16xi32>,
      %get3A_492 = arith.constant 208 : index
      %get3A_493 = tpu.vector_load %arg8[%get3A_492] {strides = array<i32>} : memref<768xi32, #tpu.memory_space<vmem>>, vector<16xi32>,
      %get3A_494 = vector.shape_cast %get3A_493 : vector<16xi32> to vector<16xi32>
      %get3A_495 = arith.constant 208 : index
      %get3A_496 = tpu.vector_load %arg9[%get3A_495] {strides = array<i32>} : memref<768xi32, #tpu.memory_space<vmem>>, vector<16xi32>,
      %get3A_497 = vector.shape_cast %get3A_496 : vector<16xi32> to vector<16xi32>
      %mul3A_498 = arith.constant 663 : i32
      %mul3A_499 = vector.broadcast %mul3A_498 : i32 to vector<16xi32>
      %mul3A_500 = arith.muli %get3A_494, %mul3A_499 : vector<16xi32>
      %add3A_501 = arith.constant 0 : i32
      %add3A_502 = vector.broadcast %add3A_501 : i32 to vector<16xi32>
      %add3A_503 = arith.addi %add3A_502, %mul3A_500 : vector<16xi32>
      %add3A_504 = arith.addi %add3A_503, %get3A_497 : vector<16xi32>
      %swap3A_505 = arith.constant 1 : i32
      %swap3A_506 = arith.index_cast %swap3A_505 : i32 to index
      %swap3A_507 = arith.constant 80 : index
      %swap3A_508 = tpu.vector_load %arg10[%swap3A_506, %swap3A_507] {strides = array<i32>} : memref<6x128xi32, #tpu.memory_space<vmem>>, vector<1x16xi32>,
      %swap3A_509 = vector.shape_cast %swap3A_508 : vector<1x16xi32> to vector<16xi32>
      %swap3A_510 = vector.shape_cast %add3A_504 : vector<16xi32> to vector<1x16xi32>
      tpu.vector_store %arg10[%swap3A_506, %swap3A_507], %swap3A_510 {strides = array<i32>} : memref<6x128xi32, #tpu.memory_space<vmem>>, vector<1x16xi32>,
      %mul3A_511 = arith.constant 663 : i32
      %mul3A_512 = vector.broadcast %mul3A_511 : i32 to vector<16xi32>
      %mul3A_513 = arith.muli %get3A_497, %mul3A_512 : vector<16xi32>
      %add3A_514 = arith.constant 0 : i32
      %add3A_515 = vector.broadcast %add3A_514 : i32 to vector<16xi32>
      %add3A_516 = arith.addi %add3A_515, %mul3A_513 : vector<16xi32>
      %add3A_517 = arith.addi %add3A_516, %get3A_494 : vector<16xi32>
      %swap3A_518 = arith.constant 1 : i32
      %swap3A_519 = arith.index_cast %swap3A_518 : i32 to index
      %swap3A_520 = arith.constant 80 : index
      %swap3A_521 = tpu.vector_load %arg11[%swap3A_519, %swap3A_520] {strides = array<i32>} : memref<6x128xi32, #tpu.memory_space<vmem>>, vector<1x16xi32>,
      %swap3A_522 = vector.shape_cast %swap3A_521 : vector<1x16xi32> to vector<16xi32>
      %swap3A_523 = vector.shape_cast %add3A_517 : vector<16xi32> to vector<1x16xi32>
      tpu.vector_store %arg11[%swap3A_519, %swap3A_520], %swap3A_523 {strides = array<i32>} : memref<6x128xi32, #tpu.memory_space<vmem>>, vector<1x16xi32>,
      %get3A_524 = arith.constant 224 : index
      %get3A_525 = tpu.vector_load %arg8[%get3A_524] {strides = array<i32>} : memref<768xi32, #tpu.memory_space<vmem>>, vector<16xi32>,
      %get3A_526 = vector.shape_cast %get3A_525 : vector<16xi32> to vector<16xi32>
      %get3A_527 = arith.constant 224 : index
      %get3A_528 = tpu.vector_load %arg9[%get3A_527] {strides = array<i32>} : memref<768xi32, #tpu.memory_space<vmem>>, vector<16xi32>,
      %get3A_529 = vector.shape_cast %get3A_528 : vector<16xi32> to vector<16xi32>
      %mul3A_530 = arith.constant 663 : i32
      %mul3A_531 = vector.broadcast %mul3A_530 : i32 to vector<16xi32>
      %mul3A_532 = arith.muli %get3A_526, %mul3A_531 : vector<16xi32>
      %add3A_533 = arith.constant 0 : i32
      %add3A_534 = vector.broadcast %add3A_533 : i32 to vector<16xi32>
      %add3A_535 = arith.addi %add3A_534, %mul3A_532 : vector<16xi32>
      %add3A_536 = arith.addi %add3A_535, %get3A_529 : vector<16xi32>
      %swap3A_537 = arith.constant 1 : i32
      %swap3A_538 = arith.index_cast %swap3A_537 : i32 to index
      %swap3A_539 = arith.constant 96 : index
      %swap3A_540 = tpu.vector_load %arg10[%swap3A_538, %swap3A_539] {strides = array<i32>} : memref<6x128xi32, #tpu.memory_space<vmem>>, vector<1x16xi32>,
      %swap3A_541 = vector.shape_cast %swap3A_540 : vector<1x16xi32> to vector<16xi32>
      %swap3A_542 = vector.shape_cast %add3A_536 : vector<16xi32> to vector<1x16xi32>
      tpu.vector_store %arg10[%swap3A_538, %swap3A_539], %swap3A_542 {strides = array<i32>} : memref<6x128xi32, #tpu.memory_space<vmem>>, vector<1x16xi32>,
      %mul3A_543 = arith.constant 663 : i32
      %mul3A_544 = vector.broadcast %mul3A_543 : i32 to vector<16xi32>
      %mul3A_545 = arith.muli %get3A_529, %mul3A_544 : vector<16xi32>
      %add3A_546 = arith.constant 0 : i32
      %add3A_547 = vector.broadcast %add3A_546 : i32 to vector<16xi32>
      %add3A_548 = arith.addi %add3A_547, %mul3A_545 : vector<16xi32>
      %add3A_549 = arith.addi %add3A_548, %get3A_526 : vector<16xi32>
      %swap3A_550 = arith.constant 1 : i32
      %swap3A_551 = arith.index_cast %swap3A_550 : i32 to index
      %swap3A_552 = arith.constant 96 : index
      %swap3A_553 = tpu.vector_load %arg11[%swap3A_551, %swap3A_552] {strides = array<i32>} : memref<6x128xi32, #tpu.memory_space<vmem>>, vector<1x16xi32>,
      %swap3A_554 = vector.shape_cast %swap3A_553 : vector<1x16xi32> to vector<16xi32>
      %swap3A_555 = vector.shape_cast %add3A_549 : vector<16xi32> to vector<1x16xi32>
      tpu.vector_store %arg11[%swap3A_551, %swap3A_552], %swap3A_555 {strides = array<i32>} : memref<6x128xi32, #tpu.memory_space<vmem>>, vector<1x16xi32>,
      %get3A_556 = arith.constant 240 : index
      %get3A_557 = tpu.vector_load %arg8[%get3A_556] {strides = array<i32>} : memref<768xi32, #tpu.memory_space<vmem>>, vector<16xi32>,
      %get3A_558 = vector.shape_cast %get3A_557 : vector<16xi32> to vector<16xi32>
      %get3A_559 = arith.constant 240 : index
      %get3A_560 = tpu.vector_load %arg9[%get3A_559] {strides = array<i32>} : memref<768xi32, #tpu.memory_space<vmem>>, vector<16xi32>,
      %get3A_561 = vector.shape_cast %get3A_560 : vector<16xi32> to vector<16xi32>
      %mul3A_562 = arith.constant 663 : i32
      %mul3A_563 = vector.broadcast %mul3A_562 : i32 to vector<16xi32>
      %mul3A_564 = arith.muli %get3A_558, %mul3A_563 : vector<16xi32>
      %add3A_565 = arith.constant 0 : i32
      %add3A_566 = vector.broadcast %add3A_565 : i32 to vector<16xi32>
      %add3A_567 = arith.addi %add3A_566, %mul3A_564 : vector<16xi32>
      %add3A_568 = arith.addi %add3A_567, %get3A_561 : vector<16xi32>
      %swap3A_569 = arith.constant 1 : i32
      %swap3A_570 = arith.index_cast %swap3A_569 : i32 to index
      %swap3A_571 = arith.constant 112 : index
      %swap3A_572 = tpu.vector_load %arg10[%swap3A_570, %swap3A_571] {strides = array<i32>} : memref<6x128xi32, #tpu.memory_space<vmem>>, vector<1x16xi32>,
      %swap3A_573 = vector.shape_cast %swap3A_572 : vector<1x16xi32> to vector<16xi32>
      %swap3A_574 = vector.shape_cast %add3A_568 : vector<16xi32> to vector<1x16xi32>
      tpu.vector_store %arg10[%swap3A_570, %swap3A_571], %swap3A_574 {strides = array<i32>} : memref<6x128xi32, #tpu.memory_space<vmem>>, vector<1x16xi32>,
      %mul3A_575 = arith.constant 663 : i32
      %mul3A_576 = vector.broadcast %mul3A_575 : i32 to vector<16xi32>
      %mul3A_577 = arith.muli %get3A_561, %mul3A_576 : vector<16xi32>
      %add3A_578 = arith.constant 0 : i32
      %add3A_579 = vector.broadcast %add3A_578 : i32 to vector<16xi32>
      %add3A_580 = arith.addi %add3A_579, %mul3A_577 : vector<16xi32>
      %add3A_581 = arith.addi %add3A_580, %get3A_558 : vector<16xi32>
      %swap3A_582 = arith.constant 1 : i32
      %swap3A_583 = arith.index_cast %swap3A_582 : i32 to index
      %swap3A_584 = arith.constant 112 : index
      %swap3A_585 = tpu.vector_load %arg11[%swap3A_583, %swap3A_584] {strides = array<i32>} : memref<6x128xi32, #tpu.memory_space<vmem>>, vector<1x16xi32>,
      %swap3A_586 = vector.shape_cast %swap3A_585 : vector<1x16xi32> to vector<16xi32>
      %swap3A_587 = vector.shape_cast %add3A_581 : vector<16xi32> to vector<1x16xi32>
      tpu.vector_store %arg11[%swap3A_583, %swap3A_584], %swap3A_587 {strides = array<i32>} : memref<6x128xi32, #tpu.memory_space<vmem>>, vector<1x16xi32>,
      %get3A_588 = arith.constant 256 : index
      %get3A_589 = tpu.vector_load %arg8[%get3A_588] {strides = array<i32>} : memref<768xi32, #tpu.memory_space<vmem>>, vector<16xi32>,
      %get3A_590 = vector.shape_cast %get3A_589 : vector<16xi32> to vector<16xi32>
      %get3A_591 = arith.constant 256 : index
      %get3A_592 = tpu.vector_load %arg9[%get3A_591] {strides = array<i32>} : memref<768xi32, #tpu.memory_space<vmem>>, vector<16xi32>,
      %get3A_593 = vector.shape_cast %get3A_592 : vector<16xi32> to vector<16xi32>
      %mul3A_594 = arith.constant 663 : i32
      %mul3A_595 = vector.broadcast %mul3A_594 : i32 to vector<16xi32>
      %mul3A_596 = arith.muli %get3A_590, %mul3A_595 : vector<16xi32>
      %add3A_597 = arith.constant 0 : i32
      %add3A_598 = vector.broadcast %add3A_597 : i32 to vector<16xi32>
      %add3A_599 = arith.addi %add3A_598, %mul3A_596 : vector<16xi32>
      %add3A_600 = arith.addi %add3A_599, %get3A_593 : vector<16xi32>
      %swap3A_601 = arith.constant 2 : i32
      %swap3A_602 = arith.index_cast %swap3A_601 : i32 to index
      %swap3A_603 = arith.constant 0 : index
      %swap3A_604 = tpu.vector_load %arg10[%swap3A_602, %swap3A_603] {strides = array<i32>} : memref<6x128xi32, #tpu.memory_space<vmem>>, vector<1x16xi32>,
      %swap3A_605 = vector.shape_cast %swap3A_604 : vector<1x16xi32> to vector<16xi32>
      %swap3A_606 = vector.shape_cast %add3A_600 : vector<16xi32> to vector<1x16xi32>
      tpu.vector_store %arg10[%swap3A_602, %swap3A_603], %swap3A_606 {strides = array<i32>} : memref<6x128xi32, #tpu.memory_space<vmem>>, vector<1x16xi32>,
      %mul3A_607 = arith.constant 663 : i32
      %mul3A_608 = vector.broadcast %mul3A_607 : i32 to vector<16xi32>
      %mul3A_609 = arith.muli %get3A_593, %mul3A_608 : vector<16xi32>
      %add3A_610 = arith.constant 0 : i32
      %add3A_611 = vector.broadcast %add3A_610 : i32 to vector<16xi32>
      %add3A_612 = arith.addi %add3A_611, %mul3A_609 : vector<16xi32>
      %add3A_613 = arith.addi %add3A_612, %get3A_590 : vector<16xi32>
      %swap3A_614 = arith.constant 2 : i32
      %swap3A_615 = arith.index_cast %swap3A_614 : i32 to index
      %swap3A_616 = arith.constant 0 : index
      %swap3A_617 = tpu.vector_load %arg11[%swap3A_615, %swap3A_616] {strides = array<i32>} : memref<6x128xi32, #tpu.memory_space<vmem>>, vector<1x16xi32>,
      %swap3A_618 = vector.shape_cast %swap3A_617 : vector<1x16xi32> to vector<16xi32>
      %swap3A_619 = vector.shape_cast %add3A_613 : vector<16xi32> to vector<1x16xi32>
      tpu.vector_store %arg11[%swap3A_615, %swap3A_616], %swap3A_619 {strides = array<i32>} : memref<6x128xi32, #tpu.memory_space<vmem>>, vector<1x16xi32>,
      %get3A_620 = arith.constant 272 : index
      %get3A_621 = tpu.vector_load %arg8[%get3A_620] {strides = array<i32>} : memref<768xi32, #tpu.memory_space<vmem>>, vector<16xi32>,
      %get3A_622 = vector.shape_cast %get3A_621 : vector<16xi32> to vector<16xi32>
      %get3A_623 = arith.constant 272 : index
      %get3A_624 = tpu.vector_load %arg9[%get3A_623] {strides = array<i32>} : memref<768xi32, #tpu.memory_space<vmem>>, vector<16xi32>,
      %get3A_625 = vector.shape_cast %get3A_624 : vector<16xi32> to vector<16xi32>
      %mul3A_626 = arith.constant 663 : i32
      %mul3A_627 = vector.broadcast %mul3A_626 : i32 to vector<16xi32>
      %mul3A_628 = arith.muli %get3A_622, %mul3A_627 : vector<16xi32>
      %add3A_629 = arith.constant 0 : i32
      %add3A_630 = vector.broadcast %add3A_629 : i32 to vector<16xi32>
      %add3A_631 = arith.addi %add3A_630, %mul3A_628 : vector<16xi32>
      %add3A_632 = arith.addi %add3A_631, %get3A_625 : vector<16xi32>
      %swap3A_633 = arith.constant 2 : i32
      %swap3A_634 = arith.index_cast %swap3A_633 : i32 to index
      %swap3A_635 = arith.constant 16 : index
      %swap3A_636 = tpu.vector_load %arg10[%swap3A_634, %swap3A_635] {strides = array<i32>} : memref<6x128xi32, #tpu.memory_space<vmem>>, vector<1x16xi32>,
      %swap3A_637 = vector.shape_cast %swap3A_636 : vector<1x16xi32> to vector<16xi32>
      %swap3A_638 = vector.shape_cast %add3A_632 : vector<16xi32> to vector<1x16xi32>
      tpu.vector_store %arg10[%swap3A_634, %swap3A_635], %swap3A_638 {strides = array<i32>} : memref<6x128xi32, #tpu.memory_space<vmem>>, vector<1x16xi32>,
      %mul3A_639 = arith.constant 663 : i32
      %mul3A_640 = vector.broadcast %mul3A_639 : i32 to vector<16xi32>
      %mul3A_641 = arith.muli %get3A_625, %mul3A_640 : vector<16xi32>
      %add3A_642 = arith.constant 0 : i32
      %add3A_643 = vector.broadcast %add3A_642 : i32 to vector<16xi32>
      %add3A_644 = arith.addi %add3A_643, %mul3A_641 : vector<16xi32>
      %add3A_645 = arith.addi %add3A_644, %get3A_622 : vector<16xi32>
      %swap3A_646 = arith.constant 2 : i32
      %swap3A_647 = arith.index_cast %swap3A_646 : i32 to index
      %swap3A_648 = arith.constant 16 : index
      %swap3A_649 = tpu.vector_load %arg11[%swap3A_647, %swap3A_648] {strides = array<i32>} : memref<6x128xi32, #tpu.memory_space<vmem>>, vector<1x16xi32>,
      %swap3A_650 = vector.shape_cast %swap3A_649 : vector<1x16xi32> to vector<16xi32>
      %swap3A_651 = vector.shape_cast %add3A_645 : vector<16xi32> to vector<1x16xi32>
      tpu.vector_store %arg11[%swap3A_647, %swap3A_648], %swap3A_651 {strides = array<i32>} : memref<6x128xi32, #tpu.memory_space<vmem>>, vector<1x16xi32>,
      %get3A_652 = arith.constant 288 : index
      %get3A_653 = tpu.vector_load %arg8[%get3A_652] {strides = array<i32>} : memref<768xi32, #tpu.memory_space<vmem>>, vector<16xi32>,
      %get3A_654 = vector.shape_cast %get3A_653 : vector<16xi32> to vector<16xi32>
      %get3A_655 = arith.constant 288 : index
      %get3A_656 = tpu.vector_load %arg9[%get3A_655] {strides = array<i32>} : memref<768xi32, #tpu.memory_space<vmem>>, vector<16xi32>,
      %get3A_657 = vector.shape_cast %get3A_656 : vector<16xi32> to vector<16xi32>
      %mul3A_658 = arith.constant 663 : i32
      %mul3A_659 = vector.broadcast %mul3A_658 : i32 to vector<16xi32>
      %mul3A_660 = arith.muli %get3A_654, %mul3A_659 : vector<16xi32>
      %add3A_661 = arith.constant 0 : i32
      %add3A_662 = vector.broadcast %add3A_661 : i32 to vector<16xi32>
      %add3A_663 = arith.addi %add3A_662, %mul3A_660 : vector<16xi32>
      %add3A_664 = arith.addi %add3A_663, %get3A_657 : vector<16xi32>
      %swap3A_665 = arith.constant 2 : i32
      %swap3A_666 = arith.index_cast %swap3A_665 : i32 to index
      %swap3A_667 = arith.constant 32 : index
      %swap3A_668 = tpu.vector_load %arg10[%swap3A_666, %swap3A_667] {strides = array<i32>} : memref<6x128xi32, #tpu.memory_space<vmem>>, vector<1x16xi32>,
      %swap3A_669 = vector.shape_cast %swap3A_668 : vector<1x16xi32> to vector<16xi32>
      %swap3A_670 = vector.shape_cast %add3A_664 : vector<16xi32> to vector<1x16xi32>
      tpu.vector_store %arg10[%swap3A_666, %swap3A_667], %swap3A_670 {strides = array<i32>} : memref<6x128xi32, #tpu.memory_space<vmem>>, vector<1x16xi32>,
      %mul3A_671 = arith.constant 663 : i32
      %mul3A_672 = vector.broadcast %mul3A_671 : i32 to vector<16xi32>
      %mul3A_673 = arith.muli %get3A_657, %mul3A_672 : vector<16xi32>
      %add3A_674 = arith.constant 0 : i32
      %add3A_675 = vector.broadcast %add3A_674 : i32 to vector<16xi32>
      %add3A_676 = arith.addi %add3A_675, %mul3A_673 : vector<16xi32>
      %add3A_677 = arith.addi %add3A_676, %get3A_654 : vector<16xi32>
      %swap3A_678 = arith.constant 2 : i32
      %swap3A_679 = arith.index_cast %swap3A_678 : i32 to index
      %swap3A_680 = arith.constant 32 : index
      %swap3A_681 = tpu.vector_load %arg11[%swap3A_679, %swap3A_680] {strides = array<i32>} : memref<6x128xi32, #tpu.memory_space<vmem>>, vector<1x16xi32>,
      %swap3A_682 = vector.shape_cast %swap3A_681 : vector<1x16xi32> to vector<16xi32>
      %swap3A_683 = vector.shape_cast %add3A_677 : vector<16xi32> to vector<1x16xi32>
      tpu.vector_store %arg11[%swap3A_679, %swap3A_680], %swap3A_683 {strides = array<i32>} : memref<6x128xi32, #tpu.memory_space<vmem>>, vector<1x16xi32>,
      %get3A_684 = arith.constant 304 : index
      %get3A_685 = tpu.vector_load %arg8[%get3A_684] {strides = array<i32>} : memref<768xi32, #tpu.memory_space<vmem>>, vector<16xi32>,
      %get3A_686 = vector.shape_cast %get3A_685 : vector<16xi32> to vector<16xi32>
      %get3A_687 = arith.constant 304 : index
      %get3A_688 = tpu.vector_load %arg9[%get3A_687] {strides = array<i32>} : memref<768xi32, #tpu.memory_space<vmem>>, vector<16xi32>,
      %get3A_689 = vector.shape_cast %get3A_688 : vector<16xi32> to vector<16xi32>
      %mul3A_690 = arith.constant 663 : i32
      %mul3A_691 = vector.broadcast %mul3A_690 : i32 to vector<16xi32>
      %mul3A_692 = arith.muli %get3A_686, %mul3A_691 : vector<16xi32>
      %add3A_693 = arith.constant 0 : i32
      %add3A_694 = vector.broadcast %add3A_693 : i32 to vector<16xi32>
      %add3A_695 = arith.addi %add3A_694, %mul3A_692 : vector<16xi32>
      %add3A_696 = arith.addi %add3A_695, %get3A_689 : vector<16xi32>
      %swap3A_697 = arith.constant 2 : i32
      %swap3A_698 = arith.index_cast %swap3A_697 : i32 to index
      %swap3A_699 = arith.constant 48 : index
      %swap3A_700 = tpu.vector_load %arg10[%swap3A_698, %swap3A_699] {strides = array<i32>} : memref<6x128xi32, #tpu.memory_space<vmem>>, vector<1x16xi32>,
      %swap3A_701 = vector.shape_cast %swap3A_700 : vector<1x16xi32> to vector<16xi32>
      %swap3A_702 = vector.shape_cast %add3A_696 : vector<16xi32> to vector<1x16xi32>
      tpu.vector_store %arg10[%swap3A_698, %swap3A_699], %swap3A_702 {strides = array<i32>} : memref<6x128xi32, #tpu.memory_space<vmem>>, vector<1x16xi32>,
      %mul3A_703 = arith.constant 663 : i32
      %mul3A_704 = vector.broadcast %mul3A_703 : i32 to vector<16xi32>
      %mul3A_705 = arith.muli %get3A_689, %mul3A_704 : vector<16xi32>
      %add3A_706 = arith.constant 0 : i32
      %add3A_707 = vector.broadcast %add3A_706 : i32 to vector<16xi32>
      %add3A_708 = arith.addi %add3A_707, %mul3A_705 : vector<16xi32>
      %add3A_709 = arith.addi %add3A_708, %get3A_686 : vector<16xi32>
      %swap3A_710 = arith.constant 2 : i32
      %swap3A_711 = arith.index_cast %swap3A_710 : i32 to index
      %swap3A_712 = arith.constant 48 : index
      %swap3A_713 = tpu.vector_load %arg11[%swap3A_711, %swap3A_712] {strides = array<i32>} : memref<6x128xi32, #tpu.memory_space<vmem>>, vector<1x16xi32>,
      %swap3A_714 = vector.shape_cast %swap3A_713 : vector<1x16xi32> to vector<16xi32>
      %swap3A_715 = vector.shape_cast %add3A_709 : vector<16xi32> to vector<1x16xi32>
      tpu.vector_store %arg11[%swap3A_711, %swap3A_712], %swap3A_715 {strides = array<i32>} : memref<6x128xi32, #tpu.memory_space<vmem>>, vector<1x16xi32>,
      %get3A_716 = arith.constant 320 : index
      %get3A_717 = tpu.vector_load %arg8[%get3A_716] {strides = array<i32>} : memref<768xi32, #tpu.memory_space<vmem>>, vector<16xi32>,
      %get3A_718 = vector.shape_cast %get3A_717 : vector<16xi32> to vector<16xi32>
      %get3A_719 = arith.constant 320 : index
      %get3A_720 = tpu.vector_load %arg9[%get3A_719] {strides = array<i32>} : memref<768xi32, #tpu.memory_space<vmem>>, vector<16xi32>,
      %get3A_721 = vector.shape_cast %get3A_720 : vector<16xi32> to vector<16xi32>
      %mul3A_722 = arith.constant 663 : i32
      %mul3A_723 = vector.broadcast %mul3A_722 : i32 to vector<16xi32>
      %mul3A_724 = arith.muli %get3A_718, %mul3A_723 : vector<16xi32>
      %add3A_725 = arith.constant 0 : i32
      %add3A_726 = vector.broadcast %add3A_725 : i32 to vector<16xi32>
      %add3A_727 = arith.addi %add3A_726, %mul3A_724 : vector<16xi32>
      %add3A_728 = arith.addi %add3A_727, %get3A_721 : vector<16xi32>
      %swap3A_729 = arith.constant 2 : i32
      %swap3A_730 = arith.index_cast %swap3A_729 : i32 to index
      %swap3A_731 = arith.constant 64 : index
      %swap3A_732 = tpu.vector_load %arg10[%swap3A_730, %swap3A_731] {strides = array<i32>} : memref<6x128xi32, #tpu.memory_space<vmem>>, vector<1x16xi32>,
      %swap3A_733 = vector.shape_cast %swap3A_732 : vector<1x16xi32> to vector<16xi32>
      %swap3A_734 = vector.shape_cast %add3A_728 : vector<16xi32> to vector<1x16xi32>
      tpu.vector_store %arg10[%swap3A_730, %swap3A_731], %swap3A_734 {strides = array<i32>} : memref<6x128xi32, #tpu.memory_space<vmem>>, vector<1x16xi32>,
      %mul3A_735 = arith.constant 663 : i32
      %mul3A_736 = vector.broadcast %mul3A_735 : i32 to vector<16xi32>
      %mul3A_737 = arith.muli %get3A_721, %mul3A_736 : vector<16xi32>
      %add3A_738 = arith.constant 0 : i32
      %add3A_739 = vector.broadcast %add3A_738 : i32 to vector<16xi32>
      %add3A_740 = arith.addi %add3A_739, %mul3A_737 : vector<16xi32>
      %add3A_741 = arith.addi %add3A_740, %get3A_718 : vector<16xi32>
      %swap3A_742 = arith.constant 2 : i32
      %swap3A_743 = arith.index_cast %swap3A_742 : i32 to index
      %swap3A_744 = arith.constant 64 : index
      %swap3A_745 = tpu.vector_load %arg11[%swap3A_743, %swap3A_744] {strides = array<i32>} : memref<6x128xi32, #tpu.memory_space<vmem>>, vector<1x16xi32>,
      %swap3A_746 = vector.shape_cast %swap3A_745 : vector<1x16xi32> to vector<16xi32>
      %swap3A_747 = vector.shape_cast %add3A_741 : vector<16xi32> to vector<1x16xi32>
      tpu.vector_store %arg11[%swap3A_743, %swap3A_744], %swap3A_747 {strides = array<i32>} : memref<6x128xi32, #tpu.memory_space<vmem>>, vector<1x16xi32>,
      %get3A_748 = arith.constant 336 : index
      %get3A_749 = tpu.vector_load %arg8[%get3A_748] {strides = array<i32>} : memref<768xi32, #tpu.memory_space<vmem>>, vector<16xi32>,
      %get3A_750 = vector.shape_cast %get3A_749 : vector<16xi32> to vector<16xi32>
      %get3A_751 = arith.constant 336 : index
      %get3A_752 = tpu.vector_load %arg9[%get3A_751] {strides = array<i32>} : memref<768xi32, #tpu.memory_space<vmem>>, vector<16xi32>,
      %get3A_753 = vector.shape_cast %get3A_752 : vector<16xi32> to vector<16xi32>
      %mul3A_754 = arith.constant 663 : i32
      %mul3A_755 = vector.broadcast %mul3A_754 : i32 to vector<16xi32>
      %mul3A_756 = arith.muli %get3A_750, %mul3A_755 : vector<16xi32>
      %add3A_757 = arith.constant 0 : i32
      %add3A_758 = vector.broadcast %add3A_757 : i32 to vector<16xi32>
      %add3A_759 = arith.addi %add3A_758, %mul3A_756 : vector<16xi32>
      %add3A_760 = arith.addi %add3A_759, %get3A_753 : vector<16xi32>
      %swap3A_761 = arith.constant 2 : i32
      %swap3A_762 = arith.index_cast %swap3A_761 : i32 to index
      %swap3A_763 = arith.constant 80 : index
      %swap3A_764 = tpu.vector_load %arg10[%swap3A_762, %swap3A_763] {strides = array<i32>} : memref<6x128xi32, #tpu.memory_space<vmem>>, vector<1x16xi32>,
      %swap3A_765 = vector.shape_cast %swap3A_764 : vector<1x16xi32> to vector<16xi32>
      %swap3A_766 = vector.shape_cast %add3A_760 : vector<16xi32> to vector<1x16xi32>
      tpu.vector_store %arg10[%swap3A_762, %swap3A_763], %swap3A_766 {strides = array<i32>} : memref<6x128xi32, #tpu.memory_space<vmem>>, vector<1x16xi32>,
      %mul3A_767 = arith.constant 663 : i32
      %mul3A_768 = vector.broadcast %mul3A_767 : i32 to vector<16xi32>
      %mul3A_769 = arith.muli %get3A_753, %mul3A_768 : vector<16xi32>
      %add3A_770 = arith.constant 0 : i32
      %add3A_771 = vector.broadcast %add3A_770 : i32 to vector<16xi32>
      %add3A_772 = arith.addi %add3A_771, %mul3A_769 : vector<16xi32>
      %add3A_773 = arith.addi %add3A_772, %get3A_750 : vector<16xi32>
      %swap3A_774 = arith.constant 2 : i32
      %swap3A_775 = arith.index_cast %swap3A_774 : i32 to index
      %swap3A_776 = arith.constant 80 : index
      %swap3A_777 = tpu.vector_load %arg11[%swap3A_775, %swap3A_776] {strides = array<i32>} : memref<6x128xi32, #tpu.memory_space<vmem>>, vector<1x16xi32>,
      %swap3A_778 = vector.shape_cast %swap3A_777 : vector<1x16xi32> to vector<16xi32>
      %swap3A_779 = vector.shape_cast %add3A_773 : vector<16xi32> to vector<1x16xi32>
      tpu.vector_store %arg11[%swap3A_775, %swap3A_776], %swap3A_779 {strides = array<i32>} : memref<6x128xi32, #tpu.memory_space<vmem>>, vector<1x16xi32>,
      %get3A_780 = arith.constant 352 : index
      %get3A_781 = tpu.vector_load %arg8[%get3A_780] {strides = array<i32>} : memref<768xi32, #tpu.memory_space<vmem>>, vector<16xi32>,
      %get3A_782 = vector.shape_cast %get3A_781 : vector<16xi32> to vector<16xi32>
      %get3A_783 = arith.constant 352 : index
      %get3A_784 = tpu.vector_load %arg9[%get3A_783] {strides = array<i32>} : memref<768xi32, #tpu.memory_space<vmem>>, vector<16xi32>,
      %get3A_785 = vector.shape_cast %get3A_784 : vector<16xi32> to vector<16xi32>
      %mul3A_786 = arith.constant 663 : i32
      %mul3A_787 = vector.broadcast %mul3A_786 : i32 to vector<16xi32>
      %mul3A_788 = arith.muli %get3A_782, %mul3A_787 : vector<16xi32>
      %add3A_789 = arith.constant 0 : i32
      %add3A_790 = vector.broadcast %add3A_789 : i32 to vector<16xi32>
      %add3A_791 = arith.addi %add3A_790, %mul3A_788 : vector<16xi32>
      %add3A_792 = arith.addi %add3A_791, %get3A_785 : vector<16xi32>
      %swap3A_793 = arith.constant 2 : i32
      %swap3A_794 = arith.index_cast %swap3A_793 : i32 to index
      %swap3A_795 = arith.constant 96 : index
      %swap3A_796 = tpu.vector_load %arg10[%swap3A_794, %swap3A_795] {strides = array<i32>} : memref<6x128xi32, #tpu.memory_space<vmem>>, vector<1x16xi32>,
      %swap3A_797 = vector.shape_cast %swap3A_796 : vector<1x16xi32> to vector<16xi32>
      %swap3A_798 = vector.shape_cast %add3A_792 : vector<16xi32> to vector<1x16xi32>
      tpu.vector_store %arg10[%swap3A_794, %swap3A_795], %swap3A_798 {strides = array<i32>} : memref<6x128xi32, #tpu.memory_space<vmem>>, vector<1x16xi32>,
      %mul3A_799 = arith.constant 663 : i32
      %mul3A_800 = vector.broadcast %mul3A_799 : i32 to vector<16xi32>
      %mul3A_801 = arith.muli %get3A_785, %mul3A_800 : vector<16xi32>
      %add3A_802 = arith.constant 0 : i32
      %add3A_803 = vector.broadcast %add3A_802 : i32 to vector<16xi32>
      %add3A_804 = arith.addi %add3A_803, %mul3A_801 : vector<16xi32>
      %add3A_805 = arith.addi %add3A_804, %get3A_782 : vector<16xi32>
      %swap3A_806 = arith.constant 2 : i32
      %swap3A_807 = arith.index_cast %swap3A_806 : i32 to index
      %swap3A_808 = arith.constant 96 : index
      %swap3A_809 = tpu.vector_load %arg11[%swap3A_807, %swap3A_808] {strides = array<i32>} : memref<6x128xi32, #tpu.memory_space<vmem>>, vector<1x16xi32>,
      %swap3A_810 = vector.shape_cast %swap3A_809 : vector<1x16xi32> to vector<16xi32>
      %swap3A_811 = vector.shape_cast %add3A_805 : vector<16xi32> to vector<1x16xi32>
      tpu.vector_store %arg11[%swap3A_807, %swap3A_808], %swap3A_811 {strides = array<i32>} : memref<6x128xi32, #tpu.memory_space<vmem>>, vector<1x16xi32>,
      %get3A_812 = arith.constant 368 : index
      %get3A_813 = tpu.vector_load %arg8[%get3A_812] {strides = array<i32>} : memref<768xi32, #tpu.memory_space<vmem>>, vector<16xi32>,
      %get3A_814 = vector.shape_cast %get3A_813 : vector<16xi32> to vector<16xi32>
      %get3A_815 = arith.constant 368 : index
      %get3A_816 = tpu.vector_load %arg9[%get3A_815] {strides = array<i32>} : memref<768xi32, #tpu.memory_space<vmem>>, vector<16xi32>,
      %get3A_817 = vector.shape_cast %get3A_816 : vector<16xi32> to vector<16xi32>
      %mul3A_818 = arith.constant 663 : i32
      %mul3A_819 = vector.broadcast %mul3A_818 : i32 to vector<16xi32>
      %mul3A_820 = arith.muli %get3A_814, %mul3A_819 : vector<16xi32>
      %add3A_821 = arith.constant 0 : i32
      %add3A_822 = vector.broadcast %add3A_821 : i32 to vector<16xi32>
      %add3A_823 = arith.addi %add3A_822, %mul3A_820 : vector<16xi32>
      %add3A_824 = arith.addi %add3A_823, %get3A_817 : vector<16xi32>
      %swap3A_825 = arith.constant 2 : i32
      %swap3A_826 = arith.index_cast %swap3A_825 : i32 to index
      %swap3A_827 = arith.constant 112 : index
      %swap3A_828 = tpu.vector_load %arg10[%swap3A_826, %swap3A_827] {strides = array<i32>} : memref<6x128xi32, #tpu.memory_space<vmem>>, vector<1x16xi32>,
      %swap3A_829 = vector.shape_cast %swap3A_828 : vector<1x16xi32> to vector<16xi32>
      %swap3A_830 = vector.shape_cast %add3A_824 : vector<16xi32> to vector<1x16xi32>
      tpu.vector_store %arg10[%swap3A_826, %swap3A_827], %swap3A_830 {strides = array<i32>} : memref<6x128xi32, #tpu.memory_space<vmem>>, vector<1x16xi32>,
      %mul3A_831 = arith.constant 663 : i32
      %mul3A_832 = vector.broadcast %mul3A_831 : i32 to vector<16xi32>
      %mul3A_833 = arith.muli %get3A_817, %mul3A_832 : vector<16xi32>
      %add3A_834 = arith.constant 0 : i32
      %add3A_835 = vector.broadcast %add3A_834 : i32 to vector<16xi32>
      %add3A_836 = arith.addi %add3A_835, %mul3A_833 : vector<16xi32>
      %add3A_837 = arith.addi %add3A_836, %get3A_814 : vector<16xi32>
      %swap3A_838 = arith.constant 2 : i32
      %swap3A_839 = arith.index_cast %swap3A_838 : i32 to index
      %swap3A_840 = arith.constant 112 : index
      %swap3A_841 = tpu.vector_load %arg11[%swap3A_839, %swap3A_840] {strides = array<i32>} : memref<6x128xi32, #tpu.memory_space<vmem>>, vector<1x16xi32>,
      %swap3A_842 = vector.shape_cast %swap3A_841 : vector<1x16xi32> to vector<16xi32>
      %swap3A_843 = vector.shape_cast %add3A_837 : vector<16xi32> to vector<1x16xi32>
      tpu.vector_store %arg11[%swap3A_839, %swap3A_840], %swap3A_843 {strides = array<i32>} : memref<6x128xi32, #tpu.memory_space<vmem>>, vector<1x16xi32>,
      %get3A_844 = arith.constant 384 : index
      %get3A_845 = tpu.vector_load %arg8[%get3A_844] {strides = array<i32>} : memref<768xi32, #tpu.memory_space<vmem>>, vector<16xi32>,
      %get3A_846 = vector.shape_cast %get3A_845 : vector<16xi32> to vector<16xi32>
      %get3A_847 = arith.constant 384 : index
      %get3A_848 = tpu.vector_load %arg9[%get3A_847] {strides = array<i32>} : memref<768xi32, #tpu.memory_space<vmem>>, vector<16xi32>,
      %get3A_849 = vector.shape_cast %get3A_848 : vector<16xi32> to vector<16xi32>
      %mul3A_850 = arith.constant 663 : i32
      %mul3A_851 = vector.broadcast %mul3A_850 : i32 to vector<16xi32>
      %mul3A_852 = arith.muli %get3A_846, %mul3A_851 : vector<16xi32>
      %add3A_853 = arith.constant 0 : i32
      %add3A_854 = vector.broadcast %add3A_853 : i32 to vector<16xi32>
      %add3A_855 = arith.addi %add3A_854, %mul3A_852 : vector<16xi32>
      %add3A_856 = arith.addi %add3A_855, %get3A_849 : vector<16xi32>
      %swap3A_857 = arith.constant 3 : i32
      %swap3A_858 = arith.index_cast %swap3A_857 : i32 to index
      %swap3A_859 = arith.constant 0 : index
      %swap3A_860 = tpu.vector_load %arg10[%swap3A_858, %swap3A_859] {strides = array<i32>} : memref<6x128xi32, #tpu.memory_space<vmem>>, vector<1x16xi32>,
      %swap3A_861 = vector.shape_cast %swap3A_860 : vector<1x16xi32> to vector<16xi32>
      %swap3A_862 = vector.shape_cast %add3A_856 : vector<16xi32> to vector<1x16xi32>
      tpu.vector_store %arg10[%swap3A_858, %swap3A_859], %swap3A_862 {strides = array<i32>} : memref<6x128xi32, #tpu.memory_space<vmem>>, vector<1x16xi32>,
      %mul3A_863 = arith.constant 663 : i32
      %mul3A_864 = vector.broadcast %mul3A_863 : i32 to vector<16xi32>
      %mul3A_865 = arith.muli %get3A_849, %mul3A_864 : vector<16xi32>
      %add3A_866 = arith.constant 0 : i32
      %add3A_867 = vector.broadcast %add3A_866 : i32 to vector<16xi32>
      %add3A_868 = arith.addi %add3A_867, %mul3A_865 : vector<16xi32>
      %add3A_869 = arith.addi %add3A_868, %get3A_846 : vector<16xi32>
      %swap3A_870 = arith.constant 3 : i32
      %swap3A_871 = arith.index_cast %swap3A_870 : i32 to index
      %swap3A_872 = arith.constant 0 : index
      %swap3A_873 = tpu.vector_load %arg11[%swap3A_871, %swap3A_872] {strides = array<i32>} : memref<6x128xi32, #tpu.memory_space<vmem>>, vector<1x16xi32>,
      %swap3A_874 = vector.shape_cast %swap3A_873 : vector<1x16xi32> to vector<16xi32>
      %swap3A_875 = vector.shape_cast %add3A_869 : vector<16xi32> to vector<1x16xi32>
      tpu.vector_store %arg11[%swap3A_871, %swap3A_872], %swap3A_875 {strides = array<i32>} : memref<6x128xi32, #tpu.memory_space<vmem>>, vector<1x16xi32>,
      %get3A_876 = arith.constant 400 : index
      %get3A_877 = tpu.vector_load %arg8[%get3A_876] {strides = array<i32>} : memref<768xi32, #tpu.memory_space<vmem>>, vector<16xi32>,
      %get3A_878 = vector.shape_cast %get3A_877 : vector<16xi32> to vector<16xi32>
      %get3A_879 = arith.constant 400 : index
      %get3A_880 = tpu.vector_load %arg9[%get3A_879] {strides = array<i32>} : memref<768xi32, #tpu.memory_space<vmem>>, vector<16xi32>,
      %get3A_881 = vector.shape_cast %get3A_880 : vector<16xi32> to vector<16xi32>
      %mul3A_882 = arith.constant 663 : i32
      %mul3A_883 = vector.broadcast %mul3A_882 : i32 to vector<16xi32>
      %mul3A_884 = arith.muli %get3A_878, %mul3A_883 : vector<16xi32>
      %add3A_885 = arith.constant 0 : i32
      %add3A_886 = vector.broadcast %add3A_885 : i32 to vector<16xi32>
      %add3A_887 = arith.addi %add3A_886, %mul3A_884 : vector<16xi32>
      %add3A_888 = arith.addi %add3A_887, %get3A_881 : vector<16xi32>
      %swap3A_889 = arith.constant 3 : i32
      %swap3A_890 = arith.index_cast %swap3A_889 : i32 to index
      %swap3A_891 = arith.constant 16 : index
      %swap3A_892 = tpu.vector_load %arg10[%swap3A_890, %swap3A_891] {strides = array<i32>} : memref<6x128xi32, #tpu.memory_space<vmem>>, vector<1x16xi32>,
      %swap3A_893 = vector.shape_cast %swap3A_892 : vector<1x16xi32> to vector<16xi32>
      %swap3A_894 = vector.shape_cast %add3A_888 : vector<16xi32> to vector<1x16xi32>
      tpu.vector_store %arg10[%swap3A_890, %swap3A_891], %swap3A_894 {strides = array<i32>} : memref<6x128xi32, #tpu.memory_space<vmem>>, vector<1x16xi32>,
      %mul3A_895 = arith.constant 663 : i32
      %mul3A_896 = vector.broadcast %mul3A_895 : i32 to vector<16xi32>
      %mul3A_897 = arith.muli %get3A_881, %mul3A_896 : vector<16xi32>
      %add3A_898 = arith.constant 0 : i32
      %add3A_899 = vector.broadcast %add3A_898 : i32 to vector<16xi32>
      %add3A_900 = arith.addi %add3A_899, %mul3A_897 : vector<16xi32>
      %add3A_901 = arith.addi %add3A_900, %get3A_878 : vector<16xi32>
      %swap3A_902 = arith.constant 3 : i32
      %swap3A_903 = arith.index_cast %swap3A_902 : i32 to index
      %swap3A_904 = arith.constant 16 : index
      %swap3A_905 = tpu.vector_load %arg11[%swap3A_903, %swap3A_904] {strides = array<i32>} : memref<6x128xi32, #tpu.memory_space<vmem>>, vector<1x16xi32>,
      %swap3A_906 = vector.shape_cast %swap3A_905 : vector<1x16xi32> to vector<16xi32>
      %swap3A_907 = vector.shape_cast %add3A_901 : vector<16xi32> to vector<1x16xi32>
      tpu.vector_store %arg11[%swap3A_903, %swap3A_904], %swap3A_907 {strides = array<i32>} : memref<6x128xi32, #tpu.memory_space<vmem>>, vector<1x16xi32>,
      %get3A_908 = arith.constant 416 : index
      %get3A_909 = tpu.vector_load %arg8[%get3A_908] {strides = array<i32>} : memref<768xi32, #tpu.memory_space<vmem>>, vector<16xi32>,
      %get3A_910 = vector.shape_cast %get3A_909 : vector<16xi32> to vector<16xi32>
      %get3A_911 = arith.constant 416 : index
      %get3A_912 = tpu.vector_load %arg9[%get3A_911] {strides = array<i32>} : memref<768xi32, #tpu.memory_space<vmem>>, vector<16xi32>,
      %get3A_913 = vector.shape_cast %get3A_912 : vector<16xi32> to vector<16xi32>
      %mul3A_914 = arith.constant 663 : i32
      %mul3A_915 = vector.broadcast %mul3A_914 : i32 to vector<16xi32>
      %mul3A_916 = arith.muli %get3A_910, %mul3A_915 : vector<16xi32>
      %add3A_917 = arith.constant 0 : i32
      %add3A_918 = vector.broadcast %add3A_917 : i32 to vector<16xi32>
      %add3A_919 = arith.addi %add3A_918, %mul3A_916 : vector<16xi32>
      %add3A_920 = arith.addi %add3A_919, %get3A_913 : vector<16xi32>
      %swap3A_921 = arith.constant 3 : i32
      %swap3A_922 = arith.index_cast %swap3A_921 : i32 to index
      %swap3A_923 = arith.constant 32 : index
      %swap3A_924 = tpu.vector_load %arg10[%swap3A_922, %swap3A_923] {strides = array<i32>} : memref<6x128xi32, #tpu.memory_space<vmem>>, vector<1x16xi32>,
      %swap3A_925 = vector.shape_cast %swap3A_924 : vector<1x16xi32> to vector<16xi32>
      %swap3A_926 = vector.shape_cast %add3A_920 : vector<16xi32> to vector<1x16xi32>
      tpu.vector_store %arg10[%swap3A_922, %swap3A_923], %swap3A_926 {strides = array<i32>} : memref<6x128xi32, #tpu.memory_space<vmem>>, vector<1x16xi32>,
      %mul3A_927 = arith.constant 663 : i32
      %mul3A_928 = vector.broadcast %mul3A_927 : i32 to vector<16xi32>
      %mul3A_929 = arith.muli %get3A_913, %mul3A_928 : vector<16xi32>
      %add3A_930 = arith.constant 0 : i32
      %add3A_931 = vector.broadcast %add3A_930 : i32 to vector<16xi32>
      %add3A_932 = arith.addi %add3A_931, %mul3A_929 : vector<16xi32>
      %add3A_933 = arith.addi %add3A_932, %get3A_910 : vector<16xi32>
      %swap3A_934 = arith.constant 3 : i32
      %swap3A_935 = arith.index_cast %swap3A_934 : i32 to index
      %swap3A_936 = arith.constant 32 : index
      %swap3A_937 = tpu.vector_load %arg11[%swap3A_935, %swap3A_936] {strides = array<i32>} : memref<6x128xi32, #tpu.memory_space<vmem>>, vector<1x16xi32>,
      %swap3A_938 = vector.shape_cast %swap3A_937 : vector<1x16xi32> to vector<16xi32>
      %swap3A_939 = vector.shape_cast %add3A_933 : vector<16xi32> to vector<1x16xi32>
      tpu.vector_store %arg11[%swap3A_935, %swap3A_936], %swap3A_939 {strides = array<i32>} : memref<6x128xi32, #tpu.memory_space<vmem>>, vector<1x16xi32>,
      %get3A_940 = arith.constant 432 : index
      %get3A_941 = tpu.vector_load %arg8[%get3A_940] {strides = array<i32>} : memref<768xi32, #tpu.memory_space<vmem>>, vector<16xi32>,
      %get3A_942 = vector.shape_cast %get3A_941 : vector<16xi32> to vector<16xi32>
      %get3A_943 = arith.constant 432 : index
      %get3A_944 = tpu.vector_load %arg9[%get3A_943] {strides = array<i32>} : memref<768xi32, #tpu.memory_space<vmem>>, vector<16xi32>,
      %get3A_945 = vector.shape_cast %get3A_944 : vector<16xi32> to vector<16xi32>
      %mul3A_946 = arith.constant 663 : i32
      %mul3A_947 = vector.broadcast %mul3A_946 : i32 to vector<16xi32>
      %mul3A_948 = arith.muli %get3A_942, %mul3A_947 : vector<16xi32>
      %add3A_949 = arith.constant 0 : i32
      %add3A_950 = vector.broadcast %add3A_949 : i32 to vector<16xi32>
      %add3A_951 = arith.addi %add3A_950, %mul3A_948 : vector<16xi32>
      %add3A_952 = arith.addi %add3A_951, %get3A_945 : vector<16xi32>
      %swap3A_953 = arith.constant 3 : i32
      %swap3A_954 = arith.index_cast %swap3A_953 : i32 to index
      %swap3A_955 = arith.constant 48 : index
      %swap3A_956 = tpu.vector_load %arg10[%swap3A_954, %swap3A_955] {strides = array<i32>} : memref<6x128xi32, #tpu.memory_space<vmem>>, vector<1x16xi32>,
      %swap3A_957 = vector.shape_cast %swap3A_956 : vector<1x16xi32> to vector<16xi32>
      %swap3A_958 = vector.shape_cast %add3A_952 : vector<16xi32> to vector<1x16xi32>
      tpu.vector_store %arg10[%swap3A_954, %swap3A_955], %swap3A_958 {strides = array<i32>} : memref<6x128xi32, #tpu.memory_space<vmem>>, vector<1x16xi32>,
      %mul3A_959 = arith.constant 663 : i32
      %mul3A_960 = vector.broadcast %mul3A_959 : i32 to vector<16xi32>
      %mul3A_961 = arith.muli %get3A_945, %mul3A_960 : vector<16xi32>
      %add3A_962 = arith.constant 0 : i32
      %add3A_963 = vector.broadcast %add3A_962 : i32 to vector<16xi32>
      %add3A_964 = arith.addi %add3A_963, %mul3A_961 : vector<16xi32>
      %add3A_965 = arith.addi %add3A_964, %get3A_942 : vector<16xi32>
      %swap3A_966 = arith.constant 3 : i32
      %swap3A_967 = arith.index_cast %swap3A_966 : i32 to index
      %swap3A_968 = arith.constant 48 : index
      %swap3A_969 = tpu.vector_load %arg11[%swap3A_967, %swap3A_968] {strides = array<i32>} : memref<6x128xi32, #tpu.memory_space<vmem>>, vector<1x16xi32>,
      %swap3A_970 = vector.shape_cast %swap3A_969 : vector<1x16xi32> to vector<16xi32>
      %swap3A_971 = vector.shape_cast %add3A_965 : vector<16xi32> to vector<1x16xi32>
      tpu.vector_store %arg11[%swap3A_967, %swap3A_968], %swap3A_971 {strides = array<i32>} : memref<6x128xi32, #tpu.memory_space<vmem>>, vector<1x16xi32>,
      %get3A_972 = arith.constant 448 : index
      %get3A_973 = tpu.vector_load %arg8[%get3A_972] {strides = array<i32>} : memref<768xi32, #tpu.memory_space<vmem>>, vector<16xi32>,
      %get3A_974 = vector.shape_cast %get3A_973 : vector<16xi32> to vector<16xi32>
      %get3A_975 = arith.constant 448 : index
      %get3A_976 = tpu.vector_load %arg9[%get3A_975] {strides = array<i32>} : memref<768xi32, #tpu.memory_space<vmem>>, vector<16xi32>,
      %get3A_977 = vector.shape_cast %get3A_976 : vector<16xi32> to vector<16xi32>
      %mul3A_978 = arith.constant 663 : i32
      %mul3A_979 = vector.broadcast %mul3A_978 : i32 to vector<16xi32>
      %mul3A_980 = arith.muli %get3A_974, %mul3A_979 : vector<16xi32>
      %add3A_981 = arith.constant 0 : i32
      %add3A_982 = vector.broadcast %add3A_981 : i32 to vector<16xi32>
      %add3A_983 = arith.addi %add3A_982, %mul3A_980 : vector<16xi32>
      %add3A_984 = arith.addi %add3A_983, %get3A_977 : vector<16xi32>
      %swap3A_985 = arith.constant 3 : i32
      %swap3A_986 = arith.index_cast %swap3A_985 : i32 to index
      %swap3A_987 = arith.constant 64 : index
      %swap3A_988 = tpu.vector_load %arg10[%swap3A_986, %swap3A_987] {strides = array<i32>} : memref<6x128xi32, #tpu.memory_space<vmem>>, vector<1x16xi32>,
      %swap3A_989 = vector.shape_cast %swap3A_988 : vector<1x16xi32> to vector<16xi32>
      %swap3A_990 = vector.shape_cast %add3A_984 : vector<16xi32> to vector<1x16xi32>
      tpu.vector_store %arg10[%swap3A_986, %swap3A_987], %swap3A_990 {strides = array<i32>} : memref<6x128xi32, #tpu.memory_space<vmem>>, vector<1x16xi32>,
      %mul3A_991 = arith.constant 663 : i32
      %mul3A_992 = vector.broadcast %mul3A_991 : i32 to vector<16xi32>
      %mul3A_993 = arith.muli %get3A_977, %mul3A_992 : vector<16xi32>
      %add3A_994 = arith.constant 0 : i32
      %add3A_995 = vector.broadcast %add3A_994 : i32 to vector<16xi32>
      %add3A_996 = arith.addi %add3A_995, %mul3A_993 : vector<16xi32>
      %add3A_997 = arith.addi %add3A_996, %get3A_974 : vector<16xi32>
      %swap3A_998 = arith.constant 3 : i32
      %swap3A_999 = arith.index_cast %swap3A_998 : i32 to index
      %swap3A_1000 = arith.constant 64 : index
      %swap3A_1001 = tpu.vector_load %arg11[%swap3A_999, %swap3A_1000] {strides = array<i32>} : memref<6x128xi32, #tpu.memory_space<vmem>>, vector<1x16xi32>,
      %swap3A_1002 = vector.shape_cast %swap3A_1001 : vector<1x16xi32> to vector<16xi32>
      %swap3A_1003 = vector.shape_cast %add3A_997 : vector<16xi32> to vector<1x16xi32>
      tpu.vector_store %arg11[%swap3A_999, %swap3A_1000], %swap3A_1003 {strides = array<i32>} : memref<6x128xi32, #tpu.memory_space<vmem>>, vector<1x16xi32>,
      %get3A_1004 = arith.constant 464 : index
      %get3A_1005 = tpu.vector_load %arg8[%get3A_1004] {strides = array<i32>} : memref<768xi32, #tpu.memory_space<vmem>>, vector<16xi32>,
      %get3A_1006 = vector.shape_cast %get3A_1005 : vector<16xi32> to vector<16xi32>
      %get3A_1007 = arith.constant 464 : index
      %get3A_1008 = tpu.vector_load %arg9[%get3A_1007] {strides = array<i32>} : memref<768xi32, #tpu.memory_space<vmem>>, vector<16xi32>,
      %get3A_1009 = vector.shape_cast %get3A_1008 : vector<16xi32> to vector<16xi32>
      %mul3A_1010 = arith.constant 663 : i32
      %mul3A_1011 = vector.broadcast %mul3A_1010 : i32 to vector<16xi32>
      %mul3A_1012 = arith.muli %get3A_1006, %mul3A_1011 : vector<16xi32>
      %add3A_1013 = arith.constant 0 : i32
      %add3A_1014 = vector.broadcast %add3A_1013 : i32 to vector<16xi32>
      %add3A_1015 = arith.addi %add3A_1014, %mul3A_1012 : vector<16xi32>
      %add3A_1016 = arith.addi %add3A_1015, %get3A_1009 : vector<16xi32>
      %swap3A_1017 = arith.constant 3 : i32
      %swap3A_1018 = arith.index_cast %swap3A_1017 : i32 to index
      %swap3A_1019 = arith.constant 80 : index
      %swap3A_1020 = tpu.vector_load %arg10[%swap3A_1018, %swap3A_1019] {strides = array<i32>} : memref<6x128xi32, #tpu.memory_space<vmem>>, vector<1x16xi32>,
      %swap3A_1021 = vector.shape_cast %swap3A_1020 : vector<1x16xi32> to vector<16xi32>
      %swap3A_1022 = vector.shape_cast %add3A_1016 : vector<16xi32> to vector<1x16xi32>
      tpu.vector_store %arg10[%swap3A_1018, %swap3A_1019], %swap3A_1022 {strides = array<i32>} : memref<6x128xi32, #tpu.memory_space<vmem>>, vector<1x16xi32>,
      %mul3A_1023 = arith.constant 663 : i32
      %mul3A_1024 = vector.broadcast %mul3A_1023 : i32 to vector<16xi32>
      %mul3A_1025 = arith.muli %get3A_1009, %mul3A_1024 : vector<16xi32>
      %add3A_1026 = arith.constant 0 : i32
      %add3A_1027 = vector.broadcast %add3A_1026 : i32 to vector<16xi32>
      %add3A_1028 = arith.addi %add3A_1027, %mul3A_1025 : vector<16xi32>
      %add3A_1029 = arith.addi %add3A_1028, %get3A_1006 : vector<16xi32>
      %swap3A_1030 = arith.constant 3 : i32
      %swap3A_1031 = arith.index_cast %swap3A_1030 : i32 to index
      %swap3A_1032 = arith.constant 80 : index
      %swap3A_1033 = tpu.vector_load %arg11[%swap3A_1031, %swap3A_1032] {strides = array<i32>} : memref<6x128xi32, #tpu.memory_space<vmem>>, vector<1x16xi32>,
      %swap3A_1034 = vector.shape_cast %swap3A_1033 : vector<1x16xi32> to vector<16xi32>
      %swap3A_1035 = vector.shape_cast %add3A_1029 : vector<16xi32> to vector<1x16xi32>
      tpu.vector_store %arg11[%swap3A_1031, %swap3A_1032], %swap3A_1035 {strides = array<i32>} : memref<6x128xi32, #tpu.memory_space<vmem>>, vector<1x16xi32>,
      %get3A_1036 = arith.constant 480 : index
      %get3A_1037 = tpu.vector_load %arg8[%get3A_1036] {strides = array<i32>} : memref<768xi32, #tpu.memory_space<vmem>>, vector<16xi32>,
      %get3A_1038 = vector.shape_cast %get3A_1037 : vector<16xi32> to vector<16xi32>
      %get3A_1039 = arith.constant 480 : index
      %get3A_1040 = tpu.vector_load %arg9[%get3A_1039] {strides = array<i32>} : memref<768xi32, #tpu.memory_space<vmem>>, vector<16xi32>,
      %get3A_1041 = vector.shape_cast %get3A_1040 : vector<16xi32> to vector<16xi32>
      %mul3A_1042 = arith.constant 663 : i32
      %mul3A_1043 = vector.broadcast %mul3A_1042 : i32 to vector<16xi32>
      %mul3A_1044 = arith.muli %get3A_1038, %mul3A_1043 : vector<16xi32>
      %add3A_1045 = arith.constant 0 : i32
      %add3A_1046 = vector.broadcast %add3A_1045 : i32 to vector<16xi32>
      %add3A_1047 = arith.addi %add3A_1046, %mul3A_1044 : vector<16xi32>
      %add3A_1048 = arith.addi %add3A_1047, %get3A_1041 : vector<16xi32>
      %swap3A_1049 = arith.constant 3 : i32
      %swap3A_1050 = arith.index_cast %swap3A_1049 : i32 to index
      %swap3A_1051 = arith.constant 96 : index
      %swap3A_1052 = tpu.vector_load %arg10[%swap3A_1050, %swap3A_1051] {strides = array<i32>} : memref<6x128xi32, #tpu.memory_space<vmem>>, vector<1x16xi32>,
      %swap3A_1053 = vector.shape_cast %swap3A_1052 : vector<1x16xi32> to vector<16xi32>
      %swap3A_1054 = vector.shape_cast %add3A_1048 : vector<16xi32> to vector<1x16xi32>
      tpu.vector_store %arg10[%swap3A_1050, %swap3A_1051], %swap3A_1054 {strides = array<i32>} : memref<6x128xi32, #tpu.memory_space<vmem>>, vector<1x16xi32>,
      %mul3A_1055 = arith.constant 663 : i32
      %mul3A_1056 = vector.broadcast %mul3A_1055 : i32 to vector<16xi32>
      %mul3A_1057 = arith.muli %get3A_1041, %mul3A_1056 : vector<16xi32>
      %add3A_1058 = arith.constant 0 : i32
      %add3A_1059 = vector.broadcast %add3A_1058 : i32 to vector<16xi32>
      %add3A_1060 = arith.addi %add3A_1059, %mul3A_1057 : vector<16xi32>
      %add3A_1061 = arith.addi %add3A_1060, %get3A_1038 : vector<16xi32>
      %swap3A_1062 = arith.constant 3 : i32
      %swap3A_1063 = arith.index_cast %swap3A_1062 : i32 to index
      %swap3A_1064 = arith.constant 96 : index
      %swap3A_1065 = tpu.vector_load %arg11[%swap3A_1063, %swap3A_1064] {strides = array<i32>} : memref<6x128xi32, #tpu.memory_space<vmem>>, vector<1x16xi32>,
      %swap3A_1066 = vector.shape_cast %swap3A_1065 : vector<1x16xi32> to vector<16xi32>
      %swap3A_1067 = vector.shape_cast %add3A_1061 : vector<16xi32> to vector<1x16xi32>
      tpu.vector_store %arg11[%swap3A_1063, %swap3A_1064], %swap3A_1067 {strides = array<i32>} : memref<6x128xi32, #tpu.memory_space<vmem>>, vector<1x16xi32>,
      %get3A_1068 = arith.constant 496 : index
      %get3A_1069 = tpu.vector_load %arg8[%get3A_1068] {strides = array<i32>} : memref<768xi32, #tpu.memory_space<vmem>>, vector<16xi32>,
      %get3A_1070 = vector.shape_cast %get3A_1069 : vector<16xi32> to vector<16xi32>
      %get3A_1071 = arith.constant 496 : index
      %get3A_1072 = tpu.vector_load %arg9[%get3A_1071] {strides = array<i32>} : memref<768xi32, #tpu.memory_space<vmem>>, vector<16xi32>,
      %get3A_1073 = vector.shape_cast %get3A_1072 : vector<16xi32> to vector<16xi32>
      %mul3A_1074 = arith.constant 663 : i32
      %mul3A_1075 = vector.broadcast %mul3A_1074 : i32 to vector<16xi32>
      %mul3A_1076 = arith.muli %get3A_1070, %mul3A_1075 : vector<16xi32>
      %add3A_1077 = arith.constant 0 : i32
      %add3A_1078 = vector.broadcast %add3A_1077 : i32 to vector<16xi32>
      %add3A_1079 = arith.addi %add3A_1078, %mul3A_1076 : vector<16xi32>
      %add3A_1080 = arith.addi %add3A_1079, %get3A_1073 : vector<16xi32>
      %swap3A_1081 = arith.constant 3 : i32
      %swap3A_1082 = arith.index_cast %swap3A_1081 : i32 to index
      %swap3A_1083 = arith.constant 112 : index
      %swap3A_1084 = tpu.vector_load %arg10[%swap3A_1082, %swap3A_1083] {strides = array<i32>} : memref<6x128xi32, #tpu.memory_space<vmem>>, vector<1x16xi32>,
      %swap3A_1085 = vector.shape_cast %swap3A_1084 : vector<1x16xi32> to vector<16xi32>
      %swap3A_1086 = vector.shape_cast %add3A_1080 : vector<16xi32> to vector<1x16xi32>
      tpu.vector_store %arg10[%swap3A_1082, %swap3A_1083], %swap3A_1086 {strides = array<i32>} : memref<6x128xi32, #tpu.memory_space<vmem>>, vector<1x16xi32>,
      %mul3A_1087 = arith.constant 663 : i32
      %mul3A_1088 = vector.broadcast %mul3A_1087 : i32 to vector<16xi32>
      %mul3A_1089 = arith.muli %get3A_1073, %mul3A_1088 : vector<16xi32>
      %add3A_1090 = arith.constant 0 : i32
      %add3A_1091 = vector.broadcast %add3A_1090 : i32 to vector<16xi32>
      %add3A_1092 = arith.addi %add3A_1091, %mul3A_1089 : vector<16xi32>
      %add3A_1093 = arith.addi %add3A_1092, %get3A_1070 : vector<16xi32>
      %swap3A_1094 = arith.constant 3 : i32
      %swap3A_1095 = arith.index_cast %swap3A_1094 : i32 to index
      %swap3A_1096 = arith.constant 112 : index
      %swap3A_1097 = tpu.vector_load %arg11[%swap3A_1095, %swap3A_1096] {strides = array<i32>} : memref<6x128xi32, #tpu.memory_space<vmem>>, vector<1x16xi32>,
      %swap3A_1098 = vector.shape_cast %swap3A_1097 : vector<1x16xi32> to vector<16xi32>
      %swap3A_1099 = vector.shape_cast %add3A_1093 : vector<16xi32> to vector<1x16xi32>
      tpu.vector_store %arg11[%swap3A_1095, %swap3A_1096], %swap3A_1099 {strides = array<i32>} : memref<6x128xi32, #tpu.memory_space<vmem>>, vector<1x16xi32>,
      %get3A_1100 = arith.constant 512 : index
      %get3A_1101 = tpu.vector_load %arg8[%get3A_1100] {strides = array<i32>} : memref<768xi32, #tpu.memory_space<vmem>>, vector<16xi32>,
      %get3A_1102 = vector.shape_cast %get3A_1101 : vector<16xi32> to vector<16xi32>
      %get3A_1103 = arith.constant 512 : index
      %get3A_1104 = tpu.vector_load %arg9[%get3A_1103] {strides = array<i32>} : memref<768xi32, #tpu.memory_space<vmem>>, vector<16xi32>,
      %get3A_1105 = vector.shape_cast %get3A_1104 : vector<16xi32> to vector<16xi32>
      %mul3A_1106 = arith.constant 663 : i32
      %mul3A_1107 = vector.broadcast %mul3A_1106 : i32 to vector<16xi32>
      %mul3A_1108 = arith.muli %get3A_1102, %mul3A_1107 : vector<16xi32>
      %add3A_1109 = arith.constant 0 : i32
      %add3A_1110 = vector.broadcast %add3A_1109 : i32 to vector<16xi32>
      %add3A_1111 = arith.addi %add3A_1110, %mul3A_1108 : vector<16xi32>
      %add3A_1112 = arith.addi %add3A_1111, %get3A_1105 : vector<16xi32>
      %swap3A_1113 = arith.constant 4 : i32
      %swap3A_1114 = arith.index_cast %swap3A_1113 : i32 to index
      %swap3A_1115 = arith.constant 0 : index
      %swap3A_1116 = tpu.vector_load %arg10[%swap3A_1114, %swap3A_1115] {strides = array<i32>} : memref<6x128xi32, #tpu.memory_space<vmem>>, vector<1x16xi32>,
      %swap3A_1117 = vector.shape_cast %swap3A_1116 : vector<1x16xi32> to vector<16xi32>
      %swap3A_1118 = vector.shape_cast %add3A_1112 : vector<16xi32> to vector<1x16xi32>
      tpu.vector_store %arg10[%swap3A_1114, %swap3A_1115], %swap3A_1118 {strides = array<i32>} : memref<6x128xi32, #tpu.memory_space<vmem>>, vector<1x16xi32>,
      %mul3A_1119 = arith.constant 663 : i32
      %mul3A_1120 = vector.broadcast %mul3A_1119 : i32 to vector<16xi32>
      %mul3A_1121 = arith.muli %get3A_1105, %mul3A_1120 : vector<16xi32>
      %add3A_1122 = arith.constant 0 : i32
      %add3A_1123 = vector.broadcast %add3A_1122 : i32 to vector<16xi32>
      %add3A_1124 = arith.addi %add3A_1123, %mul3A_1121 : vector<16xi32>
      %add3A_1125 = arith.addi %add3A_1124, %get3A_1102 : vector<16xi32>
      %swap3A_1126 = arith.constant 4 : i32
      %swap3A_1127 = arith.index_cast %swap3A_1126 : i32 to index
      %swap3A_1128 = arith.constant 0 : index
      %swap3A_1129 = tpu.vector_load %arg11[%swap3A_1127, %swap3A_1128] {strides = array<i32>} : memref<6x128xi32, #tpu.memory_space<vmem>>, vector<1x16xi32>,
      %swap3A_1130 = vector.shape_cast %swap3A_1129 : vector<1x16xi32> to vector<16xi32>
      %swap3A_1131 = vector.shape_cast %add3A_1125 : vector<16xi32> to vector<1x16xi32>
      tpu.vector_store %arg11[%swap3A_1127, %swap3A_1128], %swap3A_1131 {strides = array<i32>} : memref<6x128xi32, #tpu.memory_space<vmem>>, vector<1x16xi32>,
      %get3A_1132 = arith.constant 528 : index
      %get3A_1133 = tpu.vector_load %arg8[%get3A_1132] {strides = array<i32>} : memref<768xi32, #tpu.memory_space<vmem>>, vector<16xi32>,
      %get3A_1134 = vector.shape_cast %get3A_1133 : vector<16xi32> to vector<16xi32>
      %get3A_1135 = arith.constant 528 : index
      %get3A_1136 = tpu.vector_load %arg9[%get3A_1135] {strides = array<i32>} : memref<768xi32, #tpu.memory_space<vmem>>, vector<16xi32>,
      %get3A_1137 = vector.shape_cast %get3A_1136 : vector<16xi32> to vector<16xi32>
      %mul3A_1138 = arith.constant 663 : i32
      %mul3A_1139 = vector.broadcast %mul3A_1138 : i32 to vector<16xi32>
      %mul3A_1140 = arith.muli %get3A_1134, %mul3A_1139 : vector<16xi32>
      %add3A_1141 = arith.constant 0 : i32
      %add3A_1142 = vector.broadcast %add3A_1141 : i32 to vector<16xi32>
      %add3A_1143 = arith.addi %add3A_1142, %mul3A_1140 : vector<16xi32>
      %add3A_1144 = arith.addi %add3A_1143, %get3A_1137 : vector<16xi32>
      %swap3A_1145 = arith.constant 4 : i32
      %swap3A_1146 = arith.index_cast %swap3A_1145 : i32 to index
      %swap3A_1147 = arith.constant 16 : index
      %swap3A_1148 = tpu.vector_load %arg10[%swap3A_1146, %swap3A_1147] {strides = array<i32>} : memref<6x128xi32, #tpu.memory_space<vmem>>, vector<1x16xi32>,
      %swap3A_1149 = vector.shape_cast %swap3A_1148 : vector<1x16xi32> to vector<16xi32>
      %swap3A_1150 = vector.shape_cast %add3A_1144 : vector<16xi32> to vector<1x16xi32>
      tpu.vector_store %arg10[%swap3A_1146, %swap3A_1147], %swap3A_1150 {strides = array<i32>} : memref<6x128xi32, #tpu.memory_space<vmem>>, vector<1x16xi32>,
      %mul3A_1151 = arith.constant 663 : i32
      %mul3A_1152 = vector.broadcast %mul3A_1151 : i32 to vector<16xi32>
      %mul3A_1153 = arith.muli %get3A_1137, %mul3A_1152 : vector<16xi32>
      %add3A_1154 = arith.constant 0 : i32
      %add3A_1155 = vector.broadcast %add3A_1154 : i32 to vector<16xi32>
      %add3A_1156 = arith.addi %add3A_1155, %mul3A_1153 : vector<16xi32>
      %add3A_1157 = arith.addi %add3A_1156, %get3A_1134 : vector<16xi32>
      %swap3A_1158 = arith.constant 4 : i32
      %swap3A_1159 = arith.index_cast %swap3A_1158 : i32 to index
      %swap3A_1160 = arith.constant 16 : index
      %swap3A_1161 = tpu.vector_load %arg11[%swap3A_1159, %swap3A_1160] {strides = array<i32>} : memref<6x128xi32, #tpu.memory_space<vmem>>, vector<1x16xi32>,
      %swap3A_1162 = vector.shape_cast %swap3A_1161 : vector<1x16xi32> to vector<16xi32>
      %swap3A_1163 = vector.shape_cast %add3A_1157 : vector<16xi32> to vector<1x16xi32>
      tpu.vector_store %arg11[%swap3A_1159, %swap3A_1160], %swap3A_1163 {strides = array<i32>} : memref<6x128xi32, #tpu.memory_space<vmem>>, vector<1x16xi32>,
      %get3A_1164 = arith.constant 544 : index
      %get3A_1165 = tpu.vector_load %arg8[%get3A_1164] {strides = array<i32>} : memref<768xi32, #tpu.memory_space<vmem>>, vector<16xi32>,
      %get3A_1166 = vector.shape_cast %get3A_1165 : vector<16xi32> to vector<16xi32>
      %get3A_1167 = arith.constant 544 : index
      %get3A_1168 = tpu.vector_load %arg9[%get3A_1167] {strides = array<i32>} : memref<768xi32, #tpu.memory_space<vmem>>, vector<16xi32>,
      %get3A_1169 = vector.shape_cast %get3A_1168 : vector<16xi32> to vector<16xi32>
      %mul3A_1170 = arith.constant 663 : i32
      %mul3A_1171 = vector.broadcast %mul3A_1170 : i32 to vector<16xi32>
      %mul3A_1172 = arith.muli %get3A_1166, %mul3A_1171 : vector<16xi32>
      %add3A_1173 = arith.constant 0 : i32
      %add3A_1174 = vector.broadcast %add3A_1173 : i32 to vector<16xi32>
      %add3A_1175 = arith.addi %add3A_1174, %mul3A_1172 : vector<16xi32>
      %add3A_1176 = arith.addi %add3A_1175, %get3A_1169 : vector<16xi32>
      %swap3A_1177 = arith.constant 4 : i32
      %swap3A_1178 = arith.index_cast %swap3A_1177 : i32 to index
      %swap3A_1179 = arith.constant 32 : index
      %swap3A_1180 = tpu.vector_load %arg10[%swap3A_1178, %swap3A_1179] {strides = array<i32>} : memref<6x128xi32, #tpu.memory_space<vmem>>, vector<1x16xi32>,
      %swap3A_1181 = vector.shape_cast %swap3A_1180 : vector<1x16xi32> to vector<16xi32>
      %swap3A_1182 = vector.shape_cast %add3A_1176 : vector<16xi32> to vector<1x16xi32>
      tpu.vector_store %arg10[%swap3A_1178, %swap3A_1179], %swap3A_1182 {strides = array<i32>} : memref<6x128xi32, #tpu.memory_space<vmem>>, vector<1x16xi32>,
      %mul3A_1183 = arith.constant 663 : i32
      %mul3A_1184 = vector.broadcast %mul3A_1183 : i32 to vector<16xi32>
      %mul3A_1185 = arith.muli %get3A_1169, %mul3A_1184 : vector<16xi32>
      %add3A_1186 = arith.constant 0 : i32
      %add3A_1187 = vector.broadcast %add3A_1186 : i32 to vector<16xi32>
      %add3A_1188 = arith.addi %add3A_1187, %mul3A_1185 : vector<16xi32>
      %add3A_1189 = arith.addi %add3A_1188, %get3A_1166 : vector<16xi32>
      %swap3A_1190 = arith.constant 4 : i32
      %swap3A_1191 = arith.index_cast %swap3A_1190 : i32 to index
      %swap3A_1192 = arith.constant 32 : index
      %swap3A_1193 = tpu.vector_load %arg11[%swap3A_1191, %swap3A_1192] {strides = array<i32>} : memref<6x128xi32, #tpu.memory_space<vmem>>, vector<1x16xi32>,
      %swap3A_1194 = vector.shape_cast %swap3A_1193 : vector<1x16xi32> to vector<16xi32>
      %swap3A_1195 = vector.shape_cast %add3A_1189 : vector<16xi32> to vector<1x16xi32>
      tpu.vector_store %arg11[%swap3A_1191, %swap3A_1192], %swap3A_1195 {strides = array<i32>} : memref<6x128xi32, #tpu.memory_space<vmem>>, vector<1x16xi32>,
      %get3A_1196 = arith.constant 560 : index
      %get3A_1197 = tpu.vector_load %arg8[%get3A_1196] {strides = array<i32>} : memref<768xi32, #tpu.memory_space<vmem>>, vector<16xi32>,
      %get3A_1198 = vector.shape_cast %get3A_1197 : vector<16xi32> to vector<16xi32>
      %get3A_1199 = arith.constant 560 : index
      %get3A_1200 = tpu.vector_load %arg9[%get3A_1199] {strides = array<i32>} : memref<768xi32, #tpu.memory_space<vmem>>, vector<16xi32>,
      %get3A_1201 = vector.shape_cast %get3A_1200 : vector<16xi32> to vector<16xi32>
      %mul3A_1202 = arith.constant 663 : i32
      %mul3A_1203 = vector.broadcast %mul3A_1202 : i32 to vector<16xi32>
      %mul3A_1204 = arith.muli %get3A_1198, %mul3A_1203 : vector<16xi32>
      %add3A_1205 = arith.constant 0 : i32
      %add3A_1206 = vector.broadcast %add3A_1205 : i32 to vector<16xi32>
      %add3A_1207 = arith.addi %add3A_1206, %mul3A_1204 : vector<16xi32>
      %add3A_1208 = arith.addi %add3A_1207, %get3A_1201 : vector<16xi32>
      %swap3A_1209 = arith.constant 4 : i32
      %swap3A_1210 = arith.index_cast %swap3A_1209 : i32 to index
      %swap3A_1211 = arith.constant 48 : index
      %swap3A_1212 = tpu.vector_load %arg10[%swap3A_1210, %swap3A_1211] {strides = array<i32>} : memref<6x128xi32, #tpu.memory_space<vmem>>, vector<1x16xi32>,
      %swap3A_1213 = vector.shape_cast %swap3A_1212 : vector<1x16xi32> to vector<16xi32>
      %swap3A_1214 = vector.shape_cast %add3A_1208 : vector<16xi32> to vector<1x16xi32>
      tpu.vector_store %arg10[%swap3A_1210, %swap3A_1211], %swap3A_1214 {strides = array<i32>} : memref<6x128xi32, #tpu.memory_space<vmem>>, vector<1x16xi32>,
      %mul3A_1215 = arith.constant 663 : i32
      %mul3A_1216 = vector.broadcast %mul3A_1215 : i32 to vector<16xi32>
      %mul3A_1217 = arith.muli %get3A_1201, %mul3A_1216 : vector<16xi32>
      %add3A_1218 = arith.constant 0 : i32
      %add3A_1219 = vector.broadcast %add3A_1218 : i32 to vector<16xi32>
      %add3A_1220 = arith.addi %add3A_1219, %mul3A_1217 : vector<16xi32>
      %add3A_1221 = arith.addi %add3A_1220, %get3A_1198 : vector<16xi32>
      %swap3A_1222 = arith.constant 4 : i32
      %swap3A_1223 = arith.index_cast %swap3A_1222 : i32 to index
      %swap3A_1224 = arith.constant 48 : index
      %swap3A_1225 = tpu.vector_load %arg11[%swap3A_1223, %swap3A_1224] {strides = array<i32>} : memref<6x128xi32, #tpu.memory_space<vmem>>, vector<1x16xi32>,
      %swap3A_1226 = vector.shape_cast %swap3A_1225 : vector<1x16xi32> to vector<16xi32>
      %swap3A_1227 = vector.shape_cast %add3A_1221 : vector<16xi32> to vector<1x16xi32>
      tpu.vector_store %arg11[%swap3A_1223, %swap3A_1224], %swap3A_1227 {strides = array<i32>} : memref<6x128xi32, #tpu.memory_space<vmem>>, vector<1x16xi32>,
      %get3A_1228 = arith.constant 576 : index
      %get3A_1229 = tpu.vector_load %arg8[%get3A_1228] {strides = array<i32>} : memref<768xi32, #tpu.memory_space<vmem>>, vector<16xi32>,
      %get3A_1230 = vector.shape_cast %get3A_1229 : vector<16xi32> to vector<16xi32>
      %get3A_1231 = arith.constant 576 : index
      %get3A_1232 = tpu.vector_load %arg9[%get3A_1231] {strides = array<i32>} : memref<768xi32, #tpu.memory_space<vmem>>, vector<16xi32>,
      %get3A_1233 = vector.shape_cast %get3A_1232 : vector<16xi32> to vector<16xi32>
      %mul3A_1234 = arith.constant 663 : i32
      %mul3A_1235 = vector.broadcast %mul3A_1234 : i32 to vector<16xi32>
      %mul3A_1236 = arith.muli %get3A_1230, %mul3A_1235 : vector<16xi32>
      %add3A_1237 = arith.constant 0 : i32
      %add3A_1238 = vector.broadcast %add3A_1237 : i32 to vector<16xi32>
      %add3A_1239 = arith.addi %add3A_1238, %mul3A_1236 : vector<16xi32>
      %add3A_1240 = arith.addi %add3A_1239, %get3A_1233 : vector<16xi32>
      %swap3A_1241 = arith.constant 4 : i32
      %swap3A_1242 = arith.index_cast %swap3A_1241 : i32 to index
      %swap3A_1243 = arith.constant 64 : index
      %swap3A_1244 = tpu.vector_load %arg10[%swap3A_1242, %swap3A_1243] {strides = array<i32>} : memref<6x128xi32, #tpu.memory_space<vmem>>, vector<1x16xi32>,
      %swap3A_1245 = vector.shape_cast %swap3A_1244 : vector<1x16xi32> to vector<16xi32>
      %swap3A_1246 = vector.shape_cast %add3A_1240 : vector<16xi32> to vector<1x16xi32>
      tpu.vector_store %arg10[%swap3A_1242, %swap3A_1243], %swap3A_1246 {strides = array<i32>} : memref<6x128xi32, #tpu.memory_space<vmem>>, vector<1x16xi32>,
      %mul3A_1247 = arith.constant 663 : i32
      %mul3A_1248 = vector.broadcast %mul3A_1247 : i32 to vector<16xi32>
      %mul3A_1249 = arith.muli %get3A_1233, %mul3A_1248 : vector<16xi32>
      %add3A_1250 = arith.constant 0 : i32
      %add3A_1251 = vector.broadcast %add3A_1250 : i32 to vector<16xi32>
      %add3A_1252 = arith.addi %add3A_1251, %mul3A_1249 : vector<16xi32>
      %add3A_1253 = arith.addi %add3A_1252, %get3A_1230 : vector<16xi32>
      %swap3A_1254 = arith.constant 4 : i32
      %swap3A_1255 = arith.index_cast %swap3A_1254 : i32 to index
      %swap3A_1256 = arith.constant 64 : index
      %swap3A_1257 = tpu.vector_load %arg11[%swap3A_1255, %swap3A_1256] {strides = array<i32>} : memref<6x128xi32, #tpu.memory_space<vmem>>, vector<1x16xi32>,
      %swap3A_1258 = vector.shape_cast %swap3A_1257 : vector<1x16xi32> to vector<16xi32>
      %swap3A_1259 = vector.shape_cast %add3A_1253 : vector<16xi32> to vector<1x16xi32>
      tpu.vector_store %arg11[%swap3A_1255, %swap3A_1256], %swap3A_1259 {strides = array<i32>} : memref<6x128xi32, #tpu.memory_space<vmem>>, vector<1x16xi32>,
      %get3A_1260 = arith.constant 592 : index
      %get3A_1261 = tpu.vector_load %arg8[%get3A_1260] {strides = array<i32>} : memref<768xi32, #tpu.memory_space<vmem>>, vector<16xi32>,
      %get3A_1262 = vector.shape_cast %get3A_1261 : vector<16xi32> to vector<16xi32>
      %get3A_1263 = arith.constant 592 : index
      %get3A_1264 = tpu.vector_load %arg9[%get3A_1263] {strides = array<i32>} : memref<768xi32, #tpu.memory_space<vmem>>, vector<16xi32>,
      %get3A_1265 = vector.shape_cast %get3A_1264 : vector<16xi32> to vector<16xi32>
      %mul3A_1266 = arith.constant 663 : i32
      %mul3A_1267 = vector.broadcast %mul3A_1266 : i32 to vector<16xi32>
      %mul3A_1268 = arith.muli %get3A_1262, %mul3A_1267 : vector<16xi32>
      %add3A_1269 = arith.constant 0 : i32
      %add3A_1270 = vector.broadcast %add3A_1269 : i32 to vector<16xi32>
      %add3A_1271 = arith.addi %add3A_1270, %mul3A_1268 : vector<16xi32>
      %add3A_1272 = arith.addi %add3A_1271, %get3A_1265 : vector<16xi32>
      %swap3A_1273 = arith.constant 4 : i32
      %swap3A_1274 = arith.index_cast %swap3A_1273 : i32 to index
      %swap3A_1275 = arith.constant 80 : index
      %swap3A_1276 = tpu.vector_load %arg10[%swap3A_1274, %swap3A_1275] {strides = array<i32>} : memref<6x128xi32, #tpu.memory_space<vmem>>, vector<1x16xi32>,
      %swap3A_1277 = vector.shape_cast %swap3A_1276 : vector<1x16xi32> to vector<16xi32>
      %swap3A_1278 = vector.shape_cast %add3A_1272 : vector<16xi32> to vector<1x16xi32>
      tpu.vector_store %arg10[%swap3A_1274, %swap3A_1275], %swap3A_1278 {strides = array<i32>} : memref<6x128xi32, #tpu.memory_space<vmem>>, vector<1x16xi32>,
      %mul3A_1279 = arith.constant 663 : i32
      %mul3A_1280 = vector.broadcast %mul3A_1279 : i32 to vector<16xi32>
      %mul3A_1281 = arith.muli %get3A_1265, %mul3A_1280 : vector<16xi32>
      %add3A_1282 = arith.constant 0 : i32
      %add3A_1283 = vector.broadcast %add3A_1282 : i32 to vector<16xi32>
      %add3A_1284 = arith.addi %add3A_1283, %mul3A_1281 : vector<16xi32>
      %add3A_1285 = arith.addi %add3A_1284, %get3A_1262 : vector<16xi32>
      %swap3A_1286 = arith.constant 4 : i32
      %swap3A_1287 = arith.index_cast %swap3A_1286 : i32 to index
      %swap3A_1288 = arith.constant 80 : index
      %swap3A_1289 = tpu.vector_load %arg11[%swap3A_1287, %swap3A_1288] {strides = array<i32>} : memref<6x128xi32, #tpu.memory_space<vmem>>, vector<1x16xi32>,
      %swap3A_1290 = vector.shape_cast %swap3A_1289 : vector<1x16xi32> to vector<16xi32>
      %swap3A_1291 = vector.shape_cast %add3A_1285 : vector<16xi32> to vector<1x16xi32>
      tpu.vector_store %arg11[%swap3A_1287, %swap3A_1288], %swap3A_1291 {strides = array<i32>} : memref<6x128xi32, #tpu.memory_space<vmem>>, vector<1x16xi32>,
      %get3A_1292 = arith.constant 608 : index
      %get3A_1293 = tpu.vector_load %arg8[%get3A_1292] {strides = array<i32>} : memref<768xi32, #tpu.memory_space<vmem>>, vector<16xi32>,
      %get3A_1294 = vector.shape_cast %get3A_1293 : vector<16xi32> to vector<16xi32>
      %get3A_1295 = arith.constant 608 : index
      %get3A_1296 = tpu.vector_load %arg9[%get3A_1295] {strides = array<i32>} : memref<768xi32, #tpu.memory_space<vmem>>, vector<16xi32>,
      %get3A_1297 = vector.shape_cast %get3A_1296 : vector<16xi32> to vector<16xi32>
      %mul3A_1298 = arith.constant 663 : i32
      %mul3A_1299 = vector.broadcast %mul3A_1298 : i32 to vector<16xi32>
      %mul3A_1300 = arith.muli %get3A_1294, %mul3A_1299 : vector<16xi32>
      %add3A_1301 = arith.constant 0 : i32
      %add3A_1302 = vector.broadcast %add3A_1301 : i32 to vector<16xi32>
      %add3A_1303 = arith.addi %add3A_1302, %mul3A_1300 : vector<16xi32>
      %add3A_1304 = arith.addi %add3A_1303, %get3A_1297 : vector<16xi32>
      %swap3A_1305 = arith.constant 4 : i32
      %swap3A_1306 = arith.index_cast %swap3A_1305 : i32 to index
      %swap3A_1307 = arith.constant 96 : index
      %swap3A_1308 = tpu.vector_load %arg10[%swap3A_1306, %swap3A_1307] {strides = array<i32>} : memref<6x128xi32, #tpu.memory_space<vmem>>, vector<1x16xi32>,
      %swap3A_1309 = vector.shape_cast %swap3A_1308 : vector<1x16xi32> to vector<16xi32>
      %swap3A_1310 = vector.shape_cast %add3A_1304 : vector<16xi32> to vector<1x16xi32>
      tpu.vector_store %arg10[%swap3A_1306, %swap3A_1307], %swap3A_1310 {strides = array<i32>} : memref<6x128xi32, #tpu.memory_space<vmem>>, vector<1x16xi32>,
      %mul3A_1311 = arith.constant 663 : i32
      %mul3A_1312 = vector.broadcast %mul3A_1311 : i32 to vector<16xi32>
      %mul3A_1313 = arith.muli %get3A_1297, %mul3A_1312 : vector<16xi32>
      %add3A_1314 = arith.constant 0 : i32
      %add3A_1315 = vector.broadcast %add3A_1314 : i32 to vector<16xi32>
      %add3A_1316 = arith.addi %add3A_1315, %mul3A_1313 : vector<16xi32>
      %add3A_1317 = arith.addi %add3A_1316, %get3A_1294 : vector<16xi32>
      %swap3A_1318 = arith.constant 4 : i32
      %swap3A_1319 = arith.index_cast %swap3A_1318 : i32 to index
      %swap3A_1320 = arith.constant 96 : index
      %swap3A_1321 = tpu.vector_load %arg11[%swap3A_1319, %swap3A_1320] {strides = array<i32>} : memref<6x128xi32, #tpu.memory_space<vmem>>, vector<1x16xi32>,
      %swap3A_1322 = vector.shape_cast %swap3A_1321 : vector<1x16xi32> to vector<16xi32>
      %swap3A_1323 = vector.shape_cast %add3A_1317 : vector<16xi32> to vector<1x16xi32>
      tpu.vector_store %arg11[%swap3A_1319, %swap3A_1320], %swap3A_1323 {strides = array<i32>} : memref<6x128xi32, #tpu.memory_space<vmem>>, vector<1x16xi32>,
      %get3A_1324 = arith.constant 624 : index
      %get3A_1325 = tpu.vector_load %arg8[%get3A_1324] {strides = array<i32>} : memref<768xi32, #tpu.memory_space<vmem>>, vector<16xi32>,
      %get3A_1326 = vector.shape_cast %get3A_1325 : vector<16xi32> to vector<16xi32>
      %get3A_1327 = arith.constant 624 : index
      %get3A_1328 = tpu.vector_load %arg9[%get3A_1327] {strides = array<i32>} : memref<768xi32, #tpu.memory_space<vmem>>, vector<16xi32>,
      %get3A_1329 = vector.shape_cast %get3A_1328 : vector<16xi32> to vector<16xi32>
      %mul3A_1330 = arith.constant 663 : i32
      %mul3A_1331 = vector.broadcast %mul3A_1330 : i32 to vector<16xi32>
      %mul3A_1332 = arith.muli %get3A_1326, %mul3A_1331 : vector<16xi32>
      %add3A_1333 = arith.constant 0 : i32
      %add3A_1334 = vector.broadcast %add3A_1333 : i32 to vector<16xi32>
      %add3A_1335 = arith.addi %add3A_1334, %mul3A_1332 : vector<16xi32>
      %add3A_1336 = arith.addi %add3A_1335, %get3A_1329 : vector<16xi32>
      %swap3A_1337 = arith.constant 4 : i32
      %swap3A_1338 = arith.index_cast %swap3A_1337 : i32 to index
      %swap3A_1339 = arith.constant 112 : index
      %swap3A_1340 = tpu.vector_load %arg10[%swap3A_1338, %swap3A_1339] {strides = array<i32>} : memref<6x128xi32, #tpu.memory_space<vmem>>, vector<1x16xi32>,
      %swap3A_1341 = vector.shape_cast %swap3A_1340 : vector<1x16xi32> to vector<16xi32>
      %swap3A_1342 = vector.shape_cast %add3A_1336 : vector<16xi32> to vector<1x16xi32>
      tpu.vector_store %arg10[%swap3A_1338, %swap3A_1339], %swap3A_1342 {strides = array<i32>} : memref<6x128xi32, #tpu.memory_space<vmem>>, vector<1x16xi32>,
      %mul3A_1343 = arith.constant 663 : i32
      %mul3A_1344 = vector.broadcast %mul3A_1343 : i32 to vector<16xi32>
      %mul3A_1345 = arith.muli %get3A_1329, %mul3A_1344 : vector<16xi32>
      %add3A_1346 = arith.constant 0 : i32
      %add3A_1347 = vector.broadcast %add3A_1346 : i32 to vector<16xi32>
      %add3A_1348 = arith.addi %add3A_1347, %mul3A_1345 : vector<16xi32>
      %add3A_1349 = arith.addi %add3A_1348, %get3A_1326 : vector<16xi32>
      %swap3A_1350 = arith.constant 4 : i32
      %swap3A_1351 = arith.index_cast %swap3A_1350 : i32 to index
      %swap3A_1352 = arith.constant 112 : index
      %swap3A_1353 = tpu.vector_load %arg11[%swap3A_1351, %swap3A_1352] {strides = array<i32>} : memref<6x128xi32, #tpu.memory_space<vmem>>, vector<1x16xi32>,
      %swap3A_1354 = vector.shape_cast %swap3A_1353 : vector<1x16xi32> to vector<16xi32>
      %swap3A_1355 = vector.shape_cast %add3A_1349 : vector<16xi32> to vector<1x16xi32>
      tpu.vector_store %arg11[%swap3A_1351, %swap3A_1352], %swap3A_1355 {strides = array<i32>} : memref<6x128xi32, #tpu.memory_space<vmem>>, vector<1x16xi32>,
      %get3A_1356 = arith.constant 640 : index
      %get3A_1357 = tpu.vector_load %arg8[%get3A_1356] {strides = array<i32>} : memref<768xi32, #tpu.memory_space<vmem>>, vector<16xi32>,
      %get3A_1358 = vector.shape_cast %get3A_1357 : vector<16xi32> to vector<16xi32>
      %get3A_1359 = arith.constant 640 : index
      %get3A_1360 = tpu.vector_load %arg9[%get3A_1359] {strides = array<i32>} : memref<768xi32, #tpu.memory_space<vmem>>, vector<16xi32>,
      %get3A_1361 = vector.shape_cast %get3A_1360 : vector<16xi32> to vector<16xi32>
      %mul3A_1362 = arith.constant 663 : i32
      %mul3A_1363 = vector.broadcast %mul3A_1362 : i32 to vector<16xi32>
      %mul3A_1364 = arith.muli %get3A_1358, %mul3A_1363 : vector<16xi32>
      %add3A_1365 = arith.constant 0 : i32
      %add3A_1366 = vector.broadcast %add3A_1365 : i32 to vector<16xi32>
      %add3A_1367 = arith.addi %add3A_1366, %mul3A_1364 : vector<16xi32>
      %add3A_1368 = arith.addi %add3A_1367, %get3A_1361 : vector<16xi32>
      %swap3A_1369 = arith.constant 5 : i32
      %swap3A_1370 = arith.index_cast %swap3A_1369 : i32 to index
      %swap3A_1371 = arith.constant 0 : index
      %swap3A_1372 = tpu.vector_load %arg10[%swap3A_1370, %swap3A_1371] {strides = array<i32>} : memref<6x128xi32, #tpu.memory_space<vmem>>, vector<1x16xi32>,
      %swap3A_1373 = vector.shape_cast %swap3A_1372 : vector<1x16xi32> to vector<16xi32>
      %swap3A_1374 = vector.shape_cast %add3A_1368 : vector<16xi32> to vector<1x16xi32>
      tpu.vector_store %arg10[%swap3A_1370, %swap3A_1371], %swap3A_1374 {strides = array<i32>} : memref<6x128xi32, #tpu.memory_space<vmem>>, vector<1x16xi32>,
      %mul3A_1375 = arith.constant 663 : i32
      %mul3A_1376 = vector.broadcast %mul3A_1375 : i32 to vector<16xi32>
      %mul3A_1377 = arith.muli %get3A_1361, %mul3A_1376 : vector<16xi32>
      %add3A_1378 = arith.constant 0 : i32
      %add3A_1379 = vector.broadcast %add3A_1378 : i32 to vector<16xi32>
      %add3A_1380 = arith.addi %add3A_1379, %mul3A_1377 : vector<16xi32>
      %add3A_1381 = arith.addi %add3A_1380, %get3A_1358 : vector<16xi32>
      %swap3A_1382 = arith.constant 5 : i32
      %swap3A_1383 = arith.index_cast %swap3A_1382 : i32 to index
      %swap3A_1384 = arith.constant 0 : index
      %swap3A_1385 = tpu.vector_load %arg11[%swap3A_1383, %swap3A_1384] {strides = array<i32>} : memref<6x128xi32, #tpu.memory_space<vmem>>, vector<1x16xi32>,
      %swap3A_1386 = vector.shape_cast %swap3A_1385 : vector<1x16xi32> to vector<16xi32>
      %swap3A_1387 = vector.shape_cast %add3A_1381 : vector<16xi32> to vector<1x16xi32>
      tpu.vector_store %arg11[%swap3A_1383, %swap3A_1384], %swap3A_1387 {strides = array<i32>} : memref<6x128xi32, #tpu.memory_space<vmem>>, vector<1x16xi32>,
      %get3A_1388 = arith.constant 656 : index
      %get3A_1389 = tpu.vector_load %arg8[%get3A_1388] {strides = array<i32>} : memref<768xi32, #tpu.memory_space<vmem>>, vector<16xi32>,
      %get3A_1390 = vector.shape_cast %get3A_1389 : vector<16xi32> to vector<16xi32>
      %get3A_1391 = arith.constant 656 : index
      %get3A_1392 = tpu.vector_load %arg9[%get3A_1391] {strides = array<i32>} : memref<768xi32, #tpu.memory_space<vmem>>, vector<16xi32>,
      %get3A_1393 = vector.shape_cast %get3A_1392 : vector<16xi32> to vector<16xi32>
      %mul3A_1394 = arith.constant 663 : i32
      %mul3A_1395 = vector.broadcast %mul3A_1394 : i32 to vector<16xi32>
      %mul3A_1396 = arith.muli %get3A_1390, %mul3A_1395 : vector<16xi32>
      %add3A_1397 = arith.constant 0 : i32
      %add3A_1398 = vector.broadcast %add3A_1397 : i32 to vector<16xi32>
      %add3A_1399 = arith.addi %add3A_1398, %mul3A_1396 : vector<16xi32>
      %add3A_1400 = arith.addi %add3A_1399, %get3A_1393 : vector<16xi32>
      %swap3A_1401 = arith.constant 5 : i32
      %swap3A_1402 = arith.index_cast %swap3A_1401 : i32 to index
      %swap3A_1403 = arith.constant 16 : index
      %swap3A_1404 = tpu.vector_load %arg10[%swap3A_1402, %swap3A_1403] {strides = array<i32>} : memref<6x128xi32, #tpu.memory_space<vmem>>, vector<1x16xi32>,
      %swap3A_1405 = vector.shape_cast %swap3A_1404 : vector<1x16xi32> to vector<16xi32>
      %swap3A_1406 = vector.shape_cast %add3A_1400 : vector<16xi32> to vector<1x16xi32>
      tpu.vector_store %arg10[%swap3A_1402, %swap3A_1403], %swap3A_1406 {strides = array<i32>} : memref<6x128xi32, #tpu.memory_space<vmem>>, vector<1x16xi32>,
      %mul3A_1407 = arith.constant 663 : i32
      %mul3A_1408 = vector.broadcast %mul3A_1407 : i32 to vector<16xi32>
      %mul3A_1409 = arith.muli %get3A_1393, %mul3A_1408 : vector<16xi32>
      %add3A_1410 = arith.constant 0 : i32
      %add3A_1411 = vector.broadcast %add3A_1410 : i32 to vector<16xi32>
      %add3A_1412 = arith.addi %add3A_1411, %mul3A_1409 : vector<16xi32>
      %add3A_1413 = arith.addi %add3A_1412, %get3A_1390 : vector<16xi32>
      %swap3A_1414 = arith.constant 5 : i32
      %swap3A_1415 = arith.index_cast %swap3A_1414 : i32 to index
      %swap3A_1416 = arith.constant 16 : index
      %swap3A_1417 = tpu.vector_load %arg11[%swap3A_1415, %swap3A_1416] {strides = array<i32>} : memref<6x128xi32, #tpu.memory_space<vmem>>, vector<1x16xi32>,
      %swap3A_1418 = vector.shape_cast %swap3A_1417 : vector<1x16xi32> to vector<16xi32>
      %swap3A_1419 = vector.shape_cast %add3A_1413 : vector<16xi32> to vector<1x16xi32>
      tpu.vector_store %arg11[%swap3A_1415, %swap3A_1416], %swap3A_1419 {strides = array<i32>} : memref<6x128xi32, #tpu.memory_space<vmem>>, vector<1x16xi32>,
      %get3A_1420 = arith.constant 672 : index
      %get3A_1421 = tpu.vector_load %arg8[%get3A_1420] {strides = array<i32>} : memref<768xi32, #tpu.memory_space<vmem>>, vector<16xi32>,
      %get3A_1422 = vector.shape_cast %get3A_1421 : vector<16xi32> to vector<16xi32>
      %get3A_1423 = arith.constant 672 : index
      %get3A_1424 = tpu.vector_load %arg9[%get3A_1423] {strides = array<i32>} : memref<768xi32, #tpu.memory_space<vmem>>, vector<16xi32>,
      %get3A_1425 = vector.shape_cast %get3A_1424 : vector<16xi32> to vector<16xi32>
      %mul3A_1426 = arith.constant 663 : i32
      %mul3A_1427 = vector.broadcast %mul3A_1426 : i32 to vector<16xi32>
      %mul3A_1428 = arith.muli %get3A_1422, %mul3A_1427 : vector<16xi32>
      %add3A_1429 = arith.constant 0 : i32
      %add3A_1430 = vector.broadcast %add3A_1429 : i32 to vector<16xi32>
      %add3A_1431 = arith.addi %add3A_1430, %mul3A_1428 : vector<16xi32>
      %add3A_1432 = arith.addi %add3A_1431, %get3A_1425 : vector<16xi32>
      %swap3A_1433 = arith.constant 5 : i32
      %swap3A_1434 = arith.index_cast %swap3A_1433 : i32 to index
      %swap3A_1435 = arith.constant 32 : index
      %swap3A_1436 = tpu.vector_load %arg10[%swap3A_1434, %swap3A_1435] {strides = array<i32>} : memref<6x128xi32, #tpu.memory_space<vmem>>, vector<1x16xi32>,
      %swap3A_1437 = vector.shape_cast %swap3A_1436 : vector<1x16xi32> to vector<16xi32>
      %swap3A_1438 = vector.shape_cast %add3A_1432 : vector<16xi32> to vector<1x16xi32>
      tpu.vector_store %arg10[%swap3A_1434, %swap3A_1435], %swap3A_1438 {strides = array<i32>} : memref<6x128xi32, #tpu.memory_space<vmem>>, vector<1x16xi32>,
      %mul3A_1439 = arith.constant 663 : i32
      %mul3A_1440 = vector.broadcast %mul3A_1439 : i32 to vector<16xi32>
      %mul3A_1441 = arith.muli %get3A_1425, %mul3A_1440 : vector<16xi32>
      %add3A_1442 = arith.constant 0 : i32
      %add3A_1443 = vector.broadcast %add3A_1442 : i32 to vector<16xi32>
      %add3A_1444 = arith.addi %add3A_1443, %mul3A_1441 : vector<16xi32>
      %add3A_1445 = arith.addi %add3A_1444, %get3A_1422 : vector<16xi32>
      %swap3A_1446 = arith.constant 5 : i32
      %swap3A_1447 = arith.index_cast %swap3A_1446 : i32 to index
      %swap3A_1448 = arith.constant 32 : index
      %swap3A_1449 = tpu.vector_load %arg11[%swap3A_1447, %swap3A_1448] {strides = array<i32>} : memref<6x128xi32, #tpu.memory_space<vmem>>, vector<1x16xi32>,
      %swap3A_1450 = vector.shape_cast %swap3A_1449 : vector<1x16xi32> to vector<16xi32>
      %swap3A_1451 = vector.shape_cast %add3A_1445 : vector<16xi32> to vector<1x16xi32>
      tpu.vector_store %arg11[%swap3A_1447, %swap3A_1448], %swap3A_1451 {strides = array<i32>} : memref<6x128xi32, #tpu.memory_space<vmem>>, vector<1x16xi32>,
      %get3A_1452 = arith.constant 688 : index
      %get3A_1453 = tpu.vector_load %arg8[%get3A_1452] {strides = array<i32>} : memref<768xi32, #tpu.memory_space<vmem>>, vector<16xi32>,
      %get3A_1454 = vector.shape_cast %get3A_1453 : vector<16xi32> to vector<16xi32>
      %get3A_1455 = arith.constant 688 : index
      %get3A_1456 = tpu.vector_load %arg9[%get3A_1455] {strides = array<i32>} : memref<768xi32, #tpu.memory_space<vmem>>, vector<16xi32>,
      %get3A_1457 = vector.shape_cast %get3A_1456 : vector<16xi32> to vector<16xi32>
      %mul3A_1458 = arith.constant 663 : i32
      %mul3A_1459 = vector.broadcast %mul3A_1458 : i32 to vector<16xi32>
      %mul3A_1460 = arith.muli %get3A_1454, %mul3A_1459 : vector<16xi32>
      %add3A_1461 = arith.constant 0 : i32
      %add3A_1462 = vector.broadcast %add3A_1461 : i32 to vector<16xi32>
      %add3A_1463 = arith.addi %add3A_1462, %mul3A_1460 : vector<16xi32>
      %add3A_1464 = arith.addi %add3A_1463, %get3A_1457 : vector<16xi32>
      %swap3A_1465 = arith.constant 5 : i32
      %swap3A_1466 = arith.index_cast %swap3A_1465 : i32 to index
      %swap3A_1467 = arith.constant 48 : index
      %swap3A_1468 = tpu.vector_load %arg10[%swap3A_1466, %swap3A_1467] {strides = array<i32>} : memref<6x128xi32, #tpu.memory_space<vmem>>, vector<1x16xi32>,
      %swap3A_1469 = vector.shape_cast %swap3A_1468 : vector<1x16xi32> to vector<16xi32>
      %swap3A_1470 = vector.shape_cast %add3A_1464 : vector<16xi32> to vector<1x16xi32>
      tpu.vector_store %arg10[%swap3A_1466, %swap3A_1467], %swap3A_1470 {strides = array<i32>} : memref<6x128xi32, #tpu.memory_space<vmem>>, vector<1x16xi32>,
      %mul3A_1471 = arith.constant 663 : i32
      %mul3A_1472 = vector.broadcast %mul3A_1471 : i32 to vector<16xi32>
      %mul3A_1473 = arith.muli %get3A_1457, %mul3A_1472 : vector<16xi32>
      %add3A_1474 = arith.constant 0 : i32
      %add3A_1475 = vector.broadcast %add3A_1474 : i32 to vector<16xi32>
      %add3A_1476 = arith.addi %add3A_1475, %mul3A_1473 : vector<16xi32>
      %add3A_1477 = arith.addi %add3A_1476, %get3A_1454 : vector<16xi32>
      %swap3A_1478 = arith.constant 5 : i32
      %swap3A_1479 = arith.index_cast %swap3A_1478 : i32 to index
      %swap3A_1480 = arith.constant 48 : index
      %swap3A_1481 = tpu.vector_load %arg11[%swap3A_1479, %swap3A_1480] {strides = array<i32>} : memref<6x128xi32, #tpu.memory_space<vmem>>, vector<1x16xi32>,
      %swap3A_1482 = vector.shape_cast %swap3A_1481 : vector<1x16xi32> to vector<16xi32>
      %swap3A_1483 = vector.shape_cast %add3A_1477 : vector<16xi32> to vector<1x16xi32>
      tpu.vector_store %arg11[%swap3A_1479, %swap3A_1480], %swap3A_1483 {strides = array<i32>} : memref<6x128xi32, #tpu.memory_space<vmem>>, vector<1x16xi32>,
      %get3A_1484 = arith.constant 704 : index
      %get3A_1485 = tpu.vector_load %arg8[%get3A_1484] {strides = array<i32>} : memref<768xi32, #tpu.memory_space<vmem>>, vector<16xi32>,
      %get3A_1486 = vector.shape_cast %get3A_1485 : vector<16xi32> to vector<16xi32>
      %get3A_1487 = arith.constant 704 : index
      %get3A_1488 = tpu.vector_load %arg9[%get3A_1487] {strides = array<i32>} : memref<768xi32, #tpu.memory_space<vmem>>, vector<16xi32>,
      %get3A_1489 = vector.shape_cast %get3A_1488 : vector<16xi32> to vector<16xi32>
      %mul3A_1490 = arith.constant 663 : i32
      %mul3A_1491 = vector.broadcast %mul3A_1490 : i32 to vector<16xi32>
      %mul3A_1492 = arith.muli %get3A_1486, %mul3A_1491 : vector<16xi32>
      %add3A_1493 = arith.constant 0 : i32
      %add3A_1494 = vector.broadcast %add3A_1493 : i32 to vector<16xi32>
      %add3A_1495 = arith.addi %add3A_1494, %mul3A_1492 : vector<16xi32>
      %add3A_1496 = arith.addi %add3A_1495, %get3A_1489 : vector<16xi32>
      %swap3A_1497 = arith.constant 5 : i32
      %swap3A_1498 = arith.index_cast %swap3A_1497 : i32 to index
      %swap3A_1499 = arith.constant 64 : index
      %swap3A_1500 = tpu.vector_load %arg10[%swap3A_1498, %swap3A_1499] {strides = array<i32>} : memref<6x128xi32, #tpu.memory_space<vmem>>, vector<1x16xi32>,
      %swap3A_1501 = vector.shape_cast %swap3A_1500 : vector<1x16xi32> to vector<16xi32>
      %swap3A_1502 = vector.shape_cast %add3A_1496 : vector<16xi32> to vector<1x16xi32>
      tpu.vector_store %arg10[%swap3A_1498, %swap3A_1499], %swap3A_1502 {strides = array<i32>} : memref<6x128xi32, #tpu.memory_space<vmem>>, vector<1x16xi32>,
      %mul3A_1503 = arith.constant 663 : i32
      %mul3A_1504 = vector.broadcast %mul3A_1503 : i32 to vector<16xi32>
      %mul3A_1505 = arith.muli %get3A_1489, %mul3A_1504 : vector<16xi32>
      %add3A_1506 = arith.constant 0 : i32
      %add3A_1507 = vector.broadcast %add3A_1506 : i32 to vector<16xi32>
      %add3A_1508 = arith.addi %add3A_1507, %mul3A_1505 : vector<16xi32>
      %add3A_1509 = arith.addi %add3A_1508, %get3A_1486 : vector<16xi32>
      %swap3A_1510 = arith.constant 5 : i32
      %swap3A_1511 = arith.index_cast %swap3A_1510 : i32 to index
      %swap3A_1512 = arith.constant 64 : index
      %swap3A_1513 = tpu.vector_load %arg11[%swap3A_1511, %swap3A_1512] {strides = array<i32>} : memref<6x128xi32, #tpu.memory_space<vmem>>, vector<1x16xi32>,
      %swap3A_1514 = vector.shape_cast %swap3A_1513 : vector<1x16xi32> to vector<16xi32>
      %swap3A_1515 = vector.shape_cast %add3A_1509 : vector<16xi32> to vector<1x16xi32>
      tpu.vector_store %arg11[%swap3A_1511, %swap3A_1512], %swap3A_1515 {strides = array<i32>} : memref<6x128xi32, #tpu.memory_space<vmem>>, vector<1x16xi32>,
      %get3A_1516 = arith.constant 720 : index
      %get3A_1517 = tpu.vector_load %arg8[%get3A_1516] {strides = array<i32>} : memref<768xi32, #tpu.memory_space<vmem>>, vector<16xi32>,
      %get3A_1518 = vector.shape_cast %get3A_1517 : vector<16xi32> to vector<16xi32>
      %get3A_1519 = arith.constant 720 : index
      %get3A_1520 = tpu.vector_load %arg9[%get3A_1519] {strides = array<i32>} : memref<768xi32, #tpu.memory_space<vmem>>, vector<16xi32>,
      %get3A_1521 = vector.shape_cast %get3A_1520 : vector<16xi32> to vector<16xi32>
      %mul3A_1522 = arith.constant 663 : i32
      %mul3A_1523 = vector.broadcast %mul3A_1522 : i32 to vector<16xi32>
      %mul3A_1524 = arith.muli %get3A_1518, %mul3A_1523 : vector<16xi32>
      %add3A_1525 = arith.constant 0 : i32
      %add3A_1526 = vector.broadcast %add3A_1525 : i32 to vector<16xi32>
      %add3A_1527 = arith.addi %add3A_1526, %mul3A_1524 : vector<16xi32>
      %add3A_1528 = arith.addi %add3A_1527, %get3A_1521 : vector<16xi32>
      %swap3A_1529 = arith.constant 5 : i32
      %swap3A_1530 = arith.index_cast %swap3A_1529 : i32 to index
      %swap3A_1531 = arith.constant 80 : index
      %swap3A_1532 = tpu.vector_load %arg10[%swap3A_1530, %swap3A_1531] {strides = array<i32>} : memref<6x128xi32, #tpu.memory_space<vmem>>, vector<1x16xi32>,
      %swap3A_1533 = vector.shape_cast %swap3A_1532 : vector<1x16xi32> to vector<16xi32>
      %swap3A_1534 = vector.shape_cast %add3A_1528 : vector<16xi32> to vector<1x16xi32>
      tpu.vector_store %arg10[%swap3A_1530, %swap3A_1531], %swap3A_1534 {strides = array<i32>} : memref<6x128xi32, #tpu.memory_space<vmem>>, vector<1x16xi32>,
      %mul3A_1535 = arith.constant 663 : i32
      %mul3A_1536 = vector.broadcast %mul3A_1535 : i32 to vector<16xi32>
      %mul3A_1537 = arith.muli %get3A_1521, %mul3A_1536 : vector<16xi32>
      %add3A_1538 = arith.constant 0 : i32
      %add3A_1539 = vector.broadcast %add3A_1538 : i32 to vector<16xi32>
      %add3A_1540 = arith.addi %add3A_1539, %mul3A_1537 : vector<16xi32>
      %add3A_1541 = arith.addi %add3A_1540, %get3A_1518 : vector<16xi32>
      %swap3A_1542 = arith.constant 5 : i32
      %swap3A_1543 = arith.index_cast %swap3A_1542 : i32 to index
      %swap3A_1544 = arith.constant 80 : index
      %swap3A_1545 = tpu.vector_load %arg11[%swap3A_1543, %swap3A_1544] {strides = array<i32>} : memref<6x128xi32, #tpu.memory_space<vmem>>, vector<1x16xi32>,
      %swap3A_1546 = vector.shape_cast %swap3A_1545 : vector<1x16xi32> to vector<16xi32>
      %swap3A_1547 = vector.shape_cast %add3A_1541 : vector<16xi32> to vector<1x16xi32>
      tpu.vector_store %arg11[%swap3A_1543, %swap3A_1544], %swap3A_1547 {strides = array<i32>} : memref<6x128xi32, #tpu.memory_space<vmem>>, vector<1x16xi32>,
      %get3A_1548 = arith.constant 736 : index
      %get3A_1549 = tpu.vector_load %arg8[%get3A_1548] {strides = array<i32>} : memref<768xi32, #tpu.memory_space<vmem>>, vector<16xi32>,
      %get3A_1550 = vector.shape_cast %get3A_1549 : vector<16xi32> to vector<16xi32>
      %get3A_1551 = arith.constant 736 : index
      %get3A_1552 = tpu.vector_load %arg9[%get3A_1551] {strides = array<i32>} : memref<768xi32, #tpu.memory_space<vmem>>, vector<16xi32>,
      %get3A_1553 = vector.shape_cast %get3A_1552 : vector<16xi32> to vector<16xi32>
      %mul3A_1554 = arith.constant 663 : i32
      %mul3A_1555 = vector.broadcast %mul3A_1554 : i32 to vector<16xi32>
      %mul3A_1556 = arith.muli %get3A_1550, %mul3A_1555 : vector<16xi32>
      %add3A_1557 = arith.constant 0 : i32
      %add3A_1558 = vector.broadcast %add3A_1557 : i32 to vector<16xi32>
      %add3A_1559 = arith.addi %add3A_1558, %mul3A_1556 : vector<16xi32>
      %add3A_1560 = arith.addi %add3A_1559, %get3A_1553 : vector<16xi32>
      %swap3A_1561 = arith.constant 5 : i32
      %swap3A_1562 = arith.index_cast %swap3A_1561 : i32 to index
      %swap3A_1563 = arith.constant 96 : index
      %swap3A_1564 = tpu.vector_load %arg10[%swap3A_1562, %swap3A_1563] {strides = array<i32>} : memref<6x128xi32, #tpu.memory_space<vmem>>, vector<1x16xi32>,
      %swap3A_1565 = vector.shape_cast %swap3A_1564 : vector<1x16xi32> to vector<16xi32>
      %swap3A_1566 = vector.shape_cast %add3A_1560 : vector<16xi32> to vector<1x16xi32>
      tpu.vector_store %arg10[%swap3A_1562, %swap3A_1563], %swap3A_1566 {strides = array<i32>} : memref<6x128xi32, #tpu.memory_space<vmem>>, vector<1x16xi32>,
      %mul3A_1567 = arith.constant 663 : i32
      %mul3A_1568 = vector.broadcast %mul3A_1567 : i32 to vector<16xi32>
      %mul3A_1569 = arith.muli %get3A_1553, %mul3A_1568 : vector<16xi32>
      %add3A_1570 = arith.constant 0 : i32
      %add3A_1571 = vector.broadcast %add3A_1570 : i32 to vector<16xi32>
      %add3A_1572 = arith.addi %add3A_1571, %mul3A_1569 : vector<16xi32>
      %add3A_1573 = arith.addi %add3A_1572, %get3A_1550 : vector<16xi32>
      %swap3A_1574 = arith.constant 5 : i32
      %swap3A_1575 = arith.index_cast %swap3A_1574 : i32 to index
      %swap3A_1576 = arith.constant 96 : index
      %swap3A_1577 = tpu.vector_load %arg11[%swap3A_1575, %swap3A_1576] {strides = array<i32>} : memref<6x128xi32, #tpu.memory_space<vmem>>, vector<1x16xi32>,
      %swap3A_1578 = vector.shape_cast %swap3A_1577 : vector<1x16xi32> to vector<16xi32>
      %swap3A_1579 = vector.shape_cast %add3A_1573 : vector<16xi32> to vector<1x16xi32>
      tpu.vector_store %arg11[%swap3A_1575, %swap3A_1576], %swap3A_1579 {strides = array<i32>} : memref<6x128xi32, #tpu.memory_space<vmem>>, vector<1x16xi32>,
      %get3A_1580 = arith.constant 752 : index
      %get3A_1581 = tpu.vector_load %arg8[%get3A_1580] {strides = array<i32>} : memref<768xi32, #tpu.memory_space<vmem>>, vector<16xi32>,
      %get3A_1582 = vector.shape_cast %get3A_1581 : vector<16xi32> to vector<16xi32>
      %get3A_1583 = arith.constant 752 : index
      %get3A_1584 = tpu.vector_load %arg9[%get3A_1583] {strides = array<i32>} : memref<768xi32, #tpu.memory_space<vmem>>, vector<16xi32>,
      %get3A_1585 = vector.shape_cast %get3A_1584 : vector<16xi32> to vector<16xi32>
      %mul3A_1586 = arith.constant 663 : i32
      %mul3A_1587 = vector.broadcast %mul3A_1586 : i32 to vector<16xi32>
      %mul3A_1588 = arith.muli %get3A_1582, %mul3A_1587 : vector<16xi32>
      %add3A_1589 = arith.constant 0 : i32
      %add3A_1590 = vector.broadcast %add3A_1589 : i32 to vector<16xi32>
      %add3A_1591 = arith.addi %add3A_1590, %mul3A_1588 : vector<16xi32>
      %add3A_1592 = arith.addi %add3A_1591, %get3A_1585 : vector<16xi32>
      %swap3A_1593 = arith.constant 5 : i32
      %swap3A_1594 = arith.index_cast %swap3A_1593 : i32 to index
      %swap3A_1595 = arith.constant 112 : index
      %swap3A_1596 = tpu.vector_load %arg10[%swap3A_1594, %swap3A_1595] {strides = array<i32>} : memref<6x128xi32, #tpu.memory_space<vmem>>, vector<1x16xi32>,
      %swap3A_1597 = vector.shape_cast %swap3A_1596 : vector<1x16xi32> to vector<16xi32>
      %swap3A_1598 = vector.shape_cast %add3A_1592 : vector<16xi32> to vector<1x16xi32>
      tpu.vector_store %arg10[%swap3A_1594, %swap3A_1595], %swap3A_1598 {strides = array<i32>} : memref<6x128xi32, #tpu.memory_space<vmem>>, vector<1x16xi32>,
      %mul3A_1599 = arith.constant 663 : i32
      %mul3A_1600 = vector.broadcast %mul3A_1599 : i32 to vector<16xi32>
      %mul3A_1601 = arith.muli %get3A_1585, %mul3A_1600 : vector<16xi32>
      %add3A_1602 = arith.constant 0 : i32
      %add3A_1603 = vector.broadcast %add3A_1602 : i32 to vector<16xi32>
      %add3A_1604 = arith.addi %add3A_1603, %mul3A_1601 : vector<16xi32>
      %add3A_1605 = arith.addi %add3A_1604, %get3A_1582 : vector<16xi32>
      %swap3A_1606 = arith.constant 5 : i32
      %swap3A_1607 = arith.index_cast %swap3A_1606 : i32 to index
      %swap3A_1608 = arith.constant 112 : index
      %swap3A_1609 = tpu.vector_load %arg11[%swap3A_1607, %swap3A_1608] {strides = array<i32>} : memref<6x128xi32, #tpu.memory_space<vmem>>, vector<1x16xi32>,
      %swap3A_1610 = vector.shape_cast %swap3A_1609 : vector<1x16xi32> to vector<16xi32>
      %swap3A_1611 = vector.shape_cast %add3A_1605 : vector<16xi32> to vector<1x16xi32>
      tpu.vector_store %arg11[%swap3A_1607, %swap3A_1608], %swap3A_1611 {strides = array<i32>} : memref<6x128xi32, #tpu.memory_space<vmem>>, vector<1x16xi32>,
      %dma_wait3A_1612 = arith.constant 0 : i32
      %dma_wait3A_1613 = tpu.memref_slice %arg13[%dma_wait3A_1612] : memref<27480xf32, #tpu.memory_space<vmem>> -> memref<27368xf32, #tpu.memory_space<vmem>>
      %dma_wait3A_1614 = tpu.memref_slice %arg2[%mul3A_32] : memref<439569xf32, #tpu.memory_space<hbm>> -> memref<27368xf32, #tpu.memory_space<hbm>>
      %dma_wait3A_1615 = arith.constant 0 : i32
      %dma_wait3A_1616 = tpu.memref_slice %arg13[%dma_wait3A_1615] : memref<27480xf32, #tpu.memory_space<vmem>> -> memref<27368xf32, #tpu.memory_space<vmem>>
      %dma_wait3A_1617 = tpu.memref_slice %arg2[%mul3A_32] : memref<439569xf32, #tpu.memory_space<hbm>> -> memref<27368xf32, #tpu.memory_space<hbm>>
      tpu.wait_dma2 semaphore(%arg19 : memref<!tpu.dma_semaphore, #tpu.memory_space<semaphore_mem>>) src(%dma_wait3A_1617 : memref<27368xf32, #tpu.memory_space<hbm>>) dst(%dma_wait3A_1616 : memref<27368xf32, #tpu.memory_space<vmem>>)
      %dma_start3A_1618 = arith.constant 0 : i32
      %dma_start3A_1619 = tpu.memref_slice %arg13[%dma_start3A_1618] : memref<27480xf32, #tpu.memory_space<vmem>> -> memref<27368xf32, #tpu.memory_space<vmem>>
      %dma_start3A_1620 = tpu.memref_slice %arg16[%mul3A_34] : memref<449688xf32, #tpu.memory_space<vmem_shared>> -> memref<27368xf32, #tpu.memory_space<vmem_shared>>
      %dma_start3A_1621 = tpu.memref_slice %arg16[%mul3A_34] : memref<449688xf32, #tpu.memory_space<vmem_shared>> -> memref<27368xf32, #tpu.memory_space<vmem_shared>>
      %dma_start3A_1622 = arith.constant 0 : i32
      %dma_start3A_1623 = tpu.memref_slice %arg13[%dma_start3A_1622] : memref<27480xf32, #tpu.memory_space<vmem>> -> memref<27368xf32, #tpu.memory_space<vmem>>
      tpu.enqueue_dma source(%dma_start3A_1623 : memref<27368xf32, #tpu.memory_space<vmem>>) target(%dma_start3A_1621 : memref<27368xf32, #tpu.memory_space<vmem_shared>>) target_semaphore(%arg19 : memref<!tpu.dma_semaphore, #tpu.memory_space<semaphore_mem>>)
      %dma_wait3A_1624 = arith.constant 0 : i32
      %dma_wait3A_1625 = tpu.memref_slice %arg14[%dma_wait3A_1624] : memref<27648xf32, #tpu.memory_space<vmem>> -> memref<27480xf32, #tpu.memory_space<vmem>>
      %dma_wait3A_1626 = tpu.memref_slice %arg15[%mul3A_30] : memref<449792xf32, #tpu.memory_space<vmem_shared>> -> memref<27480xf32, #tpu.memory_space<vmem_shared>>
      %dma_wait3A_1627 = tpu.memref_slice %arg15[%mul3A_30] : memref<449792xf32, #tpu.memory_space<vmem_shared>> -> memref<27480xf32, #tpu.memory_space<vmem_shared>>
      %dma_wait3A_1628 = arith.constant 0 : i32
      %dma_wait3A_1629 = tpu.memref_slice %arg14[%dma_wait3A_1628] : memref<27648xf32, #tpu.memory_space<vmem>> -> memref<27480xf32, #tpu.memory_space<vmem>>
      tpu.wait_dma2 semaphore(%arg18 : memref<!tpu.dma_semaphore, #tpu.memory_space<semaphore_mem>>) src(%dma_wait3A_1629 : memref<27480xf32, #tpu.memory_space<vmem>>) dst(%dma_wait3A_1627 : memref<27480xf32, #tpu.memory_space<vmem_shared>>)
      %dma_wait3A_1630 = arith.constant 0 : i32
      %dma_wait3A_1631 = tpu.memref_slice %arg13[%dma_wait3A_1630] : memref<27480xf32, #tpu.memory_space<vmem>> -> memref<27368xf32, #tpu.memory_space<vmem>>
      %dma_wait3A_1632 = tpu.memref_slice %arg16[%mul3A_34] : memref<449688xf32, #tpu.memory_space<vmem_shared>> -> memref<27368xf32, #tpu.memory_space<vmem_shared>>
      %dma_wait3A_1633 = tpu.memref_slice %arg16[%mul3A_34] : memref<449688xf32, #tpu.memory_space<vmem_shared>> -> memref<27368xf32, #tpu.memory_space<vmem_shared>>
      %dma_wait3A_1634 = arith.constant 0 : i32
      %dma_wait3A_1635 = tpu.memref_slice %arg13[%dma_wait3A_1634] : memref<27480xf32, #tpu.memory_space<vmem>> -> memref<27368xf32, #tpu.memory_space<vmem>>
      tpu.wait_dma2 semaphore(%arg19 : memref<!tpu.dma_semaphore, #tpu.memory_space<semaphore_mem>>) src(%dma_wait3A_1635 : memref<27368xf32, #tpu.memory_space<vmem>>) dst(%dma_wait3A_1633 : memref<27368xf32, #tpu.memory_space<vmem_shared>>)
      %eq3A_1636 = arith.constant 15 : i32
      %eq3A_1637 = arith.cmpi eq, %arg1, %eq3A_1636 : i32
      %convert_element_type3A_1638 = arith.extui %eq3A_1637 : i1 to i32
      %cond3A_1639 = arith.constant 0 : i32
      %cond3A_1640 = arith.cmpi ne, %convert_element_type3A_1638, %cond3A_1639 : i32
      scf.if %cond3A_1640 {
        "tpu.region"() ({
          %run_scoped3A = tpu.sem_alloc : memref<!tpu.dma_semaphore, #tpu.memory_space<semaphore_mem>>
          %dma_start3A_1641 = arith.constant 0 : i32
          %dma_start3A_1642 = tpu.memref_slice %arg14[%dma_start3A_1641] : memref<27648xf32, #tpu.memory_space<vmem>> -> memref<1688xf32, #tpu.memory_space<vmem>>
          %dma_start3A_1643 = arith.constant 0 : i32
          %dma_start3A_1644 = tpu.memref_slice %arg14[%dma_start3A_1643] : memref<27648xf32, #tpu.memory_space<vmem>> -> memref<1688xf32, #tpu.memory_space<vmem>>
          tpu.enqueue_dma source(%arg3 : memref<1688xf32, #tpu.memory_space<hbm>>) target(%dma_start3A_1644 : memref<1688xf32, #tpu.memory_space<vmem>>) target_semaphore(%run_scoped3A : memref<!tpu.dma_semaphore, #tpu.memory_space<semaphore_mem>>)
          %dma_wait3A_1645 = arith.constant 0 : i32
          %dma_wait3A_1646 = tpu.memref_slice %arg14[%dma_wait3A_1645] : memref<27648xf32, #tpu.memory_space<vmem>> -> memref<1688xf32, #tpu.memory_space<vmem>>
          %dma_wait3A_1647 = arith.constant 0 : i32
          %dma_wait3A_1648 = tpu.memref_slice %arg14[%dma_wait3A_1647] : memref<27648xf32, #tpu.memory_space<vmem>> -> memref<1688xf32, #tpu.memory_space<vmem>>
          tpu.wait_dma2 semaphore(%run_scoped3A : memref<!tpu.dma_semaphore, #tpu.memory_space<semaphore_mem>>) src(%arg3 : memref<1688xf32, #tpu.memory_space<hbm>>) dst(%dma_wait3A_1648 : memref<1688xf32, #tpu.memory_space<vmem>>)
          tpu.yield
        }) : () -> ()
        "tpu.region"() ({
          %run_scoped3A = tpu.sem_alloc : memref<!tpu.dma_semaphore, #tpu.memory_space<semaphore_mem>>
          %dma_start3A_1641 = arith.constant 0 : i32
          %dma_start3A_1642 = tpu.memref_slice %arg14[%dma_start3A_1641] : memref<27648xf32, #tpu.memory_space<vmem>> -> memref<1688xf32, #tpu.memory_space<vmem>>
          %dma_start3A_1643 = arith.constant 437888 : i32
          %dma_start3A_1644 = tpu.memref_slice %arg16[%dma_start3A_1643] : memref<449688xf32, #tpu.memory_space<vmem_shared>> -> memref<1688xf32, #tpu.memory_space<vmem_shared>>
          %dma_start3A_1645 = arith.constant 437888 : i32
          %dma_start3A_1646 = tpu.memref_slice %arg16[%dma_start3A_1645] : memref<449688xf32, #tpu.memory_space<vmem_shared>> -> memref<1688xf32, #tpu.memory_space<vmem_shared>>
          %dma_start3A_1647 = arith.constant 0 : i32
          %dma_start3A_1648 = tpu.memref_slice %arg14[%dma_start3A_1647] : memref<27648xf32, #tpu.memory_space<vmem>> -> memref<1688xf32, #tpu.memory_space<vmem>>
          tpu.enqueue_dma source(%dma_start3A_1648 : memref<1688xf32, #tpu.memory_space<vmem>>) target(%dma_start3A_1646 : memref<1688xf32, #tpu.memory_space<vmem_shared>>) target_semaphore(%run_scoped3A : memref<!tpu.dma_semaphore, #tpu.memory_space<semaphore_mem>>)
          %dma_wait3A_1649 = arith.constant 0 : i32
          %dma_wait3A_1650 = tpu.memref_slice %arg14[%dma_wait3A_1649] : memref<27648xf32, #tpu.memory_space<vmem>> -> memref<1688xf32, #tpu.memory_space<vmem>>
          %dma_wait3A_1651 = arith.constant 437888 : i32
          %dma_wait3A_1652 = tpu.memref_slice %arg16[%dma_wait3A_1651] : memref<449688xf32, #tpu.memory_space<vmem_shared>> -> memref<1688xf32, #tpu.memory_space<vmem_shared>>
          %dma_wait3A_1653 = arith.constant 437888 : i32
          %dma_wait3A_1654 = tpu.memref_slice %arg16[%dma_wait3A_1653] : memref<449688xf32, #tpu.memory_space<vmem_shared>> -> memref<1688xf32, #tpu.memory_space<vmem_shared>>
          %dma_wait3A_1655 = arith.constant 0 : i32
          %dma_wait3A_1656 = tpu.memref_slice %arg14[%dma_wait3A_1655] : memref<27648xf32, #tpu.memory_space<vmem>> -> memref<1688xf32, #tpu.memory_space<vmem>>
          tpu.wait_dma2 semaphore(%run_scoped3A : memref<!tpu.dma_semaphore, #tpu.memory_space<semaphore_mem>>) src(%dma_wait3A_1656 : memref<1688xf32, #tpu.memory_space<vmem>>) dst(%dma_wait3A_1654 : memref<1688xf32, #tpu.memory_space<vmem_shared>>)
          tpu.yield
        }) : () -> ()
      } else {
      }
    } else {
    }
    %eq3A_2 = arith.constant 1 : i32
    %eq3A_3 = arith.cmpi eq, %arg0, %eq3A_2 : i32
    %convert_element_type3A_4 = arith.extui %eq3A_3 : i1 to i32
    %cond3A_5 = arith.constant 0 : i32
    %cond3A_6 = arith.cmpi ne, %convert_element_type3A_4, %cond3A_5 : i32
    scf.if %cond3A_6 {
      %mul3A = arith.constant 128 : i32
      %mul3A_28 = arith.muli %arg1, %mul3A : i32
      %add3A = arith.constant 12288 : i32
      %add3A_29 = arith.addi %add3A, %mul3A_28 : i32
      %mul3A_30 = arith.constant 632 : i32
      %mul3A_31 = arith.muli %arg1, %mul3A_30 : i32
      %add3A_32 = arith.constant 439680 : i32
      %add3A_33 = arith.addi %add3A_32, %mul3A_31 : i32
      %mul3A_34 = arith.constant 632 : i32
      %mul3A_35 = arith.muli %arg1, %mul3A_34 : i32
      %mul3A_36 = arith.constant 632 : i32
      %mul3A_37 = arith.muli %arg1, %mul3A_36 : i32
      %add3A_38 = arith.constant 439576 : i32
      %add3A_39 = arith.addi %add3A_38, %mul3A_37 : i32
      %add3A_40 = arith.constant 0 : i32
      %add3A_41 = arith.addi %add3A_40, %add3A_29 : i32
      %dma_start3A = arith.constant 0 : i32
      %dma_start3A_42 = tpu.memref_slice %arg8[%dma_start3A] : memref<768xi32, #tpu.memory_space<vmem>> -> memref<128xi32, #tpu.memory_space<vmem>>
      %dma_start3A_43 = tpu.memref_slice %arg5[%add3A_41] : memref<28672xi32, #tpu.memory_space<hbm>> -> memref<128xi32, #tpu.memory_space<hbm>>
      %dma_start3A_44 = arith.constant 0 : i32
      %dma_start3A_45 = tpu.memref_slice %arg8[%dma_start3A_44] : memref<768xi32, #tpu.memory_space<vmem>> -> memref<128xi32, #tpu.memory_space<vmem>>
      %dma_start3A_46 = tpu.memref_slice %arg5[%add3A_41] : memref<28672xi32, #tpu.memory_space<hbm>> -> memref<128xi32, #tpu.memory_space<hbm>>
      tpu.enqueue_dma source(%dma_start3A_46 : memref<128xi32, #tpu.memory_space<hbm>>) target(%dma_start3A_45 : memref<128xi32, #tpu.memory_space<vmem>>) target_semaphore(%arg17 : memref<!tpu.dma_semaphore, #tpu.memory_space<semaphore_mem>>)
      %add3A_47 = arith.constant 14336 : i32
      %add3A_48 = arith.addi %add3A_47, %add3A_29 : i32
      %dma_start3A_49 = arith.constant 0 : i32
      %dma_start3A_50 = tpu.memref_slice %arg9[%dma_start3A_49] : memref<768xi32, #tpu.memory_space<vmem>> -> memref<128xi32, #tpu.memory_space<vmem>>
      %dma_start3A_51 = tpu.memref_slice %arg5[%add3A_48] : memref<28672xi32, #tpu.memory_space<hbm>> -> memref<128xi32, #tpu.memory_space<hbm>>
      %dma_start3A_52 = arith.constant 0 : i32
      %dma_start3A_53 = tpu.memref_slice %arg9[%dma_start3A_52] : memref<768xi32, #tpu.memory_space<vmem>> -> memref<128xi32, #tpu.memory_space<vmem>>
      %dma_start3A_54 = tpu.memref_slice %arg5[%add3A_48] : memref<28672xi32, #tpu.memory_space<hbm>> -> memref<128xi32, #tpu.memory_space<hbm>>
      tpu.enqueue_dma source(%dma_start3A_54 : memref<128xi32, #tpu.memory_space<hbm>>) target(%dma_start3A_53 : memref<128xi32, #tpu.memory_space<vmem>>) target_semaphore(%arg17 : memref<!tpu.dma_semaphore, #tpu.memory_space<semaphore_mem>>)
      %dma_start3A_55 = arith.constant 0 : i32
      %dma_start3A_56 = tpu.memref_slice %arg13[%dma_start3A_55] : memref<27480xf32, #tpu.memory_space<vmem>> -> memref<632xf32, #tpu.memory_space<vmem>>
      %dma_start3A_57 = tpu.memref_slice %arg4[%mul3A_35] : memref<10112xf32, #tpu.memory_space<hbm>> -> memref<632xf32, #tpu.memory_space<hbm>>
      %dma_start3A_58 = arith.constant 0 : i32
      %dma_start3A_59 = tpu.memref_slice %arg13[%dma_start3A_58] : memref<27480xf32, #tpu.memory_space<vmem>> -> memref<632xf32, #tpu.memory_space<vmem>>
      %dma_start3A_60 = tpu.memref_slice %arg4[%mul3A_35] : memref<10112xf32, #tpu.memory_space<hbm>> -> memref<632xf32, #tpu.memory_space<hbm>>
      tpu.enqueue_dma source(%dma_start3A_60 : memref<632xf32, #tpu.memory_space<hbm>>) target(%dma_start3A_59 : memref<632xf32, #tpu.memory_space<vmem>>) target_semaphore(%arg19 : memref<!tpu.dma_semaphore, #tpu.memory_space<semaphore_mem>>)
      %broadcast_in_dim3A = arith.constant 0.000000e+00 : f32
      %broadcast_in_dim3A_61 = vector.broadcast %broadcast_in_dim3A : f32 to vector<16xf32>
      %scan3A = arith.constant 0 : i32
      %scan3A_62 = arith.constant 0 : i32
      %scan3A_63 = arith.constant 3 : i32
      %scan3A_64 = arith.addi %scan3A_62, %scan3A_63 : i32
      %scan3A_65 = arith.constant 1 : i32
      scf.for %scan3A_362 = %scan3A_62 to %scan3A_64 step %scan3A_65  : i32 {
        %mul3A_363 = arith.constant 256 : i32
        %mul3A_364 = arith.muli %scan3A_362, %mul3A_363 : i32
        %add3A_365 = arith.constant 0 : i32
        %add3A_366 = arith.addi %mul3A_364, %add3A_365 : i32
        %swap3A_367 = arith.index_cast %add3A_366 : i32 to index
        %swap3A_368 = tpu.vector_load %arg14[%swap3A_367] {strides = array<i32>} : memref<27648xf32, #tpu.memory_space<vmem>>, vector<16xf32>,
        %swap3A_369 = vector.shape_cast %swap3A_368 : vector<16xf32> to vector<16xf32>
        %swap3A_370 = vector.shape_cast %broadcast_in_dim3A_61 : vector<16xf32> to vector<16xf32>
        tpu.vector_store %arg14[%swap3A_367], %swap3A_370 {strides = array<i32>} : memref<27648xf32, #tpu.memory_space<vmem>>, vector<16xf32>,
        %mul3A_371 = arith.constant 256 : i32
        %mul3A_372 = arith.muli %scan3A_362, %mul3A_371 : i32
        %add3A_373 = arith.constant 16 : i32
        %add3A_374 = arith.addi %mul3A_372, %add3A_373 : i32
        %swap3A_375 = arith.index_cast %add3A_374 : i32 to index
        %swap3A_376 = tpu.vector_load %arg14[%swap3A_375] {strides = array<i32>} : memref<27648xf32, #tpu.memory_space<vmem>>, vector<16xf32>,
        %swap3A_377 = vector.shape_cast %swap3A_376 : vector<16xf32> to vector<16xf32>
        %swap3A_378 = vector.shape_cast %broadcast_in_dim3A_61 : vector<16xf32> to vector<16xf32>
        tpu.vector_store %arg14[%swap3A_375], %swap3A_378 {strides = array<i32>} : memref<27648xf32, #tpu.memory_space<vmem>>, vector<16xf32>,
        %mul3A_379 = arith.constant 256 : i32
        %mul3A_380 = arith.muli %scan3A_362, %mul3A_379 : i32
        %add3A_381 = arith.constant 32 : i32
        %add3A_382 = arith.addi %mul3A_380, %add3A_381 : i32
        %swap3A_383 = arith.index_cast %add3A_382 : i32 to index
        %swap3A_384 = tpu.vector_load %arg14[%swap3A_383] {strides = array<i32>} : memref<27648xf32, #tpu.memory_space<vmem>>, vector<16xf32>,
        %swap3A_385 = vector.shape_cast %swap3A_384 : vector<16xf32> to vector<16xf32>
        %swap3A_386 = vector.shape_cast %broadcast_in_dim3A_61 : vector<16xf32> to vector<16xf32>
        tpu.vector_store %arg14[%swap3A_383], %swap3A_386 {strides = array<i32>} : memref<27648xf32, #tpu.memory_space<vmem>>, vector<16xf32>,
        %mul3A_387 = arith.constant 256 : i32
        %mul3A_388 = arith.muli %scan3A_362, %mul3A_387 : i32
        %add3A_389 = arith.constant 48 : i32
        %add3A_390 = arith.addi %mul3A_388, %add3A_389 : i32
        %swap3A_391 = arith.index_cast %add3A_390 : i32 to index
        %swap3A_392 = tpu.vector_load %arg14[%swap3A_391] {strides = array<i32>} : memref<27648xf32, #tpu.memory_space<vmem>>, vector<16xf32>,
        %swap3A_393 = vector.shape_cast %swap3A_392 : vector<16xf32> to vector<16xf32>
        %swap3A_394 = vector.shape_cast %broadcast_in_dim3A_61 : vector<16xf32> to vector<16xf32>
        tpu.vector_store %arg14[%swap3A_391], %swap3A_394 {strides = array<i32>} : memref<27648xf32, #tpu.memory_space<vmem>>, vector<16xf32>,
        %mul3A_395 = arith.constant 256 : i32
        %mul3A_396 = arith.muli %scan3A_362, %mul3A_395 : i32
        %add3A_397 = arith.constant 64 : i32
        %add3A_398 = arith.addi %mul3A_396, %add3A_397 : i32
        %swap3A_399 = arith.index_cast %add3A_398 : i32 to index
        %swap3A_400 = tpu.vector_load %arg14[%swap3A_399] {strides = array<i32>} : memref<27648xf32, #tpu.memory_space<vmem>>, vector<16xf32>,
        %swap3A_401 = vector.shape_cast %swap3A_400 : vector<16xf32> to vector<16xf32>
        %swap3A_402 = vector.shape_cast %broadcast_in_dim3A_61 : vector<16xf32> to vector<16xf32>
        tpu.vector_store %arg14[%swap3A_399], %swap3A_402 {strides = array<i32>} : memref<27648xf32, #tpu.memory_space<vmem>>, vector<16xf32>,
        %mul3A_403 = arith.constant 256 : i32
        %mul3A_404 = arith.muli %scan3A_362, %mul3A_403 : i32
        %add3A_405 = arith.constant 80 : i32
        %add3A_406 = arith.addi %mul3A_404, %add3A_405 : i32
        %swap3A_407 = arith.index_cast %add3A_406 : i32 to index
        %swap3A_408 = tpu.vector_load %arg14[%swap3A_407] {strides = array<i32>} : memref<27648xf32, #tpu.memory_space<vmem>>, vector<16xf32>,
        %swap3A_409 = vector.shape_cast %swap3A_408 : vector<16xf32> to vector<16xf32>
        %swap3A_410 = vector.shape_cast %broadcast_in_dim3A_61 : vector<16xf32> to vector<16xf32>
        tpu.vector_store %arg14[%swap3A_407], %swap3A_410 {strides = array<i32>} : memref<27648xf32, #tpu.memory_space<vmem>>, vector<16xf32>,
        %mul3A_411 = arith.constant 256 : i32
        %mul3A_412 = arith.muli %scan3A_362, %mul3A_411 : i32
        %add3A_413 = arith.constant 96 : i32
        %add3A_414 = arith.addi %mul3A_412, %add3A_413 : i32
        %swap3A_415 = arith.index_cast %add3A_414 : i32 to index
        %swap3A_416 = tpu.vector_load %arg14[%swap3A_415] {strides = array<i32>} : memref<27648xf32, #tpu.memory_space<vmem>>, vector<16xf32>,
        %swap3A_417 = vector.shape_cast %swap3A_416 : vector<16xf32> to vector<16xf32>
        %swap3A_418 = vector.shape_cast %broadcast_in_dim3A_61 : vector<16xf32> to vector<16xf32>
        tpu.vector_store %arg14[%swap3A_415], %swap3A_418 {strides = array<i32>} : memref<27648xf32, #tpu.memory_space<vmem>>, vector<16xf32>,
        %mul3A_419 = arith.constant 256 : i32
        %mul3A_420 = arith.muli %scan3A_362, %mul3A_419 : i32
        %add3A_421 = arith.constant 112 : i32
        %add3A_422 = arith.addi %mul3A_420, %add3A_421 : i32
        %swap3A_423 = arith.index_cast %add3A_422 : i32 to index
        %swap3A_424 = tpu.vector_load %arg14[%swap3A_423] {strides = array<i32>} : memref<27648xf32, #tpu.memory_space<vmem>>, vector<16xf32>,
        %swap3A_425 = vector.shape_cast %swap3A_424 : vector<16xf32> to vector<16xf32>
        %swap3A_426 = vector.shape_cast %broadcast_in_dim3A_61 : vector<16xf32> to vector<16xf32>
        tpu.vector_store %arg14[%swap3A_423], %swap3A_426 {strides = array<i32>} : memref<27648xf32, #tpu.memory_space<vmem>>, vector<16xf32>,
        %mul3A_427 = arith.constant 256 : i32
        %mul3A_428 = arith.muli %scan3A_362, %mul3A_427 : i32
        %add3A_429 = arith.constant 128 : i32
        %add3A_430 = arith.addi %mul3A_428, %add3A_429 : i32
        %swap3A_431 = arith.index_cast %add3A_430 : i32 to index
        %swap3A_432 = tpu.vector_load %arg14[%swap3A_431] {strides = array<i32>} : memref<27648xf32, #tpu.memory_space<vmem>>, vector<16xf32>,
        %swap3A_433 = vector.shape_cast %swap3A_432 : vector<16xf32> to vector<16xf32>
        %swap3A_434 = vector.shape_cast %broadcast_in_dim3A_61 : vector<16xf32> to vector<16xf32>
        tpu.vector_store %arg14[%swap3A_431], %swap3A_434 {strides = array<i32>} : memref<27648xf32, #tpu.memory_space<vmem>>, vector<16xf32>,
        %mul3A_435 = arith.constant 256 : i32
        %mul3A_436 = arith.muli %scan3A_362, %mul3A_435 : i32
        %add3A_437 = arith.constant 144 : i32
        %add3A_438 = arith.addi %mul3A_436, %add3A_437 : i32
        %swap3A_439 = arith.index_cast %add3A_438 : i32 to index
        %swap3A_440 = tpu.vector_load %arg14[%swap3A_439] {strides = array<i32>} : memref<27648xf32, #tpu.memory_space<vmem>>, vector<16xf32>,
        %swap3A_441 = vector.shape_cast %swap3A_440 : vector<16xf32> to vector<16xf32>
        %swap3A_442 = vector.shape_cast %broadcast_in_dim3A_61 : vector<16xf32> to vector<16xf32>
        tpu.vector_store %arg14[%swap3A_439], %swap3A_442 {strides = array<i32>} : memref<27648xf32, #tpu.memory_space<vmem>>, vector<16xf32>,
        %mul3A_443 = arith.constant 256 : i32
        %mul3A_444 = arith.muli %scan3A_362, %mul3A_443 : i32
        %add3A_445 = arith.constant 160 : i32
        %add3A_446 = arith.addi %mul3A_444, %add3A_445 : i32
        %swap3A_447 = arith.index_cast %add3A_446 : i32 to index
        %swap3A_448 = tpu.vector_load %arg14[%swap3A_447] {strides = array<i32>} : memref<27648xf32, #tpu.memory_space<vmem>>, vector<16xf32>,
        %swap3A_449 = vector.shape_cast %swap3A_448 : vector<16xf32> to vector<16xf32>
        %swap3A_450 = vector.shape_cast %broadcast_in_dim3A_61 : vector<16xf32> to vector<16xf32>
        tpu.vector_store %arg14[%swap3A_447], %swap3A_450 {strides = array<i32>} : memref<27648xf32, #tpu.memory_space<vmem>>, vector<16xf32>,
        %mul3A_451 = arith.constant 256 : i32
        %mul3A_452 = arith.muli %scan3A_362, %mul3A_451 : i32
        %add3A_453 = arith.constant 176 : i32
        %add3A_454 = arith.addi %mul3A_452, %add3A_453 : i32
        %swap3A_455 = arith.index_cast %add3A_454 : i32 to index
        %swap3A_456 = tpu.vector_load %arg14[%swap3A_455] {strides = array<i32>} : memref<27648xf32, #tpu.memory_space<vmem>>, vector<16xf32>,
        %swap3A_457 = vector.shape_cast %swap3A_456 : vector<16xf32> to vector<16xf32>
        %swap3A_458 = vector.shape_cast %broadcast_in_dim3A_61 : vector<16xf32> to vector<16xf32>
        tpu.vector_store %arg14[%swap3A_455], %swap3A_458 {strides = array<i32>} : memref<27648xf32, #tpu.memory_space<vmem>>, vector<16xf32>,
        %mul3A_459 = arith.constant 256 : i32
        %mul3A_460 = arith.muli %scan3A_362, %mul3A_459 : i32
        %add3A_461 = arith.constant 192 : i32
        %add3A_462 = arith.addi %mul3A_460, %add3A_461 : i32
        %swap3A_463 = arith.index_cast %add3A_462 : i32 to index
        %swap3A_464 = tpu.vector_load %arg14[%swap3A_463] {strides = array<i32>} : memref<27648xf32, #tpu.memory_space<vmem>>, vector<16xf32>,
        %swap3A_465 = vector.shape_cast %swap3A_464 : vector<16xf32> to vector<16xf32>
        %swap3A_466 = vector.shape_cast %broadcast_in_dim3A_61 : vector<16xf32> to vector<16xf32>
        tpu.vector_store %arg14[%swap3A_463], %swap3A_466 {strides = array<i32>} : memref<27648xf32, #tpu.memory_space<vmem>>, vector<16xf32>,
        %mul3A_467 = arith.constant 256 : i32
        %mul3A_468 = arith.muli %scan3A_362, %mul3A_467 : i32
        %add3A_469 = arith.constant 208 : i32
        %add3A_470 = arith.addi %mul3A_468, %add3A_469 : i32
        %swap3A_471 = arith.index_cast %add3A_470 : i32 to index
        %swap3A_472 = tpu.vector_load %arg14[%swap3A_471] {strides = array<i32>} : memref<27648xf32, #tpu.memory_space<vmem>>, vector<16xf32>,
        %swap3A_473 = vector.shape_cast %swap3A_472 : vector<16xf32> to vector<16xf32>
        %swap3A_474 = vector.shape_cast %broadcast_in_dim3A_61 : vector<16xf32> to vector<16xf32>
        tpu.vector_store %arg14[%swap3A_471], %swap3A_474 {strides = array<i32>} : memref<27648xf32, #tpu.memory_space<vmem>>, vector<16xf32>,
        %mul3A_475 = arith.constant 256 : i32
        %mul3A_476 = arith.muli %scan3A_362, %mul3A_475 : i32
        %add3A_477 = arith.constant 224 : i32
        %add3A_478 = arith.addi %mul3A_476, %add3A_477 : i32
        %swap3A_479 = arith.index_cast %add3A_478 : i32 to index
        %swap3A_480 = tpu.vector_load %arg14[%swap3A_479] {strides = array<i32>} : memref<27648xf32, #tpu.memory_space<vmem>>, vector<16xf32>,
        %swap3A_481 = vector.shape_cast %swap3A_480 : vector<16xf32> to vector<16xf32>
        %swap3A_482 = vector.shape_cast %broadcast_in_dim3A_61 : vector<16xf32> to vector<16xf32>
        tpu.vector_store %arg14[%swap3A_479], %swap3A_482 {strides = array<i32>} : memref<27648xf32, #tpu.memory_space<vmem>>, vector<16xf32>,
        %mul3A_483 = arith.constant 256 : i32
        %mul3A_484 = arith.muli %scan3A_362, %mul3A_483 : i32
        %add3A_485 = arith.constant 240 : i32
        %add3A_486 = arith.addi %mul3A_484, %add3A_485 : i32
        %swap3A_487 = arith.index_cast %add3A_486 : i32 to index
        %swap3A_488 = tpu.vector_load %arg14[%swap3A_487] {strides = array<i32>} : memref<27648xf32, #tpu.memory_space<vmem>>, vector<16xf32>,
        %swap3A_489 = vector.shape_cast %swap3A_488 : vector<16xf32> to vector<16xf32>
        %swap3A_490 = vector.shape_cast %broadcast_in_dim3A_61 : vector<16xf32> to vector<16xf32>
        tpu.vector_store %arg14[%swap3A_487], %swap3A_490 {strides = array<i32>} : memref<27648xf32, #tpu.memory_space<vmem>>, vector<16xf32>,
      }
      %scan3A_66 = arith.constant 3 : i32
      %dma_start3A_67 = arith.constant 0 : i32
      %dma_start3A_68 = tpu.memref_slice %arg14[%dma_start3A_67] : memref<27648xf32, #tpu.memory_space<vmem>> -> memref<632xf32, #tpu.memory_space<vmem>>
      %dma_start3A_69 = tpu.memref_slice %arg15[%add3A_33] : memref<449792xf32, #tpu.memory_space<vmem_shared>> -> memref<632xf32, #tpu.memory_space<vmem_shared>>
      %dma_start3A_70 = tpu.memref_slice %arg15[%add3A_33] : memref<449792xf32, #tpu.memory_space<vmem_shared>> -> memref<632xf32, #tpu.memory_space<vmem_shared>>
      %dma_start3A_71 = arith.constant 0 : i32
      %dma_start3A_72 = tpu.memref_slice %arg14[%dma_start3A_71] : memref<27648xf32, #tpu.memory_space<vmem>> -> memref<632xf32, #tpu.memory_space<vmem>>
      tpu.enqueue_dma source(%dma_start3A_72 : memref<632xf32, #tpu.memory_space<vmem>>) target(%dma_start3A_70 : memref<632xf32, #tpu.memory_space<vmem_shared>>) target_semaphore(%arg18 : memref<!tpu.dma_semaphore, #tpu.memory_space<semaphore_mem>>)
      %dma_wait3A = arith.constant 0 : i32
      %dma_wait3A_73 = tpu.memref_slice %arg8[%dma_wait3A] : memref<768xi32, #tpu.memory_space<vmem>> -> memref<128xi32, #tpu.memory_space<vmem>>
      %dma_wait3A_74 = tpu.memref_slice %arg5[%add3A_41] : memref<28672xi32, #tpu.memory_space<hbm>> -> memref<128xi32, #tpu.memory_space<hbm>>
      %dma_wait3A_75 = arith.constant 0 : i32
      %dma_wait3A_76 = tpu.memref_slice %arg8[%dma_wait3A_75] : memref<768xi32, #tpu.memory_space<vmem>> -> memref<128xi32, #tpu.memory_space<vmem>>
      %dma_wait3A_77 = tpu.memref_slice %arg5[%add3A_41] : memref<28672xi32, #tpu.memory_space<hbm>> -> memref<128xi32, #tpu.memory_space<hbm>>
      tpu.wait_dma2 semaphore(%arg17 : memref<!tpu.dma_semaphore, #tpu.memory_space<semaphore_mem>>) src(%dma_wait3A_77 : memref<128xi32, #tpu.memory_space<hbm>>) dst(%dma_wait3A_76 : memref<128xi32, #tpu.memory_space<vmem>>)
      %dma_wait3A_78 = arith.constant 0 : i32
      %dma_wait3A_79 = tpu.memref_slice %arg9[%dma_wait3A_78] : memref<768xi32, #tpu.memory_space<vmem>> -> memref<128xi32, #tpu.memory_space<vmem>>
      %dma_wait3A_80 = tpu.memref_slice %arg5[%add3A_48] : memref<28672xi32, #tpu.memory_space<hbm>> -> memref<128xi32, #tpu.memory_space<hbm>>
      %dma_wait3A_81 = arith.constant 0 : i32
      %dma_wait3A_82 = tpu.memref_slice %arg9[%dma_wait3A_81] : memref<768xi32, #tpu.memory_space<vmem>> -> memref<128xi32, #tpu.memory_space<vmem>>
      %dma_wait3A_83 = tpu.memref_slice %arg5[%add3A_48] : memref<28672xi32, #tpu.memory_space<hbm>> -> memref<128xi32, #tpu.memory_space<hbm>>
      tpu.wait_dma2 semaphore(%arg17 : memref<!tpu.dma_semaphore, #tpu.memory_space<semaphore_mem>>) src(%dma_wait3A_83 : memref<128xi32, #tpu.memory_space<hbm>>) dst(%dma_wait3A_82 : memref<128xi32, #tpu.memory_space<vmem>>)
      %get3A = arith.constant 0 : index
      %get3A_84 = tpu.vector_load %arg8[%get3A] {strides = array<i32>} : memref<768xi32, #tpu.memory_space<vmem>>, vector<16xi32>,
      %get3A_85 = vector.shape_cast %get3A_84 : vector<16xi32> to vector<16xi32>
      %get3A_86 = arith.constant 0 : index
      %get3A_87 = tpu.vector_load %arg9[%get3A_86] {strides = array<i32>} : memref<768xi32, #tpu.memory_space<vmem>>, vector<16xi32>,
      %get3A_88 = vector.shape_cast %get3A_87 : vector<16xi32> to vector<16xi32>
      %mul3A_89 = arith.constant 100 : i32
      %mul3A_90 = vector.broadcast %mul3A_89 : i32 to vector<16xi32>
      %mul3A_91 = arith.muli %get3A_85, %mul3A_90 : vector<16xi32>
      %add3A_92 = arith.constant 439576 : i32
      %add3A_93 = vector.broadcast %add3A_92 : i32 to vector<16xi32>
      %add3A_94 = arith.addi %add3A_93, %mul3A_91 : vector<16xi32>
      %add3A_95 = arith.addi %add3A_94, %get3A_88 : vector<16xi32>
      %swap3A = arith.constant 0 : i32
      %swap3A_96 = arith.index_cast %swap3A : i32 to index
      %swap3A_97 = arith.constant 0 : index
      %swap3A_98 = tpu.vector_load %arg10[%swap3A_96, %swap3A_97] {strides = array<i32>} : memref<6x128xi32, #tpu.memory_space<vmem>>, vector<1x16xi32>,
      %swap3A_99 = vector.shape_cast %swap3A_98 : vector<1x16xi32> to vector<16xi32>
      %swap3A_100 = vector.shape_cast %add3A_95 : vector<16xi32> to vector<1x16xi32>
      tpu.vector_store %arg10[%swap3A_96, %swap3A_97], %swap3A_100 {strides = array<i32>} : memref<6x128xi32, #tpu.memory_space<vmem>>, vector<1x16xi32>,
      %mul3A_101 = arith.constant 100 : i32
      %mul3A_102 = vector.broadcast %mul3A_101 : i32 to vector<16xi32>
      %mul3A_103 = arith.muli %get3A_88, %mul3A_102 : vector<16xi32>
      %add3A_104 = arith.constant 439680 : i32
      %add3A_105 = vector.broadcast %add3A_104 : i32 to vector<16xi32>
      %add3A_106 = arith.addi %add3A_105, %mul3A_103 : vector<16xi32>
      %add3A_107 = arith.addi %add3A_106, %get3A_85 : vector<16xi32>
      %swap3A_108 = arith.constant 0 : i32
      %swap3A_109 = arith.index_cast %swap3A_108 : i32 to index
      %swap3A_110 = arith.constant 0 : index
      %swap3A_111 = tpu.vector_load %arg11[%swap3A_109, %swap3A_110] {strides = array<i32>} : memref<6x128xi32, #tpu.memory_space<vmem>>, vector<1x16xi32>,
      %swap3A_112 = vector.shape_cast %swap3A_111 : vector<1x16xi32> to vector<16xi32>
      %swap3A_113 = vector.shape_cast %add3A_107 : vector<16xi32> to vector<1x16xi32>
      tpu.vector_store %arg11[%swap3A_109, %swap3A_110], %swap3A_113 {strides = array<i32>} : memref<6x128xi32, #tpu.memory_space<vmem>>, vector<1x16xi32>,
      %get3A_114 = arith.constant 16 : index
      %get3A_115 = tpu.vector_load %arg8[%get3A_114] {strides = array<i32>} : memref<768xi32, #tpu.memory_space<vmem>>, vector<16xi32>,
      %get3A_116 = vector.shape_cast %get3A_115 : vector<16xi32> to vector<16xi32>
      %get3A_117 = arith.constant 16 : index
      %get3A_118 = tpu.vector_load %arg9[%get3A_117] {strides = array<i32>} : memref<768xi32, #tpu.memory_space<vmem>>, vector<16xi32>,
      %get3A_119 = vector.shape_cast %get3A_118 : vector<16xi32> to vector<16xi32>
      %mul3A_120 = arith.constant 100 : i32
      %mul3A_121 = vector.broadcast %mul3A_120 : i32 to vector<16xi32>
      %mul3A_122 = arith.muli %get3A_116, %mul3A_121 : vector<16xi32>
      %add3A_123 = arith.constant 439576 : i32
      %add3A_124 = vector.broadcast %add3A_123 : i32 to vector<16xi32>
      %add3A_125 = arith.addi %add3A_124, %mul3A_122 : vector<16xi32>
      %add3A_126 = arith.addi %add3A_125, %get3A_119 : vector<16xi32>
      %swap3A_127 = arith.constant 0 : i32
      %swap3A_128 = arith.index_cast %swap3A_127 : i32 to index
      %swap3A_129 = arith.constant 16 : index
      %swap3A_130 = tpu.vector_load %arg10[%swap3A_128, %swap3A_129] {strides = array<i32>} : memref<6x128xi32, #tpu.memory_space<vmem>>, vector<1x16xi32>,
      %swap3A_131 = vector.shape_cast %swap3A_130 : vector<1x16xi32> to vector<16xi32>
      %swap3A_132 = vector.shape_cast %add3A_126 : vector<16xi32> to vector<1x16xi32>
      tpu.vector_store %arg10[%swap3A_128, %swap3A_129], %swap3A_132 {strides = array<i32>} : memref<6x128xi32, #tpu.memory_space<vmem>>, vector<1x16xi32>,
      %mul3A_133 = arith.constant 100 : i32
      %mul3A_134 = vector.broadcast %mul3A_133 : i32 to vector<16xi32>
      %mul3A_135 = arith.muli %get3A_119, %mul3A_134 : vector<16xi32>
      %add3A_136 = arith.constant 439680 : i32
      %add3A_137 = vector.broadcast %add3A_136 : i32 to vector<16xi32>
      %add3A_138 = arith.addi %add3A_137, %mul3A_135 : vector<16xi32>
      %add3A_139 = arith.addi %add3A_138, %get3A_116 : vector<16xi32>
      %swap3A_140 = arith.constant 0 : i32
      %swap3A_141 = arith.index_cast %swap3A_140 : i32 to index
      %swap3A_142 = arith.constant 16 : index
      %swap3A_143 = tpu.vector_load %arg11[%swap3A_141, %swap3A_142] {strides = array<i32>} : memref<6x128xi32, #tpu.memory_space<vmem>>, vector<1x16xi32>,
      %swap3A_144 = vector.shape_cast %swap3A_143 : vector<1x16xi32> to vector<16xi32>
      %swap3A_145 = vector.shape_cast %add3A_139 : vector<16xi32> to vector<1x16xi32>
      tpu.vector_store %arg11[%swap3A_141, %swap3A_142], %swap3A_145 {strides = array<i32>} : memref<6x128xi32, #tpu.memory_space<vmem>>, vector<1x16xi32>,
      %get3A_146 = arith.constant 32 : index
      %get3A_147 = tpu.vector_load %arg8[%get3A_146] {strides = array<i32>} : memref<768xi32, #tpu.memory_space<vmem>>, vector<16xi32>,
      %get3A_148 = vector.shape_cast %get3A_147 : vector<16xi32> to vector<16xi32>
      %get3A_149 = arith.constant 32 : index
      %get3A_150 = tpu.vector_load %arg9[%get3A_149] {strides = array<i32>} : memref<768xi32, #tpu.memory_space<vmem>>, vector<16xi32>,
      %get3A_151 = vector.shape_cast %get3A_150 : vector<16xi32> to vector<16xi32>
      %mul3A_152 = arith.constant 100 : i32
      %mul3A_153 = vector.broadcast %mul3A_152 : i32 to vector<16xi32>
      %mul3A_154 = arith.muli %get3A_148, %mul3A_153 : vector<16xi32>
      %add3A_155 = arith.constant 439576 : i32
      %add3A_156 = vector.broadcast %add3A_155 : i32 to vector<16xi32>
      %add3A_157 = arith.addi %add3A_156, %mul3A_154 : vector<16xi32>
      %add3A_158 = arith.addi %add3A_157, %get3A_151 : vector<16xi32>
      %swap3A_159 = arith.constant 0 : i32
      %swap3A_160 = arith.index_cast %swap3A_159 : i32 to index
      %swap3A_161 = arith.constant 32 : index
      %swap3A_162 = tpu.vector_load %arg10[%swap3A_160, %swap3A_161] {strides = array<i32>} : memref<6x128xi32, #tpu.memory_space<vmem>>, vector<1x16xi32>,
      %swap3A_163 = vector.shape_cast %swap3A_162 : vector<1x16xi32> to vector<16xi32>
      %swap3A_164 = vector.shape_cast %add3A_158 : vector<16xi32> to vector<1x16xi32>
      tpu.vector_store %arg10[%swap3A_160, %swap3A_161], %swap3A_164 {strides = array<i32>} : memref<6x128xi32, #tpu.memory_space<vmem>>, vector<1x16xi32>,
      %mul3A_165 = arith.constant 100 : i32
      %mul3A_166 = vector.broadcast %mul3A_165 : i32 to vector<16xi32>
      %mul3A_167 = arith.muli %get3A_151, %mul3A_166 : vector<16xi32>
      %add3A_168 = arith.constant 439680 : i32
      %add3A_169 = vector.broadcast %add3A_168 : i32 to vector<16xi32>
      %add3A_170 = arith.addi %add3A_169, %mul3A_167 : vector<16xi32>
      %add3A_171 = arith.addi %add3A_170, %get3A_148 : vector<16xi32>
      %swap3A_172 = arith.constant 0 : i32
      %swap3A_173 = arith.index_cast %swap3A_172 : i32 to index
      %swap3A_174 = arith.constant 32 : index
      %swap3A_175 = tpu.vector_load %arg11[%swap3A_173, %swap3A_174] {strides = array<i32>} : memref<6x128xi32, #tpu.memory_space<vmem>>, vector<1x16xi32>,
      %swap3A_176 = vector.shape_cast %swap3A_175 : vector<1x16xi32> to vector<16xi32>
      %swap3A_177 = vector.shape_cast %add3A_171 : vector<16xi32> to vector<1x16xi32>
      tpu.vector_store %arg11[%swap3A_173, %swap3A_174], %swap3A_177 {strides = array<i32>} : memref<6x128xi32, #tpu.memory_space<vmem>>, vector<1x16xi32>,
      %get3A_178 = arith.constant 48 : index
      %get3A_179 = tpu.vector_load %arg8[%get3A_178] {strides = array<i32>} : memref<768xi32, #tpu.memory_space<vmem>>, vector<16xi32>,
      %get3A_180 = vector.shape_cast %get3A_179 : vector<16xi32> to vector<16xi32>
      %get3A_181 = arith.constant 48 : index
      %get3A_182 = tpu.vector_load %arg9[%get3A_181] {strides = array<i32>} : memref<768xi32, #tpu.memory_space<vmem>>, vector<16xi32>,
      %get3A_183 = vector.shape_cast %get3A_182 : vector<16xi32> to vector<16xi32>
      %mul3A_184 = arith.constant 100 : i32
      %mul3A_185 = vector.broadcast %mul3A_184 : i32 to vector<16xi32>
      %mul3A_186 = arith.muli %get3A_180, %mul3A_185 : vector<16xi32>
      %add3A_187 = arith.constant 439576 : i32
      %add3A_188 = vector.broadcast %add3A_187 : i32 to vector<16xi32>
      %add3A_189 = arith.addi %add3A_188, %mul3A_186 : vector<16xi32>
      %add3A_190 = arith.addi %add3A_189, %get3A_183 : vector<16xi32>
      %swap3A_191 = arith.constant 0 : i32
      %swap3A_192 = arith.index_cast %swap3A_191 : i32 to index
      %swap3A_193 = arith.constant 48 : index
      %swap3A_194 = tpu.vector_load %arg10[%swap3A_192, %swap3A_193] {strides = array<i32>} : memref<6x128xi32, #tpu.memory_space<vmem>>, vector<1x16xi32>,
      %swap3A_195 = vector.shape_cast %swap3A_194 : vector<1x16xi32> to vector<16xi32>
      %swap3A_196 = vector.shape_cast %add3A_190 : vector<16xi32> to vector<1x16xi32>
      tpu.vector_store %arg10[%swap3A_192, %swap3A_193], %swap3A_196 {strides = array<i32>} : memref<6x128xi32, #tpu.memory_space<vmem>>, vector<1x16xi32>,
      %mul3A_197 = arith.constant 100 : i32
      %mul3A_198 = vector.broadcast %mul3A_197 : i32 to vector<16xi32>
      %mul3A_199 = arith.muli %get3A_183, %mul3A_198 : vector<16xi32>
      %add3A_200 = arith.constant 439680 : i32
      %add3A_201 = vector.broadcast %add3A_200 : i32 to vector<16xi32>
      %add3A_202 = arith.addi %add3A_201, %mul3A_199 : vector<16xi32>
      %add3A_203 = arith.addi %add3A_202, %get3A_180 : vector<16xi32>
      %swap3A_204 = arith.constant 0 : i32
      %swap3A_205 = arith.index_cast %swap3A_204 : i32 to index
      %swap3A_206 = arith.constant 48 : index
      %swap3A_207 = tpu.vector_load %arg11[%swap3A_205, %swap3A_206] {strides = array<i32>} : memref<6x128xi32, #tpu.memory_space<vmem>>, vector<1x16xi32>,
      %swap3A_208 = vector.shape_cast %swap3A_207 : vector<1x16xi32> to vector<16xi32>
      %swap3A_209 = vector.shape_cast %add3A_203 : vector<16xi32> to vector<1x16xi32>
      tpu.vector_store %arg11[%swap3A_205, %swap3A_206], %swap3A_209 {strides = array<i32>} : memref<6x128xi32, #tpu.memory_space<vmem>>, vector<1x16xi32>,
      %get3A_210 = arith.constant 64 : index
      %get3A_211 = tpu.vector_load %arg8[%get3A_210] {strides = array<i32>} : memref<768xi32, #tpu.memory_space<vmem>>, vector<16xi32>,
      %get3A_212 = vector.shape_cast %get3A_211 : vector<16xi32> to vector<16xi32>
      %get3A_213 = arith.constant 64 : index
      %get3A_214 = tpu.vector_load %arg9[%get3A_213] {strides = array<i32>} : memref<768xi32, #tpu.memory_space<vmem>>, vector<16xi32>,
      %get3A_215 = vector.shape_cast %get3A_214 : vector<16xi32> to vector<16xi32>
      %mul3A_216 = arith.constant 100 : i32
      %mul3A_217 = vector.broadcast %mul3A_216 : i32 to vector<16xi32>
      %mul3A_218 = arith.muli %get3A_212, %mul3A_217 : vector<16xi32>
      %add3A_219 = arith.constant 439576 : i32
      %add3A_220 = vector.broadcast %add3A_219 : i32 to vector<16xi32>
      %add3A_221 = arith.addi %add3A_220, %mul3A_218 : vector<16xi32>
      %add3A_222 = arith.addi %add3A_221, %get3A_215 : vector<16xi32>
      %swap3A_223 = arith.constant 0 : i32
      %swap3A_224 = arith.index_cast %swap3A_223 : i32 to index
      %swap3A_225 = arith.constant 64 : index
      %swap3A_226 = tpu.vector_load %arg10[%swap3A_224, %swap3A_225] {strides = array<i32>} : memref<6x128xi32, #tpu.memory_space<vmem>>, vector<1x16xi32>,
      %swap3A_227 = vector.shape_cast %swap3A_226 : vector<1x16xi32> to vector<16xi32>
      %swap3A_228 = vector.shape_cast %add3A_222 : vector<16xi32> to vector<1x16xi32>
      tpu.vector_store %arg10[%swap3A_224, %swap3A_225], %swap3A_228 {strides = array<i32>} : memref<6x128xi32, #tpu.memory_space<vmem>>, vector<1x16xi32>,
      %mul3A_229 = arith.constant 100 : i32
      %mul3A_230 = vector.broadcast %mul3A_229 : i32 to vector<16xi32>
      %mul3A_231 = arith.muli %get3A_215, %mul3A_230 : vector<16xi32>
      %add3A_232 = arith.constant 439680 : i32
      %add3A_233 = vector.broadcast %add3A_232 : i32 to vector<16xi32>
      %add3A_234 = arith.addi %add3A_233, %mul3A_231 : vector<16xi32>
      %add3A_235 = arith.addi %add3A_234, %get3A_212 : vector<16xi32>
      %swap3A_236 = arith.constant 0 : i32
      %swap3A_237 = arith.index_cast %swap3A_236 : i32 to index
      %swap3A_238 = arith.constant 64 : index
      %swap3A_239 = tpu.vector_load %arg11[%swap3A_237, %swap3A_238] {strides = array<i32>} : memref<6x128xi32, #tpu.memory_space<vmem>>, vector<1x16xi32>,
      %swap3A_240 = vector.shape_cast %swap3A_239 : vector<1x16xi32> to vector<16xi32>
      %swap3A_241 = vector.shape_cast %add3A_235 : vector<16xi32> to vector<1x16xi32>
      tpu.vector_store %arg11[%swap3A_237, %swap3A_238], %swap3A_241 {strides = array<i32>} : memref<6x128xi32, #tpu.memory_space<vmem>>, vector<1x16xi32>,
      %get3A_242 = arith.constant 80 : index
      %get3A_243 = tpu.vector_load %arg8[%get3A_242] {strides = array<i32>} : memref<768xi32, #tpu.memory_space<vmem>>, vector<16xi32>,
      %get3A_244 = vector.shape_cast %get3A_243 : vector<16xi32> to vector<16xi32>
      %get3A_245 = arith.constant 80 : index
      %get3A_246 = tpu.vector_load %arg9[%get3A_245] {strides = array<i32>} : memref<768xi32, #tpu.memory_space<vmem>>, vector<16xi32>,
      %get3A_247 = vector.shape_cast %get3A_246 : vector<16xi32> to vector<16xi32>
      %mul3A_248 = arith.constant 100 : i32
      %mul3A_249 = vector.broadcast %mul3A_248 : i32 to vector<16xi32>
      %mul3A_250 = arith.muli %get3A_244, %mul3A_249 : vector<16xi32>
      %add3A_251 = arith.constant 439576 : i32
      %add3A_252 = vector.broadcast %add3A_251 : i32 to vector<16xi32>
      %add3A_253 = arith.addi %add3A_252, %mul3A_250 : vector<16xi32>
      %add3A_254 = arith.addi %add3A_253, %get3A_247 : vector<16xi32>
      %swap3A_255 = arith.constant 0 : i32
      %swap3A_256 = arith.index_cast %swap3A_255 : i32 to index
      %swap3A_257 = arith.constant 80 : index
      %swap3A_258 = tpu.vector_load %arg10[%swap3A_256, %swap3A_257] {strides = array<i32>} : memref<6x128xi32, #tpu.memory_space<vmem>>, vector<1x16xi32>,
      %swap3A_259 = vector.shape_cast %swap3A_258 : vector<1x16xi32> to vector<16xi32>
      %swap3A_260 = vector.shape_cast %add3A_254 : vector<16xi32> to vector<1x16xi32>
      tpu.vector_store %arg10[%swap3A_256, %swap3A_257], %swap3A_260 {strides = array<i32>} : memref<6x128xi32, #tpu.memory_space<vmem>>, vector<1x16xi32>,
      %mul3A_261 = arith.constant 100 : i32
      %mul3A_262 = vector.broadcast %mul3A_261 : i32 to vector<16xi32>
      %mul3A_263 = arith.muli %get3A_247, %mul3A_262 : vector<16xi32>
      %add3A_264 = arith.constant 439680 : i32
      %add3A_265 = vector.broadcast %add3A_264 : i32 to vector<16xi32>
      %add3A_266 = arith.addi %add3A_265, %mul3A_263 : vector<16xi32>
      %add3A_267 = arith.addi %add3A_266, %get3A_244 : vector<16xi32>
      %swap3A_268 = arith.constant 0 : i32
      %swap3A_269 = arith.index_cast %swap3A_268 : i32 to index
      %swap3A_270 = arith.constant 80 : index
      %swap3A_271 = tpu.vector_load %arg11[%swap3A_269, %swap3A_270] {strides = array<i32>} : memref<6x128xi32, #tpu.memory_space<vmem>>, vector<1x16xi32>,
      %swap3A_272 = vector.shape_cast %swap3A_271 : vector<1x16xi32> to vector<16xi32>
      %swap3A_273 = vector.shape_cast %add3A_267 : vector<16xi32> to vector<1x16xi32>
      tpu.vector_store %arg11[%swap3A_269, %swap3A_270], %swap3A_273 {strides = array<i32>} : memref<6x128xi32, #tpu.memory_space<vmem>>, vector<1x16xi32>,
      %get3A_274 = arith.constant 96 : index
      %get3A_275 = tpu.vector_load %arg8[%get3A_274] {strides = array<i32>} : memref<768xi32, #tpu.memory_space<vmem>>, vector<16xi32>,
      %get3A_276 = vector.shape_cast %get3A_275 : vector<16xi32> to vector<16xi32>
      %get3A_277 = arith.constant 96 : index
      %get3A_278 = tpu.vector_load %arg9[%get3A_277] {strides = array<i32>} : memref<768xi32, #tpu.memory_space<vmem>>, vector<16xi32>,
      %get3A_279 = vector.shape_cast %get3A_278 : vector<16xi32> to vector<16xi32>
      %mul3A_280 = arith.constant 100 : i32
      %mul3A_281 = vector.broadcast %mul3A_280 : i32 to vector<16xi32>
      %mul3A_282 = arith.muli %get3A_276, %mul3A_281 : vector<16xi32>
      %add3A_283 = arith.constant 439576 : i32
      %add3A_284 = vector.broadcast %add3A_283 : i32 to vector<16xi32>
      %add3A_285 = arith.addi %add3A_284, %mul3A_282 : vector<16xi32>
      %add3A_286 = arith.addi %add3A_285, %get3A_279 : vector<16xi32>
      %swap3A_287 = arith.constant 0 : i32
      %swap3A_288 = arith.index_cast %swap3A_287 : i32 to index
      %swap3A_289 = arith.constant 96 : index
      %swap3A_290 = tpu.vector_load %arg10[%swap3A_288, %swap3A_289] {strides = array<i32>} : memref<6x128xi32, #tpu.memory_space<vmem>>, vector<1x16xi32>,
      %swap3A_291 = vector.shape_cast %swap3A_290 : vector<1x16xi32> to vector<16xi32>
      %swap3A_292 = vector.shape_cast %add3A_286 : vector<16xi32> to vector<1x16xi32>
      tpu.vector_store %arg10[%swap3A_288, %swap3A_289], %swap3A_292 {strides = array<i32>} : memref<6x128xi32, #tpu.memory_space<vmem>>, vector<1x16xi32>,
      %mul3A_293 = arith.constant 100 : i32
      %mul3A_294 = vector.broadcast %mul3A_293 : i32 to vector<16xi32>
      %mul3A_295 = arith.muli %get3A_279, %mul3A_294 : vector<16xi32>
      %add3A_296 = arith.constant 439680 : i32
      %add3A_297 = vector.broadcast %add3A_296 : i32 to vector<16xi32>
      %add3A_298 = arith.addi %add3A_297, %mul3A_295 : vector<16xi32>
      %add3A_299 = arith.addi %add3A_298, %get3A_276 : vector<16xi32>
      %swap3A_300 = arith.constant 0 : i32
      %swap3A_301 = arith.index_cast %swap3A_300 : i32 to index
      %swap3A_302 = arith.constant 96 : index
      %swap3A_303 = tpu.vector_load %arg11[%swap3A_301, %swap3A_302] {strides = array<i32>} : memref<6x128xi32, #tpu.memory_space<vmem>>, vector<1x16xi32>,
      %swap3A_304 = vector.shape_cast %swap3A_303 : vector<1x16xi32> to vector<16xi32>
      %swap3A_305 = vector.shape_cast %add3A_299 : vector<16xi32> to vector<1x16xi32>
      tpu.vector_store %arg11[%swap3A_301, %swap3A_302], %swap3A_305 {strides = array<i32>} : memref<6x128xi32, #tpu.memory_space<vmem>>, vector<1x16xi32>,
      %get3A_306 = arith.constant 112 : index
      %get3A_307 = tpu.vector_load %arg8[%get3A_306] {strides = array<i32>} : memref<768xi32, #tpu.memory_space<vmem>>, vector<16xi32>,
      %get3A_308 = vector.shape_cast %get3A_307 : vector<16xi32> to vector<16xi32>
      %get3A_309 = arith.constant 112 : index
      %get3A_310 = tpu.vector_load %arg9[%get3A_309] {strides = array<i32>} : memref<768xi32, #tpu.memory_space<vmem>>, vector<16xi32>,
      %get3A_311 = vector.shape_cast %get3A_310 : vector<16xi32> to vector<16xi32>
      %mul3A_312 = arith.constant 100 : i32
      %mul3A_313 = vector.broadcast %mul3A_312 : i32 to vector<16xi32>
      %mul3A_314 = arith.muli %get3A_308, %mul3A_313 : vector<16xi32>
      %add3A_315 = arith.constant 439576 : i32
      %add3A_316 = vector.broadcast %add3A_315 : i32 to vector<16xi32>
      %add3A_317 = arith.addi %add3A_316, %mul3A_314 : vector<16xi32>
      %add3A_318 = arith.addi %add3A_317, %get3A_311 : vector<16xi32>
      %swap3A_319 = arith.constant 0 : i32
      %swap3A_320 = arith.index_cast %swap3A_319 : i32 to index
      %swap3A_321 = arith.constant 112 : index
      %swap3A_322 = tpu.vector_load %arg10[%swap3A_320, %swap3A_321] {strides = array<i32>} : memref<6x128xi32, #tpu.memory_space<vmem>>, vector<1x16xi32>,
      %swap3A_323 = vector.shape_cast %swap3A_322 : vector<1x16xi32> to vector<16xi32>
      %swap3A_324 = vector.shape_cast %add3A_318 : vector<16xi32> to vector<1x16xi32>
      tpu.vector_store %arg10[%swap3A_320, %swap3A_321], %swap3A_324 {strides = array<i32>} : memref<6x128xi32, #tpu.memory_space<vmem>>, vector<1x16xi32>,
      %mul3A_325 = arith.constant 100 : i32
      %mul3A_326 = vector.broadcast %mul3A_325 : i32 to vector<16xi32>
      %mul3A_327 = arith.muli %get3A_311, %mul3A_326 : vector<16xi32>
      %add3A_328 = arith.constant 439680 : i32
      %add3A_329 = vector.broadcast %add3A_328 : i32 to vector<16xi32>
      %add3A_330 = arith.addi %add3A_329, %mul3A_327 : vector<16xi32>
      %add3A_331 = arith.addi %add3A_330, %get3A_308 : vector<16xi32>
      %swap3A_332 = arith.constant 0 : i32
      %swap3A_333 = arith.index_cast %swap3A_332 : i32 to index
      %swap3A_334 = arith.constant 112 : index
      %swap3A_335 = tpu.vector_load %arg11[%swap3A_333, %swap3A_334] {strides = array<i32>} : memref<6x128xi32, #tpu.memory_space<vmem>>, vector<1x16xi32>,
      %swap3A_336 = vector.shape_cast %swap3A_335 : vector<1x16xi32> to vector<16xi32>
      %swap3A_337 = vector.shape_cast %add3A_331 : vector<16xi32> to vector<1x16xi32>
      tpu.vector_store %arg11[%swap3A_333, %swap3A_334], %swap3A_337 {strides = array<i32>} : memref<6x128xi32, #tpu.memory_space<vmem>>, vector<1x16xi32>,
      %dma_wait3A_338 = arith.constant 0 : i32
      %dma_wait3A_339 = tpu.memref_slice %arg13[%dma_wait3A_338] : memref<27480xf32, #tpu.memory_space<vmem>> -> memref<632xf32, #tpu.memory_space<vmem>>
      %dma_wait3A_340 = tpu.memref_slice %arg4[%mul3A_35] : memref<10112xf32, #tpu.memory_space<hbm>> -> memref<632xf32, #tpu.memory_space<hbm>>
      %dma_wait3A_341 = arith.constant 0 : i32
      %dma_wait3A_342 = tpu.memref_slice %arg13[%dma_wait3A_341] : memref<27480xf32, #tpu.memory_space<vmem>> -> memref<632xf32, #tpu.memory_space<vmem>>
      %dma_wait3A_343 = tpu.memref_slice %arg4[%mul3A_35] : memref<10112xf32, #tpu.memory_space<hbm>> -> memref<632xf32, #tpu.memory_space<hbm>>
      tpu.wait_dma2 semaphore(%arg19 : memref<!tpu.dma_semaphore, #tpu.memory_space<semaphore_mem>>) src(%dma_wait3A_343 : memref<632xf32, #tpu.memory_space<hbm>>) dst(%dma_wait3A_342 : memref<632xf32, #tpu.memory_space<vmem>>)
      %dma_start3A_344 = arith.constant 0 : i32
      %dma_start3A_345 = tpu.memref_slice %arg13[%dma_start3A_344] : memref<27480xf32, #tpu.memory_space<vmem>> -> memref<632xf32, #tpu.memory_space<vmem>>
      %dma_start3A_346 = tpu.memref_slice %arg16[%add3A_39] : memref<449688xf32, #tpu.memory_space<vmem_shared>> -> memref<632xf32, #tpu.memory_space<vmem_shared>>
      %dma_start3A_347 = tpu.memref_slice %arg16[%add3A_39] : memref<449688xf32, #tpu.memory_space<vmem_shared>> -> memref<632xf32, #tpu.memory_space<vmem_shared>>
      %dma_start3A_348 = arith.constant 0 : i32
      %dma_start3A_349 = tpu.memref_slice %arg13[%dma_start3A_348] : memref<27480xf32, #tpu.memory_space<vmem>> -> memref<632xf32, #tpu.memory_space<vmem>>
      tpu.enqueue_dma source(%dma_start3A_349 : memref<632xf32, #tpu.memory_space<vmem>>) target(%dma_start3A_347 : memref<632xf32, #tpu.memory_space<vmem_shared>>) target_semaphore(%arg19 : memref<!tpu.dma_semaphore, #tpu.memory_space<semaphore_mem>>)
      %dma_wait3A_350 = arith.constant 0 : i32
      %dma_wait3A_351 = tpu.memref_slice %arg14[%dma_wait3A_350] : memref<27648xf32, #tpu.memory_space<vmem>> -> memref<632xf32, #tpu.memory_space<vmem>>
      %dma_wait3A_352 = tpu.memref_slice %arg15[%add3A_33] : memref<449792xf32, #tpu.memory_space<vmem_shared>> -> memref<632xf32, #tpu.memory_space<vmem_shared>>
      %dma_wait3A_353 = tpu.memref_slice %arg15[%add3A_33] : memref<449792xf32, #tpu.memory_space<vmem_shared>> -> memref<632xf32, #tpu.memory_space<vmem_shared>>
      %dma_wait3A_354 = arith.constant 0 : i32
      %dma_wait3A_355 = tpu.memref_slice %arg14[%dma_wait3A_354] : memref<27648xf32, #tpu.memory_space<vmem>> -> memref<632xf32, #tpu.memory_space<vmem>>
      tpu.wait_dma2 semaphore(%arg18 : memref<!tpu.dma_semaphore, #tpu.memory_space<semaphore_mem>>) src(%dma_wait3A_355 : memref<632xf32, #tpu.memory_space<vmem>>) dst(%dma_wait3A_353 : memref<632xf32, #tpu.memory_space<vmem_shared>>)
      %dma_wait3A_356 = arith.constant 0 : i32
      %dma_wait3A_357 = tpu.memref_slice %arg13[%dma_wait3A_356] : memref<27480xf32, #tpu.memory_space<vmem>> -> memref<632xf32, #tpu.memory_space<vmem>>
      %dma_wait3A_358 = tpu.memref_slice %arg16[%add3A_39] : memref<449688xf32, #tpu.memory_space<vmem_shared>> -> memref<632xf32, #tpu.memory_space<vmem_shared>>
      %dma_wait3A_359 = tpu.memref_slice %arg16[%add3A_39] : memref<449688xf32, #tpu.memory_space<vmem_shared>> -> memref<632xf32, #tpu.memory_space<vmem_shared>>
      %dma_wait3A_360 = arith.constant 0 : i32
      %dma_wait3A_361 = tpu.memref_slice %arg13[%dma_wait3A_360] : memref<27480xf32, #tpu.memory_space<vmem>> -> memref<632xf32, #tpu.memory_space<vmem>>
      tpu.wait_dma2 semaphore(%arg19 : memref<!tpu.dma_semaphore, #tpu.memory_space<semaphore_mem>>) src(%dma_wait3A_361 : memref<632xf32, #tpu.memory_space<vmem>>) dst(%dma_wait3A_359 : memref<632xf32, #tpu.memory_space<vmem_shared>>)
    } else {
    }
    "tpu.trace_stop"() : () -> ()
    "tpu.trace_start"() <{level = 10 : i32, message = "sc_bar1"}> : () -> ()
    %barrier3A = arith.constant 0 : index
    tpu.barrier barrier_id(%barrier3A)
    %eq3A_7 = arith.constant 0 : i32
    "tpu.trace_stop"() : () -> ()
    "tpu.trace_start"() <{level = 10 : i32, message = "sc_gsc"}> : () -> ()
    %eq3A_8 = arith.cmpi eq, %arg0, %eq3A_7 : i32
    %convert_element_type3A_9 = arith.extui %eq3A_8 : i1 to i32
    %cond3A_10 = arith.constant 0 : i32
    %cond3A_11 = arith.cmpi ne, %convert_element_type3A_9, %cond3A_10 : i32
    scf.if %cond3A_11 {
      %dma_start3A = arith.constant 0 : i32
      %dma_start3A_28 = arith.constant 0 : i32
      %dma_start3A_29 = arith.constant 0 : i32
      %dma_start3A_30 = tpu.memref_slice %arg12[%dma_start3A_28, %dma_start3A_29] : memref<6x128xf32, #tpu.memory_space<vmem>> -> memref<1x128xf32, #tpu.memory_space<vmem>>
      %dma_start3A_31 = tpu.memref_squeeze %dma_start3A_30 : memref<1x128xf32, #tpu.memory_space<vmem>> -> memref<128xf32, #tpu.memory_space<vmem>>
      %dma_start3A_32 = arith.constant 0 : i32
      %dma_start3A_33 = tpu.memref_slice %arg10[%dma_start3A, %dma_start3A_32] : memref<6x128xi32, #tpu.memory_space<vmem>> -> memref<1x128xi32, #tpu.memory_space<vmem>>
      %dma_start3A_34 = tpu.memref_squeeze %dma_start3A_33 : memref<1x128xi32, #tpu.memory_space<vmem>> -> memref<128xi32, #tpu.memory_space<vmem>>
      %dma_start3A_35 = arith.constant 0 : i32
      %dma_start3A_36 = tpu.memref_slice %arg16[%dma_start3A_35] : memref<449688xf32, #tpu.memory_space<vmem_shared>> -> memref<449688xf32, #tpu.memory_space<vmem_shared>>
      tpu.enqueue_indirect_dma source(%dma_start3A_36 : memref<449688xf32, #tpu.memory_space<vmem_shared>>) target(%dma_start3A_31 : memref<128xf32, #tpu.memory_space<vmem>>) offsets(%dma_start3A_34 : memref<128xi32, #tpu.memory_space<vmem>>) semaphore(%arg20 : memref<!tpu.dma_semaphore, #tpu.memory_space<semaphore_mem>>)
      %dma_start3A_37 = arith.constant 1 : i32
      %dma_start3A_38 = arith.constant 1 : i32
      %dma_start3A_39 = arith.constant 0 : i32
      %dma_start3A_40 = tpu.memref_slice %arg12[%dma_start3A_38, %dma_start3A_39] : memref<6x128xf32, #tpu.memory_space<vmem>> -> memref<1x128xf32, #tpu.memory_space<vmem>>
      %dma_start3A_41 = tpu.memref_squeeze %dma_start3A_40 : memref<1x128xf32, #tpu.memory_space<vmem>> -> memref<128xf32, #tpu.memory_space<vmem>>
      %dma_start3A_42 = arith.constant 0 : i32
      %dma_start3A_43 = tpu.memref_slice %arg10[%dma_start3A_37, %dma_start3A_42] : memref<6x128xi32, #tpu.memory_space<vmem>> -> memref<1x128xi32, #tpu.memory_space<vmem>>
      %dma_start3A_44 = tpu.memref_squeeze %dma_start3A_43 : memref<1x128xi32, #tpu.memory_space<vmem>> -> memref<128xi32, #tpu.memory_space<vmem>>
      %dma_start3A_45 = arith.constant 0 : i32
      %dma_start3A_46 = tpu.memref_slice %arg16[%dma_start3A_45] : memref<449688xf32, #tpu.memory_space<vmem_shared>> -> memref<449688xf32, #tpu.memory_space<vmem_shared>>
      tpu.enqueue_indirect_dma source(%dma_start3A_46 : memref<449688xf32, #tpu.memory_space<vmem_shared>>) target(%dma_start3A_41 : memref<128xf32, #tpu.memory_space<vmem>>) offsets(%dma_start3A_44 : memref<128xi32, #tpu.memory_space<vmem>>) semaphore(%arg20 : memref<!tpu.dma_semaphore, #tpu.memory_space<semaphore_mem>>)
      %dma_start3A_47 = arith.constant 2 : i32
      %dma_start3A_48 = arith.constant 2 : i32
      %dma_start3A_49 = arith.constant 0 : i32
      %dma_start3A_50 = tpu.memref_slice %arg12[%dma_start3A_48, %dma_start3A_49] : memref<6x128xf32, #tpu.memory_space<vmem>> -> memref<1x128xf32, #tpu.memory_space<vmem>>
      %dma_start3A_51 = tpu.memref_squeeze %dma_start3A_50 : memref<1x128xf32, #tpu.memory_space<vmem>> -> memref<128xf32, #tpu.memory_space<vmem>>
      %dma_start3A_52 = arith.constant 0 : i32
      %dma_start3A_53 = tpu.memref_slice %arg10[%dma_start3A_47, %dma_start3A_52] : memref<6x128xi32, #tpu.memory_space<vmem>> -> memref<1x128xi32, #tpu.memory_space<vmem>>
      %dma_start3A_54 = tpu.memref_squeeze %dma_start3A_53 : memref<1x128xi32, #tpu.memory_space<vmem>> -> memref<128xi32, #tpu.memory_space<vmem>>
      %dma_start3A_55 = arith.constant 0 : i32
      %dma_start3A_56 = tpu.memref_slice %arg16[%dma_start3A_55] : memref<449688xf32, #tpu.memory_space<vmem_shared>> -> memref<449688xf32, #tpu.memory_space<vmem_shared>>
      tpu.enqueue_indirect_dma source(%dma_start3A_56 : memref<449688xf32, #tpu.memory_space<vmem_shared>>) target(%dma_start3A_51 : memref<128xf32, #tpu.memory_space<vmem>>) offsets(%dma_start3A_54 : memref<128xi32, #tpu.memory_space<vmem>>) semaphore(%arg20 : memref<!tpu.dma_semaphore, #tpu.memory_space<semaphore_mem>>)
      %dma_start3A_57 = arith.constant 3 : i32
      %dma_start3A_58 = arith.constant 3 : i32
      %dma_start3A_59 = arith.constant 0 : i32
      %dma_start3A_60 = tpu.memref_slice %arg12[%dma_start3A_58, %dma_start3A_59] : memref<6x128xf32, #tpu.memory_space<vmem>> -> memref<1x128xf32, #tpu.memory_space<vmem>>
      %dma_start3A_61 = tpu.memref_squeeze %dma_start3A_60 : memref<1x128xf32, #tpu.memory_space<vmem>> -> memref<128xf32, #tpu.memory_space<vmem>>
      %dma_start3A_62 = arith.constant 0 : i32
      %dma_start3A_63 = tpu.memref_slice %arg10[%dma_start3A_57, %dma_start3A_62] : memref<6x128xi32, #tpu.memory_space<vmem>> -> memref<1x128xi32, #tpu.memory_space<vmem>>
      %dma_start3A_64 = tpu.memref_squeeze %dma_start3A_63 : memref<1x128xi32, #tpu.memory_space<vmem>> -> memref<128xi32, #tpu.memory_space<vmem>>
      %dma_start3A_65 = arith.constant 0 : i32
      %dma_start3A_66 = tpu.memref_slice %arg16[%dma_start3A_65] : memref<449688xf32, #tpu.memory_space<vmem_shared>> -> memref<449688xf32, #tpu.memory_space<vmem_shared>>
      tpu.enqueue_indirect_dma source(%dma_start3A_66 : memref<449688xf32, #tpu.memory_space<vmem_shared>>) target(%dma_start3A_61 : memref<128xf32, #tpu.memory_space<vmem>>) offsets(%dma_start3A_64 : memref<128xi32, #tpu.memory_space<vmem>>) semaphore(%arg20 : memref<!tpu.dma_semaphore, #tpu.memory_space<semaphore_mem>>)
      %dma_start3A_67 = arith.constant 4 : i32
      %dma_start3A_68 = arith.constant 4 : i32
      %dma_start3A_69 = arith.constant 0 : i32
      %dma_start3A_70 = tpu.memref_slice %arg12[%dma_start3A_68, %dma_start3A_69] : memref<6x128xf32, #tpu.memory_space<vmem>> -> memref<1x128xf32, #tpu.memory_space<vmem>>
      %dma_start3A_71 = tpu.memref_squeeze %dma_start3A_70 : memref<1x128xf32, #tpu.memory_space<vmem>> -> memref<128xf32, #tpu.memory_space<vmem>>
      %dma_start3A_72 = arith.constant 0 : i32
      %dma_start3A_73 = tpu.memref_slice %arg10[%dma_start3A_67, %dma_start3A_72] : memref<6x128xi32, #tpu.memory_space<vmem>> -> memref<1x128xi32, #tpu.memory_space<vmem>>
      %dma_start3A_74 = tpu.memref_squeeze %dma_start3A_73 : memref<1x128xi32, #tpu.memory_space<vmem>> -> memref<128xi32, #tpu.memory_space<vmem>>
      %dma_start3A_75 = arith.constant 0 : i32
      %dma_start3A_76 = tpu.memref_slice %arg16[%dma_start3A_75] : memref<449688xf32, #tpu.memory_space<vmem_shared>> -> memref<449688xf32, #tpu.memory_space<vmem_shared>>
      tpu.enqueue_indirect_dma source(%dma_start3A_76 : memref<449688xf32, #tpu.memory_space<vmem_shared>>) target(%dma_start3A_71 : memref<128xf32, #tpu.memory_space<vmem>>) offsets(%dma_start3A_74 : memref<128xi32, #tpu.memory_space<vmem>>) semaphore(%arg20 : memref<!tpu.dma_semaphore, #tpu.memory_space<semaphore_mem>>)
      %dma_start3A_77 = arith.constant 5 : i32
      %dma_start3A_78 = arith.constant 5 : i32
      %dma_start3A_79 = arith.constant 0 : i32
      %dma_start3A_80 = tpu.memref_slice %arg12[%dma_start3A_78, %dma_start3A_79] : memref<6x128xf32, #tpu.memory_space<vmem>> -> memref<1x128xf32, #tpu.memory_space<vmem>>
      %dma_start3A_81 = tpu.memref_squeeze %dma_start3A_80 : memref<1x128xf32, #tpu.memory_space<vmem>> -> memref<128xf32, #tpu.memory_space<vmem>>
      %dma_start3A_82 = arith.constant 0 : i32
      %dma_start3A_83 = tpu.memref_slice %arg10[%dma_start3A_77, %dma_start3A_82] : memref<6x128xi32, #tpu.memory_space<vmem>> -> memref<1x128xi32, #tpu.memory_space<vmem>>
      %dma_start3A_84 = tpu.memref_squeeze %dma_start3A_83 : memref<1x128xi32, #tpu.memory_space<vmem>> -> memref<128xi32, #tpu.memory_space<vmem>>
      %dma_start3A_85 = arith.constant 0 : i32
      %dma_start3A_86 = tpu.memref_slice %arg16[%dma_start3A_85] : memref<449688xf32, #tpu.memory_space<vmem_shared>> -> memref<449688xf32, #tpu.memory_space<vmem_shared>>
      tpu.enqueue_indirect_dma source(%dma_start3A_86 : memref<449688xf32, #tpu.memory_space<vmem_shared>>) target(%dma_start3A_81 : memref<128xf32, #tpu.memory_space<vmem>>) offsets(%dma_start3A_84 : memref<128xi32, #tpu.memory_space<vmem>>) semaphore(%arg20 : memref<!tpu.dma_semaphore, #tpu.memory_space<semaphore_mem>>)
      %dma_wait3A = arith.constant 0 : i32
      %dma_wait3A_87 = arith.constant 0 : i32
      %dma_wait3A_88 = arith.constant 0 : i32
      %dma_wait3A_89 = tpu.memref_slice %arg12[%dma_wait3A_87, %dma_wait3A_88] : memref<6x128xf32, #tpu.memory_space<vmem>> -> memref<1x128xf32, #tpu.memory_space<vmem>>
      %dma_wait3A_90 = tpu.memref_squeeze %dma_wait3A_89 : memref<1x128xf32, #tpu.memory_space<vmem>> -> memref<128xf32, #tpu.memory_space<vmem>>
      %dma_wait3A_91 = arith.constant 0 : i32
      %dma_wait3A_92 = tpu.memref_slice %arg10[%dma_wait3A, %dma_wait3A_91] : memref<6x128xi32, #tpu.memory_space<vmem>> -> memref<1x128xi32, #tpu.memory_space<vmem>>
      %dma_wait3A_93 = tpu.memref_squeeze %dma_wait3A_92 : memref<1x128xi32, #tpu.memory_space<vmem>> -> memref<128xi32, #tpu.memory_space<vmem>>
      %dma_wait3A_94 = arith.constant 0 : i32
      %dma_wait3A_95 = tpu.memref_slice %arg16[%dma_wait3A_94] : memref<449688xf32, #tpu.memory_space<vmem_shared>> -> memref<449688xf32, #tpu.memory_space<vmem_shared>>
      tpu.wait_indirect_dma semaphore(%arg20 : memref<!tpu.dma_semaphore, #tpu.memory_space<semaphore_mem>>) src(%dma_wait3A_95 : memref<449688xf32, #tpu.memory_space<vmem_shared>>) dst(%dma_wait3A_90 : memref<128xf32, #tpu.memory_space<vmem>>)
      %dma_wait3A_96 = arith.constant 1 : i32
      %dma_wait3A_97 = arith.constant 1 : i32
      %dma_wait3A_98 = arith.constant 0 : i32
      %dma_wait3A_99 = tpu.memref_slice %arg12[%dma_wait3A_97, %dma_wait3A_98] : memref<6x128xf32, #tpu.memory_space<vmem>> -> memref<1x128xf32, #tpu.memory_space<vmem>>
      %dma_wait3A_100 = tpu.memref_squeeze %dma_wait3A_99 : memref<1x128xf32, #tpu.memory_space<vmem>> -> memref<128xf32, #tpu.memory_space<vmem>>
      %dma_wait3A_101 = arith.constant 0 : i32
      %dma_wait3A_102 = tpu.memref_slice %arg10[%dma_wait3A_96, %dma_wait3A_101] : memref<6x128xi32, #tpu.memory_space<vmem>> -> memref<1x128xi32, #tpu.memory_space<vmem>>
      %dma_wait3A_103 = tpu.memref_squeeze %dma_wait3A_102 : memref<1x128xi32, #tpu.memory_space<vmem>> -> memref<128xi32, #tpu.memory_space<vmem>>
      %dma_wait3A_104 = arith.constant 0 : i32
      %dma_wait3A_105 = tpu.memref_slice %arg16[%dma_wait3A_104] : memref<449688xf32, #tpu.memory_space<vmem_shared>> -> memref<449688xf32, #tpu.memory_space<vmem_shared>>
      tpu.wait_indirect_dma semaphore(%arg20 : memref<!tpu.dma_semaphore, #tpu.memory_space<semaphore_mem>>) src(%dma_wait3A_105 : memref<449688xf32, #tpu.memory_space<vmem_shared>>) dst(%dma_wait3A_100 : memref<128xf32, #tpu.memory_space<vmem>>)
      %dma_wait3A_106 = arith.constant 2 : i32
      %dma_wait3A_107 = arith.constant 2 : i32
      %dma_wait3A_108 = arith.constant 0 : i32
      %dma_wait3A_109 = tpu.memref_slice %arg12[%dma_wait3A_107, %dma_wait3A_108] : memref<6x128xf32, #tpu.memory_space<vmem>> -> memref<1x128xf32, #tpu.memory_space<vmem>>
      %dma_wait3A_110 = tpu.memref_squeeze %dma_wait3A_109 : memref<1x128xf32, #tpu.memory_space<vmem>> -> memref<128xf32, #tpu.memory_space<vmem>>
      %dma_wait3A_111 = arith.constant 0 : i32
      %dma_wait3A_112 = tpu.memref_slice %arg10[%dma_wait3A_106, %dma_wait3A_111] : memref<6x128xi32, #tpu.memory_space<vmem>> -> memref<1x128xi32, #tpu.memory_space<vmem>>
      %dma_wait3A_113 = tpu.memref_squeeze %dma_wait3A_112 : memref<1x128xi32, #tpu.memory_space<vmem>> -> memref<128xi32, #tpu.memory_space<vmem>>
      %dma_wait3A_114 = arith.constant 0 : i32
      %dma_wait3A_115 = tpu.memref_slice %arg16[%dma_wait3A_114] : memref<449688xf32, #tpu.memory_space<vmem_shared>> -> memref<449688xf32, #tpu.memory_space<vmem_shared>>
      tpu.wait_indirect_dma semaphore(%arg20 : memref<!tpu.dma_semaphore, #tpu.memory_space<semaphore_mem>>) src(%dma_wait3A_115 : memref<449688xf32, #tpu.memory_space<vmem_shared>>) dst(%dma_wait3A_110 : memref<128xf32, #tpu.memory_space<vmem>>)
      %dma_wait3A_116 = arith.constant 3 : i32
      %dma_wait3A_117 = arith.constant 3 : i32
      %dma_wait3A_118 = arith.constant 0 : i32
      %dma_wait3A_119 = tpu.memref_slice %arg12[%dma_wait3A_117, %dma_wait3A_118] : memref<6x128xf32, #tpu.memory_space<vmem>> -> memref<1x128xf32, #tpu.memory_space<vmem>>
      %dma_wait3A_120 = tpu.memref_squeeze %dma_wait3A_119 : memref<1x128xf32, #tpu.memory_space<vmem>> -> memref<128xf32, #tpu.memory_space<vmem>>
      %dma_wait3A_121 = arith.constant 0 : i32
      %dma_wait3A_122 = tpu.memref_slice %arg10[%dma_wait3A_116, %dma_wait3A_121] : memref<6x128xi32, #tpu.memory_space<vmem>> -> memref<1x128xi32, #tpu.memory_space<vmem>>
      %dma_wait3A_123 = tpu.memref_squeeze %dma_wait3A_122 : memref<1x128xi32, #tpu.memory_space<vmem>> -> memref<128xi32, #tpu.memory_space<vmem>>
      %dma_wait3A_124 = arith.constant 0 : i32
      %dma_wait3A_125 = tpu.memref_slice %arg16[%dma_wait3A_124] : memref<449688xf32, #tpu.memory_space<vmem_shared>> -> memref<449688xf32, #tpu.memory_space<vmem_shared>>
      tpu.wait_indirect_dma semaphore(%arg20 : memref<!tpu.dma_semaphore, #tpu.memory_space<semaphore_mem>>) src(%dma_wait3A_125 : memref<449688xf32, #tpu.memory_space<vmem_shared>>) dst(%dma_wait3A_120 : memref<128xf32, #tpu.memory_space<vmem>>)
      %dma_wait3A_126 = arith.constant 4 : i32
      %dma_wait3A_127 = arith.constant 4 : i32
      %dma_wait3A_128 = arith.constant 0 : i32
      %dma_wait3A_129 = tpu.memref_slice %arg12[%dma_wait3A_127, %dma_wait3A_128] : memref<6x128xf32, #tpu.memory_space<vmem>> -> memref<1x128xf32, #tpu.memory_space<vmem>>
      %dma_wait3A_130 = tpu.memref_squeeze %dma_wait3A_129 : memref<1x128xf32, #tpu.memory_space<vmem>> -> memref<128xf32, #tpu.memory_space<vmem>>
      %dma_wait3A_131 = arith.constant 0 : i32
      %dma_wait3A_132 = tpu.memref_slice %arg10[%dma_wait3A_126, %dma_wait3A_131] : memref<6x128xi32, #tpu.memory_space<vmem>> -> memref<1x128xi32, #tpu.memory_space<vmem>>
      %dma_wait3A_133 = tpu.memref_squeeze %dma_wait3A_132 : memref<1x128xi32, #tpu.memory_space<vmem>> -> memref<128xi32, #tpu.memory_space<vmem>>
      %dma_wait3A_134 = arith.constant 0 : i32
      %dma_wait3A_135 = tpu.memref_slice %arg16[%dma_wait3A_134] : memref<449688xf32, #tpu.memory_space<vmem_shared>> -> memref<449688xf32, #tpu.memory_space<vmem_shared>>
      tpu.wait_indirect_dma semaphore(%arg20 : memref<!tpu.dma_semaphore, #tpu.memory_space<semaphore_mem>>) src(%dma_wait3A_135 : memref<449688xf32, #tpu.memory_space<vmem_shared>>) dst(%dma_wait3A_130 : memref<128xf32, #tpu.memory_space<vmem>>)
      %dma_wait3A_136 = arith.constant 5 : i32
      %dma_wait3A_137 = arith.constant 5 : i32
      %dma_wait3A_138 = arith.constant 0 : i32
      %dma_wait3A_139 = tpu.memref_slice %arg12[%dma_wait3A_137, %dma_wait3A_138] : memref<6x128xf32, #tpu.memory_space<vmem>> -> memref<1x128xf32, #tpu.memory_space<vmem>>
      %dma_wait3A_140 = tpu.memref_squeeze %dma_wait3A_139 : memref<1x128xf32, #tpu.memory_space<vmem>> -> memref<128xf32, #tpu.memory_space<vmem>>
      %dma_wait3A_141 = arith.constant 0 : i32
      %dma_wait3A_142 = tpu.memref_slice %arg10[%dma_wait3A_136, %dma_wait3A_141] : memref<6x128xi32, #tpu.memory_space<vmem>> -> memref<1x128xi32, #tpu.memory_space<vmem>>
      %dma_wait3A_143 = tpu.memref_squeeze %dma_wait3A_142 : memref<1x128xi32, #tpu.memory_space<vmem>> -> memref<128xi32, #tpu.memory_space<vmem>>
      %dma_wait3A_144 = arith.constant 0 : i32
      %dma_wait3A_145 = tpu.memref_slice %arg16[%dma_wait3A_144] : memref<449688xf32, #tpu.memory_space<vmem_shared>> -> memref<449688xf32, #tpu.memory_space<vmem_shared>>
      tpu.wait_indirect_dma semaphore(%arg20 : memref<!tpu.dma_semaphore, #tpu.memory_space<semaphore_mem>>) src(%dma_wait3A_145 : memref<449688xf32, #tpu.memory_space<vmem_shared>>) dst(%dma_wait3A_140 : memref<128xf32, #tpu.memory_space<vmem>>)
      %dma_start3A_146 = arith.constant 0 : i32
      %dma_start3A_147 = arith.constant 0 : i32
      %dma_start3A_148 = arith.constant 0 : i32
      %dma_start3A_149 = tpu.memref_slice %arg12[%dma_start3A_146, %dma_start3A_148] : memref<6x128xf32, #tpu.memory_space<vmem>> -> memref<1x128xf32, #tpu.memory_space<vmem>>
      %dma_start3A_150 = tpu.memref_squeeze %dma_start3A_149 : memref<1x128xf32, #tpu.memory_space<vmem>> -> memref<128xf32, #tpu.memory_space<vmem>>
      %dma_start3A_151 = arith.constant 0 : i32
      %dma_start3A_152 = tpu.memref_slice %arg11[%dma_start3A_147, %dma_start3A_151] : memref<6x128xi32, #tpu.memory_space<vmem>> -> memref<1x128xi32, #tpu.memory_space<vmem>>
      %dma_start3A_153 = tpu.memref_squeeze %dma_start3A_152 : memref<1x128xi32, #tpu.memory_space<vmem>> -> memref<128xi32, #tpu.memory_space<vmem>>
      %dma_start3A_154 = arith.constant 0 : i32
      %dma_start3A_155 = tpu.memref_slice %arg15[%dma_start3A_154] : memref<449792xf32, #tpu.memory_space<vmem_shared>> -> memref<449792xf32, #tpu.memory_space<vmem_shared>>
      tpu.enqueue_indirect_dma source(%dma_start3A_150 : memref<128xf32, #tpu.memory_space<vmem>>) target(%dma_start3A_155 : memref<449792xf32, #tpu.memory_space<vmem_shared>>) offsets(%dma_start3A_153 : memref<128xi32, #tpu.memory_space<vmem>>) semaphore(%arg21 : memref<!tpu.dma_semaphore, #tpu.memory_space<semaphore_mem>>) {add = true}
      %dma_start3A_156 = arith.constant 1 : i32
      %dma_start3A_157 = arith.constant 1 : i32
      %dma_start3A_158 = arith.constant 0 : i32
      %dma_start3A_159 = tpu.memref_slice %arg12[%dma_start3A_156, %dma_start3A_158] : memref<6x128xf32, #tpu.memory_space<vmem>> -> memref<1x128xf32, #tpu.memory_space<vmem>>
      %dma_start3A_160 = tpu.memref_squeeze %dma_start3A_159 : memref<1x128xf32, #tpu.memory_space<vmem>> -> memref<128xf32, #tpu.memory_space<vmem>>
      %dma_start3A_161 = arith.constant 0 : i32
      %dma_start3A_162 = tpu.memref_slice %arg11[%dma_start3A_157, %dma_start3A_161] : memref<6x128xi32, #tpu.memory_space<vmem>> -> memref<1x128xi32, #tpu.memory_space<vmem>>
      %dma_start3A_163 = tpu.memref_squeeze %dma_start3A_162 : memref<1x128xi32, #tpu.memory_space<vmem>> -> memref<128xi32, #tpu.memory_space<vmem>>
      %dma_start3A_164 = arith.constant 0 : i32
      %dma_start3A_165 = tpu.memref_slice %arg15[%dma_start3A_164] : memref<449792xf32, #tpu.memory_space<vmem_shared>> -> memref<449792xf32, #tpu.memory_space<vmem_shared>>
      tpu.enqueue_indirect_dma source(%dma_start3A_160 : memref<128xf32, #tpu.memory_space<vmem>>) target(%dma_start3A_165 : memref<449792xf32, #tpu.memory_space<vmem_shared>>) offsets(%dma_start3A_163 : memref<128xi32, #tpu.memory_space<vmem>>) semaphore(%arg21 : memref<!tpu.dma_semaphore, #tpu.memory_space<semaphore_mem>>) {add = true}
      %dma_start3A_166 = arith.constant 2 : i32
      %dma_start3A_167 = arith.constant 2 : i32
      %dma_start3A_168 = arith.constant 0 : i32
      %dma_start3A_169 = tpu.memref_slice %arg12[%dma_start3A_166, %dma_start3A_168] : memref<6x128xf32, #tpu.memory_space<vmem>> -> memref<1x128xf32, #tpu.memory_space<vmem>>
      %dma_start3A_170 = tpu.memref_squeeze %dma_start3A_169 : memref<1x128xf32, #tpu.memory_space<vmem>> -> memref<128xf32, #tpu.memory_space<vmem>>
      %dma_start3A_171 = arith.constant 0 : i32
      %dma_start3A_172 = tpu.memref_slice %arg11[%dma_start3A_167, %dma_start3A_171] : memref<6x128xi32, #tpu.memory_space<vmem>> -> memref<1x128xi32, #tpu.memory_space<vmem>>
      %dma_start3A_173 = tpu.memref_squeeze %dma_start3A_172 : memref<1x128xi32, #tpu.memory_space<vmem>> -> memref<128xi32, #tpu.memory_space<vmem>>
      %dma_start3A_174 = arith.constant 0 : i32
      %dma_start3A_175 = tpu.memref_slice %arg15[%dma_start3A_174] : memref<449792xf32, #tpu.memory_space<vmem_shared>> -> memref<449792xf32, #tpu.memory_space<vmem_shared>>
      tpu.enqueue_indirect_dma source(%dma_start3A_170 : memref<128xf32, #tpu.memory_space<vmem>>) target(%dma_start3A_175 : memref<449792xf32, #tpu.memory_space<vmem_shared>>) offsets(%dma_start3A_173 : memref<128xi32, #tpu.memory_space<vmem>>) semaphore(%arg21 : memref<!tpu.dma_semaphore, #tpu.memory_space<semaphore_mem>>) {add = true}
      %dma_start3A_176 = arith.constant 3 : i32
      %dma_start3A_177 = arith.constant 3 : i32
      %dma_start3A_178 = arith.constant 0 : i32
      %dma_start3A_179 = tpu.memref_slice %arg12[%dma_start3A_176, %dma_start3A_178] : memref<6x128xf32, #tpu.memory_space<vmem>> -> memref<1x128xf32, #tpu.memory_space<vmem>>
      %dma_start3A_180 = tpu.memref_squeeze %dma_start3A_179 : memref<1x128xf32, #tpu.memory_space<vmem>> -> memref<128xf32, #tpu.memory_space<vmem>>
      %dma_start3A_181 = arith.constant 0 : i32
      %dma_start3A_182 = tpu.memref_slice %arg11[%dma_start3A_177, %dma_start3A_181] : memref<6x128xi32, #tpu.memory_space<vmem>> -> memref<1x128xi32, #tpu.memory_space<vmem>>
      %dma_start3A_183 = tpu.memref_squeeze %dma_start3A_182 : memref<1x128xi32, #tpu.memory_space<vmem>> -> memref<128xi32, #tpu.memory_space<vmem>>
      %dma_start3A_184 = arith.constant 0 : i32
      %dma_start3A_185 = tpu.memref_slice %arg15[%dma_start3A_184] : memref<449792xf32, #tpu.memory_space<vmem_shared>> -> memref<449792xf32, #tpu.memory_space<vmem_shared>>
      tpu.enqueue_indirect_dma source(%dma_start3A_180 : memref<128xf32, #tpu.memory_space<vmem>>) target(%dma_start3A_185 : memref<449792xf32, #tpu.memory_space<vmem_shared>>) offsets(%dma_start3A_183 : memref<128xi32, #tpu.memory_space<vmem>>) semaphore(%arg21 : memref<!tpu.dma_semaphore, #tpu.memory_space<semaphore_mem>>) {add = true}
      %dma_start3A_186 = arith.constant 4 : i32
      %dma_start3A_187 = arith.constant 4 : i32
      %dma_start3A_188 = arith.constant 0 : i32
      %dma_start3A_189 = tpu.memref_slice %arg12[%dma_start3A_186, %dma_start3A_188] : memref<6x128xf32, #tpu.memory_space<vmem>> -> memref<1x128xf32, #tpu.memory_space<vmem>>
      %dma_start3A_190 = tpu.memref_squeeze %dma_start3A_189 : memref<1x128xf32, #tpu.memory_space<vmem>> -> memref<128xf32, #tpu.memory_space<vmem>>
      %dma_start3A_191 = arith.constant 0 : i32
      %dma_start3A_192 = tpu.memref_slice %arg11[%dma_start3A_187, %dma_start3A_191] : memref<6x128xi32, #tpu.memory_space<vmem>> -> memref<1x128xi32, #tpu.memory_space<vmem>>
      %dma_start3A_193 = tpu.memref_squeeze %dma_start3A_192 : memref<1x128xi32, #tpu.memory_space<vmem>> -> memref<128xi32, #tpu.memory_space<vmem>>
      %dma_start3A_194 = arith.constant 0 : i32
      %dma_start3A_195 = tpu.memref_slice %arg15[%dma_start3A_194] : memref<449792xf32, #tpu.memory_space<vmem_shared>> -> memref<449792xf32, #tpu.memory_space<vmem_shared>>
      tpu.enqueue_indirect_dma source(%dma_start3A_190 : memref<128xf32, #tpu.memory_space<vmem>>) target(%dma_start3A_195 : memref<449792xf32, #tpu.memory_space<vmem_shared>>) offsets(%dma_start3A_193 : memref<128xi32, #tpu.memory_space<vmem>>) semaphore(%arg21 : memref<!tpu.dma_semaphore, #tpu.memory_space<semaphore_mem>>) {add = true}
      %dma_start3A_196 = arith.constant 5 : i32
      %dma_start3A_197 = arith.constant 5 : i32
      %dma_start3A_198 = arith.constant 0 : i32
      %dma_start3A_199 = tpu.memref_slice %arg12[%dma_start3A_196, %dma_start3A_198] : memref<6x128xf32, #tpu.memory_space<vmem>> -> memref<1x128xf32, #tpu.memory_space<vmem>>
      %dma_start3A_200 = tpu.memref_squeeze %dma_start3A_199 : memref<1x128xf32, #tpu.memory_space<vmem>> -> memref<128xf32, #tpu.memory_space<vmem>>
      %dma_start3A_201 = arith.constant 0 : i32
      %dma_start3A_202 = tpu.memref_slice %arg11[%dma_start3A_197, %dma_start3A_201] : memref<6x128xi32, #tpu.memory_space<vmem>> -> memref<1x128xi32, #tpu.memory_space<vmem>>
      %dma_start3A_203 = tpu.memref_squeeze %dma_start3A_202 : memref<1x128xi32, #tpu.memory_space<vmem>> -> memref<128xi32, #tpu.memory_space<vmem>>
      %dma_start3A_204 = arith.constant 0 : i32
      %dma_start3A_205 = tpu.memref_slice %arg15[%dma_start3A_204] : memref<449792xf32, #tpu.memory_space<vmem_shared>> -> memref<449792xf32, #tpu.memory_space<vmem_shared>>
      tpu.enqueue_indirect_dma source(%dma_start3A_200 : memref<128xf32, #tpu.memory_space<vmem>>) target(%dma_start3A_205 : memref<449792xf32, #tpu.memory_space<vmem_shared>>) offsets(%dma_start3A_203 : memref<128xi32, #tpu.memory_space<vmem>>) semaphore(%arg21 : memref<!tpu.dma_semaphore, #tpu.memory_space<semaphore_mem>>) {add = true}
      %dma_wait3A_206 = arith.constant 0 : i32
      %dma_wait3A_207 = arith.constant 0 : i32
      %dma_wait3A_208 = arith.constant 0 : i32
      %dma_wait3A_209 = tpu.memref_slice %arg12[%dma_wait3A_206, %dma_wait3A_208] : memref<6x128xf32, #tpu.memory_space<vmem>> -> memref<1x128xf32, #tpu.memory_space<vmem>>
      %dma_wait3A_210 = tpu.memref_squeeze %dma_wait3A_209 : memref<1x128xf32, #tpu.memory_space<vmem>> -> memref<128xf32, #tpu.memory_space<vmem>>
      %dma_wait3A_211 = arith.constant 0 : i32
      %dma_wait3A_212 = tpu.memref_slice %arg11[%dma_wait3A_207, %dma_wait3A_211] : memref<6x128xi32, #tpu.memory_space<vmem>> -> memref<1x128xi32, #tpu.memory_space<vmem>>
      %dma_wait3A_213 = tpu.memref_squeeze %dma_wait3A_212 : memref<1x128xi32, #tpu.memory_space<vmem>> -> memref<128xi32, #tpu.memory_space<vmem>>
      %dma_wait3A_214 = arith.constant 0 : i32
      %dma_wait3A_215 = tpu.memref_slice %arg15[%dma_wait3A_214] : memref<449792xf32, #tpu.memory_space<vmem_shared>> -> memref<449792xf32, #tpu.memory_space<vmem_shared>>
      tpu.wait_indirect_dma semaphore(%arg21 : memref<!tpu.dma_semaphore, #tpu.memory_space<semaphore_mem>>) src(%dma_wait3A_210 : memref<128xf32, #tpu.memory_space<vmem>>) dst(%dma_wait3A_215 : memref<449792xf32, #tpu.memory_space<vmem_shared>>)
      %dma_wait3A_216 = arith.constant 1 : i32
      %dma_wait3A_217 = arith.constant 1 : i32
      %dma_wait3A_218 = arith.constant 0 : i32
      %dma_wait3A_219 = tpu.memref_slice %arg12[%dma_wait3A_216, %dma_wait3A_218] : memref<6x128xf32, #tpu.memory_space<vmem>> -> memref<1x128xf32, #tpu.memory_space<vmem>>
      %dma_wait3A_220 = tpu.memref_squeeze %dma_wait3A_219 : memref<1x128xf32, #tpu.memory_space<vmem>> -> memref<128xf32, #tpu.memory_space<vmem>>
      %dma_wait3A_221 = arith.constant 0 : i32
      %dma_wait3A_222 = tpu.memref_slice %arg11[%dma_wait3A_217, %dma_wait3A_221] : memref<6x128xi32, #tpu.memory_space<vmem>> -> memref<1x128xi32, #tpu.memory_space<vmem>>
      %dma_wait3A_223 = tpu.memref_squeeze %dma_wait3A_222 : memref<1x128xi32, #tpu.memory_space<vmem>> -> memref<128xi32, #tpu.memory_space<vmem>>
      %dma_wait3A_224 = arith.constant 0 : i32
      %dma_wait3A_225 = tpu.memref_slice %arg15[%dma_wait3A_224] : memref<449792xf32, #tpu.memory_space<vmem_shared>> -> memref<449792xf32, #tpu.memory_space<vmem_shared>>
      tpu.wait_indirect_dma semaphore(%arg21 : memref<!tpu.dma_semaphore, #tpu.memory_space<semaphore_mem>>) src(%dma_wait3A_220 : memref<128xf32, #tpu.memory_space<vmem>>) dst(%dma_wait3A_225 : memref<449792xf32, #tpu.memory_space<vmem_shared>>)
      %dma_wait3A_226 = arith.constant 2 : i32
      %dma_wait3A_227 = arith.constant 2 : i32
      %dma_wait3A_228 = arith.constant 0 : i32
      %dma_wait3A_229 = tpu.memref_slice %arg12[%dma_wait3A_226, %dma_wait3A_228] : memref<6x128xf32, #tpu.memory_space<vmem>> -> memref<1x128xf32, #tpu.memory_space<vmem>>
      %dma_wait3A_230 = tpu.memref_squeeze %dma_wait3A_229 : memref<1x128xf32, #tpu.memory_space<vmem>> -> memref<128xf32, #tpu.memory_space<vmem>>
      %dma_wait3A_231 = arith.constant 0 : i32
      %dma_wait3A_232 = tpu.memref_slice %arg11[%dma_wait3A_227, %dma_wait3A_231] : memref<6x128xi32, #tpu.memory_space<vmem>> -> memref<1x128xi32, #tpu.memory_space<vmem>>
      %dma_wait3A_233 = tpu.memref_squeeze %dma_wait3A_232 : memref<1x128xi32, #tpu.memory_space<vmem>> -> memref<128xi32, #tpu.memory_space<vmem>>
      %dma_wait3A_234 = arith.constant 0 : i32
      %dma_wait3A_235 = tpu.memref_slice %arg15[%dma_wait3A_234] : memref<449792xf32, #tpu.memory_space<vmem_shared>> -> memref<449792xf32, #tpu.memory_space<vmem_shared>>
      tpu.wait_indirect_dma semaphore(%arg21 : memref<!tpu.dma_semaphore, #tpu.memory_space<semaphore_mem>>) src(%dma_wait3A_230 : memref<128xf32, #tpu.memory_space<vmem>>) dst(%dma_wait3A_235 : memref<449792xf32, #tpu.memory_space<vmem_shared>>)
      %dma_wait3A_236 = arith.constant 3 : i32
      %dma_wait3A_237 = arith.constant 3 : i32
      %dma_wait3A_238 = arith.constant 0 : i32
      %dma_wait3A_239 = tpu.memref_slice %arg12[%dma_wait3A_236, %dma_wait3A_238] : memref<6x128xf32, #tpu.memory_space<vmem>> -> memref<1x128xf32, #tpu.memory_space<vmem>>
      %dma_wait3A_240 = tpu.memref_squeeze %dma_wait3A_239 : memref<1x128xf32, #tpu.memory_space<vmem>> -> memref<128xf32, #tpu.memory_space<vmem>>
      %dma_wait3A_241 = arith.constant 0 : i32
      %dma_wait3A_242 = tpu.memref_slice %arg11[%dma_wait3A_237, %dma_wait3A_241] : memref<6x128xi32, #tpu.memory_space<vmem>> -> memref<1x128xi32, #tpu.memory_space<vmem>>
      %dma_wait3A_243 = tpu.memref_squeeze %dma_wait3A_242 : memref<1x128xi32, #tpu.memory_space<vmem>> -> memref<128xi32, #tpu.memory_space<vmem>>
      %dma_wait3A_244 = arith.constant 0 : i32
      %dma_wait3A_245 = tpu.memref_slice %arg15[%dma_wait3A_244] : memref<449792xf32, #tpu.memory_space<vmem_shared>> -> memref<449792xf32, #tpu.memory_space<vmem_shared>>
      tpu.wait_indirect_dma semaphore(%arg21 : memref<!tpu.dma_semaphore, #tpu.memory_space<semaphore_mem>>) src(%dma_wait3A_240 : memref<128xf32, #tpu.memory_space<vmem>>) dst(%dma_wait3A_245 : memref<449792xf32, #tpu.memory_space<vmem_shared>>)
      %dma_wait3A_246 = arith.constant 4 : i32
      %dma_wait3A_247 = arith.constant 4 : i32
      %dma_wait3A_248 = arith.constant 0 : i32
      %dma_wait3A_249 = tpu.memref_slice %arg12[%dma_wait3A_246, %dma_wait3A_248] : memref<6x128xf32, #tpu.memory_space<vmem>> -> memref<1x128xf32, #tpu.memory_space<vmem>>
      %dma_wait3A_250 = tpu.memref_squeeze %dma_wait3A_249 : memref<1x128xf32, #tpu.memory_space<vmem>> -> memref<128xf32, #tpu.memory_space<vmem>>
      %dma_wait3A_251 = arith.constant 0 : i32
      %dma_wait3A_252 = tpu.memref_slice %arg11[%dma_wait3A_247, %dma_wait3A_251] : memref<6x128xi32, #tpu.memory_space<vmem>> -> memref<1x128xi32, #tpu.memory_space<vmem>>
      %dma_wait3A_253 = tpu.memref_squeeze %dma_wait3A_252 : memref<1x128xi32, #tpu.memory_space<vmem>> -> memref<128xi32, #tpu.memory_space<vmem>>
      %dma_wait3A_254 = arith.constant 0 : i32
      %dma_wait3A_255 = tpu.memref_slice %arg15[%dma_wait3A_254] : memref<449792xf32, #tpu.memory_space<vmem_shared>> -> memref<449792xf32, #tpu.memory_space<vmem_shared>>
      tpu.wait_indirect_dma semaphore(%arg21 : memref<!tpu.dma_semaphore, #tpu.memory_space<semaphore_mem>>) src(%dma_wait3A_250 : memref<128xf32, #tpu.memory_space<vmem>>) dst(%dma_wait3A_255 : memref<449792xf32, #tpu.memory_space<vmem_shared>>)
      %dma_wait3A_256 = arith.constant 5 : i32
      %dma_wait3A_257 = arith.constant 5 : i32
      %dma_wait3A_258 = arith.constant 0 : i32
      %dma_wait3A_259 = tpu.memref_slice %arg12[%dma_wait3A_256, %dma_wait3A_258] : memref<6x128xf32, #tpu.memory_space<vmem>> -> memref<1x128xf32, #tpu.memory_space<vmem>>
      %dma_wait3A_260 = tpu.memref_squeeze %dma_wait3A_259 : memref<1x128xf32, #tpu.memory_space<vmem>> -> memref<128xf32, #tpu.memory_space<vmem>>
      %dma_wait3A_261 = arith.constant 0 : i32
      %dma_wait3A_262 = tpu.memref_slice %arg11[%dma_wait3A_257, %dma_wait3A_261] : memref<6x128xi32, #tpu.memory_space<vmem>> -> memref<1x128xi32, #tpu.memory_space<vmem>>
      %dma_wait3A_263 = tpu.memref_squeeze %dma_wait3A_262 : memref<1x128xi32, #tpu.memory_space<vmem>> -> memref<128xi32, #tpu.memory_space<vmem>>
      %dma_wait3A_264 = arith.constant 0 : i32
      %dma_wait3A_265 = tpu.memref_slice %arg15[%dma_wait3A_264] : memref<449792xf32, #tpu.memory_space<vmem_shared>> -> memref<449792xf32, #tpu.memory_space<vmem_shared>>
      tpu.wait_indirect_dma semaphore(%arg21 : memref<!tpu.dma_semaphore, #tpu.memory_space<semaphore_mem>>) src(%dma_wait3A_260 : memref<128xf32, #tpu.memory_space<vmem>>) dst(%dma_wait3A_265 : memref<449792xf32, #tpu.memory_space<vmem_shared>>)
    } else {
    }
    %eq3A_12 = arith.constant 1 : i32
    %eq3A_13 = arith.cmpi eq, %arg0, %eq3A_12 : i32
    %convert_element_type3A_14 = arith.extui %eq3A_13 : i1 to i32
    %cond3A_15 = arith.constant 0 : i32
    %cond3A_16 = arith.cmpi ne, %convert_element_type3A_14, %cond3A_15 : i32
    scf.if %cond3A_16 {
      %dma_start3A = arith.constant 0 : i32
      %dma_start3A_28 = arith.constant 0 : i32
      %dma_start3A_29 = arith.constant 0 : i32
      %dma_start3A_30 = tpu.memref_slice %arg12[%dma_start3A_28, %dma_start3A_29] : memref<6x128xf32, #tpu.memory_space<vmem>> -> memref<1x128xf32, #tpu.memory_space<vmem>>
      %dma_start3A_31 = tpu.memref_squeeze %dma_start3A_30 : memref<1x128xf32, #tpu.memory_space<vmem>> -> memref<128xf32, #tpu.memory_space<vmem>>
      %dma_start3A_32 = arith.constant 0 : i32
      %dma_start3A_33 = tpu.memref_slice %arg10[%dma_start3A, %dma_start3A_32] : memref<6x128xi32, #tpu.memory_space<vmem>> -> memref<1x128xi32, #tpu.memory_space<vmem>>
      %dma_start3A_34 = tpu.memref_squeeze %dma_start3A_33 : memref<1x128xi32, #tpu.memory_space<vmem>> -> memref<128xi32, #tpu.memory_space<vmem>>
      %dma_start3A_35 = arith.constant 0 : i32
      %dma_start3A_36 = tpu.memref_slice %arg16[%dma_start3A_35] : memref<449688xf32, #tpu.memory_space<vmem_shared>> -> memref<449688xf32, #tpu.memory_space<vmem_shared>>
      tpu.enqueue_indirect_dma source(%dma_start3A_36 : memref<449688xf32, #tpu.memory_space<vmem_shared>>) target(%dma_start3A_31 : memref<128xf32, #tpu.memory_space<vmem>>) offsets(%dma_start3A_34 : memref<128xi32, #tpu.memory_space<vmem>>) semaphore(%arg20 : memref<!tpu.dma_semaphore, #tpu.memory_space<semaphore_mem>>)
      %dma_wait3A = arith.constant 0 : i32
      %dma_wait3A_37 = arith.constant 0 : i32
      %dma_wait3A_38 = arith.constant 0 : i32
      %dma_wait3A_39 = tpu.memref_slice %arg12[%dma_wait3A_37, %dma_wait3A_38] : memref<6x128xf32, #tpu.memory_space<vmem>> -> memref<1x128xf32, #tpu.memory_space<vmem>>
      %dma_wait3A_40 = tpu.memref_squeeze %dma_wait3A_39 : memref<1x128xf32, #tpu.memory_space<vmem>> -> memref<128xf32, #tpu.memory_space<vmem>>
      %dma_wait3A_41 = arith.constant 0 : i32
      %dma_wait3A_42 = tpu.memref_slice %arg10[%dma_wait3A, %dma_wait3A_41] : memref<6x128xi32, #tpu.memory_space<vmem>> -> memref<1x128xi32, #tpu.memory_space<vmem>>
      %dma_wait3A_43 = tpu.memref_squeeze %dma_wait3A_42 : memref<1x128xi32, #tpu.memory_space<vmem>> -> memref<128xi32, #tpu.memory_space<vmem>>
      %dma_wait3A_44 = arith.constant 0 : i32
      %dma_wait3A_45 = tpu.memref_slice %arg16[%dma_wait3A_44] : memref<449688xf32, #tpu.memory_space<vmem_shared>> -> memref<449688xf32, #tpu.memory_space<vmem_shared>>
      tpu.wait_indirect_dma semaphore(%arg20 : memref<!tpu.dma_semaphore, #tpu.memory_space<semaphore_mem>>) src(%dma_wait3A_45 : memref<449688xf32, #tpu.memory_space<vmem_shared>>) dst(%dma_wait3A_40 : memref<128xf32, #tpu.memory_space<vmem>>)
      %dma_start3A_46 = arith.constant 0 : i32
      %dma_start3A_47 = arith.constant 0 : i32
      %dma_start3A_48 = arith.constant 0 : i32
      %dma_start3A_49 = tpu.memref_slice %arg12[%dma_start3A_46, %dma_start3A_48] : memref<6x128xf32, #tpu.memory_space<vmem>> -> memref<1x128xf32, #tpu.memory_space<vmem>>
      %dma_start3A_50 = tpu.memref_squeeze %dma_start3A_49 : memref<1x128xf32, #tpu.memory_space<vmem>> -> memref<128xf32, #tpu.memory_space<vmem>>
      %dma_start3A_51 = arith.constant 0 : i32
      %dma_start3A_52 = tpu.memref_slice %arg11[%dma_start3A_47, %dma_start3A_51] : memref<6x128xi32, #tpu.memory_space<vmem>> -> memref<1x128xi32, #tpu.memory_space<vmem>>
      %dma_start3A_53 = tpu.memref_squeeze %dma_start3A_52 : memref<1x128xi32, #tpu.memory_space<vmem>> -> memref<128xi32, #tpu.memory_space<vmem>>
      %dma_start3A_54 = arith.constant 0 : i32
      %dma_start3A_55 = tpu.memref_slice %arg15[%dma_start3A_54] : memref<449792xf32, #tpu.memory_space<vmem_shared>> -> memref<449792xf32, #tpu.memory_space<vmem_shared>>
      tpu.enqueue_indirect_dma source(%dma_start3A_50 : memref<128xf32, #tpu.memory_space<vmem>>) target(%dma_start3A_55 : memref<449792xf32, #tpu.memory_space<vmem_shared>>) offsets(%dma_start3A_53 : memref<128xi32, #tpu.memory_space<vmem>>) semaphore(%arg21 : memref<!tpu.dma_semaphore, #tpu.memory_space<semaphore_mem>>) {add = true}
      %dma_wait3A_56 = arith.constant 0 : i32
      %dma_wait3A_57 = arith.constant 0 : i32
      %dma_wait3A_58 = arith.constant 0 : i32
      %dma_wait3A_59 = tpu.memref_slice %arg12[%dma_wait3A_56, %dma_wait3A_58] : memref<6x128xf32, #tpu.memory_space<vmem>> -> memref<1x128xf32, #tpu.memory_space<vmem>>
      %dma_wait3A_60 = tpu.memref_squeeze %dma_wait3A_59 : memref<1x128xf32, #tpu.memory_space<vmem>> -> memref<128xf32, #tpu.memory_space<vmem>>
      %dma_wait3A_61 = arith.constant 0 : i32
      %dma_wait3A_62 = tpu.memref_slice %arg11[%dma_wait3A_57, %dma_wait3A_61] : memref<6x128xi32, #tpu.memory_space<vmem>> -> memref<1x128xi32, #tpu.memory_space<vmem>>
      %dma_wait3A_63 = tpu.memref_squeeze %dma_wait3A_62 : memref<1x128xi32, #tpu.memory_space<vmem>> -> memref<128xi32, #tpu.memory_space<vmem>>
      %dma_wait3A_64 = arith.constant 0 : i32
      %dma_wait3A_65 = tpu.memref_slice %arg15[%dma_wait3A_64] : memref<449792xf32, #tpu.memory_space<vmem_shared>> -> memref<449792xf32, #tpu.memory_space<vmem_shared>>
      tpu.wait_indirect_dma semaphore(%arg21 : memref<!tpu.dma_semaphore, #tpu.memory_space<semaphore_mem>>) src(%dma_wait3A_60 : memref<128xf32, #tpu.memory_space<vmem>>) dst(%dma_wait3A_65 : memref<449792xf32, #tpu.memory_space<vmem_shared>>)
    } else {
    }
    "tpu.trace_stop"() : () -> ()
    "tpu.trace_start"() <{level = 10 : i32, message = "sc_bar2"}> : () -> ()
    %barrier3A_17 = arith.constant 0 : index
    tpu.barrier barrier_id(%barrier3A_17)
    %eq3A_18 = arith.constant 0 : i32
    "tpu.trace_stop"() : () -> ()
    "tpu.trace_start"() <{level = 10 : i32, message = "sc_out"}> : () -> ()
    %eq3A_19 = arith.cmpi eq, %arg0, %eq3A_18 : i32
    %convert_element_type3A_20 = arith.extui %eq3A_19 : i1 to i32
    %cond3A_21 = arith.constant 0 : i32
    %cond3A_22 = arith.cmpi ne, %convert_element_type3A_20, %cond3A_21 : i32
    scf.if %cond3A_22 {
      %mul3A = arith.constant 27480 : i32
      %mul3A_28 = arith.muli %arg1, %mul3A : i32
      "tpu.region"() ({
        %run_scoped3A = tpu.sem_alloc : memref<!tpu.dma_semaphore, #tpu.memory_space<semaphore_mem>>
        %dma_start3A_48 = arith.constant 0 : i32
        %dma_start3A_49 = tpu.memref_slice %arg13[%dma_start3A_48] : memref<27480xf32, #tpu.memory_space<vmem>> -> memref<13744xf32, #tpu.memory_space<vmem>>
        %dma_start3A_50 = tpu.memref_slice %arg15[%mul3A_28] : memref<449792xf32, #tpu.memory_space<vmem_shared>> -> memref<13744xf32, #tpu.memory_space<vmem_shared>>
        %dma_start3A_51 = arith.constant 0 : i32
        %dma_start3A_52 = tpu.memref_slice %arg13[%dma_start3A_51] : memref<27480xf32, #tpu.memory_space<vmem>> -> memref<13744xf32, #tpu.memory_space<vmem>>
        %dma_start3A_53 = tpu.memref_slice %arg15[%mul3A_28] : memref<449792xf32, #tpu.memory_space<vmem_shared>> -> memref<13744xf32, #tpu.memory_space<vmem_shared>>
        tpu.enqueue_dma source(%dma_start3A_53 : memref<13744xf32, #tpu.memory_space<vmem_shared>>) target(%dma_start3A_52 : memref<13744xf32, #tpu.memory_space<vmem>>) target_semaphore(%run_scoped3A : memref<!tpu.dma_semaphore, #tpu.memory_space<semaphore_mem>>)
        %dma_wait3A_54 = arith.constant 0 : i32
        %dma_wait3A_55 = tpu.memref_slice %arg13[%dma_wait3A_54] : memref<27480xf32, #tpu.memory_space<vmem>> -> memref<13744xf32, #tpu.memory_space<vmem>>
        %dma_wait3A_56 = tpu.memref_slice %arg15[%mul3A_28] : memref<449792xf32, #tpu.memory_space<vmem_shared>> -> memref<13744xf32, #tpu.memory_space<vmem_shared>>
        %dma_wait3A_57 = arith.constant 0 : i32
        %dma_wait3A_58 = tpu.memref_slice %arg13[%dma_wait3A_57] : memref<27480xf32, #tpu.memory_space<vmem>> -> memref<13744xf32, #tpu.memory_space<vmem>>
        %dma_wait3A_59 = tpu.memref_slice %arg15[%mul3A_28] : memref<449792xf32, #tpu.memory_space<vmem_shared>> -> memref<13744xf32, #tpu.memory_space<vmem_shared>>
        tpu.wait_dma2 semaphore(%run_scoped3A : memref<!tpu.dma_semaphore, #tpu.memory_space<semaphore_mem>>) src(%dma_wait3A_59 : memref<13744xf32, #tpu.memory_space<vmem_shared>>) dst(%dma_wait3A_58 : memref<13744xf32, #tpu.memory_space<vmem>>)
        tpu.yield
      }) : () -> ()
      %mul3A_29 = arith.constant 27480 : i32
      %mul3A_30 = arith.muli %arg1, %mul3A_29 : i32
      %dma_start3A = arith.constant 0 : i32
      %dma_start3A_31 = tpu.memref_slice %arg13[%dma_start3A] : memref<27480xf32, #tpu.memory_space<vmem>> -> memref<13744xf32, #tpu.memory_space<vmem>>
      %dma_start3A_32 = tpu.memref_slice %arg6[%mul3A_30] : memref<439680xf32, #tpu.memory_space<hbm>> -> memref<13744xf32, #tpu.memory_space<hbm>>
      %dma_start3A_33 = tpu.memref_slice %arg6[%mul3A_30] : memref<439680xf32, #tpu.memory_space<hbm>> -> memref<13744xf32, #tpu.memory_space<hbm>>
      %dma_start3A_34 = arith.constant 0 : i32
      %dma_start3A_35 = tpu.memref_slice %arg13[%dma_start3A_34] : memref<27480xf32, #tpu.memory_space<vmem>> -> memref<13744xf32, #tpu.memory_space<vmem>>
      tpu.enqueue_dma source(%dma_start3A_35 : memref<13744xf32, #tpu.memory_space<vmem>>) target(%dma_start3A_33 : memref<13744xf32, #tpu.memory_space<hbm>>) target_semaphore(%arg19 : memref<!tpu.dma_semaphore, #tpu.memory_space<semaphore_mem>>)
      %mul3A_36 = arith.constant 27480 : i32
      %mul3A_37 = arith.muli %arg1, %mul3A_36 : i32
      %add3A = arith.constant 13744 : i32
      %add3A_38 = arith.addi %mul3A_37, %add3A : i32
      "tpu.region"() ({
        %run_scoped3A = tpu.sem_alloc : memref<!tpu.dma_semaphore, #tpu.memory_space<semaphore_mem>>
        %dma_start3A_48 = arith.constant 13744 : i32
        %dma_start3A_49 = tpu.memref_slice %arg13[%dma_start3A_48] : memref<27480xf32, #tpu.memory_space<vmem>> -> memref<13736xf32, #tpu.memory_space<vmem>>
        %dma_start3A_50 = tpu.memref_slice %arg15[%add3A_38] : memref<449792xf32, #tpu.memory_space<vmem_shared>> -> memref<13736xf32, #tpu.memory_space<vmem_shared>>
        %dma_start3A_51 = arith.constant 13744 : i32
        %dma_start3A_52 = tpu.memref_slice %arg13[%dma_start3A_51] : memref<27480xf32, #tpu.memory_space<vmem>> -> memref<13736xf32, #tpu.memory_space<vmem>>
        %dma_start3A_53 = tpu.memref_slice %arg15[%add3A_38] : memref<449792xf32, #tpu.memory_space<vmem_shared>> -> memref<13736xf32, #tpu.memory_space<vmem_shared>>
        tpu.enqueue_dma source(%dma_start3A_53 : memref<13736xf32, #tpu.memory_space<vmem_shared>>) target(%dma_start3A_52 : memref<13736xf32, #tpu.memory_space<vmem>>) target_semaphore(%run_scoped3A : memref<!tpu.dma_semaphore, #tpu.memory_space<semaphore_mem>>)
        %dma_wait3A_54 = arith.constant 13744 : i32
        %dma_wait3A_55 = tpu.memref_slice %arg13[%dma_wait3A_54] : memref<27480xf32, #tpu.memory_space<vmem>> -> memref<13736xf32, #tpu.memory_space<vmem>>
        %dma_wait3A_56 = tpu.memref_slice %arg15[%add3A_38] : memref<449792xf32, #tpu.memory_space<vmem_shared>> -> memref<13736xf32, #tpu.memory_space<vmem_shared>>
        %dma_wait3A_57 = arith.constant 13744 : i32
        %dma_wait3A_58 = tpu.memref_slice %arg13[%dma_wait3A_57] : memref<27480xf32, #tpu.memory_space<vmem>> -> memref<13736xf32, #tpu.memory_space<vmem>>
        %dma_wait3A_59 = tpu.memref_slice %arg15[%add3A_38] : memref<449792xf32, #tpu.memory_space<vmem_shared>> -> memref<13736xf32, #tpu.memory_space<vmem_shared>>
        tpu.wait_dma2 semaphore(%run_scoped3A : memref<!tpu.dma_semaphore, #tpu.memory_space<semaphore_mem>>) src(%dma_wait3A_59 : memref<13736xf32, #tpu.memory_space<vmem_shared>>) dst(%dma_wait3A_58 : memref<13736xf32, #tpu.memory_space<vmem>>)
        tpu.yield
      }) : () -> ()
      %dma_wait3A = arith.constant 0 : i32
      %dma_wait3A_39 = tpu.memref_slice %arg13[%dma_wait3A] : memref<27480xf32, #tpu.memory_space<vmem>> -> memref<13744xf32, #tpu.memory_space<vmem>>
      %dma_wait3A_40 = tpu.memref_slice %arg6[%mul3A_30] : memref<439680xf32, #tpu.memory_space<hbm>> -> memref<13744xf32, #tpu.memory_space<hbm>>
      %dma_wait3A_41 = tpu.memref_slice %arg6[%mul3A_30] : memref<439680xf32, #tpu.memory_space<hbm>> -> memref<13744xf32, #tpu.memory_space<hbm>>
      %dma_wait3A_42 = arith.constant 0 : i32
      %dma_wait3A_43 = tpu.memref_slice %arg13[%dma_wait3A_42] : memref<27480xf32, #tpu.memory_space<vmem>> -> memref<13744xf32, #tpu.memory_space<vmem>>
      tpu.wait_dma2 semaphore(%arg19 : memref<!tpu.dma_semaphore, #tpu.memory_space<semaphore_mem>>) src(%dma_wait3A_43 : memref<13744xf32, #tpu.memory_space<vmem>>) dst(%dma_wait3A_41 : memref<13744xf32, #tpu.memory_space<hbm>>)
      %mul3A_44 = arith.constant 27480 : i32
      %mul3A_45 = arith.muli %arg1, %mul3A_44 : i32
      %add3A_46 = arith.constant 13744 : i32
      %add3A_47 = arith.addi %mul3A_45, %add3A_46 : i32
      "tpu.region"() ({
        %run_scoped3A = tpu.sem_alloc : memref<!tpu.dma_semaphore, #tpu.memory_space<semaphore_mem>>
        %dma_start3A_48 = arith.constant 13744 : i32
        %dma_start3A_49 = tpu.memref_slice %arg13[%dma_start3A_48] : memref<27480xf32, #tpu.memory_space<vmem>> -> memref<13736xf32, #tpu.memory_space<vmem>>
        %dma_start3A_50 = tpu.memref_slice %arg6[%add3A_47] : memref<439680xf32, #tpu.memory_space<hbm>> -> memref<13736xf32, #tpu.memory_space<hbm>>
        %dma_start3A_51 = tpu.memref_slice %arg6[%add3A_47] : memref<439680xf32, #tpu.memory_space<hbm>> -> memref<13736xf32, #tpu.memory_space<hbm>>
        %dma_start3A_52 = arith.constant 13744 : i32
        %dma_start3A_53 = tpu.memref_slice %arg13[%dma_start3A_52] : memref<27480xf32, #tpu.memory_space<vmem>> -> memref<13736xf32, #tpu.memory_space<vmem>>
        tpu.enqueue_dma source(%dma_start3A_53 : memref<13736xf32, #tpu.memory_space<vmem>>) target(%dma_start3A_51 : memref<13736xf32, #tpu.memory_space<hbm>>) target_semaphore(%run_scoped3A : memref<!tpu.dma_semaphore, #tpu.memory_space<semaphore_mem>>)
        %dma_wait3A_54 = arith.constant 13744 : i32
        %dma_wait3A_55 = tpu.memref_slice %arg13[%dma_wait3A_54] : memref<27480xf32, #tpu.memory_space<vmem>> -> memref<13736xf32, #tpu.memory_space<vmem>>
        %dma_wait3A_56 = tpu.memref_slice %arg6[%add3A_47] : memref<439680xf32, #tpu.memory_space<hbm>> -> memref<13736xf32, #tpu.memory_space<hbm>>
        %dma_wait3A_57 = tpu.memref_slice %arg6[%add3A_47] : memref<439680xf32, #tpu.memory_space<hbm>> -> memref<13736xf32, #tpu.memory_space<hbm>>
        %dma_wait3A_58 = arith.constant 13744 : i32
        %dma_wait3A_59 = tpu.memref_slice %arg13[%dma_wait3A_58] : memref<27480xf32, #tpu.memory_space<vmem>> -> memref<13736xf32, #tpu.memory_space<vmem>>
        tpu.wait_dma2 semaphore(%run_scoped3A : memref<!tpu.dma_semaphore, #tpu.memory_space<semaphore_mem>>) src(%dma_wait3A_59 : memref<13736xf32, #tpu.memory_space<vmem>>) dst(%dma_wait3A_57 : memref<13736xf32, #tpu.memory_space<hbm>>)
        tpu.yield
      }) : () -> ()
    } else {
    }
    %eq3A_23 = arith.constant 1 : i32
    %eq3A_24 = arith.cmpi eq, %arg0, %eq3A_23 : i32
    %convert_element_type3A_25 = arith.extui %eq3A_24 : i1 to i32
    %cond3A_26 = arith.constant 0 : i32
    %cond3A_27 = arith.cmpi ne, %convert_element_type3A_25, %cond3A_26 : i32
    scf.if %cond3A_27 {
      %mul3A = arith.constant 632 : i32
      %mul3A_28 = arith.muli %arg1, %mul3A : i32
      %add3A = arith.constant 439680 : i32
      %add3A_29 = arith.addi %add3A, %mul3A_28 : i32
      "tpu.region"() ({
        %run_scoped3A = tpu.sem_alloc : memref<!tpu.dma_semaphore, #tpu.memory_space<semaphore_mem>>
        %dma_start3A = arith.constant 0 : i32
        %dma_start3A_32 = tpu.memref_slice %arg13[%dma_start3A] : memref<27480xf32, #tpu.memory_space<vmem>> -> memref<632xf32, #tpu.memory_space<vmem>>
        %dma_start3A_33 = tpu.memref_slice %arg15[%add3A_29] : memref<449792xf32, #tpu.memory_space<vmem_shared>> -> memref<632xf32, #tpu.memory_space<vmem_shared>>
        %dma_start3A_34 = arith.constant 0 : i32
        %dma_start3A_35 = tpu.memref_slice %arg13[%dma_start3A_34] : memref<27480xf32, #tpu.memory_space<vmem>> -> memref<632xf32, #tpu.memory_space<vmem>>
        %dma_start3A_36 = tpu.memref_slice %arg15[%add3A_29] : memref<449792xf32, #tpu.memory_space<vmem_shared>> -> memref<632xf32, #tpu.memory_space<vmem_shared>>
        tpu.enqueue_dma source(%dma_start3A_36 : memref<632xf32, #tpu.memory_space<vmem_shared>>) target(%dma_start3A_35 : memref<632xf32, #tpu.memory_space<vmem>>) target_semaphore(%run_scoped3A : memref<!tpu.dma_semaphore, #tpu.memory_space<semaphore_mem>>)
        %dma_wait3A = arith.constant 0 : i32
        %dma_wait3A_37 = tpu.memref_slice %arg13[%dma_wait3A] : memref<27480xf32, #tpu.memory_space<vmem>> -> memref<632xf32, #tpu.memory_space<vmem>>
        %dma_wait3A_38 = tpu.memref_slice %arg15[%add3A_29] : memref<449792xf32, #tpu.memory_space<vmem_shared>> -> memref<632xf32, #tpu.memory_space<vmem_shared>>
        %dma_wait3A_39 = arith.constant 0 : i32
        %dma_wait3A_40 = tpu.memref_slice %arg13[%dma_wait3A_39] : memref<27480xf32, #tpu.memory_space<vmem>> -> memref<632xf32, #tpu.memory_space<vmem>>
        %dma_wait3A_41 = tpu.memref_slice %arg15[%add3A_29] : memref<449792xf32, #tpu.memory_space<vmem_shared>> -> memref<632xf32, #tpu.memory_space<vmem_shared>>
        tpu.wait_dma2 semaphore(%run_scoped3A : memref<!tpu.dma_semaphore, #tpu.memory_space<semaphore_mem>>) src(%dma_wait3A_41 : memref<632xf32, #tpu.memory_space<vmem_shared>>) dst(%dma_wait3A_40 : memref<632xf32, #tpu.memory_space<vmem>>)
        tpu.yield
      }) : () -> ()
      %mul3A_30 = arith.constant 632 : i32
      %mul3A_31 = arith.muli %arg1, %mul3A_30 : i32
      "tpu.region"() ({
        %run_scoped3A = tpu.sem_alloc : memref<!tpu.dma_semaphore, #tpu.memory_space<semaphore_mem>>
        %dma_start3A = arith.constant 0 : i32
        %dma_start3A_32 = tpu.memref_slice %arg13[%dma_start3A] : memref<27480xf32, #tpu.memory_space<vmem>> -> memref<632xf32, #tpu.memory_space<vmem>>
        %dma_start3A_33 = tpu.memref_slice %arg7[%mul3A_31] : memref<10112xf32, #tpu.memory_space<hbm>> -> memref<632xf32, #tpu.memory_space<hbm>>
        %dma_start3A_34 = tpu.memref_slice %arg7[%mul3A_31] : memref<10112xf32, #tpu.memory_space<hbm>> -> memref<632xf32, #tpu.memory_space<hbm>>
        %dma_start3A_35 = arith.constant 0 : i32
        %dma_start3A_36 = tpu.memref_slice %arg13[%dma_start3A_35] : memref<27480xf32, #tpu.memory_space<vmem>> -> memref<632xf32, #tpu.memory_space<vmem>>
        tpu.enqueue_dma source(%dma_start3A_36 : memref<632xf32, #tpu.memory_space<vmem>>) target(%dma_start3A_34 : memref<632xf32, #tpu.memory_space<hbm>>) target_semaphore(%run_scoped3A : memref<!tpu.dma_semaphore, #tpu.memory_space<semaphore_mem>>)
        %dma_wait3A = arith.constant 0 : i32
        %dma_wait3A_37 = tpu.memref_slice %arg13[%dma_wait3A] : memref<27480xf32, #tpu.memory_space<vmem>> -> memref<632xf32, #tpu.memory_space<vmem>>
        %dma_wait3A_38 = tpu.memref_slice %arg7[%mul3A_31] : memref<10112xf32, #tpu.memory_space<hbm>> -> memref<632xf32, #tpu.memory_space<hbm>>
        %dma_wait3A_39 = tpu.memref_slice %arg7[%mul3A_31] : memref<10112xf32, #tpu.memory_space<hbm>> -> memref<632xf32, #tpu.memory_space<hbm>>
        %dma_wait3A_40 = arith.constant 0 : i32
        %dma_wait3A_41 = tpu.memref_slice %arg13[%dma_wait3A_40] : memref<27480xf32, #tpu.memory_space<vmem>> -> memref<632xf32, #tpu.memory_space<vmem>>
        tpu.wait_dma2 semaphore(%run_scoped3A : memref<!tpu.dma_semaphore, #tpu.memory_space<semaphore_mem>>) src(%dma_wait3A_41 : memref<632xf32, #tpu.memory_space<vmem>>) dst(%dma_wait3A_39 : memref<632xf32, #tpu.memory_space<hbm>>)
        tpu.yield
      }) : () -> ()
    } else {
    }
    "tpu.trace_stop"() : () -> ()
    return
  }
}

module attributes {stable_mosaic.version = 14 : i64} {
  func.func @_tc_mlp_body(%arg0: memref<663x663xf32, #tpu.memory_space<vmem>>, %arg1: memref<100x100xf32, #tpu.memory_space<vmem>>, %arg2: memref<663x256xf32, #tpu.memory_space<vmem>>, %arg3: memref<1x256xf32, #tpu.memory_space<vmem>>, %arg4: memref<256x64xf32, #tpu.memory_space<vmem>>, %arg5: memref<1x64xf32, #tpu.memory_space<vmem>>, %arg6: memref<64x30xf32, #tpu.memory_space<vmem>>, %arg7: memref<1x30xf32, #tpu.memory_space<vmem>>, %arg8: memref<30x32xf32, #tpu.memory_space<vmem>>, %arg9: memref<1x32xf32, #tpu.memory_space<vmem>>, %arg10: memref<32x64xf32, #tpu.memory_space<vmem>>, %arg11: memref<1x64xf32, #tpu.memory_space<vmem>>, %arg12: memref<64x64xf32, #tpu.memory_space<vmem>>, %arg13: memref<1x64xf32, #tpu.memory_space<vmem>>, %arg14: memref<100x64xf32, #tpu.memory_space<vmem>>, %arg15: memref<1x64xf32, #tpu.memory_space<vmem>>, %arg16: memref<64x32xf32, #tpu.memory_space<vmem>>, %arg17: memref<1x32xf32, #tpu.memory_space<vmem>>, %arg18: memref<32x30xf32, #tpu.memory_space<vmem>>, %arg19: memref<1x30xf32, #tpu.memory_space<vmem>>, %arg20: memref<30x32xf32, #tpu.memory_space<vmem>>, %arg21: memref<1x32xf32, #tpu.memory_space<vmem>>, %arg22: memref<32x64xf32, #tpu.memory_space<vmem>>, %arg23: memref<1x64xf32, #tpu.memory_space<vmem>>, %arg24: memref<64x64xf32, #tpu.memory_space<vmem>>, %arg25: memref<1x64xf32, #tpu.memory_space<vmem>>, %arg26: memref<663x64xf32, #tpu.memory_space<vmem>>, %arg27: memref<100x64xf32, #tpu.memory_space<vmem>>) attributes {dimension_semantics = [], scalar_prefetch = 0 : i64, scratch_operands = 0 : i64, tpu.core_type = #tpu.core_type<tc>} {
    %get3A = arith.constant 0 : index
    %get3A_0 = arith.constant 0 : index
    %get3A_1 = vector.load %arg0[%get3A, %get3A_0] : memref<663x663xf32, #tpu.memory_space<vmem>>, vector<663x663xf32>
    %get3A_2 = arith.constant 0 : index
    %get3A_3 = arith.constant 0 : index
    %get3A_4 = vector.load %arg2[%get3A_2, %get3A_3] : memref<663x256xf32, #tpu.memory_space<vmem>>, vector<663x256xf32>
    %dot_general3A = arith.constant dense<0.000000e+00> : vector<663x256xf32>
    %dot_general3A_5 = tpu.matmul %get3A_1, %get3A_4, %dot_general3A {dimension_numbers = #tpu.dot_dimension_numbers<[1], [0], [0], [1], [0, 0, 1, 1], [], []>, transpose_lhs_hint = false} : vector<663x663xf32>, vector<663x256xf32>, vector<663x256xf32> -> vector<663x256xf32>
    %get3A_6 = arith.constant 0 : index
    %get3A_7 = arith.constant 0 : index
    %get3A_8 = vector.load %arg3[%get3A_6, %get3A_7] : memref<1x256xf32, #tpu.memory_space<vmem>>, vector<1x256xf32>
    %add3A = vector.broadcast %get3A_8 : vector<1x256xf32> to vector<663x256xf32>
    %add3A_9 = arith.addf %dot_general3A_5, %add3A : vector<663x256xf32>
    %max3A = arith.constant 0.000000e+00 : f32
    %max3A_10 = vector.broadcast %max3A : f32 to vector<663x256xf32>
    %max3A_11 = arith.maximumf %add3A_9, %max3A_10 : vector<663x256xf32>
    %get3A_12 = arith.constant 0 : index
    %get3A_13 = arith.constant 0 : index
    %get3A_14 = vector.load %arg4[%get3A_12, %get3A_13] : memref<256x64xf32, #tpu.memory_space<vmem>>, vector<256x64xf32>
    %dot_general3A_15 = arith.constant dense<0.000000e+00> : vector<663x64xf32>
    %dot_general3A_16 = tpu.matmul %max3A_11, %get3A_14, %dot_general3A_15 {dimension_numbers = #tpu.dot_dimension_numbers<[1], [0], [0], [1], [0, 0, 1, 1], [], []>, transpose_lhs_hint = false} : vector<663x256xf32>, vector<256x64xf32>, vector<663x64xf32> -> vector<663x64xf32>
    %get3A_17 = arith.constant 0 : index
    %get3A_18 = arith.constant 0 : index
    %get3A_19 = vector.load %arg5[%get3A_17, %get3A_18] : memref<1x64xf32, #tpu.memory_space<vmem>>, vector<1x64xf32>
    %add3A_20 = vector.broadcast %get3A_19 : vector<1x64xf32> to vector<663x64xf32>
    %add3A_21 = arith.addf %dot_general3A_16, %add3A_20 : vector<663x64xf32>
    %max3A_22 = arith.constant 0.000000e+00 : f32
    %max3A_23 = vector.broadcast %max3A_22 : f32 to vector<663x64xf32>
    %max3A_24 = arith.maximumf %add3A_21, %max3A_23 : vector<663x64xf32>
    %get3A_25 = arith.constant 0 : index
    %get3A_26 = arith.constant 0 : index
    %get3A_27 = vector.load %arg6[%get3A_25, %get3A_26] : memref<64x30xf32, #tpu.memory_space<vmem>>, vector<64x30xf32>
    %dot_general3A_28 = arith.constant dense<0.000000e+00> : vector<663x30xf32>
    %dot_general3A_29 = tpu.matmul %max3A_24, %get3A_27, %dot_general3A_28 {dimension_numbers = #tpu.dot_dimension_numbers<[1], [0], [0], [1], [0, 0, 1, 1], [], []>, transpose_lhs_hint = false} : vector<663x64xf32>, vector<64x30xf32>, vector<663x30xf32> -> vector<663x30xf32>
    %get3A_30 = arith.constant 0 : index
    %get3A_31 = arith.constant 0 : index
    %get3A_32 = vector.load %arg7[%get3A_30, %get3A_31] : memref<1x30xf32, #tpu.memory_space<vmem>>, vector<1x30xf32>
    %add3A_33 = vector.broadcast %get3A_32 : vector<1x30xf32> to vector<663x30xf32>
    %add3A_34 = arith.addf %dot_general3A_29, %add3A_33 : vector<663x30xf32>
    %max3A_35 = arith.constant 0.000000e+00 : f32
    %max3A_36 = vector.broadcast %max3A_35 : f32 to vector<663x30xf32>
    %max3A_37 = arith.maximumf %add3A_34, %max3A_36 : vector<663x30xf32>
    %get3A_38 = arith.constant 0 : index
    %get3A_39 = arith.constant 0 : index
    %get3A_40 = vector.load %arg8[%get3A_38, %get3A_39] : memref<30x32xf32, #tpu.memory_space<vmem>>, vector<30x32xf32>
    %dot_general3A_41 = arith.constant dense<0.000000e+00> : vector<663x32xf32>
    %dot_general3A_42 = tpu.matmul %max3A_37, %get3A_40, %dot_general3A_41 {dimension_numbers = #tpu.dot_dimension_numbers<[1], [0], [0], [1], [0, 0, 1, 1], [], []>, transpose_lhs_hint = false} : vector<663x30xf32>, vector<30x32xf32>, vector<663x32xf32> -> vector<663x32xf32>
    %get3A_43 = arith.constant 0 : index
    %get3A_44 = arith.constant 0 : index
    %get3A_45 = vector.load %arg9[%get3A_43, %get3A_44] : memref<1x32xf32, #tpu.memory_space<vmem>>, vector<1x32xf32>
    %add3A_46 = vector.broadcast %get3A_45 : vector<1x32xf32> to vector<663x32xf32>
    %add3A_47 = arith.addf %dot_general3A_42, %add3A_46 : vector<663x32xf32>
    %max3A_48 = arith.constant 0.000000e+00 : f32
    %max3A_49 = vector.broadcast %max3A_48 : f32 to vector<663x32xf32>
    %max3A_50 = arith.maximumf %add3A_47, %max3A_49 : vector<663x32xf32>
    %get3A_51 = arith.constant 0 : index
    %get3A_52 = arith.constant 0 : index
    %get3A_53 = vector.load %arg10[%get3A_51, %get3A_52] : memref<32x64xf32, #tpu.memory_space<vmem>>, vector<32x64xf32>
    %dot_general3A_54 = arith.constant dense<0.000000e+00> : vector<663x64xf32>
    %dot_general3A_55 = tpu.matmul %max3A_50, %get3A_53, %dot_general3A_54 {dimension_numbers = #tpu.dot_dimension_numbers<[1], [0], [0], [1], [0, 0, 1, 1], [], []>, transpose_lhs_hint = false} : vector<663x32xf32>, vector<32x64xf32>, vector<663x64xf32> -> vector<663x64xf32>
    %get3A_56 = arith.constant 0 : index
    %get3A_57 = arith.constant 0 : index
    %get3A_58 = vector.load %arg11[%get3A_56, %get3A_57] : memref<1x64xf32, #tpu.memory_space<vmem>>, vector<1x64xf32>
    %add3A_59 = vector.broadcast %get3A_58 : vector<1x64xf32> to vector<663x64xf32>
    %add3A_60 = arith.addf %dot_general3A_55, %add3A_59 : vector<663x64xf32>
    %max3A_61 = arith.constant 0.000000e+00 : f32
    %max3A_62 = vector.broadcast %max3A_61 : f32 to vector<663x64xf32>
    %max3A_63 = arith.maximumf %add3A_60, %max3A_62 : vector<663x64xf32>
    %get3A_64 = arith.constant 0 : index
    %get3A_65 = arith.constant 0 : index
    %get3A_66 = vector.load %arg12[%get3A_64, %get3A_65] : memref<64x64xf32, #tpu.memory_space<vmem>>, vector<64x64xf32>
    %dot_general3A_67 = arith.constant dense<0.000000e+00> : vector<663x64xf32>
    %dot_general3A_68 = tpu.matmul %max3A_63, %get3A_66, %dot_general3A_67 {dimension_numbers = #tpu.dot_dimension_numbers<[1], [0], [0], [1], [0, 0, 1, 1], [], []>, transpose_lhs_hint = false} : vector<663x64xf32>, vector<64x64xf32>, vector<663x64xf32> -> vector<663x64xf32>
    %get3A_69 = arith.constant 0 : index
    %get3A_70 = arith.constant 0 : index
    %get3A_71 = vector.load %arg13[%get3A_69, %get3A_70] : memref<1x64xf32, #tpu.memory_space<vmem>>, vector<1x64xf32>
    %add3A_72 = vector.broadcast %get3A_71 : vector<1x64xf32> to vector<663x64xf32>
    %add3A_73 = arith.addf %dot_general3A_68, %add3A_72 : vector<663x64xf32>
    %logistic3A = arith.negf %add3A_73 : vector<663x64xf32>
    %logistic3A_74 = math.exp %logistic3A : vector<663x64xf32>
    %logistic3A_75 = arith.constant 1.000000e+00 : f32
    %logistic3A_76 = vector.broadcast %logistic3A_75 : f32 to vector<663x64xf32>
    %logistic3A_77 = arith.addf %logistic3A_76, %logistic3A_74 : vector<663x64xf32>
    %logistic3A_78 = arith.divf %logistic3A_76, %logistic3A_77 : vector<663x64xf32>
    %swap3A = arith.constant 0 : index
    %swap3A_79 = arith.constant 0 : index
    %swap3A_80 = vector.load %arg26[%swap3A, %swap3A_79] : memref<663x64xf32, #tpu.memory_space<vmem>>, vector<663x64xf32>
    tpu.vector_store %arg26[%swap3A, %swap3A_79], %logistic3A_78 {strides = array<i32>} : memref<663x64xf32, #tpu.memory_space<vmem>>, vector<663x64xf32>,
    %get3A_81 = arith.constant 0 : index
    %get3A_82 = arith.constant 0 : index
    %get3A_83 = vector.load %arg1[%get3A_81, %get3A_82] : memref<100x100xf32, #tpu.memory_space<vmem>>, vector<100x100xf32>
    %get3A_84 = arith.constant 0 : index
    %get3A_85 = arith.constant 0 : index
    %get3A_86 = vector.load %arg14[%get3A_84, %get3A_85] : memref<100x64xf32, #tpu.memory_space<vmem>>, vector<100x64xf32>
    %dot_general3A_87 = arith.constant dense<0.000000e+00> : vector<100x64xf32>
    %dot_general3A_88 = tpu.matmul %get3A_83, %get3A_86, %dot_general3A_87 {dimension_numbers = #tpu.dot_dimension_numbers<[1], [0], [0], [1], [0, 0, 1, 1], [], []>, transpose_lhs_hint = false} : vector<100x100xf32>, vector<100x64xf32>, vector<100x64xf32> -> vector<100x64xf32>
    %get3A_89 = arith.constant 0 : index
    %get3A_90 = arith.constant 0 : index
    %get3A_91 = vector.load %arg15[%get3A_89, %get3A_90] : memref<1x64xf32, #tpu.memory_space<vmem>>, vector<1x64xf32>
    %add3A_92 = vector.broadcast %get3A_91 : vector<1x64xf32> to vector<100x64xf32>
    %add3A_93 = arith.addf %dot_general3A_88, %add3A_92 : vector<100x64xf32>
    %max3A_94 = arith.constant 0.000000e+00 : f32
    %max3A_95 = vector.broadcast %max3A_94 : f32 to vector<100x64xf32>
    %max3A_96 = arith.maximumf %add3A_93, %max3A_95 : vector<100x64xf32>
    %get3A_97 = arith.constant 0 : index
    %get3A_98 = arith.constant 0 : index
    %get3A_99 = vector.load %arg16[%get3A_97, %get3A_98] : memref<64x32xf32, #tpu.memory_space<vmem>>, vector<64x32xf32>
    %dot_general3A_100 = arith.constant dense<0.000000e+00> : vector<100x32xf32>
    %dot_general3A_101 = tpu.matmul %max3A_96, %get3A_99, %dot_general3A_100 {dimension_numbers = #tpu.dot_dimension_numbers<[1], [0], [0], [1], [0, 0, 1, 1], [], []>, transpose_lhs_hint = false} : vector<100x64xf32>, vector<64x32xf32>, vector<100x32xf32> -> vector<100x32xf32>
    %get3A_102 = arith.constant 0 : index
    %get3A_103 = arith.constant 0 : index
    %get3A_104 = vector.load %arg17[%get3A_102, %get3A_103] : memref<1x32xf32, #tpu.memory_space<vmem>>, vector<1x32xf32>
    %add3A_105 = vector.broadcast %get3A_104 : vector<1x32xf32> to vector<100x32xf32>
    %add3A_106 = arith.addf %dot_general3A_101, %add3A_105 : vector<100x32xf32>
    %max3A_107 = arith.constant 0.000000e+00 : f32
    %max3A_108 = vector.broadcast %max3A_107 : f32 to vector<100x32xf32>
    %max3A_109 = arith.maximumf %add3A_106, %max3A_108 : vector<100x32xf32>
    %get3A_110 = arith.constant 0 : index
    %get3A_111 = arith.constant 0 : index
    %get3A_112 = vector.load %arg18[%get3A_110, %get3A_111] : memref<32x30xf32, #tpu.memory_space<vmem>>, vector<32x30xf32>
    %dot_general3A_113 = arith.constant dense<0.000000e+00> : vector<100x30xf32>
    %dot_general3A_114 = tpu.matmul %max3A_109, %get3A_112, %dot_general3A_113 {dimension_numbers = #tpu.dot_dimension_numbers<[1], [0], [0], [1], [0, 0, 1, 1], [], []>, transpose_lhs_hint = false} : vector<100x32xf32>, vector<32x30xf32>, vector<100x30xf32> -> vector<100x30xf32>
    %get3A_115 = arith.constant 0 : index
    %get3A_116 = arith.constant 0 : index
    %get3A_117 = vector.load %arg19[%get3A_115, %get3A_116] : memref<1x30xf32, #tpu.memory_space<vmem>>, vector<1x30xf32>
    %add3A_118 = vector.broadcast %get3A_117 : vector<1x30xf32> to vector<100x30xf32>
    %add3A_119 = arith.addf %dot_general3A_114, %add3A_118 : vector<100x30xf32>
    %max3A_120 = arith.constant 0.000000e+00 : f32
    %max3A_121 = vector.broadcast %max3A_120 : f32 to vector<100x30xf32>
    %max3A_122 = arith.maximumf %add3A_119, %max3A_121 : vector<100x30xf32>
    %get3A_123 = arith.constant 0 : index
    %get3A_124 = arith.constant 0 : index
    %get3A_125 = vector.load %arg20[%get3A_123, %get3A_124] : memref<30x32xf32, #tpu.memory_space<vmem>>, vector<30x32xf32>
    %dot_general3A_126 = arith.constant dense<0.000000e+00> : vector<100x32xf32>
    %dot_general3A_127 = tpu.matmul %max3A_122, %get3A_125, %dot_general3A_126 {dimension_numbers = #tpu.dot_dimension_numbers<[1], [0], [0], [1], [0, 0, 1, 1], [], []>, transpose_lhs_hint = false} : vector<100x30xf32>, vector<30x32xf32>, vector<100x32xf32> -> vector<100x32xf32>
    %get3A_128 = arith.constant 0 : index
    %get3A_129 = arith.constant 0 : index
    %get3A_130 = vector.load %arg21[%get3A_128, %get3A_129] : memref<1x32xf32, #tpu.memory_space<vmem>>, vector<1x32xf32>
    %add3A_131 = vector.broadcast %get3A_130 : vector<1x32xf32> to vector<100x32xf32>
    %add3A_132 = arith.addf %dot_general3A_127, %add3A_131 : vector<100x32xf32>
    %max3A_133 = arith.constant 0.000000e+00 : f32
    %max3A_134 = vector.broadcast %max3A_133 : f32 to vector<100x32xf32>
    %max3A_135 = arith.maximumf %add3A_132, %max3A_134 : vector<100x32xf32>
    %get3A_136 = arith.constant 0 : index
    %get3A_137 = arith.constant 0 : index
    %get3A_138 = vector.load %arg22[%get3A_136, %get3A_137] : memref<32x64xf32, #tpu.memory_space<vmem>>, vector<32x64xf32>
    %dot_general3A_139 = arith.constant dense<0.000000e+00> : vector<100x64xf32>
    %dot_general3A_140 = tpu.matmul %max3A_135, %get3A_138, %dot_general3A_139 {dimension_numbers = #tpu.dot_dimension_numbers<[1], [0], [0], [1], [0, 0, 1, 1], [], []>, transpose_lhs_hint = false} : vector<100x32xf32>, vector<32x64xf32>, vector<100x64xf32> -> vector<100x64xf32>
    %get3A_141 = arith.constant 0 : index
    %get3A_142 = arith.constant 0 : index
    %get3A_143 = vector.load %arg23[%get3A_141, %get3A_142] : memref<1x64xf32, #tpu.memory_space<vmem>>, vector<1x64xf32>
    %add3A_144 = vector.broadcast %get3A_143 : vector<1x64xf32> to vector<100x64xf32>
    %add3A_145 = arith.addf %dot_general3A_140, %add3A_144 : vector<100x64xf32>
    %max3A_146 = arith.constant 0.000000e+00 : f32
    %max3A_147 = vector.broadcast %max3A_146 : f32 to vector<100x64xf32>
    %max3A_148 = arith.maximumf %add3A_145, %max3A_147 : vector<100x64xf32>
    %get3A_149 = arith.constant 0 : index
    %get3A_150 = arith.constant 0 : index
    %get3A_151 = vector.load %arg24[%get3A_149, %get3A_150] : memref<64x64xf32, #tpu.memory_space<vmem>>, vector<64x64xf32>
    %dot_general3A_152 = arith.constant dense<0.000000e+00> : vector<100x64xf32>
    %dot_general3A_153 = tpu.matmul %max3A_148, %get3A_151, %dot_general3A_152 {dimension_numbers = #tpu.dot_dimension_numbers<[1], [0], [0], [1], [0, 0, 1, 1], [], []>, transpose_lhs_hint = false} : vector<100x64xf32>, vector<64x64xf32>, vector<100x64xf32> -> vector<100x64xf32>
    %get3A_154 = arith.constant 0 : index
    %get3A_155 = arith.constant 0 : index
    %get3A_156 = vector.load %arg25[%get3A_154, %get3A_155] : memref<1x64xf32, #tpu.memory_space<vmem>>, vector<1x64xf32>
    %add3A_157 = vector.broadcast %get3A_156 : vector<1x64xf32> to vector<100x64xf32>
    %add3A_158 = arith.addf %dot_general3A_153, %add3A_157 : vector<100x64xf32>
    %max3A_159 = arith.constant 0.000000e+00 : f32
    %max3A_160 = vector.broadcast %max3A_159 : f32 to vector<100x64xf32>
    %max3A_161 = arith.maximumf %add3A_158, %max3A_160 : vector<100x64xf32>
    %swap3A_162 = arith.constant 0 : index
    %swap3A_163 = arith.constant 0 : index
    %swap3A_164 = vector.load %arg27[%swap3A_162, %swap3A_163] : memref<100x64xf32, #tpu.memory_space<vmem>>, vector<100x64xf32>
    tpu.vector_store %arg27[%swap3A_162, %swap3A_163], %max3A_161 {strides = array<i32>} : memref<100x64xf32, #tpu.memory_space<vmem>>, vector<100x64xf32>,
    return
  }
}

module attributes {stable_mosaic.version = 14 : i64} {
  func.func @_tc_gcn_body(%arg0: memref<663x64xf32, #tpu.memory_space<vmem>>, %arg1: memref<100x64xf32, #tpu.memory_space<vmem>>, %arg2: memref<663x663xf32, #tpu.memory_space<vmem>>, %arg3: memref<100x100xf32, #tpu.memory_space<vmem>>, %arg4: memref<64x128xf32, #tpu.memory_space<vmem>>, %arg5: memref<1x128xf32, #tpu.memory_space<vmem>>, %arg6: memref<128x128xf32, #tpu.memory_space<vmem>>, %arg7: memref<1x128xf32, #tpu.memory_space<vmem>>, %arg8: memref<64x128xf32, #tpu.memory_space<vmem>>, %arg9: memref<1x128xf32, #tpu.memory_space<vmem>>, %arg10: memref<128x128xf32, #tpu.memory_space<vmem>>, %arg11: memref<1x128xf32, #tpu.memory_space<vmem>>, %arg12: memref<256x256xf32, #tpu.memory_space<vmem>>, %arg13: memref<1x256xf32, #tpu.memory_space<vmem>>, %arg14: memref<256x256xf32, #tpu.memory_space<vmem>>, %arg15: memref<1x256xf32, #tpu.memory_space<vmem>>, %arg16: memref<663x100xf32, #tpu.memory_space<vmem>>, %arg17: memref<663x256xf32, #tpu.memory_space<vmem>>, %arg18: memref<100x256xf32, #tpu.memory_space<vmem>>) attributes {dimension_semantics = [], scalar_prefetch = 0 : i64, scratch_operands = 0 : i64, tpu.core_type = #tpu.core_type<tc>} {
    %iota3A = tpu.iota {dimensions = array<i32: 0>} : vector<663x663xi32>
    %iota3A_0 = tpu.iota {dimensions = array<i32: 1>} : vector<663x663xi32>
    %get3A = arith.constant 0 : index
    %get3A_1 = arith.constant 0 : index
    %get3A_2 = vector.load %arg2[%get3A, %get3A_1] : memref<663x663xf32, #tpu.memory_space<vmem>>, vector<663x663xf32>
    %eq3A = arith.cmpi eq, %iota3A, %iota3A_0 : vector<663x663xi32>
    %jit3A = arith.constant 1.000000e+00 : f32
    %jit3A_3 = arith.constant 0.000000e+00 : f32
    %broadcast_in_dim3A = vector.broadcast %jit3A : f32 to vector<663x663xf32>
    %broadcast_in_dim3A_4 = vector.broadcast %jit3A_3 : f32 to vector<663x663xf32>
    %select_n3A = arith.select %eq3A, %broadcast_in_dim3A, %broadcast_in_dim3A_4 : vector<663x663xi1>, vector<663x663xf32>
    %add3A = arith.addf %get3A_2, %select_n3A : vector<663x663xf32>
    %reduce_sum3A = arith.constant dense<0.000000e+00> : vector<663xf32>
    %reduce_sum3A_5 = vector.multi_reduction <add>, %add3A, %reduce_sum3A [1] : vector<663x663xf32> to vector<663xf32>
    %broadcast_in_dim3A_6 = vector.shape_cast %reduce_sum3A_5 : vector<663xf32> to vector<663x1xf32>
    %gt3A = arith.constant 0.000000e+00 : f32
    %gt3A_7 = vector.broadcast %gt3A : f32 to vector<663x1xf32>
    %gt3A_8 = arith.cmpf ogt, %broadcast_in_dim3A_6, %gt3A_7 : vector<663x1xf32>
    %gt3A_9 = arith.constant 0.000000e+00 : f32
    %gt3A_10 = vector.broadcast %gt3A_9 : f32 to vector<663x1xf32>
    %gt3A_11 = arith.cmpf ogt, %broadcast_in_dim3A_6, %gt3A_10 : vector<663x1xf32>
    %jit3A_12 = arith.constant 1.000000e+00 : f32
    %broadcast_in_dim3A_13 = vector.broadcast %jit3A_12 : f32 to vector<663x1xf32>
    %select_n3A_14 = arith.select %gt3A_11, %broadcast_in_dim3A_6, %broadcast_in_dim3A_13 : vector<663x1xi1>, vector<663x1xf32>
    %rsqrt3A = math.rsqrt %select_n3A_14 : vector<663x1xf32>
    %jit3A_15 = arith.constant 0.000000e+00 : f32
    %broadcast_in_dim3A_16 = vector.broadcast %jit3A_15 : f32 to vector<663x1xf32>
    %select_n3A_17 = arith.select %gt3A_8, %rsqrt3A, %broadcast_in_dim3A_16 : vector<663x1xi1>, vector<663x1xf32>
    %iota3A_18 = tpu.iota {dimensions = array<i32: 0>} : vector<100x100xi32>
    %iota3A_19 = tpu.iota {dimensions = array<i32: 1>} : vector<100x100xi32>
    %get3A_20 = arith.constant 0 : index
    %get3A_21 = arith.constant 0 : index
    %get3A_22 = vector.load %arg3[%get3A_20, %get3A_21] : memref<100x100xf32, #tpu.memory_space<vmem>>, vector<100x100xf32>
    %eq3A_23 = arith.cmpi eq, %iota3A_18, %iota3A_19 : vector<100x100xi32>
    %jit3A_24 = arith.constant 1.000000e+00 : f32
    %jit3A_25 = arith.constant 0.000000e+00 : f32
    %broadcast_in_dim3A_26 = vector.broadcast %jit3A_24 : f32 to vector<100x100xf32>
    %broadcast_in_dim3A_27 = vector.broadcast %jit3A_25 : f32 to vector<100x100xf32>
    %select_n3A_28 = arith.select %eq3A_23, %broadcast_in_dim3A_26, %broadcast_in_dim3A_27 : vector<100x100xi1>, vector<100x100xf32>
    %add3A_29 = arith.addf %get3A_22, %select_n3A_28 : vector<100x100xf32>
    %reduce_sum3A_30 = arith.constant dense<0.000000e+00> : vector<100xf32>
    %reduce_sum3A_31 = vector.multi_reduction <add>, %add3A_29, %reduce_sum3A_30 [1] : vector<100x100xf32> to vector<100xf32>
    %broadcast_in_dim3A_32 = vector.shape_cast %reduce_sum3A_31 : vector<100xf32> to vector<100x1xf32>
    %gt3A_33 = arith.constant 0.000000e+00 : f32
    %gt3A_34 = vector.broadcast %gt3A_33 : f32 to vector<100x1xf32>
    %gt3A_35 = arith.cmpf ogt, %broadcast_in_dim3A_32, %gt3A_34 : vector<100x1xf32>
    %gt3A_36 = arith.constant 0.000000e+00 : f32
    %gt3A_37 = vector.broadcast %gt3A_36 : f32 to vector<100x1xf32>
    %gt3A_38 = arith.cmpf ogt, %broadcast_in_dim3A_32, %gt3A_37 : vector<100x1xf32>
    %jit3A_39 = arith.constant 1.000000e+00 : f32
    %broadcast_in_dim3A_40 = vector.broadcast %jit3A_39 : f32 to vector<100x1xf32>
    %select_n3A_41 = arith.select %gt3A_38, %broadcast_in_dim3A_32, %broadcast_in_dim3A_40 : vector<100x1xi1>, vector<100x1xf32>
    %rsqrt3A_42 = math.rsqrt %select_n3A_41 : vector<100x1xf32>
    %jit3A_43 = arith.constant 0.000000e+00 : f32
    %broadcast_in_dim3A_44 = vector.broadcast %jit3A_43 : f32 to vector<100x1xf32>
    %select_n3A_45 = arith.select %gt3A_35, %rsqrt3A_42, %broadcast_in_dim3A_44 : vector<100x1xi1>, vector<100x1xf32>
    %get3A_46 = arith.constant 0 : index
    %get3A_47 = arith.constant 0 : index
    %get3A_48 = vector.load %arg0[%get3A_46, %get3A_47] : memref<663x64xf32, #tpu.memory_space<vmem>>, vector<663x64xf32>
    %get3A_49 = arith.constant 0 : index
    %get3A_50 = arith.constant 0 : index
    %get3A_51 = vector.load %arg4[%get3A_49, %get3A_50] : memref<64x128xf32, #tpu.memory_space<vmem>>, vector<64x128xf32>
    %dot_general3A = arith.constant dense<0.000000e+00> : vector<663x128xf32>
    %dot_general3A_52 = tpu.matmul %get3A_48, %get3A_51, %dot_general3A {dimension_numbers = #tpu.dot_dimension_numbers<[1], [0], [0], [1], [0, 0, 1, 1], [], []>, transpose_lhs_hint = false} : vector<663x64xf32>, vector<64x128xf32>, vector<663x128xf32> -> vector<663x128xf32>
    %mul3A = vector.broadcast %select_n3A_17 : vector<663x1xf32> to vector<663x128xf32>
    %mul3A_53 = arith.mulf %dot_general3A_52, %mul3A : vector<663x128xf32>
    %dot_general3A_54 = arith.constant dense<0.000000e+00> : vector<663x128xf32>
    %dot_general3A_55 = tpu.matmul %add3A, %mul3A_53, %dot_general3A_54 {dimension_numbers = #tpu.dot_dimension_numbers<[1], [0], [0], [1], [0, 0, 1, 1], [], []>, precision = #tpu.contract_precision<fp32>, transpose_lhs_hint = false} : vector<663x663xf32>, vector<663x128xf32>, vector<663x128xf32> -> vector<663x128xf32>
    %mul3A_56 = vector.broadcast %select_n3A_17 : vector<663x1xf32> to vector<663x128xf32>
    %mul3A_57 = arith.mulf %dot_general3A_55, %mul3A_56 : vector<663x128xf32>
    %get3A_58 = arith.constant 0 : index
    %get3A_59 = arith.constant 0 : index
    %get3A_60 = vector.load %arg5[%get3A_58, %get3A_59] : memref<1x128xf32, #tpu.memory_space<vmem>>, vector<1x128xf32>
    %add3A_61 = vector.broadcast %get3A_60 : vector<1x128xf32> to vector<663x128xf32>
    %add3A_62 = arith.addf %mul3A_57, %add3A_61 : vector<663x128xf32>
    %max3A = arith.constant 0.000000e+00 : f32
    %max3A_63 = vector.broadcast %max3A : f32 to vector<663x128xf32>
    %max3A_64 = arith.maximumf %add3A_62, %max3A_63 : vector<663x128xf32>
    %get3A_65 = arith.constant 0 : index
    %get3A_66 = arith.constant 0 : index
    %get3A_67 = vector.load %arg6[%get3A_65, %get3A_66] : memref<128x128xf32, #tpu.memory_space<vmem>>, vector<128x128xf32>
    %dot_general3A_68 = arith.constant dense<0.000000e+00> : vector<663x128xf32>
    %dot_general3A_69 = tpu.matmul %max3A_64, %get3A_67, %dot_general3A_68 {dimension_numbers = #tpu.dot_dimension_numbers<[1], [0], [0], [1], [0, 0, 1, 1], [], []>, transpose_lhs_hint = false} : vector<663x128xf32>, vector<128x128xf32>, vector<663x128xf32> -> vector<663x128xf32>
    %mul3A_70 = vector.broadcast %select_n3A_17 : vector<663x1xf32> to vector<663x128xf32>
    %mul3A_71 = arith.mulf %dot_general3A_69, %mul3A_70 : vector<663x128xf32>
    %dot_general3A_72 = arith.constant dense<0.000000e+00> : vector<663x128xf32>
    %dot_general3A_73 = tpu.matmul %add3A, %mul3A_71, %dot_general3A_72 {dimension_numbers = #tpu.dot_dimension_numbers<[1], [0], [0], [1], [0, 0, 1, 1], [], []>, precision = #tpu.contract_precision<fp32>, transpose_lhs_hint = false} : vector<663x663xf32>, vector<663x128xf32>, vector<663x128xf32> -> vector<663x128xf32>
    %mul3A_74 = vector.broadcast %select_n3A_17 : vector<663x1xf32> to vector<663x128xf32>
    %mul3A_75 = arith.mulf %dot_general3A_73, %mul3A_74 : vector<663x128xf32>
    %get3A_76 = arith.constant 0 : index
    %get3A_77 = arith.constant 0 : index
    %get3A_78 = vector.load %arg7[%get3A_76, %get3A_77] : memref<1x128xf32, #tpu.memory_space<vmem>>, vector<1x128xf32>
    %add3A_79 = vector.broadcast %get3A_78 : vector<1x128xf32> to vector<663x128xf32>
    %add3A_80 = arith.addf %mul3A_75, %add3A_79 : vector<663x128xf32>
    %max3A_81 = arith.constant 0.000000e+00 : f32
    %max3A_82 = vector.broadcast %max3A_81 : f32 to vector<663x128xf32>
    %max3A_83 = arith.maximumf %add3A_80, %max3A_82 : vector<663x128xf32>
    %get3A_84 = arith.constant 0 : index
    %get3A_85 = arith.constant 0 : index
    %get3A_86 = vector.load %arg1[%get3A_84, %get3A_85] : memref<100x64xf32, #tpu.memory_space<vmem>>, vector<100x64xf32>
    %get3A_87 = arith.constant 0 : index
    %get3A_88 = arith.constant 0 : index
    %get3A_89 = vector.load %arg8[%get3A_87, %get3A_88] : memref<64x128xf32, #tpu.memory_space<vmem>>, vector<64x128xf32>
    %dot_general3A_90 = arith.constant dense<0.000000e+00> : vector<100x128xf32>
    %dot_general3A_91 = tpu.matmul %get3A_86, %get3A_89, %dot_general3A_90 {dimension_numbers = #tpu.dot_dimension_numbers<[1], [0], [0], [1], [0, 0, 1, 1], [], []>, transpose_lhs_hint = false} : vector<100x64xf32>, vector<64x128xf32>, vector<100x128xf32> -> vector<100x128xf32>
    %mul3A_92 = vector.broadcast %select_n3A_45 : vector<100x1xf32> to vector<100x128xf32>
    %mul3A_93 = arith.mulf %dot_general3A_91, %mul3A_92 : vector<100x128xf32>
    %dot_general3A_94 = arith.constant dense<0.000000e+00> : vector<100x128xf32>
    %dot_general3A_95 = tpu.matmul %add3A_29, %mul3A_93, %dot_general3A_94 {dimension_numbers = #tpu.dot_dimension_numbers<[1], [0], [0], [1], [0, 0, 1, 1], [], []>, precision = #tpu.contract_precision<fp32>, transpose_lhs_hint = false} : vector<100x100xf32>, vector<100x128xf32>, vector<100x128xf32> -> vector<100x128xf32>
    %mul3A_96 = vector.broadcast %select_n3A_45 : vector<100x1xf32> to vector<100x128xf32>
    %mul3A_97 = arith.mulf %dot_general3A_95, %mul3A_96 : vector<100x128xf32>
    %get3A_98 = arith.constant 0 : index
    %get3A_99 = arith.constant 0 : index
    %get3A_100 = vector.load %arg9[%get3A_98, %get3A_99] : memref<1x128xf32, #tpu.memory_space<vmem>>, vector<1x128xf32>
    %add3A_101 = vector.broadcast %get3A_100 : vector<1x128xf32> to vector<100x128xf32>
    %add3A_102 = arith.addf %mul3A_97, %add3A_101 : vector<100x128xf32>
    %max3A_103 = arith.constant 0.000000e+00 : f32
    %max3A_104 = vector.broadcast %max3A_103 : f32 to vector<100x128xf32>
    %max3A_105 = arith.maximumf %add3A_102, %max3A_104 : vector<100x128xf32>
    %get3A_106 = arith.constant 0 : index
    %get3A_107 = arith.constant 0 : index
    %get3A_108 = vector.load %arg10[%get3A_106, %get3A_107] : memref<128x128xf32, #tpu.memory_space<vmem>>, vector<128x128xf32>
    %dot_general3A_109 = arith.constant dense<0.000000e+00> : vector<100x128xf32>
    %dot_general3A_110 = tpu.matmul %max3A_105, %get3A_108, %dot_general3A_109 {dimension_numbers = #tpu.dot_dimension_numbers<[1], [0], [0], [1], [0, 0, 1, 1], [], []>, transpose_lhs_hint = false} : vector<100x128xf32>, vector<128x128xf32>, vector<100x128xf32> -> vector<100x128xf32>
    %mul3A_111 = vector.broadcast %select_n3A_45 : vector<100x1xf32> to vector<100x128xf32>
    %mul3A_112 = arith.mulf %dot_general3A_110, %mul3A_111 : vector<100x128xf32>
    %dot_general3A_113 = arith.constant dense<0.000000e+00> : vector<100x128xf32>
    %dot_general3A_114 = tpu.matmul %add3A_29, %mul3A_112, %dot_general3A_113 {dimension_numbers = #tpu.dot_dimension_numbers<[1], [0], [0], [1], [0, 0, 1, 1], [], []>, precision = #tpu.contract_precision<fp32>, transpose_lhs_hint = false} : vector<100x100xf32>, vector<100x128xf32>, vector<100x128xf32> -> vector<100x128xf32>
    %mul3A_115 = vector.broadcast %select_n3A_45 : vector<100x1xf32> to vector<100x128xf32>
    %mul3A_116 = arith.mulf %dot_general3A_114, %mul3A_115 : vector<100x128xf32>
    %get3A_117 = arith.constant 0 : index
    %get3A_118 = arith.constant 0 : index
    %get3A_119 = vector.load %arg11[%get3A_117, %get3A_118] : memref<1x128xf32, #tpu.memory_space<vmem>>, vector<1x128xf32>
    %add3A_120 = vector.broadcast %get3A_119 : vector<1x128xf32> to vector<100x128xf32>
    %add3A_121 = arith.addf %mul3A_116, %add3A_120 : vector<100x128xf32>
    %max3A_122 = arith.constant 0.000000e+00 : f32
    %max3A_123 = vector.broadcast %max3A_122 : f32 to vector<100x128xf32>
    %max3A_124 = arith.maximumf %add3A_121, %max3A_123 : vector<100x128xf32>
    %get3A_125 = arith.constant 0 : index
    %get3A_126 = arith.constant 0 : index
    %get3A_127 = vector.load %arg12[%get3A_125, %get3A_126] : memref<256x256xf32, #tpu.memory_space<vmem>>, vector<256x128xf32>
    %dot_general3A_128 = arith.constant dense<0.000000e+00> : vector<663x256xf32>
    %dot_general3A_129 = tpu.matmul %max3A_64, %get3A_127, %dot_general3A_128 {dimension_numbers = #tpu.dot_dimension_numbers<[1], [1], [0], [0], [0, 0, 1, 0], [], []>, transpose_lhs_hint = false} : vector<663x128xf32>, vector<256x128xf32>, vector<663x256xf32> -> vector<663x256xf32>
    %get3A_130 = arith.constant 0 : index
    %get3A_131 = arith.constant 128 : index
    %get3A_132 = vector.load %arg12[%get3A_130, %get3A_131] : memref<256x256xf32, #tpu.memory_space<vmem>>, vector<256x128xf32>
    %dot_general3A_133 = arith.constant dense<0.000000e+00> : vector<663x256xf32>
    %dot_general3A_134 = tpu.matmul %max3A_83, %get3A_132, %dot_general3A_133 {dimension_numbers = #tpu.dot_dimension_numbers<[1], [1], [0], [0], [0, 0, 1, 0], [], []>, transpose_lhs_hint = false} : vector<663x128xf32>, vector<256x128xf32>, vector<663x256xf32> -> vector<663x256xf32>
    %add3A_135 = arith.addf %dot_general3A_129, %dot_general3A_134 : vector<663x256xf32>
    %get3A_136 = arith.constant 0 : index
    %get3A_137 = arith.constant 0 : index
    %get3A_138 = vector.load %arg13[%get3A_136, %get3A_137] : memref<1x256xf32, #tpu.memory_space<vmem>>, vector<1x256xf32>
    %add3A_139 = vector.broadcast %get3A_138 : vector<1x256xf32> to vector<663x256xf32>
    %add3A_140 = arith.addf %add3A_135, %add3A_139 : vector<663x256xf32>
    %get3A_141 = arith.constant 0 : index
    %get3A_142 = arith.constant 0 : index
    %get3A_143 = vector.load %arg14[%get3A_141, %get3A_142] : memref<256x256xf32, #tpu.memory_space<vmem>>, vector<256x128xf32>
    %dot_general3A_144 = arith.constant dense<0.000000e+00> : vector<100x256xf32>
    %dot_general3A_145 = tpu.matmul %max3A_105, %get3A_143, %dot_general3A_144 {dimension_numbers = #tpu.dot_dimension_numbers<[1], [1], [0], [0], [0, 0, 1, 0], [], []>, transpose_lhs_hint = false} : vector<100x128xf32>, vector<256x128xf32>, vector<100x256xf32> -> vector<100x256xf32>
    %get3A_146 = arith.constant 0 : index
    %get3A_147 = arith.constant 128 : index
    %get3A_148 = vector.load %arg14[%get3A_146, %get3A_147] : memref<256x256xf32, #tpu.memory_space<vmem>>, vector<256x128xf32>
    %dot_general3A_149 = arith.constant dense<0.000000e+00> : vector<100x256xf32>
    %dot_general3A_150 = tpu.matmul %max3A_124, %get3A_148, %dot_general3A_149 {dimension_numbers = #tpu.dot_dimension_numbers<[1], [1], [0], [0], [0, 0, 1, 0], [], []>, transpose_lhs_hint = false} : vector<100x128xf32>, vector<256x128xf32>, vector<100x256xf32> -> vector<100x256xf32>
    %add3A_151 = arith.addf %dot_general3A_145, %dot_general3A_150 : vector<100x256xf32>
    %get3A_152 = arith.constant 0 : index
    %get3A_153 = arith.constant 0 : index
    %get3A_154 = vector.load %arg15[%get3A_152, %get3A_153] : memref<1x256xf32, #tpu.memory_space<vmem>>, vector<1x256xf32>
    %add3A_155 = vector.broadcast %get3A_154 : vector<1x256xf32> to vector<100x256xf32>
    %add3A_156 = arith.addf %add3A_151, %add3A_155 : vector<100x256xf32>
    %swap3A = arith.constant 0 : index
    %swap3A_157 = arith.constant 0 : index
    %swap3A_158 = vector.load %arg17[%swap3A, %swap3A_157] : memref<663x256xf32, #tpu.memory_space<vmem>>, vector<663x256xf32>
    tpu.vector_store %arg17[%swap3A, %swap3A_157], %add3A_140 {strides = array<i32>} : memref<663x256xf32, #tpu.memory_space<vmem>>, vector<663x256xf32>,
    %swap3A_159 = arith.constant 0 : index
    %swap3A_160 = arith.constant 0 : index
    %swap3A_161 = vector.load %arg18[%swap3A_159, %swap3A_160] : memref<100x256xf32, #tpu.memory_space<vmem>>, vector<100x256xf32>
    tpu.vector_store %arg18[%swap3A_159, %swap3A_160], %add3A_156 {strides = array<i32>} : memref<100x256xf32, #tpu.memory_space<vmem>>, vector<100x256xf32>,
    %dot_general3A_162 = arith.constant dense<0.000000e+00> : vector<663x100xf32>
    %dot_general3A_163 = tpu.matmul %add3A_140, %add3A_156, %dot_general3A_162 {dimension_numbers = #tpu.dot_dimension_numbers<[1], [1], [0], [0], [0, 0, 1, 0], [], []>, transpose_lhs_hint = false} : vector<663x256xf32>, vector<100x256xf32>, vector<663x100xf32> -> vector<663x100xf32>
    %swap3A_164 = arith.constant 0 : index
    %swap3A_165 = arith.constant 0 : index
    %swap3A_166 = vector.load %arg16[%swap3A_164, %swap3A_165] : memref<663x100xf32, #tpu.memory_space<vmem>>, vector<663x100xf32>
    tpu.vector_store %arg16[%swap3A_164, %swap3A_165], %dot_general3A_163 {strides = array<i32>} : memref<663x100xf32, #tpu.memory_space<vmem>>, vector<663x100xf32>,
    return
  }
}

</mosaic_0001>

<sc_bundles>
// kernel: kernel.5.cloned.1.call-start
scs
__scs_entry_jumppad:
0x0: {  	(pc) =	sbr.rel $0x88, $3  }
0x1: {  	(tag) =	ssettag $0x0;
	lr =	simm.s32 $0x1  }
0x2: {  	[smem:$0x3F79] =	sst lr;
	_ =	strace $0xD0000000  }
0x3: {  	_ = 	snop  }
0x4: {  	_ = 	snop  }
0x5: {  	_ = 	snop  }
0x6: {  	_ = 	snop  }
0x7: {  	_ = 	snop  }
__scs_overlays_trampoline_lowered:
0x8: {  	[smem:$0x3F88] =	sst s0  }
0x9: {  	[smem:$0x3F89] =	sst s1  }
0xa: {  	[smem:$0x3F8A] =	sst s2  }
0xb: {  	[smem:$0x3F8B] =	sst s3  }
0xc: {  	[smem:$0x3F8C] =	sst s4  }
0xd: {  	[smem:$0x3F8D] =	sst s5  }
0xe: {  	[smem:$0x3F8E] =	sst s6  }
0xf: {  	[smem:$0x3F8F] =	sst s7  }
0x10: {  	[smem:$0x3F90] =	sst s8  }
0x11: {  	[smem:$0x3F91] =	sst s9;
	s0 =	simm.s32 @!p0 $0x0  }
0x12: {  	s1 =	sld [smem:$0x3F77];
	s0 =	simm.s32 @p0 $0x1  }
0x13: {  	[smem:$0x3F92] =	sst s0;
	s0 =	simm.s32 @!p1 $0x0  }
0x14: {  	s2 =	sld [smem:$0x3F76];
	s0 =	simm.s32 @p1 $0x1  }
0x15: {  	[smem:$0x3F93] =	sst s0;
	s0 =	simm.s32 @!p2 $0x0  }
0x16: {  	s3 =	sld [smem:$0x3FDB];
	s0 =	simm.s32 @p2 $0x1  }
0x17: {  	s4 =	simm.s32 $0x1BF5;
	[smem:$0x3F95] =	sst s0  }
0x18: {  	s0 =	sld [smem:$0x3F78];
	_ =	swait.ge [sflag:s4], $0x0  }
0x19: {  	s7 =	sld [smem:$0x3F79]  }
0x1a: {  	s8 =	sadd.s32 $0xFFFFE003, lr  }
0x1b: {  	s9 =	sadd.s32 $0xFFFFFEF7, lr;
	s5 =	simm.s32 $0xFFFFFFFF;
	p2 =	slt.u32 s8, $0xFFFFF086  }
0x1c: {  	p1 =	slt.u32 s9, $0xF7A;
	s5 =	simm.s32 @!p2 $0x0  }
0x1d: {  	s5 =	simm.s32 @p1 $0x1;
	p0 =	seq.s32 s7, s2  }
0x1e: {  	s7 =	smul.u32 @!p0 $0xF7A, s2;
	p2 =	seq.s32 @!p0 s5, $0x0  }
0x1f: {  	s9 =	smul.u32 $0xF7A, s1;
	s8 =	simm.s32 @!p0 $0x1BF5;
	p2 =	por !p2, p0  }
0x20: {  	[sflag:s8] =	ssyncset.s32 @!p0 $0xFFFFF086;
	s6 =	sadd.s32 @!p0 s3, s7;
	s7 =	simm.s32 @!p0 $0x108  }
0x21: {  	s3 =	sadd.s32 s3, s9;
	s6 =	sadd.s32 @!p0 $0x88, s6;
	s7 =	simm.s32 @p2 $0x1082  }
0x22: {  	[simem:s7], [sflag:s8] =	dma.local @!p0 [hbm:s6], $0xF7A  }
0x23: {  	s9 =	sor.u32 $0xD0000000, s2;
	s6 =	simm.s32 $0x108;
	_ =	swait.ge @!p0 [sflag:s8], $0x0  }
0x24: {  	s3 =	sadd.s32 $0x88, s3;
	s6 =	simm.s32 @!p1 $0x1082;
	[sflag:s4] =	ssyncset.s32 $0xFFFFF086  }
0x25: {  	[simem:s6], [sflag:s4] =	dma.local [hbm:s3], $0xF7A  }
0x26: {  	[smem:$0x3F79] =	sst s1;
	(tag) =	ssettag s2;
	_ =	strace s9  }
0x27: {  	s1 =	sld [smem:$0x3F89]  }
0x28: {  	s2 =	sld [smem:$0x3F8A]  }
0x29: {  	s4 =	sld [smem:$0x3F8C]  }
0x2a: {  	p0 =	seq.s32 s5, $0x0;
	s5 =	sld [smem:$0x3F8D]  }
0x2b: {  	s6 =	sld [smem:$0x3F8E]  }
0x2c: {  	s7 =	sld [smem:$0x3F8F]  }
0x2d: {  	s3 =	simm.s32 $0x108;
	s8 =	sld [smem:$0x3F90]  }
0x2e: {  	s3 =	simm.s32 @!p0 $0x1082;
	s9 =	sld [smem:$0x3F91]  }
0x2f: {  	lr =	sadd.s32 s0, s3;
	s0 =	sld [smem:$0x3F88]  }
0x30: {  	s3 =	sld [smem:$0x3F8B]  }
0x31: {  	[smem:$0x3F94] =	sst s10  }
0x32: {  	s10 =	sld [smem:$0x3F92];
	_ =	sdelay $0x3  }
0x33: {  	p0 =	seq.s32 s10, $0x1;
	s10 =	sld [smem:$0x3F94];
	_ =	sdelay $0x3  }
0x34: {  	[smem:$0x3F94] =	sst s10  }
0x35: {  	s10 =	sld [smem:$0x3F93];
	_ =	sdelay $0x3  }
0x36: {  	p1 =	seq.s32 s10, $0x1;
	s10 =	sld [smem:$0x3F94];
	_ =	sdelay $0x3  }
0x37: {  	[smem:$0x3F94] =	sst s10  }
0x38: {  	s10 =	sld [smem:$0x3F95]  }
0x39: {  	_ = 	snop;
	(pc) =	sbr.ind lr, $3  }
0x3a: {  	_ = 	snop  }
0x3b: {  	_ = 	snop  }
0x3c: {  	p2 =	seq.s32 s10, $0x1;
	s10 =	sld [smem:$0x3F94]  }
0x3d: {  	_ =	shalt  }
0x3e: {  	_ =	shalt  }
0x3f: {  	_ =	shalt  }
0x40: {  	_ =	shalt  }
0x41: {  	_ =	shalt  }
0x42: {  	_ =	shalt  }
0x43: {  	_ =	shalt  }
0x44: {  	_ =	shalt  }
0x45: {  	_ =	shalt  }
0x46: {  	_ =	shalt  }
0x47: {  	_ =	shalt  }
0x48: {  	_ =	shalt  }
0x49: {  	_ =	shalt  }
0x4a: {  	_ =	shalt  }
0x4b: {  	_ =	shalt  }
0x4c: {  	_ =	shalt  }
0x4d: {  	_ =	shalt  }
0x4e: {  	_ =	shalt  }
0x4f: {  	_ =	shalt  }
0x50: {  	_ =	shalt  }
0x51: {  	_ =	shalt  }
0x52: {  	_ =	shalt  }
0x53: {  	_ =	shalt  }
0x54: {  	_ =	shalt  }
0x55: {  	_ =	shalt  }
0x56: {  	_ =	shalt  }
0x57: {  	_ =	shalt  }
0x58: {  	_ =	shalt  }
0x59: {  	_ =	shalt  }
0x5a: {  	_ =	shalt  }
0x5b: {  	_ =	shalt  }
0x5c: {  	_ =	shalt  }
0x5d: {  	_ =	shalt  }
0x5e: {  	_ =	shalt  }
0x5f: {  	_ =	shalt  }
0x60: {  	_ =	shalt  }
0x61: {  	_ =	shalt  }
0x62: {  	_ =	shalt  }
0x63: {  	_ =	shalt  }
0x64: {  	_ =	shalt  }
0x65: {  	_ =	shalt  }
0x66: {  	_ =	shalt  }
0x67: {  	_ =	shalt  }
0x68: {  	_ =	shalt  }
0x69: {  	_ =	shalt  }
0x6a: {  	_ =	shalt  }
0x6b: {  	_ =	shalt  }
0x6c: {  	_ =	shalt  }
0x6d: {  	_ =	shalt  }
0x6e: {  	_ =	shalt  }
0x6f: {  	_ =	shalt  }
0x70: {  	_ =	shalt  }
0x71: {  	_ =	shalt  }
0x72: {  	_ =	shalt  }
0x73: {  	_ =	shalt  }
0x74: {  	_ =	shalt  }
0x75: {  	_ =	shalt  }
0x76: {  	_ =	shalt  }
0x77: {  	_ =	shalt  }
0x78: {  	_ =	shalt  }
0x79: {  	_ =	shalt  }
0x7a: {  	_ =	shalt  }
0x7b: {  	_ =	shalt  }
0x7c: {  	_ =	shalt  }
0x7d: {  	_ =	shalt  }
0x7e: {  	_ =	shalt  }
0x7f: {  	_ =	shalt  }
0x80: {  	_ =	shalt  }
0x81: {  	_ =	shalt  }
0x82: {  	_ =	shalt  }
0x83: {  	_ =	shalt  }
0x84: {  	_ =	shalt  }
0x85: {  	_ =	shalt  }
0x86: {  	_ =	shalt  }
0x87: {  	_ =	shalt  }
.Lfunc_end0:
.L_simem_size_0:
called_computation_lowered:
.L_overlay_start_0:
0x88: {  	s2 =	sld [smem:$0x3FD9]  }
0x89: {  	s3 =	sld [smem:$0x3FFE];
	_ =	sdelay $0x1  }
0x8a: {  	s1 =	srdreg.scid  }
0x8b: {  	s0 =	sand.u32 $0x1, s1  }
0x8c: {  	s14 =	sshll.u32 s0, $0xA;
	s2 =	sadd.s32 s3, s2  }
0x8d: {  	s2 =	sadd.s32 s2, s14  }
0x8e: {  	[smem:$0x3FA0] =	sst s2  }
0x8f: {  	_ = 	snop  }
0x90: {  	s2 =	sld [smem:$0x3FD0];
	_ =	sdelay $0x2  }
0x91: {  	s15 =	simm.s32 $0xA;
	s4 =	simm.s32 $0x10  }
0x92: {  	[smem:s4], [sflag:s15] =	dma.local [hbm:s2], $0x1  }
0x93: {  	_ =	swait.eq [sflag:s15], $0x1  }
0x94: {  	s16 =	sld [smem:$0x10];
	[sflag:s15] =	ssyncset.done $0x0  }
0x95: {  	s17 =	sld [smem:$0x11];
	[sflag:s15] =	ssyncadd.s32 $0xFFFFFFFF  }
0x96: {  	s18 =	sld [smem:$0x12];
	(tm) =	ssettm $0x1  }
0x97: {  	s5 =	sld [smem:$0x3FFB];
	_ =	sdelay $0x3  }
0x98: {  	_ =	strace s5  }
0x99: {  	s5 =	sld [smem:$0x3FFC];
	_ =	sdelay $0x3  }
0x9a: {  	_ =	strace s5  }
0x9b: {  	s5 =	sld [smem:$0x3FFD];
	_ =	sdelay $0x3  }
0x9c: {  	_ =	strace s5  }
0x9d: {  	_ =	strace $0x8FFFFFFF  }
0x9e: {  	s19 =	sld [smem:$0x3FDB];
	_ =	sdelay $0x1  }
0x9f: {  	s6 =	simm.s32 $_scs_section_size  }
0xa0: {  	s7 =	simm.s32 $_size__tile_overlayer_lowered;
	s8 =	simm.s32 $_tile_overlayer_lowered  }
0xa1: {  	s22 =	simm.s32 $0x1BFF;
	s21 =	sshll.u32 s8, $0x1;
	s5 =	sadd.s32 s6, s19  }
0xa2: {  	s9 =	simm.s32 $0x0;
	s20 =	sshll.u32 s7, $0x1;
	s7 =	sadd.s32 s21, s5  }
0xa3: {  	[timem:s9], [sflag:s22] =	dma.local [hbm:s7], s20  }
0xa4: {  	_ =	swait.ge [sflag:s22], s20  }
0xa5: {  	s6 =	ssub.s32 $0x0, s20;
	[sflag:s22] =	ssyncset.done $0x0  }
0xa6: {  	[sflag:s22] =	ssyncadd.s32 s6;
	_ =	sdelay $0x1  }
0xa7: {  	s23 =	simm.s32 $0x1B8B  }
0xa8: {  	_ =	swait.ge [sflag:s23], $0x1  }
0xa9: {  	[sflag:s23] =	ssyncset.done $0x0  }
0xaa: {  	s25 =	simm.s32 $0x1B8E;
	s24 =	sld [smem:$0x3FFE];
	[sflag:s23] =	ssyncadd.s32 $0xFFFFFFFF  }
0xab: {  	s26 =	simm.s32 $execute0_lowered;
	[smem:$0x3FD2] =	sst s25  }
0xac: {  	s7 =	sshll.u32 s26, $0x1;
	_ =	strace $0x80000046;
	[dreg:$0x1] =	wrdreg $0xFFFFFFFF  }
0xad: {  	s28 =	simm.s32 $_size_execute0_lowered;
	s5 =	sadd.s32 s5, s7;
	[dreg:$0x0] =	wrdreg $0x0  }
0xae: {  	s7 =	sshll.u32 s28, $0x1;
	[dreg:$0x2] =	wrdreg s5  }
0xaf: {  	[dreg:$0x3] =	wrdreg s7  }
0xb0: {  	[dreg:$0x4] =	wrdreg $0xC0  }
0xb1: {  	_ =	task [dreg:s9], $0x5FFFF  }
0xb2: {  	[dreg:$0x1] =	wrdreg $0xFFFFFFFF  }
0xb3: {  	[dreg:$0x0] =	wrdreg $0x60  }
0xb4: {  	[dreg:$0x2] =	wrdreg s24  }
0xb5: {  	[dreg:$0x3] =	wrdreg s18  }
0xb6: {  	[dreg:$0x4] =	wrdreg s16  }
0xb7: {  	[dreg:$0x5] =	wrdreg s17  }
0xb8: {  	[dreg:$0x6] =	wrdreg $0xE9800  }
0xb9: {  	[dreg:$0x7] =	wrdreg $0x157500  }
0xba: {  	[dreg:$0x8] =	wrdreg $0x9  }
0xbb: {  	_ =	task.clear_ibuf [dreg:s9], $0x9FFFF;
	_ =	strace $0x90000046  }
0xbc: {  	s29 =	simm.s32 $0x9;
	_ =	strace $0x8000004D  }
0xbd: {  	_ =	swait.ge [sflag:s29], $0x1  }
0xbe: {  	[sflag:s29] =	ssyncadd.s32 $0xFFFFFFFF  }
0xbf: {  	_ =	strace $0x9000004D  }
0xc0: {  	_ =	sfence  }
0xc1: {  	s30 =	sld [smem:$0x0];
	_ =	sdelay $0x2  }
0xc2: {  	s31 =	sshll.u32 s1, $0xD;
	s1 =	sshrl.u32 s1, $0x2  }
0xc3: {  	s3 =	sand.u32 $0x4000, s31;
	s1 =	sadd.s32 s1, s30  }
0xc4: {  	s0 =	sor.u32 s3, s0;
	s1 =	sshll.u32 s1, $0x11  }
0xc5: {  	s0 =	sor.u32 s1, s0  }
0xc6: {  	s0 =	sadd.s32 $0x8F2B, s0  }
0xc7: {  	[sflag:s0] =	ssyncadd.remote.s32 $0x1  }
0xc8: {  	_ =	sfence.sel $0xFFFF  }
0xc9: {  	[dreg:$0x0] =	wrdreg $0xFFFFFFFF;
	(pc) =	sbr.abs _section_cstart, $3  }
0xca: {  	[dreg:$0x1] =	wrdreg $0xFFFFFFFF  }
0xcb: {  	_ =	task.clear_ibuf [dreg:s9], $0x2FFFF;
	_ =	strace $0x9FFFFFFF  }
0xcc: {  	(tm) =	ssettm $0x7FFFFFFF  }
0xcd: {  	_ =	shalt  }
tec
execute0_lowered:
.L_overlay_start_1:
0x0: {  	(tag) =	ssettag $0x1  }
0x1: {  	s0 =	rddreg [dreg:$0x0]  }
0x2: {  	s1 =	rddreg [dreg:$0x1]  }
0x3: {  	s5 =	rddreg [dreg:$0x2]  }
0x4: {  	s6 =	rddreg [dreg:$0x3]  }
0x5: {  	s2 =	rddreg [dreg:$0x4]  }
0x6: {  	s14 =	stileid.u32;
	s3 =	rddreg [dreg:$0x5]  }
0x7: {  	s4 =	simm.s32 $0x0;
	s9 =	srdreg.scid;
	s28 =	simm.s32 $0x3  }
0x8: {  	s29 =	simm.s32 $0x2;
	s30 =	simm.s32 $0x80;
	s7 =	smul.u32 $0x6AE8, s14  }
0x9: {  	[smem:$0x7FF] =	sst s4;
	s11 =	sand.u32 $0x1, s9;
	s12 =	smul.u32 $0x278, s14  }
0xa: {  	s23 =	sadd.s32 $0x12400, s0;
	s13 =	sshll.u32 s14, $0x4;
	s26 =	smul.u32 $0x300, s14  }
0xb: {  	s18 =	smul.u32 $0x1AD60, s14;
	p1 =	sne.s32 s14, $0xF;
	_ =	strace $0x80000047  }
0xc: {  	[dreg:$0x7] =	wrdreg s23;
	s24 =	ssub.s32 $0x2, s11;
	s25 =	sadd.s32 s13, s5  }
0xd: {  	p0 =	sne.s32 s11, $0x0;
	s11 =	simm.s32 $0x5;
	s8 =	sshrl.u32 s7, $0x3  }
0xe: {  	s10 =	sshrl.u32 s24, $0x1;
	s13 =	sadd.s32 $0x600, s25;
	s9 =	sadd.s32 $0xD00, s25  }
0xf: {  	s31 =	sshrl.u32 s12, $0x3;
	s16 =	sadd.s32 s12, s2;
	s17 =	sshrl.u32 s26, $0x3  }
0x10: {  	s12 =	sadd.s32 s12, s3;
	s23 =	sshrl.u32 s18, $0x2;
	s15 =	sadd.s32 s7, s3  }
0x11: {  	s7 =	simm.s32 $0x1000;
	s8 =	sadd.s32 s8, s0;
	[dreg:$0x8] =	wrdreg s13  }
0x12: {  	s0 =	sadd.s32 $0x12600, s0;
	s22 =	ssub.s32 s24, s10;
	[dreg:$0x9] =	wrdreg s9  }
0x13: {  	s1 =	sadd.s32 s1, s31;
	s9 =	sadd.s32 s5, s17;
	s10 =	sadd.s32 $0x6B580, s16  }
0x14: {  	s19 =	sadd.s32 $0x6B518, s12;
	s24 =	smul.u32 $0x6B58, s14;
	s16 =	sadd.s32 $0x6AE80, s3  }
0x15: {  	s17 =	sadd.s32 s6, s31;
	s5 =	simm.s32 $0xF00;
	[dreg:$0xa] =	wrdreg s1  }
0x16: {  	s6 =	simm.s32 $0xF80;
	s12 =	simm.s32 $0x0;
	[dreg:$0xb] =	wrdreg s19  }
0x17: {  	s20 =	sadd.s32 $0x700, s9;
	s21 =	sadd.s32 $0x4C00, s8;
	s1 =	sadd.s32 s23, s2  }
0x18: {  	s22 =	smax.u32 s22, $0x1;
	s8 =	simm.s32 $0x1080;
	[dreg:$0xc] =	wrdreg s20  }
.Ltmp0:
0x19: {  	s23 =	simm.s32 $0x4;
	[dreg:$0xd] =	wrdreg s21;
	(pc) =	sbr.rel .LBB2_1-.Ltmp0, $4  }
0x1a: {  	[dreg:$0xe] =	wrdreg s1;
	s25 =	sshrl.u32 s24, $0x3;
	s26 =	sadd.s32 $0x35B0, s24  }
0x1b: {  	s18 =	sadd.s32 s24, s2;
	s24 =	simm.s32 $0x1200;
	s1 =	simm.s32 $0xE00  }
0x1c: {  	s19 =	sadd.s32 s0, s25;
	s31 =	sshrl.u32 s26, $0x3;
	s20 =	sadd.s32 s26, s2  }
0x1d: {  	v0 =	vimm.f32 $0.0e+00;
	s26 =	simm.s32 $0x1;
	s25 =	simm.s32 $0xA00;
	s21 =	sadd.s32 s0, s31  }
.LBB2_7:
0x1e: {  	s0 =	rddreg [dreg:$0x8]  }
0x1f: {  	[tilespmem:s4], [sflag:$0x1] =	stream.linear.gather [hbm4b:s0+s4], $0x80, $0x200038;
	[tilespmem:$0x1C520] =	vst v63  }
0x20: {  	s14 =	rddreg [dreg:$0x9];
	s13 =	simm.s32 $0x300  }
0x21: {  	[tilespmem:s13], [sflag:$0x1] =	stream.linear.gather [hbm4b:s14+s4], $0x80, $0x200038;
	[tilespmem:$0x1C520] =	vst v63  }
0x22: {  	s31 =	rddreg [dreg:$0xa]  }
0x23: {  	[tilespmem:s24], [sflag:$0x3] =	stream.linear.gather [hbm4b:s31+s4], $0x278, $0x200038;
	[tilespmem:$0x1C520] =	vst v63  }
0x24: {  	[tilespmem:$0x7D80] =	vst v0  }
0x25: {  	[tilespmem:$0x7D90] =	vst v0  }
0x26: {  	[tilespmem:$0x7DA0] =	vst v0  }
0x27: {  	[tilespmem:$0x7DB0] =	vst v0  }
0x28: {  	[tilespmem:$0x7DC0] =	vst v0  }
0x29: {  	[tilespmem:$0x7DD0] =	vst v0  }
0x2a: {  	[tilespmem:$0x7DE0] =	vst v0  }
0x2b: {  	[tilespmem:$0x7DF0] =	vst v0  }
0x2c: {  	[tilespmem:$0x7E00] =	vst v0  }
0x2d: {  	[tilespmem:$0x7E10] =	vst v0  }
0x2e: {  	[tilespmem:$0x7E20] =	vst v0  }
0x2f: {  	[tilespmem:$0x7E30] =	vst v0  }
0x30: {  	[tilespmem:$0x7E40] =	vst v0  }
0x31: {  	[tilespmem:$0x7E50] =	vst v0  }
0x32: {  	[tilespmem:$0x7E60] =	vst v0  }
0x33: {  	[tilespmem:$0x7E70] =	vst v0  }
0x34: {  	[tilespmem:$0x7E80] =	vst v0  }
0x35: {  	[tilespmem:$0x7E90] =	vst v0  }
0x36: {  	[tilespmem:$0x7EA0] =	vst v0  }
0x37: {  	[tilespmem:$0x7EB0] =	vst v0  }
0x38: {  	[tilespmem:$0x7EC0] =	vst v0  }
0x39: {  	[tilespmem:$0x7ED0] =	vst v0  }
0x3a: {  	[tilespmem:$0x7EE0] =	vst v0  }
0x3b: {  	[tilespmem:$0x7EF0] =	vst v0  }
0x3c: {  	[tilespmem:$0x7F00] =	vst v0  }
0x3d: {  	[tilespmem:$0x7F10] =	vst v0  }
0x3e: {  	[tilespmem:$0x7F20] =	vst v0  }
0x3f: {  	[tilespmem:$0x7F30] =	vst v0  }
0x40: {  	[tilespmem:$0x7F40] =	vst v0  }
0x41: {  	[tilespmem:$0x7F50] =	vst v0  }
0x42: {  	[tilespmem:$0x7F60] =	vst v0  }
0x43: {  	[tilespmem:$0x7F70] =	vst v0  }
0x44: {  	[tilespmem:$0x7F80] =	vst v0  }
0x45: {  	[tilespmem:$0x7F90] =	vst v0  }
0x46: {  	[tilespmem:$0x7FA0] =	vst v0  }
0x47: {  	[tilespmem:$0x7FB0] =	vst v0  }
0x48: {  	[tilespmem:$0x7FC0] =	vst v0  }
0x49: {  	[tilespmem:$0x7FD0] =	vst v0  }
0x4a: {  	[tilespmem:$0x7FE0] =	vst v0  }
0x4b: {  	[tilespmem:$0x7FF0] =	vst v0  }
0x4c: {  	[tilespmem:$0x8000] =	vst v0  }
0x4d: {  	[tilespmem:$0x8010] =	vst v0  }
0x4e: {  	[tilespmem:$0x8020] =	vst v0  }
0x4f: {  	[tilespmem:$0x8030] =	vst v0  }
0x50: {  	[tilespmem:$0x8040] =	vst v0  }
0x51: {  	[tilespmem:$0x8050] =	vst v0  }
0x52: {  	[tilespmem:$0x8060] =	vst v0  }
0x53: {  	s13 =	simm.s32 $0x7D80;
	[tilespmem:$0x8070] =	vst v0  }
0x54: {  	[spmem:s10] =	stream.linear.scatter [tilespmem:s13], [sflag:$0x2], $0x278, $0x200038;
	[tilespmem:$0x1C520] =	vst v63  }
0x55: {  	_ =	swait.ge [sflag:s26], $0x80  }
0x56: {  	[sflag:s26] =	ssyncset.done $0x0  }
0x57: {  	[sflag:s26] =	ssyncadd.s32 $0xFFFFFF80  }
0x58: {  	_ =	swait.ge [sflag:s26], $0x80  }
0x59: {  	[sflag:s26] =	ssyncset.done $0x0  }
0x5a: {  	[sflag:s26] =	ssyncadd.s32 $0xFFFFFF80  }
0x5b: {  	v1 =	vld [tilespmem:$0x0]  }
0x5c: {  	v2 =	vld [tilespmem:$0x300]  }
0x5d: {  	v3 =	vld [tilespmem:$0x10]  }
0x5e: {  	v4 =	vld [tilespmem:$0x310]  }
0x5f: {  	v5 =	vld [tilespmem:$0x20]  }
0x60: {  	v7 =	vld [tilespmem:$0x320];
	v6 =	vmul.u32 $0x64, v1  }
0x61: {  	v9 =	vld [tilespmem:$0x30];
	v8 =	vmul.u32 $0x64, v2  }
0x62: {  	v10 =	vld [tilespmem:$0x330];
	v49 =	vmul.u32 $0x64, v3;
	v2 =	vadd.s32 v2, v6  }
0x63: {  	v11 =	vld [tilespmem:$0x40];
	v50 =	vmul.u32 $0x64, v4;
	v1 =	vadd.s32 v8, v1;
	v2 =	vadd.s32 $0x6B518, v2  }
0x64: {  	v52 =	vld [tilespmem:$0x340];
	v51 =	vmul.u32 $0x64, v5;
	v1 =	vadd.s32 $0x6B580, v1;
	[tilespmem:$0x600] =	vst v2;
	v2 =	vadd.s32 v4, v49  }
0x65: {  	v53 =	vld [tilespmem:$0x50];
	[tilespmem:$0xA00] =	vst v1;
	v1 =	vadd.s32 $0x6B518, v2;
	v2 =	vadd.s32 v50, v3;
	v3 =	vmul.u32 $0x64, v7  }
0x66: {  	v55 =	vld [tilespmem:$0x350];
	v54 =	vmul.u32 $0x64, v9;
	[tilespmem:$0x610] =	vst v1;
	v1 =	vadd.s32 $0x6B580, v2;
	v2 =	vadd.s32 v7, v51  }
0x67: {  	v56 =	vld [tilespmem:$0x60];
	[tilespmem:$0xA10] =	vst v1;
	v1 =	vadd.s32 $0x6B518, v2;
	v2 =	vadd.s32 v3, v5;
	v3 =	vmul.u32 $0x64, v10  }
0x68: {  	v58 =	vld [tilespmem:$0x360];
	v57 =	vmul.u32 $0x64, v11;
	[tilespmem:$0x620] =	vst v1;
	v1 =	vadd.s32 $0x6B580, v2;
	v2 =	vadd.s32 v10, v54  }
0x69: {  	v59 =	vld [tilespmem:$0x70];
	[tilespmem:$0xA20] =	vst v1;
	v1 =	vadd.s32 $0x6B518, v2;
	v2 =	vadd.s32 v3, v9;
	v3 =	vmul.u32 $0x64, v52  }
0x6a: {  	v61 =	vld [tilespmem:$0x370];
	v60 =	vmul.u32 $0x64, v53;
	[tilespmem:$0x630] =	vst v1;
	v1 =	vadd.s32 $0x6B580, v2;
	v2 =	vadd.s32 v52, v57  }
0x6b: {  	[tilespmem:$0xA30] =	vst v1;
	v1 =	vadd.s32 $0x6B518, v2;
	v2 =	vadd.s32 v3, v11;
	v3 =	vmul.u32 $0x64, v55  }
0x6c: {  	v62 =	vmul.u32 $0x64, v56;
	[tilespmem:$0x640] =	vst v1;
	v1 =	vadd.s32 $0x6B580, v2;
	v2 =	vadd.s32 v55, v60  }
0x6d: {  	[tilespmem:$0xA40] =	vst v1;
	v1 =	vadd.s32 $0x6B518, v2;
	v2 =	vadd.s32 v3, v53;
	v3 =	vmul.u32 $0x64, v58  }
0x6e: {  	v63 =	vmul.u32 $0x64, v59;
	[tilespmem:$0x650] =	vst v1;
	v1 =	vadd.s32 $0x6B580, v2;
	v2 =	vadd.s32 v58, v62  }
0x6f: {  	[tilespmem:$0xA50] =	vst v1;
	v1 =	vadd.s32 $0x6B518, v2;
	v2 =	vadd.s32 v3, v56;
	v3 =	vmul.u32 $0x64, v61  }
0x70: {  	[tilespmem:$0x660] =	vst v1;
	v1 =	vadd.s32 v61, v63;
	v2 =	vadd.s32 $0x6B580, v2  }
0x71: {  	[tilespmem:$0xA60] =	vst v2;
	v1 =	vadd.s32 $0x6B518, v1;
	v2 =	vadd.s32 v3, v59  }
0x72: {  	[tilespmem:$0x670] =	vst v1;
	v1 =	vadd.s32 $0x6B580, v2  }
0x73: {  	[tilespmem:$0xA70] =	vst v1  }
0x74: {  	_ =	swait.ge [sflag:s28], $0x278  }
0x75: {  	[sflag:s28] =	ssyncset.done $0x0  }
0x76: {  	s14 =	rddreg [dreg:$0xb];
	[sflag:s28] =	ssyncadd.s32 $0xFFFFFD88  }
0x77: {  	[spmem:s14] =	stream.linear.scatter [tilespmem:s24], [sflag:$0x3], $0x278, $0x200038;
	[tilespmem:$0x1C520] =	vst v63  }
0x78: {  	_ =	swait.ge [sflag:s29], $0x278  }
0x79: {  	[sflag:s29] =	ssyncset.done $0x0  }
0x7a: {  	[sflag:s29] =	ssyncadd.s32 $0xFFFFFD88  }
0x7b: {  	_ =	swait.ge [sflag:s28], $0x278  }
0x7c: {  	[sflag:s28] =	ssyncset.done $0x0  }
0x7d: {  	[sflag:s28] =	ssyncadd.s32 $0xFFFFFD88  }
0x7e: {  	_ =	strace $0x90000048  }
0x7f: {  	_ =	strace $0x80000049  }
0x80: {  	[bflag:$0x0] =	sbarrier.arrive $0xFFFF  }
0x81: {  	_ =	strace $0x90000049  }
0x82: {  	s31 =	simm.s32 $0x600;
	_ =	strace $0x8000004A  }
0x83: {  	[tilespmem:s1], [sflag:$0x4] =	stream.indirect.gather [spmem:s3], $0x1, s31, s30, $0x2000b8;
	[tilespmem:$0x1C520] =	vst v63  }
0x84: {  	_ =	swait.ge [sflag:s23], $0x80  }
0x85: {  	[sflag:s23] =	ssyncset.done $0x0  }
0x86: {  	[sflag:s23] =	ssyncadd.s32 $0xFFFFFF80  }
0x87: {  	[spmem:s2] =	stream.indirect.scatter.add.f32 [tilespmem:s1], [sflag:$0x5], $0x1, s25, s30, $0x2000b8;
	[tilespmem:$0x1C520] =	vst v63  }
.LBB2_5:
0x88: {  	_ =	swait.ge [sflag:s11], $0x80  }
0x89: {  	[sflag:s11] =	ssyncset.done $0x0  }
0x8a: {  	[sflag:s11] =	ssyncadd.s32 $0xFFFFFF80  }
0x8b: {  	_ =	strace $0x9000004A  }
0x8c: {  	_ =	strace $0x8000004B  }
0x8d: {  	[bflag:$0x0] =	sbarrier.arrive $0xFFFF  }
0x8e: {  	_ =	strace $0x9000004B  }
0x8f: {  	s13 =	simm.s32 @p0 $0x1200;
	s31 =	simm.s32 @p0 $0x6;
	_ =	strace $0x8000004C  }
0x90: {  	[tilespmem:s13], [sflag:$0x6] =	stream.linear.gather @p0 [spmem:s10], $0x278, $0x200038;
	[tilespmem:$0x1C520] =	vst v63  }
0x91: {  	_ =	swait.ge @p0 [sflag:s31], $0x278  }
0x92: {  	[sflag:s31] =	ssyncset.done @p0 $0x0  }
0x93: {  	s14 =	simm.s32 @p0 $0x0;
	[sflag:s31] =	ssyncadd.s32 @p0 $0xFFFFFD88  }
0x94: {  	[hbm4b:s17+s14] =	stream.linear.scatter @p0 [tilespmem:s13], [sflag:$0x6], $0x278, $0x200038;
	[tilespmem:$0x1C520] =	vst v63  }
0x95: {  	_ =	swait.ge @p0 [sflag:s31], $0x278  }
0x96: {  	[sflag:s31] =	ssyncset.done @p0 $0x0  }
0x97: {  	s13 =	simm.s32 @!p0 $0x1200;
	s14 =	simm.s32 @!p0 $0x6;
	[sflag:s31] =	ssyncadd.s32 @p0 $0xFFFFFD88  }
0x98: {  	[tilespmem:s13], [sflag:$0x6] =	stream.linear.gather @!p0 [spmem:s18], $0x35B0, $0x200038;
	[tilespmem:$0x1C520] =	vst v63  }
0x99: {  	_ =	swait.ge @!p0 [sflag:s14], $0x35B0  }
0x9a: {  	[sflag:s14] =	ssyncset.done @!p0 $0x0  }
0x9b: {  	s31 =	simm.s32 @!p0 $0x0;
	[sflag:s14] =	ssyncadd.s32 @!p0 $0xFFFFCA50  }
0x9c: {  	[hbm4b:s19+s31] =	stream.linear.scatter @!p0 [tilespmem:s13], [sflag:$0x3], $0x35B0, $0x200038;
	[tilespmem:$0x1C520] =	vst v63  }
0x9d: {  	s13 =	simm.s32 @!p0 $0x47B0  }
0x9e: {  	[tilespmem:s13], [sflag:$0x6] =	stream.linear.gather @!p0 [spmem:s20], $0x35A8, $0x200038;
	[tilespmem:$0x1C520] =	vst v63  }
0x9f: {  	_ =	swait.ge @!p0 [sflag:s14], $0x35A8  }
0xa0: {  	[sflag:s14] =	ssyncset.done @!p0 $0x0  }
0xa1: {  	s0 =	simm.s32 @!p0 $0x3;
	[sflag:s14] =	ssyncadd.s32 @!p0 $0xFFFFCA58  }
0xa2: {  	_ =	swait.ge @!p0 [sflag:s0], $0x35B0  }
0xa3: {  	s12 =	sadd.s32 $0x1, s12;
	[sflag:s0] =	ssyncset.done @!p0 $0x0  }
0xa4: {  	p2 =	sne.s32 s12, s22;
	[sflag:s0] =	ssyncadd.s32 @!p0 $0xFFFFCA50  }
0xa5: {  	[hbm4b:s21+s31] =	stream.linear.scatter @!p0 [tilespmem:s13], [sflag:$0x6], $0x35A8, $0x200038;
	[tilespmem:$0x1C520] =	vst v63  }
.Ltmp1:
0xa6: {  	_ = 	snop;
	(pc) =	sbr.rel @!p2 .LBB2_6-.Ltmp1, $4  }
0xa7: {  	_ =	swait.ge @!p0 [sflag:s14], $0x35A8  }
0xa8: {  	[sflag:s14] =	ssyncset.done @!p0 $0x0  }
0xa9: {  	[sflag:s14] =	ssyncadd.s32 @!p0 $0xFFFFCA58  }
0xaa: {  	_ =	strace $0x9000004C  }
.LBB2_1:
.Ltmp2:
0xab: {  	(pc) =	sbr.rel @p0 .LBB2_7-.Ltmp2, $2  }
0xac: {  	_ =	sdelay $0x2  }
0xad: {  	_ =	strace $0x80000048  }
0xae: {  	s13 =	simm.s32 $0x0  }
0xaf: {  	[tilespmem:s13], [sflag:$0x1] =	stream.linear.gather [hbm4b:s9+s13], $0x300, $0x200038;
	[tilespmem:$0x1C520] =	vst v63  }
0xb0: {  	s0 =	rddreg [dreg:$0xc];
	s14 =	simm.s32 $0x300  }
0xb1: {  	[tilespmem:s14], [sflag:$0x1] =	stream.linear.gather [hbm4b:s0+s13], $0x300, $0x200038;
	[tilespmem:$0x1C520] =	vst v63  }
0xb2: {  	s14 =	rddreg [dreg:$0xd]  }
0xb3: {  	[tilespmem:s24], [sflag:$0x3] =	stream.linear.gather [hbm4b:s14+s13], $0x6AE8, $0x200038;
	[tilespmem:$0x1C520] =	vst v63  }
0xb4: {  	s31 =	simm.s32 $0x400;
	s13 =	simm.s32 $0x0  }
.LBB2_3:
0xb5: {  	p2 =	sne.s32 s31, $0x1AC00;
	[tilespmem:s13+$0x7E70] =	vst v0  }
0xb6: {  	[tilespmem:s13+$0x7D80] =	vst v0  }
0xb7: {  	[tilespmem:s13+$0x7D90] =	vst v0  }
0xb8: {  	[tilespmem:s13+$0x7DA0] =	vst v0  }
0xb9: {  	[tilespmem:s13+$0x7DB0] =	vst v0  }
0xba: {  	[tilespmem:s13+$0x7DC0] =	vst v0  }
0xbb: {  	[tilespmem:s13+$0x7DD0] =	vst v0  }
0xbc: {  	[tilespmem:s13+$0x7DE0] =	vst v0  }
0xbd: {  	[tilespmem:s13+$0x7DF0] =	vst v0  }
0xbe: {  	[tilespmem:s13+$0x7E00] =	vst v0  }
0xbf: {  	[tilespmem:s13+$0x7E10] =	vst v0  }
.Ltmp3:
0xc0: {  	[tilespmem:s13+$0x7E20] =	vst v0;
	(pc) =	sbr.rel @p2 .LBB2_3-.Ltmp3, $4  }
0xc1: {  	[tilespmem:s13+$0x7E30] =	vst v0  }
0xc2: {  	[tilespmem:s13+$0x7E40] =	vst v0  }
0xc3: {  	[tilespmem:s13+$0x7E50] =	vst v0  }
0xc4: {  	[tilespmem:s13+$0x7E60] =	vst v0;
	s13 =	sshra.s32 s31, $0x2;
	s31 =	sadd.s32 $0x400, s31  }
0xc5: {  	[tilespmem:s13+$0x7E70] =	vst v0  }
0xc6: {  	[tilespmem:s13+$0x7D80] =	vst v0  }
0xc7: {  	[tilespmem:s13+$0x7D90] =	vst v0  }
0xc8: {  	[tilespmem:s13+$0x7DA0] =	vst v0  }
0xc9: {  	[tilespmem:s13+$0x7DB0] =	vst v0  }
0xca: {  	[tilespmem:s13+$0x7DC0] =	vst v0  }
0xcb: {  	[tilespmem:s13+$0x7DD0] =	vst v0  }
0xcc: {  	[tilespmem:s13+$0x7DE0] =	vst v0  }
0xcd: {  	[tilespmem:s13+$0x7DF0] =	vst v0  }
0xce: {  	[tilespmem:s13+$0x7E00] =	vst v0  }
0xcf: {  	[tilespmem:s13+$0x7E10] =	vst v0  }
0xd0: {  	[tilespmem:s13+$0x7E20] =	vst v0  }
0xd1: {  	[tilespmem:s13+$0x7E30] =	vst v0  }
0xd2: {  	[tilespmem:s13+$0x7E40] =	vst v0  }
0xd3: {  	[tilespmem:s13+$0x7E50] =	vst v0  }
0xd4: {  	[tilespmem:s13+$0x7E60] =	vst v0;
	s0 =	rddreg [dreg:$0xe];
	s31 =	simm.s32 $0x7D80  }
0xd5: {  	[spmem:s0] =	stream.linear.scatter [tilespmem:s31], [sflag:$0x2], $0x6B58, $0x200038;
	[tilespmem:$0x1C520] =	vst v63  }
0xd6: {  	_ =	swait.ge [sflag:s26], $0x300  }
0xd7: {  	[sflag:s26] =	ssyncset.done $0x0  }
0xd8: {  	[sflag:s26] =	ssyncadd.s32 $0xFFFFFD00  }
0xd9: {  	_ =	swait.ge [sflag:s26], $0x300  }
0xda: {  	[sflag:s26] =	ssyncset.done $0x0  }
0xdb: {  	[sflag:s26] =	ssyncadd.s32 $0xFFFFFD00  }
0xdc: {  	v1 =	vld [tilespmem:$0x0]  }
0xdd: {  	v2 =	vld [tilespmem:$0x300]  }
0xde: {  	v3 =	vld [tilespmem:$0x10]  }
0xdf: {  	v4 =	vld [tilespmem:$0x310]  }
0xe0: {  	v5 =	vld [tilespmem:$0x20]  }
0xe1: {  	v7 =	vld [tilespmem:$0x320];
	v6 =	vmul.u32 $0x297, v1  }
0xe2: {  	v9 =	vld [tilespmem:$0x30];
	v8 =	vmul.u32 $0x297, v2  }
0xe3: {  	v10 =	vld [tilespmem:$0x330];
	v46 =	vmul.u32 $0x297, v3;
	v2 =	vadd.s32 v2, v6  }
0xe4: {  	v47 =	vld [tilespmem:$0x40];
	v1 =	vadd.s32 v1, v8;
	[tilespmem:$0x600] =	vst v2;
	v2 =	vmul.u32 $0x297, v4  }
0xe5: {  	v49 =	vld [tilespmem:$0x340];
	v48 =	vmul.u32 $0x297, v5;
	[tilespmem:$0xA00] =	vst v1;
	v1 =	vadd.s32 v4, v46  }
0xe6: {  	[tilespmem:$0x610] =	vst v1;
	v1 =	vadd.s32 v3, v2;
	v2 =	vmul.u32 $0x297, v7;
	v3 =	vld [tilespmem:$0x50]  }
0xe7: {  	v51 =	vld [tilespmem:$0x350];
	v50 =	vmul.u32 $0x297, v9;
	[tilespmem:$0xA10] =	vst v1;
	v1 =	vadd.s32 v7, v48  }
0xe8: {  	v52 =	vld [tilespmem:$0x60];
	[tilespmem:$0x620] =	vst v1;
	v1 =	vadd.s32 v5, v2;
	v2 =	vmul.u32 $0x297, v10  }
0xe9: {  	v54 =	vld [tilespmem:$0x360];
	v53 =	vmul.u32 $0x297, v47;
	[tilespmem:$0xA20] =	vst v1;
	v1 =	vadd.s32 v10, v50  }
0xea: {  	v55 =	vld [tilespmem:$0x70];
	[tilespmem:$0x630] =	vst v1;
	v1 =	vadd.s32 v9, v2;
	v2 =	vmul.u32 $0x297, v49  }
0xeb: {  	v57 =	vld [tilespmem:$0x370];
	[tilespmem:$0xA30] =	vst v1;
	v1 =	vadd.s32 v49, v53;
	v56 =	vmul.u32 $0x297, v3  }
0xec: {  	v58 =	vld [tilespmem:$0x80];
	[tilespmem:$0x640] =	vst v1;
	v1 =	vadd.s32 v47, v2;
	v2 =	vmul.u32 $0x297, v51  }
0xed: {  	v60 =	vld [tilespmem:$0x380];
	v59 =	vmul.u32 $0x297, v52;
	[tilespmem:$0xA40] =	vst v1;
	v1 =	vadd.s32 v51, v56  }
0xee: {  	[tilespmem:$0x650] =	vst v1;
	v1 =	vadd.s32 v3, v2;
	v2 =	vmul.u32 $0x297, v54;
	v3 =	vld [tilespmem:$0x90]  }
0xef: {  	v62 =	vld [tilespmem:$0x390];
	v61 =	vmul.u32 $0x297, v55;
	[tilespmem:$0xA50] =	vst v1;
	v1 =	vadd.s32 v54, v59  }
0xf0: {  	v63 =	vld [tilespmem:$0xA0];
	[tilespmem:$0x660] =	vst v1;
	v1 =	vadd.s32 v52, v2;
	v2 =	vmul.u32 $0x297, v57  }
0xf1: {  	v13 =	vld [tilespmem:$0x3A0];
	v12 =	vmul.u32 $0x297, v58;
	[tilespmem:$0xA60] =	vst v1;
	v1 =	vadd.s32 v57, v61  }
0xf2: {  	v14 =	vld [tilespmem:$0xB0];
	[tilespmem:$0x670] =	vst v1;
	v1 =	vadd.s32 v55, v2;
	v2 =	vmul.u32 $0x297, v60  }
0xf3: {  	v16 =	vld [tilespmem:$0x3B0];
	[tilespmem:$0xA70] =	vst v1;
	v1 =	vadd.s32 v60, v12;
	v15 =	vmul.u32 $0x297, v3  }
0xf4: {  	v17 =	vld [tilespmem:$0xC0];
	[tilespmem:$0x680] =	vst v1;
	v1 =	vadd.s32 v58, v2;
	v2 =	vmul.u32 $0x297, v62  }
0xf5: {  	v19 =	vld [tilespmem:$0x3C0];
	v18 =	vmul.u32 $0x297, v63;
	[tilespmem:$0xA80] =	vst v1;
	v1 =	vadd.s32 v62, v15  }
0xf6: {  	[tilespmem:$0x690] =	vst v1;
	v1 =	vadd.s32 v3, v2;
	v2 =	vmul.u32 $0x297, v13;
	v3 =	vld [tilespmem:$0xD0]  }
0xf7: {  	v21 =	vld [tilespmem:$0x3D0];
	v20 =	vmul.u32 $0x297, v14;
	[tilespmem:$0xA90] =	vst v1;
	v1 =	vadd.s32 v13, v18  }
0xf8: {  	v22 =	vld [tilespmem:$0xE0];
	[tilespmem:$0x6A0] =	vst v1;
	v1 =	vadd.s32 v63, v2;
	v2 =	vmul.u32 $0x297, v16  }
0xf9: {  	v24 =	vld [tilespmem:$0x3E0];
	v23 =	vmul.u32 $0x297, v17;
	[tilespmem:$0xAA0] =	vst v1;
	v1 =	vadd.s32 v16, v20  }
0xfa: {  	v25 =	vld [tilespmem:$0xF0];
	[tilespmem:$0x6B0] =	vst v1;
	v1 =	vadd.s32 v14, v2;
	v2 =	vmul.u32 $0x297, v19  }
0xfb: {  	v27 =	vld [tilespmem:$0x3F0];
	[tilespmem:$0xAB0] =	vst v1;
	v1 =	vadd.s32 v19, v23;
	v26 =	vmul.u32 $0x297, v3  }
0xfc: {  	v28 =	vld [tilespmem:$0x100];
	[tilespmem:$0x6C0] =	vst v1;
	v1 =	vadd.s32 v17, v2;
	v2 =	vmul.u32 $0x297, v21  }
0xfd: {  	v30 =	vld [tilespmem:$0x400];
	v29 =	vmul.u32 $0x297, v22;
	[tilespmem:$0xAC0] =	vst v1;
	v1 =	vadd.s32 v21, v26  }
0xfe: {  	[tilespmem:$0x6D0] =	vst v1;
	v1 =	vadd.s32 v3, v2;
	v2 =	vmul.u32 $0x297, v24;
	v3 =	vld [tilespmem:$0x110]  }
0xff: {  	v32 =	vld [tilespmem:$0x410];
	v31 =	vmul.u32 $0x297, v25;
	[tilespmem:$0xAD0] =	vst v1;
	v1 =	vadd.s32 v24, v29  }
0x100: {  	v33 =	vld [tilespmem:$0x120];
	[tilespmem:$0x6E0] =	vst v1;
	v1 =	vadd.s32 v22, v2;
	v2 =	vmul.u32 $0x297, v27  }
0x101: {  	v35 =	vld [tilespmem:$0x420];
	v34 =	vmul.u32 $0x297, v28;
	[tilespmem:$0xAE0] =	vst v1;
	v1 =	vadd.s32 v27, v31  }
0x102: {  	v36 =	vld [tilespmem:$0x130];
	[tilespmem:$0x6F0] =	vst v1;
	v1 =	vadd.s32 v25, v2;
	v2 =	vmul.u32 $0x297, v30  }
0x103: {  	v38 =	vld [tilespmem:$0x430];
	[tilespmem:$0xAF0] =	vst v1;
	v1 =	vadd.s32 v30, v34;
	v37 =	vmul.u32 $0x297, v3  }
0x104: {  	v39 =	vld [tilespmem:$0x140];
	[tilespmem:$0x700] =	vst v1;
	v1 =	vadd.s32 v28, v2;
	v2 =	vmul.u32 $0x297, v32  }
0x105: {  	v41 =	vld [tilespmem:$0x440];
	v40 =	vmul.u32 $0x297, v33;
	[tilespmem:$0xB00] =	vst v1;
	v1 =	vadd.s32 v32, v37  }
0x106: {  	[tilespmem:$0x710] =	vst v1;
	v1 =	vadd.s32 v3, v2;
	v2 =	vmul.u32 $0x297, v35;
	v3 =	vld [tilespmem:$0x150]  }
0x107: {  	v43 =	vld [tilespmem:$0x450];
	v42 =	vmul.u32 $0x297, v36;
	[tilespmem:$0xB10] =	vst v1;
	v1 =	vadd.s32 v35, v40  }
0x108: {  	v44 =	vld [tilespmem:$0x160];
	[tilespmem:$0x720] =	vst v1;
	v1 =	vadd.s32 v33, v2;
	v2 =	vmul.u32 $0x297, v38  }
0x109: {  	v45 =	vmul.u32 $0x297, v39;
	v46 =	vld [tilespmem:$0x460];
	[tilespmem:$0xB20] =	vst v1;
	v1 =	vadd.s32 v38, v42  }
0x10a: {  	v47 =	vld [tilespmem:$0x170];
	[tilespmem:$0x730] =	vst v1;
	v1 =	vadd.s32 v36, v2;
	v2 =	vmul.u32 $0x297, v41  }
0x10b: {  	v49 =	vld [tilespmem:$0x470];
	[tilespmem:$0xB30] =	vst v1;
	v1 =	vadd.s32 v41, v45;
	v48 =	vmul.u32 $0x297, v3  }
0x10c: {  	v50 =	vld [tilespmem:$0x180];
	[tilespmem:$0x740] =	vst v1;
	v1 =	vadd.s32 v39, v2;
	v2 =	vmul.u32 $0x297, v43  }
0x10d: {  	v51 =	vmul.u32 $0x297, v44;
	v52 =	vld [tilespmem:$0x480];
	[tilespmem:$0xB40] =	vst v1;
	v1 =	vadd.s32 v43, v48  }
0x10e: {  	[tilespmem:$0x750] =	vst v1;
	v1 =	vadd.s32 v3, v2;
	v2 =	vmul.u32 $0x297, v46;
	v3 =	vld [tilespmem:$0x190]  }
0x10f: {  	v54 =	vld [tilespmem:$0x490];
	v53 =	vmul.u32 $0x297, v47;
	[tilespmem:$0xB50] =	vst v1;
	v1 =	vadd.s32 v46, v51  }
0x110: {  	v55 =	vld [tilespmem:$0x1A0];
	[tilespmem:$0x760] =	vst v1;
	v1 =	vadd.s32 v44, v2;
	v2 =	vmul.u32 $0x297, v49  }
0x111: {  	v56 =	vmul.u32 $0x297, v50;
	v57 =	vld [tilespmem:$0x4A0];
	[tilespmem:$0xB60] =	vst v1;
	v1 =	vadd.s32 v49, v53  }
0x112: {  	v58 =	vld [tilespmem:$0x1B0];
	[tilespmem:$0x770] =	vst v1;
	v1 =	vadd.s32 v47, v2;
	v2 =	vmul.u32 $0x297, v52  }
0x113: {  	v60 =	vld [tilespmem:$0x4B0];
	[tilespmem:$0xB70] =	vst v1;
	v1 =	vadd.s32 v52, v56;
	v59 =	vmul.u32 $0x297, v3  }
0x114: {  	v61 =	vld [tilespmem:$0x1C0];
	[tilespmem:$0x780] =	vst v1;
	v1 =	vadd.s32 v50, v2;
	v2 =	vmul.u32 $0x297, v54  }
0x115: {  	v62 =	vmul.u32 $0x297, v55;
	v63 =	vld [tilespmem:$0x4C0];
	[tilespmem:$0xB80] =	vst v1;
	v1 =	vadd.s32 v54, v59  }
0x116: {  	[tilespmem:$0x790] =	vst v1;
	v1 =	vadd.s32 v3, v2;
	v2 =	vmul.u32 $0x297, v57;
	v3 =	vld [tilespmem:$0x1D0]  }
0x117: {  	v12 =	vld [tilespmem:$0x4D0];
	v11 =	vmul.u32 $0x297, v58;
	[tilespmem:$0xB90] =	vst v1;
	v1 =	vadd.s32 v57, v62  }
0x118: {  	v13 =	vld [tilespmem:$0x1E0];
	[tilespmem:$0x7A0] =	vst v1;
	v1 =	vadd.s32 v55, v2;
	v2 =	vmul.u32 $0x297, v60  }
0x119: {  	v15 =	vld [tilespmem:$0x4E0];
	v14 =	vmul.u32 $0x297, v61;
	[tilespmem:$0xBA0] =	vst v1;
	v1 =	vadd.s32 v60, v11  }
0x11a: {  	v16 =	vld [tilespmem:$0x1F0];
	[tilespmem:$0x7B0] =	vst v1;
	v1 =	vadd.s32 v58, v2;
	v2 =	vmul.u32 $0x297, v63  }
0x11b: {  	v18 =	vld [tilespmem:$0x4F0];
	[tilespmem:$0xBB0] =	vst v1;
	v1 =	vadd.s32 v63, v14;
	v17 =	vmul.u32 $0x297, v3  }
0x11c: {  	v19 =	vld [tilespmem:$0x200];
	[tilespmem:$0x7C0] =	vst v1;
	v1 =	vadd.s32 v61, v2;
	v2 =	vmul.u32 $0x297, v12  }
0x11d: {  	v20 =	vmul.u32 $0x297, v13;
	v21 =	vld [tilespmem:$0x500];
	[tilespmem:$0xBC0] =	vst v1;
	v1 =	vadd.s32 v12, v17  }
0x11e: {  	[tilespmem:$0x7D0] =	vst v1;
	v1 =	vadd.s32 v3, v2;
	v2 =	vmul.u32 $0x297, v15;
	v3 =	vld [tilespmem:$0x210]  }
0x11f: {  	v23 =	vld [tilespmem:$0x510];
	v22 =	vmul.u32 $0x297, v16;
	[tilespmem:$0xBD0] =	vst v1;
	v1 =	vadd.s32 v15, v20  }
0x120: {  	v24 =	vld [tilespmem:$0x220];
	[tilespmem:$0x7E0] =	vst v1;
	v1 =	vadd.s32 v13, v2;
	v2 =	vmul.u32 $0x297, v18  }
0x121: {  	v26 =	vld [tilespmem:$0x520];
	v25 =	vmul.u32 $0x297, v19;
	[tilespmem:$0xBE0] =	vst v1;
	v1 =	vadd.s32 v18, v22  }
0x122: {  	v27 =	vld [tilespmem:$0x230];
	[tilespmem:$0x7F0] =	vst v1;
	v1 =	vadd.s32 v16, v2;
	v2 =	vmul.u32 $0x297, v21  }
0x123: {  	v29 =	vld [tilespmem:$0x530];
	[tilespmem:$0xBF0] =	vst v1;
	v1 =	vadd.s32 v21, v25;
	v28 =	vmul.u32 $0x297, v3  }
0x124: {  	v30 =	vld [tilespmem:$0x240];
	[tilespmem:$0x800] =	vst v1;
	v1 =	vadd.s32 v19, v2;
	v2 =	vmul.u32 $0x297, v23  }
0x125: {  	v31 =	vmul.u32 $0x297, v24;
	v32 =	vld [tilespmem:$0x540];
	[tilespmem:$0xC00] =	vst v1;
	v1 =	vadd.s32 v23, v28  }
0x126: {  	[tilespmem:$0x810] =	vst v1;
	v1 =	vadd.s32 v3, v2;
	v2 =	vmul.u32 $0x297, v26;
	v3 =	vld [tilespmem:$0x250]  }
0x127: {  	v34 =	vld [tilespmem:$0x550];
	v33 =	vmul.u32 $0x297, v27;
	[tilespmem:$0xC10] =	vst v1;
	v1 =	vadd.s32 v26, v31  }
0x128: {  	v35 =	vld [tilespmem:$0x260];
	[tilespmem:$0x820] =	vst v1;
	v1 =	vadd.s32 v24, v2;
	v2 =	vmul.u32 $0x297, v29  }
0x129: {  	v37 =	vld [tilespmem:$0x560];
	v36 =	vmul.u32 $0x297, v30;
	[tilespmem:$0xC20] =	vst v1;
	v1 =	vadd.s32 v29, v33  }
0x12a: {  	v38 =	vld [tilespmem:$0x270];
	[tilespmem:$0x830] =	vst v1;
	v1 =	vadd.s32 v27, v2;
	v2 =	vmul.u32 $0x297, v32  }
0x12b: {  	v40 =	vld [tilespmem:$0x570];
	[tilespmem:$0xC30] =	vst v1;
	v1 =	vadd.s32 v32, v36;
	v39 =	vmul.u32 $0x297, v3  }
0x12c: {  	v41 =	vld [tilespmem:$0x280];
	[tilespmem:$0x840] =	vst v1;
	v1 =	vadd.s32 v30, v2;
	v2 =	vmul.u32 $0x297, v34  }
0x12d: {  	v42 =	vmul.u32 $0x297, v35;
	v43 =	vld [tilespmem:$0x580];
	[tilespmem:$0xC40] =	vst v1;
	v1 =	vadd.s32 v34, v39  }
0x12e: {  	[tilespmem:$0x850] =	vst v1;
	v1 =	vadd.s32 v3, v2;
	v2 =	vmul.u32 $0x297, v37;
	v3 =	vld [tilespmem:$0x290]  }
0x12f: {  	v45 =	vld [tilespmem:$0x590];
	v44 =	vmul.u32 $0x297, v38;
	[tilespmem:$0xC50] =	vst v1;
	v1 =	vadd.s32 v37, v42  }
0x130: {  	v46 =	vld [tilespmem:$0x2A0];
	[tilespmem:$0x860] =	vst v1;
	v1 =	vadd.s32 v35, v2;
	v2 =	vmul.u32 $0x297, v40  }
0x131: {  	v48 =	vld [tilespmem:$0x5A0];
	v47 =	vmul.u32 $0x297, v41;
	[tilespmem:$0xC60] =	vst v1;
	v1 =	vadd.s32 v40, v44  }
0x132: {  	v49 =	vld [tilespmem:$0x2B0];
	[tilespmem:$0x870] =	vst v1;
	v1 =	vadd.s32 v38, v2;
	v2 =	vmul.u32 $0x297, v43  }
0x133: {  	v51 =	vld [tilespmem:$0x5B0];
	[tilespmem:$0xC70] =	vst v1;
	v1 =	vadd.s32 v43, v47;
	v50 =	vmul.u32 $0x297, v3  }
0x134: {  	v52 =	vld [tilespmem:$0x2C0];
	[tilespmem:$0x880] =	vst v1;
	v1 =	vadd.s32 v41, v2;
	v2 =	vmul.u32 $0x297, v45  }
0x135: {  	v53 =	vmul.u32 $0x297, v46;
	v54 =	vld [tilespmem:$0x5C0];
	[tilespmem:$0xC80] =	vst v1;
	v1 =	vadd.s32 v45, v50  }
0x136: {  	[tilespmem:$0x890] =	vst v1;
	v1 =	vadd.s32 v3, v2;
	v2 =	vmul.u32 $0x297, v48;
	v3 =	vld [tilespmem:$0x2D0]  }
0x137: {  	v56 =	vld [tilespmem:$0x5D0];
	v55 =	vmul.u32 $0x297, v49;
	[tilespmem:$0xC90] =	vst v1;
	v1 =	vadd.s32 v48, v53  }
0x138: {  	v57 =	vld [tilespmem:$0x2E0];
	[tilespmem:$0x8A0] =	vst v1;
	v1 =	vadd.s32 v46, v2;
	v2 =	vmul.u32 $0x297, v51  }
0x139: {  	v59 =	vld [tilespmem:$0x5E0];
	v58 =	vmul.u32 $0x297, v52;
	[tilespmem:$0xCA0] =	vst v1;
	v1 =	vadd.s32 v51, v55  }
0x13a: {  	v60 =	vld [tilespmem:$0x2F0];
	[tilespmem:$0x8B0] =	vst v1;
	v1 =	vadd.s32 v49, v2;
	v2 =	vmul.u32 $0x297, v54  }
0x13b: {  	v62 =	vld [tilespmem:$0x5F0];
	[tilespmem:$0xCB0] =	vst v1;
	v1 =	vadd.s32 v54, v58;
	v61 =	vmul.u32 $0x297, v3  }
0x13c: {  	[tilespmem:$0x8C0] =	vst v1;
	v1 =	vadd.s32 v52, v2;
	v2 =	vmul.u32 $0x297, v56  }
0x13d: {  	v63 =	vmul.u32 $0x297, v57;
	[tilespmem:$0xCC0] =	vst v1;
	v1 =	vadd.s32 v56, v61  }
0x13e: {  	[tilespmem:$0x8D0] =	vst v1;
	v1 =	vadd.s32 v3, v2;
	v2 =	vmul.u32 $0x297, v59  }
0x13f: {  	v3 =	vmul.u32 $0x297, v60;
	[tilespmem:$0xCD0] =	vst v1;
	v1 =	vadd.s32 v59, v63  }
0x140: {  	[tilespmem:$0x8E0] =	vst v1;
	v1 =	vadd.s32 v57, v2;
	v2 =	vmul.u32 $0x297, v62  }
0x141: {  	[tilespmem:$0xCE0] =	vst v1;
	v1 =	vadd.s32 v62, v3  }
0x142: {  	[tilespmem:$0x8F0] =	vst v1;
	v1 =	vadd.s32 v60, v2  }
0x143: {  	[tilespmem:$0xCF0] =	vst v1  }
0x144: {  	_ =	swait.ge [sflag:s28], $0x6AE8  }
0x145: {  	[sflag:s28] =	ssyncset.done $0x0  }
0x146: {  	[sflag:s28] =	ssyncadd.s32 $0xFFFF9518  }
0x147: {  	[spmem:s15] =	stream.linear.scatter [tilespmem:s24], [sflag:$0x3], $0x6AE8, $0x200038;
	[tilespmem:$0x1C520] =	vst v63  }
0x148: {  	_ =	swait.ge [sflag:s29], $0x6B58  }
0x149: {  	[sflag:s29] =	ssyncset.done $0x0  }
0x14a: {  	[sflag:s29] =	ssyncadd.s32 $0xFFFF94A8  }
0x14b: {  	_ =	swait.ge [sflag:s28], $0x6AE8  }
0x14c: {  	s13 =	simm.s32 @!p1 $0x0;
	[sflag:s28] =	ssyncset.done $0x0  }
0x14d: {  	s31 =	simm.s32 @!p1 $0x7D80;
	s0 =	rddreg [dreg:$0x7];
	[sflag:s28] =	ssyncadd.s32 $0xFFFF9518  }
0x14e: {  	[tilespmem:s31], [sflag:$0x6] =	stream.linear.gather @!p1 [hbm4b:s0+s13], $0x698, $0x200038;
	[tilespmem:$0x1C520] =	vst v63  }
0x14f: {  	s13 =	simm.s32 @!p1 $0x6  }
0x150: {  	_ =	swait.ge @!p1 [sflag:s13], $0x698  }
0x151: {  	[sflag:s13] =	ssyncset.done @!p1 $0x0  }
0x152: {  	[sflag:s13] =	ssyncadd.s32 @!p1 $0xFFFFF968  }
0x153: {  	[spmem:s16] =	stream.linear.scatter @!p1 [tilespmem:s31], [sflag:$0x6], $0x698, $0x200038;
	[tilespmem:$0x1C520] =	vst v63  }
0x154: {  	_ =	swait.ge @!p1 [sflag:s13], $0x698  }
0x155: {  	[sflag:s13] =	ssyncset.done @!p1 $0x0  }
0x156: {  	[sflag:s13] =	ssyncadd.s32 @!p1 $0xFFFFF968  }
0x157: {  	_ =	strace $0x90000048  }
0x158: {  	_ =	strace $0x80000049  }
0x159: {  	[bflag:$0x0] =	sbarrier.arrive $0xFFFF  }
0x15a: {  	_ =	strace $0x90000049  }
0x15b: {  	s14 =	simm.s32 $0x600;
	_ =	strace $0x8000004A  }
0x15c: {  	[tilespmem:s1], [sflag:$0x4] =	stream.indirect.gather [spmem:s3], $0x1, s14, s30, $0x2000b8;
	[tilespmem:$0x1C520] =	vst v63  }
0x15d: {  	s31 =	simm.s32 $0x680;
	s13 =	simm.s32 $0xE80  }
0x15e: {  	[tilespmem:s13], [sflag:$0x4] =	stream.indirect.gather [spmem:s3], $0x1, s31, s30, $0x2000b8;
	[tilespmem:$0x1C520] =	vst v63  }
0x15f: {  	s14 =	simm.s32 $0x700  }
0x160: {  	[tilespmem:s5], [sflag:$0x4] =	stream.indirect.gather [spmem:s3], $0x1, s14, s30, $0x2000b8;
	[tilespmem:$0x1C520] =	vst v63  }
0x161: {  	s31 =	simm.s32 $0x780  }
0x162: {  	[tilespmem:s6], [sflag:$0x4] =	stream.indirect.gather [spmem:s3], $0x1, s31, s30, $0x2000b8;
	[tilespmem:$0x1C520] =	vst v63  }
0x163: {  	s14 =	simm.s32 $0x800  }
0x164: {  	[tilespmem:s7], [sflag:$0x4] =	stream.indirect.gather [spmem:s3], $0x1, s14, s30, $0x2000b8;
	[tilespmem:$0x1C520] =	vst v63  }
0x165: {  	s31 =	simm.s32 $0x880  }
0x166: {  	[tilespmem:s8], [sflag:$0x4] =	stream.indirect.gather [spmem:s3], $0x1, s31, s30, $0x2000b8;
	[tilespmem:$0x1C520] =	vst v63  }
0x167: {  	_ =	swait.ge [sflag:s23], $0x80  }
0x168: {  	[sflag:s23] =	ssyncset.done $0x0  }
0x169: {  	[sflag:s23] =	ssyncadd.s32 $0xFFFFFF80  }
0x16a: {  	_ =	swait.ge [sflag:s23], $0x80  }
0x16b: {  	[sflag:s23] =	ssyncset.done $0x0  }
0x16c: {  	[sflag:s23] =	ssyncadd.s32 $0xFFFFFF80  }
0x16d: {  	_ =	swait.ge [sflag:s23], $0x80  }
0x16e: {  	[sflag:s23] =	ssyncset.done $0x0  }
0x16f: {  	[sflag:s23] =	ssyncadd.s32 $0xFFFFFF80  }
0x170: {  	_ =	swait.ge [sflag:s23], $0x80  }
0x171: {  	[sflag:s23] =	ssyncset.done $0x0  }
0x172: {  	[sflag:s23] =	ssyncadd.s32 $0xFFFFFF80  }
0x173: {  	_ =	swait.ge [sflag:s23], $0x80  }
0x174: {  	[sflag:s23] =	ssyncset.done $0x0  }
0x175: {  	[sflag:s23] =	ssyncadd.s32 $0xFFFFFF80  }
0x176: {  	_ =	swait.ge [sflag:s23], $0x80  }
0x177: {  	[sflag:s23] =	ssyncset.done $0x0  }
0x178: {  	[sflag:s23] =	ssyncadd.s32 $0xFFFFFF80  }
0x179: {  	[spmem:s2] =	stream.indirect.scatter.add.f32 [tilespmem:s1], [sflag:$0x5], $0x1, s25, s30, $0x2000b8;
	[tilespmem:$0x1C520] =	vst v63  }
0x17a: {  	s14 =	simm.s32 $0xA80  }
0x17b: {  	[spmem:s2] =	stream.indirect.scatter.add.f32 [tilespmem:s13], [sflag:$0x5], $0x1, s14, s30, $0x2000b8;
	[tilespmem:$0x1C520] =	vst v63  }
0x17c: {  	s31 =	simm.s32 $0xB00  }
0x17d: {  	[spmem:s2] =	stream.indirect.scatter.add.f32 [tilespmem:s5], [sflag:$0x5], $0x1, s31, s30, $0x2000b8;
	[tilespmem:$0x1C520] =	vst v63  }
0x17e: {  	s13 =	simm.s32 $0xB80  }
0x17f: {  	[spmem:s2] =	stream.indirect.scatter.add.f32 [tilespmem:s6], [sflag:$0x5], $0x1, s13, s30, $0x2000b8;
	[tilespmem:$0x1C520] =	vst v63  }
0x180: {  	s14 =	simm.s32 $0xC00  }
0x181: {  	[spmem:s2] =	stream.indirect.scatter.add.f32 [tilespmem:s7], [sflag:$0x5], $0x1, s14, s30, $0x2000b8;
	[tilespmem:$0x1C520] =	vst v63  }
0x182: {  	s31 =	simm.s32 $0xC80  }
0x183: {  	[spmem:s2] =	stream.indirect.scatter.add.f32 [tilespmem:s8], [sflag:$0x5], $0x1, s31, s30, $0x2000b8;
	[tilespmem:$0x1C520] =	vst v63  }
0x184: {  	_ =	swait.ge [sflag:s11], $0x80  }
0x185: {  	[sflag:s11] =	ssyncset.done $0x0  }
0x186: {  	[sflag:s11] =	ssyncadd.s32 $0xFFFFFF80  }
0x187: {  	_ =	swait.ge [sflag:s11], $0x80  }
0x188: {  	[sflag:s11] =	ssyncset.done $0x0  }
0x189: {  	[sflag:s11] =	ssyncadd.s32 $0xFFFFFF80  }
0x18a: {  	_ =	swait.ge [sflag:s11], $0x80  }
0x18b: {  	[sflag:s11] =	ssyncset.done $0x0  }
0x18c: {  	[sflag:s11] =	ssyncadd.s32 $0xFFFFFF80  }
0x18d: {  	_ =	swait.ge [sflag:s11], $0x80  }
.Ltmp4:
0x18e: {  	[sflag:s11] =	ssyncset.done $0x0;
	(pc) =	sbr.rel .LBB2_5-.Ltmp4, $4  }
0x18f: {  	[sflag:s11] =	ssyncadd.s32 $0xFFFFFF80  }
0x190: {  	_ =	swait.ge [sflag:s11], $0x80  }
0x191: {  	[sflag:s11] =	ssyncset.done $0x0  }
0x192: {  	[sflag:s11] =	ssyncadd.s32 $0xFFFFFF80  }
.LBB2_6:
0x193: {  	_ =	sfence.sel $0x180000  }
0x194: {  	[bflag:$0x0] =	sbarrier.arrive $0xFFFF  }
0x195: {  	_ =	strace $0x90000047  }
0x196: {  	s0 =	stileid.u32;
	[bflag:$0x2] =	sbarrier.arrive $0xFFFF  }
0x197: {  	p0 =	sne.s32 s0, $0x0;
	s0 =	rddreg [dreg:$0x6]  }
0x198: {  	s0 =	sadd.s32 @!p0 $0x100000, s0  }
0x199: {  	[sflag:s0] =	ssyncadd.tile.s32 @!p0 $0x1;
	_ =	shalt  }
.Lfunc_end2:
_tile_overlayer_lowered:
.L_overlay_start_2:
0x19a: {  	(tag) =	ssettag $0x2  }
0x19b: {  	s0 =	rddreg [dreg:$0x0];
	s2 =	stileid.u32  }
0x19c: {  	s1 =	rddreg [dreg:$0x1];
	p0 =	sne.s32 s2, $0x0  }
0x19d: {  	s3 =	rddreg [dreg:$0x2];
	[bflag:$0x3] =	sbarrier.arrive $0xFFFF;
	s2 =	simm.s32 @!p0 $0x1C06  }
0x19e: {  	[timem:s3], [sflag:s2] =	dma.local @!p0 [hbm:s0], s1  }
0x19f: {  	s0 =	simm.s32 @!p0 $0x6  }
0x1a0: {  	_ =	swait.ge @!p0 [sflag:s0], s1  }
0x1a1: {  	s1 =	ssub.s32 @!p0 $0x0, s1;
	[sflag:s0] =	ssyncset.done @!p0 $0x0  }
0x1a2: {  	[sflag:s0] =	ssyncadd.s32 @!p0 s1  }
0x1a3: {  	[bflag:$0x3] =	sbarrier.arrive $0xFFFF  }
0x1a4: {  	_ =	shalt  }

</sc_bundles>
